<compile_context>
chip_gen: v7x
topology: tpu7x:2x2x1
jax: 0.10.2.dev20260603
libtpu: 0.0.44.dev20260713+nightly
codegen_flags: <defaults>
</compile_context>

<pallas_src>
import functools

import jax
import jax.numpy as jnp
from jax import lax
from jax.experimental import pallas as pl
from jax.experimental.pallas import tpu as pltpu
from jax.experimental.pallas import tpu_sc as plsc

B = 512
T = 50
F_IN = 128
H = 256
N = B * T
E = 409600
NSC = 2
NTILE = 16
SL = N // NTILE
CH_A = E // (NSC * NTILE) // 128

_f32 = jnp.float32

_mesh = plsc.VectorSubcoreMesh(core_axis_name="c", subcore_axis_name="s")


@functools.partial(
    pl.kernel,
    out_type=jax.ShapeDtypeStruct((NSC * N,), _f32),
    mesh=_mesh,
    scratch_types=[
        pltpu.VMEM((CH_A, 128), jnp.int32),
        pltpu.VMEM((128,), _f32),
        pltpu.VMEM((SL,), _f32),
        pltpu.VMEM_SHARED((N,), _f32),
    ],
)
def _deg_kernel(dst_hbm, zeros_hbm, ones_hbm, out_hbm, idx_v, ones_v, stage_v,
                hist_sh):
    c = lax.axis_index("c")
    s = lax.axis_index("s")
    pltpu.sync_copy(zeros_hbm.at[pl.ds(s * SL, SL)], stage_v)
    pltpu.sync_copy(stage_v, hist_sh.at[pl.ds(s * SL, SL)])
    pltpu.sync_copy(ones_hbm, ones_v)
    pltpu.sync_copy(dst_hbm.at[c, s], idx_v)
    plsc.subcore_barrier()

    def step(j, carry):
        pltpu.sync_copy(ones_v, hist_sh.at[idx_v.at[j]], add=True)
        return carry

    lax.fori_loop(0, CH_A, step, 0)
    plsc.subcore_barrier()
    pltpu.sync_copy(hist_sh.at[pl.ds(s * SL, SL)], stage_v)
    pltpu.sync_copy(stage_v, out_hbm.at[pl.ds(c * N + s * SL, SL)])


ND2 = N // 2
TRASH = 32
SLC = ND2 // NTILE


GRP = 25
CPG = 16
CE = 64


@functools.partial(
    pl.kernel,
    out_type=jax.ShapeDtypeStruct((N, F_IN), _f32),
    mesh=_mesh,
    scratch_types=[
        pltpu.VMEM((2, CPG, CE), jnp.int32),
        pltpu.VMEM((2, CPG, CE), jnp.int32),
        pltpu.VMEM((2, CE, F_IN), _f32),
        pltpu.SemaphoreType.DMA((2,)),
        pltpu.SemaphoreType.DMA((2,)),
        pltpu.VMEM_SHARED((ND2 + TRASH, F_IN), _f32),
    ],
)
def _scatter_kernel(y_hbm, src_hbm, dst_hbm, out_hbm,
                    srcidx_v, dstidx_v, rows_v, gsem, isem, acc_sh):
    c = lax.axis_index("c")
    s = lax.axis_index("s")
    cbase = c * ND2
    stage = rows_v.at[0, pl.ds(0, 64)]
    stage2 = rows_v.at[1, pl.ds(0, 16)]
    for k in range(10):
        pltpu.sync_copy(y_hbm.at[pl.ds(cbase + s * SLC + k * 80, 64)], stage)
        pltpu.sync_copy(stage, acc_sh.at[pl.ds(s * SLC + k * 80, 64)])
        pltpu.sync_copy(y_hbm.at[pl.ds(cbase + s * SLC + k * 80 + 64, 16)], stage2)
        pltpu.sync_copy(stage2, acc_sh.at[pl.ds(s * SLC + k * 80 + 64, 16)])
    plsc.subcore_barrier()

    def load_group(g, slot):
        pltpu.make_async_copy(src_hbm.at[s, g], srcidx_v.at[slot],
                              isem.at[slot]).start()
        pltpu.make_async_copy(dst_hbm.at[s, g], dstidx_v.at[slot],
                              isem.at[slot]).start()

    def wait_group(g, slot):
        pltpu.make_async_copy(src_hbm.at[s, g], srcidx_v.at[slot],
                              isem.at[slot]).wait()
        pltpu.make_async_copy(dst_hbm.at[s, g], dstidx_v.at[slot],
                              isem.at[slot]).wait()

    def localize(slot):
        def tstep(i, cc):
            jj = i // 4
            kk = lax.rem(i, 4) * 16
            v = dstidx_v[slot, jj, pl.ds(kk, 16)]
            loc = v - cbase
            oob = (loc < 0) | (loc >= ND2)
            trash = ND2 + (v & (TRASH - 1))
            dstidx_v[slot, jj, pl.ds(kk, 16)] = jnp.where(oob, trash, loc)
            return cc

        lax.fori_loop(0, CPG * 4, tstep, 0)

    def gather(slot, gslot, j):
        pltpu.make_async_copy(y_hbm.at[srcidx_v.at[slot, j]],
                              rows_v.at[gslot], gsem.at[gslot]).start()

    def gwait(slot, gslot, j):
        pltpu.make_async_copy(y_hbm.at[srcidx_v.at[slot, j]],
                              rows_v.at[gslot], gsem.at[gslot]).wait()

    load_group(0, 0)
    wait_group(0, 0)
    localize(0)
    gather(0, 0, 0)

    def outer(g, carry):
        slot = lax.rem(g, 2)
        nslot = lax.rem(g + 1, 2)

        @pl.when(g < GRP - 1)
        def _():
            load_group(g + 1, nslot)

        def step(j, cc):
            gslot = lax.rem(j, 2)

            @pl.when(j < CPG - 1)
            def _():
                gather(slot, lax.rem(j + 1, 2), j + 1)

            gwait(slot, gslot, j)
            pltpu.sync_copy(rows_v.at[gslot],
                            acc_sh.at[dstidx_v.at[slot, j]], add=True)
            return cc

        lax.fori_loop(0, CPG, step, 0)

        @pl.when(g < GRP - 1)
        def _():
            wait_group(g + 1, nslot)
            localize(nslot)
            gather(nslot, 0, 0)

        return carry

    lax.fori_loop(0, GRP, outer, 0)
    plsc.subcore_barrier()
    for k in range(10):
        pltpu.sync_copy(acc_sh.at[pl.ds(s * SLC + k * 80, 64)], stage)
        pltpu.sync_copy(stage, out_hbm.at[pl.ds(cbase + s * SLC + k * 80, 64)])
        pltpu.sync_copy(acc_sh.at[pl.ds(s * SLC + k * 80 + 64, 16)], stage2)
        pltpu.sync_copy(stage2, out_hbm.at[pl.ds(cbase + s * SLC + k * 80 + 64, 16)])


def _b_body(x_ref, p_ref, wg_ref, y_ref, dinv_ref):
    p = p_ref[...]
    dinv = lax.rsqrt(1.0 + p[0] + p[1])
    xw = jnp.dot(x_ref[...], wg_ref[...], preferred_element_type=_f32)
    y_ref[...] = xw * dinv
    dinv_ref[...] = dinv


_BBLK = 3200


def _b_call(x_tm, p2, wgT):
    grid = (N // _BBLK,)
    return pl.pallas_call(
        _b_body,
        grid=grid,
        in_specs=[
            pl.BlockSpec((_BBLK, F_IN), lambda i: (i, 0)),
            pl.BlockSpec((NSC, _BBLK, 1), lambda i: (0, i, 0)),
            pl.BlockSpec((F_IN, F_IN), lambda i: (0, 0)),
        ],
        out_specs=[
            pl.BlockSpec((_BBLK, F_IN), lambda i: (i, 0)),
            pl.BlockSpec((_BBLK, 1), lambda i: (i, 0)),
        ],
        out_shape=[
            jax.ShapeDtypeStruct((N, F_IN), _f32),
            jax.ShapeDtypeStruct((N, 1), _f32),
        ],
    )(x_tm, p2, wgT)


def _d1_body(s_ref, dinv_ref, bg_ref, wih_ref, bih_ref, bhh_ref, xp_ref):
    gcn = s_ref[...] * dinv_ref[...] + bg_ref[...]
    xp_ref[...] = (
        jnp.dot(gcn, wih_ref[...], preferred_element_type=_f32)
        + bih_ref[...] + bhh_ref[...]
    )


def _d1_call(s3, dinv, bg, wihT, bih, bhh):
    grid = (N // _BBLK,)
    return pl.pallas_call(
        _d1_body,
        grid=grid,
        in_specs=[
            pl.BlockSpec((_BBLK, F_IN), lambda i: (i, 0)),
            pl.BlockSpec((_BBLK, 1), lambda i: (i, 0)),
            pl.BlockSpec((1, F_IN), lambda i: (0, 0)),
            pl.BlockSpec((F_IN, 4 * H), lambda i: (0, 0)),
            pl.BlockSpec((1, 4 * H), lambda i: (0, 0)),
            pl.BlockSpec((1, 4 * H), lambda i: (0, 0)),
        ],
        out_specs=pl.BlockSpec((_BBLK, 4 * H), lambda i: (i, 0)),
        out_shape=jax.ShapeDtypeStruct((N, 4 * H), _f32),
    )(s3, dinv, bg, wihT, bih, bhh)


def _d2_body(xp_hbm, whh_ref, sl_ref, wst_ref, bst_ref, wf1_ref, wf2_ref,
             bf_ref, out_ref, xbuf, sem):
    def start(t, slot):
        pltpu.make_async_copy(xp_hbm.at[t], xbuf.at[slot], sem.at[slot]).start()

    def wait(t, slot):
        pltpu.make_async_copy(xp_hbm.at[t], xbuf.at[slot], sem.at[slot]).wait()

    start(0, 0)

    def step(t, carry):
        h, c = carry
        slot = lax.rem(t, 2)
        nxt = lax.rem(t + 1, 2)

        @pl.when(t < T - 1)
        def _():
            start(t + 1, nxt)

        wait(t, slot)
        gates = xbuf[slot] + jnp.dot(h, whh_ref[...], preferred_element_type=_f32)
        i = jax.nn.sigmoid(gates[:, :H])
        f = jax.nn.sigmoid(gates[:, H:2 * H])
        g = jnp.tanh(gates[:, 2 * H:3 * H])
        o = jax.nn.sigmoid(gates[:, 3 * H:])
        c = f * c + i * g
        h = o * jnp.tanh(c)
        return h, c

    h0 = jnp.zeros((B, H), _f32)
    h, _ = lax.fori_loop(0, T, step, (h0, h0))
    sent = jnp.dot(sl_ref[...], wst_ref[...], preferred_element_type=_f32) + bst_ref[...]
    out_ref[...] = (
        jnp.dot(h, wf1_ref[...], preferred_element_type=_f32)
        + jnp.dot(sent, wf2_ref[...], preferred_element_type=_f32)
        + bf_ref[...]
    )


def _d2_call(xp3, whhT, sent_last, wstT, bst, wf1, wf2, bf):
    return pl.pallas_call(
        _d2_body,
        in_specs=[
            pl.BlockSpec(memory_space=pl.ANY),
            pl.BlockSpec((H, 4 * H), lambda: (0, 0)),
            pl.BlockSpec((B, F_IN), lambda: (0, 0)),
            pl.BlockSpec((F_IN, H), lambda: (0, 0)),
            pl.BlockSpec((1, H), lambda: (0, 0)),
            pl.BlockSpec((H, 1), lambda: (0, 0)),
            pl.BlockSpec((H, 1), lambda: (0, 0)),
            pl.BlockSpec((1, 1), lambda: (0, 0)),
        ],
        out_specs=pl.BlockSpec((B, 1), lambda: (0, 0)),
        out_shape=jax.ShapeDtypeStruct((B, 1), _f32),
        scratch_shapes=[
            pltpu.VMEM((2, B, 4 * H), _f32),
            pltpu.SemaphoreType.DMA((2,)),
        ],
    )(xp3, whhT, sent_last, wstT, bst, wf1, wf2, bf)


def kernel(price_seq, sentiment_seq, edge_index, W_gcn, b_gcn, W_ih, W_hh,
           b_ih, b_hh, W_sent, b_sent, W_final, b_final):
    x_tm = jnp.swapaxes(price_seq, 0, 1).reshape(N, F_IN)
    src = edge_index[0].astype(jnp.int32)
    dst = edge_index[1].astype(jnp.int32)
    src_p = (src % T) * B + src // T
    dst_p = (dst % T) * B + dst // T

    dst_a = dst_p.reshape(NSC, NTILE, CH_A, 128)
    zeros_n = jnp.zeros((N,), _f32)
    ones_r = jnp.ones((128,), _f32)
    deg_parts = _deg_kernel(dst_a, zeros_n, ones_r)

    y3, dinv = _b_call(x_tm, deg_parts.reshape(NSC, N, 1), W_gcn.T)

    src_c = src_p.reshape(NTILE, GRP, CPG, CE)
    dst_c = dst_p.reshape(NTILE, GRP, CPG, CE)
    s3 = _scatter_kernel(y3, src_c, dst_c)

    xp = _d1_call(s3, dinv, b_gcn.reshape(1, F_IN), W_ih.T,
                  b_ih.reshape(1, 4 * H), b_hh.reshape(1, 4 * H))

    wfT = W_final.T
    out = _d2_call(
        xp.reshape(T, B, 4 * H), W_hh.T, sentiment_seq[:, -1, :], W_sent.T,
        b_sent.reshape(1, H), wfT[:H], wfT[H:], b_final.reshape(1, 1))
    return out

# --- scband reference (transcript-rebuilt; emitter-appended) ---
"""Pipeline reference for scband-stock-gcnlstm-28587302322748 (READ-ONLY COPY).

The authoritative reference and input builder live on the scoring server;
editing this copy changes nothing except your own understanding.
"""

import jax, jax.numpy as jnp
import numpy as np

B, T, F_IN = 512, 50, 128
GCN_OUT = 128
LSTM_H = 256
OUT = 1
N_EDGES = 409600
N_NODES = B * T

def setup_inputs(seed: int = 0) -> dict:
    key = jax.random.key(seed)
    ks = jax.random.split(key, 16)
    price_seq = jax.random.normal(ks[0], (B, T, F_IN), dtype=jnp.float32)
    sentiment_seq = jax.random.normal(ks[1], (B, T, F_IN), dtype=jnp.float32)
    edge_index = jax.random.randint(ks[2], (2, N_EDGES), 0, N_NODES, dtype=jnp.int64)
    W_gcn = jax.random.normal(ks[3], (GCN_OUT, F_IN), dtype=jnp.float32) * 0.05
    b_gcn = jax.random.normal(ks[4], (GCN_OUT,), dtype=jnp.float32) * 0.05
    W_ih = jax.random.normal(ks[5], (4 * LSTM_H, GCN_OUT), dtype=jnp.float32) * 0.05
    W_hh = jax.random.normal(ks[6], (4 * LSTM_H, LSTM_H), dtype=jnp.float32) * 0.05
    b_ih = jax.random.normal(ks[7], (4 * LSTM_H,), dtype=jnp.float32) * 0.05
    b_hh = jax.random.normal(ks[8], (4 * LSTM_H,), dtype=jnp.float32) * 0.05
    W_sent = jax.random.normal(ks[9], (LSTM_H, F_IN), dtype=jnp.float32) * 0.05
    b_sent = jax.random.normal(ks[10], (LSTM_H,), dtype=jnp.float32) * 0.05
    W_final = jax.random.normal(ks[11], (OUT, 2 * LSTM_H), dtype=jnp.float32) * 0.05
    b_final = jax.random.normal(ks[12], (OUT,), dtype=jnp.float32) * 0.05
    return {"price_seq": price_seq, "sentiment_seq": sentiment_seq, "edge_index": edge_index,
            "W_gcn": W_gcn, "b_gcn": b_gcn, "W_ih": W_ih, "W_hh": W_hh, "b_ih": b_ih, "b_hh": b_hh,
            "W_sent": W_sent, "b_sent": b_sent, "W_final": W_final, "b_final": b_final}

def _gcn_conv(x, edge_index, W, b):
    # PyG GCNConv: add self-loops, symmetric normalization, linear, scatter-add, bias
    N = x.shape[0]
    src, dst = edge_index[0], edge_index[1]
    loop = jnp.arange(N, dtype=edge_index.dtype)
    src2 = jnp.concatenate([src, loop])
    dst2 = jnp.concatenate([dst, loop])
    deg = jnp.zeros((N,), x.dtype).at[dst2].add(1.0)
    dinv = jnp.where(deg > 0, jax.lax.rsqrt(jnp.maximum(deg, 1e-12)), 0.0)
    norm = dinv[src2] * dinv[dst2]
    xw = x @ W.T
    msg = xw[src2] * norm[:, None]
    agg = jnp.zeros((N, xw.shape[1]), xw.dtype).at[dst2].add(msg)
    return agg + b

def _lstm(x, W_ih, W_hh, b_ih, b_hh):
    # batch_first LSTM, gate order i,f,g,o (PyTorch convention)
    Bb = x.shape[0]
    H = W_hh.shape[1]
    def step(carry, xt):
        h, c = carry
        gates = xt @ W_ih.T + b_ih + h @ W_hh.T + b_hh
        i, f, g, o = jnp.split(gates, 4, axis=-1)
        i = jax.nn.sigmoid(i)
        f = jax.nn.sigmoid(f)
        g = jnp.tanh(g)
        o = jax.nn.sigmoid(o)
        c = f * c + i * g
        h = o * jnp.tanh(c)
        return (h, c), h
    h0 = jnp.zeros((Bb, H), x.dtype)
    c0 = jnp.zeros((Bb, H), x.dtype)
    (_, _), hs = jax.lax.scan(step, (h0, c0), jnp.swapaxes(x, 0, 1))
    return jnp.swapaxes(hs, 0, 1)

def reference(price_seq, sentiment_seq, edge_index, W_gcn, b_gcn, W_ih, W_hh, b_ih, b_hh, W_sent, b_sent, W_final, b_final):
    Bb, Tt, Ff = price_seq.shape
    x = price_seq.reshape(-1, Ff)
    gcn_out = _gcn_conv(x, edge_index, W_gcn, b_gcn)
    gcn_out = gcn_out.reshape(Bb, Tt, -1)
    lstm_out = _lstm(gcn_out, W_ih, W_hh, b_ih, b_hh)
    sent_embed = sentiment_seq @ W_sent.T + b_sent
    concat = jnp.concatenate([lstm_out[:, -1, :], sent_embed[:, -1, :]], axis=1)
    return concat @ W_final.T + b_final

if __name__ == "__main__":
    import jax
    _d = setup_inputs()
    print(jax.jit(kernel)(*tuple(_d.values())))

</pallas_src>

<mosaic_0001>
#map = affine_map<(d0, d1) -> (0, 0)>
#map1 = affine_map<(d0, d1) -> (0, 0, 0, 0)>
module attributes {stable_mosaic.version = 14 : i64} {
  func.func @_scatter_kernel(%arg0: i32, %arg1: i32, %arg2: memref<25600x128xf32, #tpu.memory_space<hbm>>, %arg3: memref<16x25x16x64xi32, #tpu.memory_space<hbm>>, %arg4: memref<16x25x16x64xi32, #tpu.memory_space<hbm>>, %arg5: memref<25600x128xf32, #tpu.memory_space<hbm>>, %arg6: memref<2x16x64xi32, #tpu.memory_space<vmem>>, %arg7: memref<2x16x64xi32, #tpu.memory_space<vmem>>, %arg8: memref<2x64x128xf32, #tpu.memory_space<vmem>>, %arg9: memref<2x!tpu.dma_semaphore, #tpu.memory_space<semaphore_mem>>, %arg10: memref<2x!tpu.dma_semaphore, #tpu.memory_space<semaphore_mem>>, %arg11: memref<12832x128xf32, #tpu.memory_space<vmem_shared>>) attributes {dimension_semantics = [#tpu.dimension_semantics<core_parallel>, #tpu.dimension_semantics<subcore_parallel>], iteration_bounds = array<i64: 2, 16>, scalar_prefetch = 0 : i64, scratch_operands = 6 : i64, tpu.core_type = #tpu.core_type<sc_vector_subcore>, window_params = [{transform_indices = #map}, {transform_indices = #map1}, {transform_indices = #map1}, {transform_indices = #map}]} {
    %mul3A = arith.constant 12800 : i32
    %mul3A_0 = arith.muli %arg0, %mul3A : i32
    %mul3A_1 = arith.constant 800 : i32
    %mul3A_2 = arith.muli %arg1, %mul3A_1 : i32
    %add3A = arith.addi %mul3A_0, %mul3A_2 : i32
    %add3A_3 = arith.constant 0 : i32
    %add3A_4 = arith.addi %add3A, %add3A_3 : i32
    %run_scoped3A = arith.constant 0 : i32
    "tpu.region"() ({
      %run_scoped3A_629 = tpu.sem_alloc : memref<!tpu.dma_semaphore, #tpu.memory_space<semaphore_mem>>
      %dma_start3A_630 = arith.constant 0 : i32
      %dma_start3A_631 = arith.constant 0 : i32
      %dma_start3A_632 = tpu.memref_slice %arg8[%run_scoped3A, %dma_start3A_630, %dma_start3A_631] : memref<2x64x128xf32, #tpu.memory_space<vmem>> -> memref<1x64x128xf32, #tpu.memory_space<vmem>>
      %dma_start3A_633 = tpu.memref_squeeze %dma_start3A_632 : memref<1x64x128xf32, #tpu.memory_space<vmem>> -> memref<64x128xf32, #tpu.memory_space<vmem>>
      %dma_start3A_634 = arith.constant 0 : i32
      %dma_start3A_635 = tpu.memref_slice %arg2[%add3A_4, %dma_start3A_634] : memref<25600x128xf32, #tpu.memory_space<hbm>> -> memref<64x128xf32, #tpu.memory_space<hbm>>
      %dma_start3A_636 = arith.constant 0 : i32
      %dma_start3A_637 = arith.constant 0 : i32
      %dma_start3A_638 = tpu.memref_slice %arg8[%run_scoped3A, %dma_start3A_636, %dma_start3A_637] : memref<2x64x128xf32, #tpu.memory_space<vmem>> -> memref<1x64x128xf32, #tpu.memory_space<vmem>>
      %dma_start3A_639 = tpu.memref_squeeze %dma_start3A_638 : memref<1x64x128xf32, #tpu.memory_space<vmem>> -> memref<64x128xf32, #tpu.memory_space<vmem>>
      %dma_start3A_640 = arith.constant 0 : i32
      %dma_start3A_641 = tpu.memref_slice %arg2[%add3A_4, %dma_start3A_640] : memref<25600x128xf32, #tpu.memory_space<hbm>> -> memref<64x128xf32, #tpu.memory_space<hbm>>
      tpu.enqueue_dma source(%dma_start3A_641 : memref<64x128xf32, #tpu.memory_space<hbm>>) target(%dma_start3A_639 : memref<64x128xf32, #tpu.memory_space<vmem>>) target_semaphore(%run_scoped3A_629 : memref<!tpu.dma_semaphore, #tpu.memory_space<semaphore_mem>>)
      %dma_wait3A_642 = arith.constant 0 : i32
      %dma_wait3A_643 = arith.constant 0 : i32
      %dma_wait3A_644 = tpu.memref_slice %arg8[%run_scoped3A, %dma_wait3A_642, %dma_wait3A_643] : memref<2x64x128xf32, #tpu.memory_space<vmem>> -> memref<1x64x128xf32, #tpu.memory_space<vmem>>
      %dma_wait3A_645 = tpu.memref_squeeze %dma_wait3A_644 : memref<1x64x128xf32, #tpu.memory_space<vmem>> -> memref<64x128xf32, #tpu.memory_space<vmem>>
      %dma_wait3A_646 = arith.constant 0 : i32
      %dma_wait3A_647 = tpu.memref_slice %arg2[%add3A_4, %dma_wait3A_646] : memref<25600x128xf32, #tpu.memory_space<hbm>> -> memref<64x128xf32, #tpu.memory_space<hbm>>
      %dma_wait3A_648 = arith.constant 0 : i32
      %dma_wait3A_649 = arith.constant 0 : i32
      %dma_wait3A_650 = tpu.memref_slice %arg8[%run_scoped3A, %dma_wait3A_648, %dma_wait3A_649] : memref<2x64x128xf32, #tpu.memory_space<vmem>> -> memref<1x64x128xf32, #tpu.memory_space<vmem>>
      %dma_wait3A_651 = tpu.memref_squeeze %dma_wait3A_650 : memref<1x64x128xf32, #tpu.memory_space<vmem>> -> memref<64x128xf32, #tpu.memory_space<vmem>>
      %dma_wait3A_652 = arith.constant 0 : i32
      %dma_wait3A_653 = tpu.memref_slice %arg2[%add3A_4, %dma_wait3A_652] : memref<25600x128xf32, #tpu.memory_space<hbm>> -> memref<64x128xf32, #tpu.memory_space<hbm>>
      tpu.wait_dma2 semaphore(%run_scoped3A_629 : memref<!tpu.dma_semaphore, #tpu.memory_space<semaphore_mem>>) src(%dma_wait3A_653 : memref<64x128xf32, #tpu.memory_space<hbm>>) dst(%dma_wait3A_651 : memref<64x128xf32, #tpu.memory_space<vmem>>)
      tpu.yield
    }) : () -> ()
    %mul3A_5 = arith.constant 800 : i32
    %mul3A_6 = arith.muli %arg1, %mul3A_5 : i32
    %add3A_7 = arith.constant 0 : i32
    %add3A_8 = arith.addi %mul3A_6, %add3A_7 : i32
    %run_scoped3A_9 = arith.constant 0 : i32
    "tpu.region"() ({
      %run_scoped3A_629 = tpu.sem_alloc : memref<!tpu.dma_semaphore, #tpu.memory_space<semaphore_mem>>
      %dma_start3A_630 = arith.constant 0 : i32
      %dma_start3A_631 = arith.constant 0 : i32
      %dma_start3A_632 = tpu.memref_slice %arg8[%run_scoped3A_9, %dma_start3A_630, %dma_start3A_631] : memref<2x64x128xf32, #tpu.memory_space<vmem>> -> memref<1x64x128xf32, #tpu.memory_space<vmem>>
      %dma_start3A_633 = tpu.memref_squeeze %dma_start3A_632 : memref<1x64x128xf32, #tpu.memory_space<vmem>> -> memref<64x128xf32, #tpu.memory_space<vmem>>
      %dma_start3A_634 = arith.constant 0 : i32
      %dma_start3A_635 = tpu.memref_slice %arg11[%add3A_8, %dma_start3A_634] : memref<12832x128xf32, #tpu.memory_space<vmem_shared>> -> memref<64x128xf32, #tpu.memory_space<vmem_shared>>
      %dma_start3A_636 = arith.constant 0 : i32
      %dma_start3A_637 = tpu.memref_slice %arg11[%add3A_8, %dma_start3A_636] : memref<12832x128xf32, #tpu.memory_space<vmem_shared>> -> memref<64x128xf32, #tpu.memory_space<vmem_shared>>
      %dma_start3A_638 = arith.constant 0 : i32
      %dma_start3A_639 = arith.constant 0 : i32
      %dma_start3A_640 = tpu.memref_slice %arg8[%run_scoped3A_9, %dma_start3A_638, %dma_start3A_639] : memref<2x64x128xf32, #tpu.memory_space<vmem>> -> memref<1x64x128xf32, #tpu.memory_space<vmem>>
      %dma_start3A_641 = tpu.memref_squeeze %dma_start3A_640 : memref<1x64x128xf32, #tpu.memory_space<vmem>> -> memref<64x128xf32, #tpu.memory_space<vmem>>
      tpu.enqueue_dma source(%dma_start3A_641 : memref<64x128xf32, #tpu.memory_space<vmem>>) target(%dma_start3A_637 : memref<64x128xf32, #tpu.memory_space<vmem_shared>>) target_semaphore(%run_scoped3A_629 : memref<!tpu.dma_semaphore, #tpu.memory_space<semaphore_mem>>)
      %dma_wait3A_642 = arith.constant 0 : i32
      %dma_wait3A_643 = arith.constant 0 : i32
      %dma_wait3A_644 = tpu.memref_slice %arg8[%run_scoped3A_9, %dma_wait3A_642, %dma_wait3A_643] : memref<2x64x128xf32, #tpu.memory_space<vmem>> -> memref<1x64x128xf32, #tpu.memory_space<vmem>>
      %dma_wait3A_645 = tpu.memref_squeeze %dma_wait3A_644 : memref<1x64x128xf32, #tpu.memory_space<vmem>> -> memref<64x128xf32, #tpu.memory_space<vmem>>
      %dma_wait3A_646 = arith.constant 0 : i32
      %dma_wait3A_647 = tpu.memref_slice %arg11[%add3A_8, %dma_wait3A_646] : memref<12832x128xf32, #tpu.memory_space<vmem_shared>> -> memref<64x128xf32, #tpu.memory_space<vmem_shared>>
      %dma_wait3A_648 = arith.constant 0 : i32
      %dma_wait3A_649 = tpu.memref_slice %arg11[%add3A_8, %dma_wait3A_648] : memref<12832x128xf32, #tpu.memory_space<vmem_shared>> -> memref<64x128xf32, #tpu.memory_space<vmem_shared>>
      %dma_wait3A_650 = arith.constant 0 : i32
      %dma_wait3A_651 = arith.constant 0 : i32
      %dma_wait3A_652 = tpu.memref_slice %arg8[%run_scoped3A_9, %dma_wait3A_650, %dma_wait3A_651] : memref<2x64x128xf32, #tpu.memory_space<vmem>> -> memref<1x64x128xf32, #tpu.memory_space<vmem>>
      %dma_wait3A_653 = tpu.memref_squeeze %dma_wait3A_652 : memref<1x64x128xf32, #tpu.memory_space<vmem>> -> memref<64x128xf32, #tpu.memory_space<vmem>>
      tpu.wait_dma2 semaphore(%run_scoped3A_629 : memref<!tpu.dma_semaphore, #tpu.memory_space<semaphore_mem>>) src(%dma_wait3A_653 : memref<64x128xf32, #tpu.memory_space<vmem>>) dst(%dma_wait3A_649 : memref<64x128xf32, #tpu.memory_space<vmem_shared>>)
      tpu.yield
    }) : () -> ()
    %mul3A_10 = arith.constant 800 : i32
    %mul3A_11 = arith.muli %arg1, %mul3A_10 : i32
    %add3A_12 = arith.addi %mul3A_0, %mul3A_11 : i32
    %add3A_13 = arith.constant 0 : i32
    %add3A_14 = arith.addi %add3A_12, %add3A_13 : i32
    %add3A_15 = arith.constant 64 : i32
    %add3A_16 = arith.addi %add3A_14, %add3A_15 : i32
    %run_scoped3A_17 = arith.constant 1 : i32
    "tpu.region"() ({
      %run_scoped3A_629 = tpu.sem_alloc : memref<!tpu.dma_semaphore, #tpu.memory_space<semaphore_mem>>
      %dma_start3A_630 = arith.constant 0 : i32
      %dma_start3A_631 = arith.constant 0 : i32
      %dma_start3A_632 = tpu.memref_slice %arg8[%run_scoped3A_17, %dma_start3A_630, %dma_start3A_631] : memref<2x64x128xf32, #tpu.memory_space<vmem>> -> memref<1x16x128xf32, #tpu.memory_space<vmem>>
      %dma_start3A_633 = tpu.memref_squeeze %dma_start3A_632 : memref<1x16x128xf32, #tpu.memory_space<vmem>> -> memref<16x128xf32, #tpu.memory_space<vmem>>
      %dma_start3A_634 = arith.constant 0 : i32
      %dma_start3A_635 = tpu.memref_slice %arg2[%add3A_16, %dma_start3A_634] : memref<25600x128xf32, #tpu.memory_space<hbm>> -> memref<16x128xf32, #tpu.memory_space<hbm>>
      %dma_start3A_636 = arith.constant 0 : i32
      %dma_start3A_637 = arith.constant 0 : i32
      %dma_start3A_638 = tpu.memref_slice %arg8[%run_scoped3A_17, %dma_start3A_636, %dma_start3A_637] : memref<2x64x128xf32, #tpu.memory_space<vmem>> -> memref<1x16x128xf32, #tpu.memory_space<vmem>>
      %dma_start3A_639 = tpu.memref_squeeze %dma_start3A_638 : memref<1x16x128xf32, #tpu.memory_space<vmem>> -> memref<16x128xf32, #tpu.memory_space<vmem>>
      %dma_start3A_640 = arith.constant 0 : i32
      %dma_start3A_641 = tpu.memref_slice %arg2[%add3A_16, %dma_start3A_640] : memref<25600x128xf32, #tpu.memory_space<hbm>> -> memref<16x128xf32, #tpu.memory_space<hbm>>
      tpu.enqueue_dma source(%dma_start3A_641 : memref<16x128xf32, #tpu.memory_space<hbm>>) target(%dma_start3A_639 : memref<16x128xf32, #tpu.memory_space<vmem>>) target_semaphore(%run_scoped3A_629 : memref<!tpu.dma_semaphore, #tpu.memory_space<semaphore_mem>>)
      %dma_wait3A_642 = arith.constant 0 : i32
      %dma_wait3A_643 = arith.constant 0 : i32
      %dma_wait3A_644 = tpu.memref_slice %arg8[%run_scoped3A_17, %dma_wait3A_642, %dma_wait3A_643] : memref<2x64x128xf32, #tpu.memory_space<vmem>> -> memref<1x16x128xf32, #tpu.memory_space<vmem>>
      %dma_wait3A_645 = tpu.memref_squeeze %dma_wait3A_644 : memref<1x16x128xf32, #tpu.memory_space<vmem>> -> memref<16x128xf32, #tpu.memory_space<vmem>>
      %dma_wait3A_646 = arith.constant 0 : i32
      %dma_wait3A_647 = tpu.memref_slice %arg2[%add3A_16, %dma_wait3A_646] : memref<25600x128xf32, #tpu.memory_space<hbm>> -> memref<16x128xf32, #tpu.memory_space<hbm>>
      %dma_wait3A_648 = arith.constant 0 : i32
      %dma_wait3A_649 = arith.constant 0 : i32
      %dma_wait3A_650 = tpu.memref_slice %arg8[%run_scoped3A_17, %dma_wait3A_648, %dma_wait3A_649] : memref<2x64x128xf32, #tpu.memory_space<vmem>> -> memref<1x16x128xf32, #tpu.memory_space<vmem>>
      %dma_wait3A_651 = tpu.memref_squeeze %dma_wait3A_650 : memref<1x16x128xf32, #tpu.memory_space<vmem>> -> memref<16x128xf32, #tpu.memory_space<vmem>>
      %dma_wait3A_652 = arith.constant 0 : i32
      %dma_wait3A_653 = tpu.memref_slice %arg2[%add3A_16, %dma_wait3A_652] : memref<25600x128xf32, #tpu.memory_space<hbm>> -> memref<16x128xf32, #tpu.memory_space<hbm>>
      tpu.wait_dma2 semaphore(%run_scoped3A_629 : memref<!tpu.dma_semaphore, #tpu.memory_space<semaphore_mem>>) src(%dma_wait3A_653 : memref<16x128xf32, #tpu.memory_space<hbm>>) dst(%dma_wait3A_651 : memref<16x128xf32, #tpu.memory_space<vmem>>)
      tpu.yield
    }) : () -> ()
    %mul3A_18 = arith.constant 800 : i32
    %mul3A_19 = arith.muli %arg1, %mul3A_18 : i32
    %add3A_20 = arith.constant 0 : i32
    %add3A_21 = arith.addi %mul3A_19, %add3A_20 : i32
    %add3A_22 = arith.constant 64 : i32
    %add3A_23 = arith.addi %add3A_21, %add3A_22 : i32
    %run_scoped3A_24 = arith.constant 1 : i32
    "tpu.region"() ({
      %run_scoped3A_629 = tpu.sem_alloc : memref<!tpu.dma_semaphore, #tpu.memory_space<semaphore_mem>>
      %dma_start3A_630 = arith.constant 0 : i32
      %dma_start3A_631 = arith.constant 0 : i32
      %dma_start3A_632 = tpu.memref_slice %arg8[%run_scoped3A_24, %dma_start3A_630, %dma_start3A_631] : memref<2x64x128xf32, #tpu.memory_space<vmem>> -> memref<1x16x128xf32, #tpu.memory_space<vmem>>
      %dma_start3A_633 = tpu.memref_squeeze %dma_start3A_632 : memref<1x16x128xf32, #tpu.memory_space<vmem>> -> memref<16x128xf32, #tpu.memory_space<vmem>>
      %dma_start3A_634 = arith.constant 0 : i32
      %dma_start3A_635 = tpu.memref_slice %arg11[%add3A_23, %dma_start3A_634] : memref<12832x128xf32, #tpu.memory_space<vmem_shared>> -> memref<16x128xf32, #tpu.memory_space<vmem_shared>>
      %dma_start3A_636 = arith.constant 0 : i32
      %dma_start3A_637 = tpu.memref_slice %arg11[%add3A_23, %dma_start3A_636] : memref<12832x128xf32, #tpu.memory_space<vmem_shared>> -> memref<16x128xf32, #tpu.memory_space<vmem_shared>>
      %dma_start3A_638 = arith.constant 0 : i32
      %dma_start3A_639 = arith.constant 0 : i32
      %dma_start3A_640 = tpu.memref_slice %arg8[%run_scoped3A_24, %dma_start3A_638, %dma_start3A_639] : memref<2x64x128xf32, #tpu.memory_space<vmem>> -> memref<1x16x128xf32, #tpu.memory_space<vmem>>
      %dma_start3A_641 = tpu.memref_squeeze %dma_start3A_640 : memref<1x16x128xf32, #tpu.memory_space<vmem>> -> memref<16x128xf32, #tpu.memory_space<vmem>>
      tpu.enqueue_dma source(%dma_start3A_641 : memref<16x128xf32, #tpu.memory_space<vmem>>) target(%dma_start3A_637 : memref<16x128xf32, #tpu.memory_space<vmem_shared>>) target_semaphore(%run_scoped3A_629 : memref<!tpu.dma_semaphore, #tpu.memory_space<semaphore_mem>>)
      %dma_wait3A_642 = arith.constant 0 : i32
      %dma_wait3A_643 = arith.constant 0 : i32
      %dma_wait3A_644 = tpu.memref_slice %arg8[%run_scoped3A_24, %dma_wait3A_642, %dma_wait3A_643] : memref<2x64x128xf32, #tpu.memory_space<vmem>> -> memref<1x16x128xf32, #tpu.memory_space<vmem>>
      %dma_wait3A_645 = tpu.memref_squeeze %dma_wait3A_644 : memref<1x16x128xf32, #tpu.memory_space<vmem>> -> memref<16x128xf32, #tpu.memory_space<vmem>>
      %dma_wait3A_646 = arith.constant 0 : i32
      %dma_wait3A_647 = tpu.memref_slice %arg11[%add3A_23, %dma_wait3A_646] : memref<12832x128xf32, #tpu.memory_space<vmem_shared>> -> memref<16x128xf32, #tpu.memory_space<vmem_shared>>
      %dma_wait3A_648 = arith.constant 0 : i32
      %dma_wait3A_649 = tpu.memref_slice %arg11[%add3A_23, %dma_wait3A_648] : memref<12832x128xf32, #tpu.memory_space<vmem_shared>> -> memref<16x128xf32, #tpu.memory_space<vmem_shared>>
      %dma_wait3A_650 = arith.constant 0 : i32
      %dma_wait3A_651 = arith.constant 0 : i32
      %dma_wait3A_652 = tpu.memref_slice %arg8[%run_scoped3A_24, %dma_wait3A_650, %dma_wait3A_651] : memref<2x64x128xf32, #tpu.memory_space<vmem>> -> memref<1x16x128xf32, #tpu.memory_space<vmem>>
      %dma_wait3A_653 = tpu.memref_squeeze %dma_wait3A_652 : memref<1x16x128xf32, #tpu.memory_space<vmem>> -> memref<16x128xf32, #tpu.memory_space<vmem>>
      tpu.wait_dma2 semaphore(%run_scoped3A_629 : memref<!tpu.dma_semaphore, #tpu.memory_space<semaphore_mem>>) src(%dma_wait3A_653 : memref<16x128xf32, #tpu.memory_space<vmem>>) dst(%dma_wait3A_649 : memref<16x128xf32, #tpu.memory_space<vmem_shared>>)
      tpu.yield
    }) : () -> ()
    %mul3A_25 = arith.constant 800 : i32
    %mul3A_26 = arith.muli %arg1, %mul3A_25 : i32
    %add3A_27 = arith.addi %mul3A_0, %mul3A_26 : i32
    %add3A_28 = arith.constant 80 : i32
    %add3A_29 = arith.addi %add3A_27, %add3A_28 : i32
    %run_scoped3A_30 = arith.constant 0 : i32
    "tpu.region"() ({
      %run_scoped3A_629 = tpu.sem_alloc : memref<!tpu.dma_semaphore, #tpu.memory_space<semaphore_mem>>
      %dma_start3A_630 = arith.constant 0 : i32
      %dma_start3A_631 = arith.constant 0 : i32
      %dma_start3A_632 = tpu.memref_slice %arg8[%run_scoped3A_30, %dma_start3A_630, %dma_start3A_631] : memref<2x64x128xf32, #tpu.memory_space<vmem>> -> memref<1x64x128xf32, #tpu.memory_space<vmem>>
      %dma_start3A_633 = tpu.memref_squeeze %dma_start3A_632 : memref<1x64x128xf32, #tpu.memory_space<vmem>> -> memref<64x128xf32, #tpu.memory_space<vmem>>
      %dma_start3A_634 = arith.constant 0 : i32
      %dma_start3A_635 = tpu.memref_slice %arg2[%add3A_29, %dma_start3A_634] : memref<25600x128xf32, #tpu.memory_space<hbm>> -> memref<64x128xf32, #tpu.memory_space<hbm>>
      %dma_start3A_636 = arith.constant 0 : i32
      %dma_start3A_637 = arith.constant 0 : i32
      %dma_start3A_638 = tpu.memref_slice %arg8[%run_scoped3A_30, %dma_start3A_636, %dma_start3A_637] : memref<2x64x128xf32, #tpu.memory_space<vmem>> -> memref<1x64x128xf32, #tpu.memory_space<vmem>>
      %dma_start3A_639 = tpu.memref_squeeze %dma_start3A_638 : memref<1x64x128xf32, #tpu.memory_space<vmem>> -> memref<64x128xf32, #tpu.memory_space<vmem>>
      %dma_start3A_640 = arith.constant 0 : i32
      %dma_start3A_641 = tpu.memref_slice %arg2[%add3A_29, %dma_start3A_640] : memref<25600x128xf32, #tpu.memory_space<hbm>> -> memref<64x128xf32, #tpu.memory_space<hbm>>
      tpu.enqueue_dma source(%dma_start3A_641 : memref<64x128xf32, #tpu.memory_space<hbm>>) target(%dma_start3A_639 : memref<64x128xf32, #tpu.memory_space<vmem>>) target_semaphore(%run_scoped3A_629 : memref<!tpu.dma_semaphore, #tpu.memory_space<semaphore_mem>>)
      %dma_wait3A_642 = arith.constant 0 : i32
      %dma_wait3A_643 = arith.constant 0 : i32
      %dma_wait3A_644 = tpu.memref_slice %arg8[%run_scoped3A_30, %dma_wait3A_642, %dma_wait3A_643] : memref<2x64x128xf32, #tpu.memory_space<vmem>> -> memref<1x64x128xf32, #tpu.memory_space<vmem>>
      %dma_wait3A_645 = tpu.memref_squeeze %dma_wait3A_644 : memref<1x64x128xf32, #tpu.memory_space<vmem>> -> memref<64x128xf32, #tpu.memory_space<vmem>>
      %dma_wait3A_646 = arith.constant 0 : i32
      %dma_wait3A_647 = tpu.memref_slice %arg2[%add3A_29, %dma_wait3A_646] : memref<25600x128xf32, #tpu.memory_space<hbm>> -> memref<64x128xf32, #tpu.memory_space<hbm>>
      %dma_wait3A_648 = arith.constant 0 : i32
      %dma_wait3A_649 = arith.constant 0 : i32
      %dma_wait3A_650 = tpu.memref_slice %arg8[%run_scoped3A_30, %dma_wait3A_648, %dma_wait3A_649] : memref<2x64x128xf32, #tpu.memory_space<vmem>> -> memref<1x64x128xf32, #tpu.memory_space<vmem>>
      %dma_wait3A_651 = tpu.memref_squeeze %dma_wait3A_650 : memref<1x64x128xf32, #tpu.memory_space<vmem>> -> memref<64x128xf32, #tpu.memory_space<vmem>>
      %dma_wait3A_652 = arith.constant 0 : i32
      %dma_wait3A_653 = tpu.memref_slice %arg2[%add3A_29, %dma_wait3A_652] : memref<25600x128xf32, #tpu.memory_space<hbm>> -> memref<64x128xf32, #tpu.memory_space<hbm>>
      tpu.wait_dma2 semaphore(%run_scoped3A_629 : memref<!tpu.dma_semaphore, #tpu.memory_space<semaphore_mem>>) src(%dma_wait3A_653 : memref<64x128xf32, #tpu.memory_space<hbm>>) dst(%dma_wait3A_651 : memref<64x128xf32, #tpu.memory_space<vmem>>)
      tpu.yield
    }) : () -> ()
    %mul3A_31 = arith.constant 800 : i32
    %mul3A_32 = arith.muli %arg1, %mul3A_31 : i32
    %add3A_33 = arith.constant 80 : i32
    %add3A_34 = arith.addi %mul3A_32, %add3A_33 : i32
    %run_scoped3A_35 = arith.constant 0 : i32
    "tpu.region"() ({
      %run_scoped3A_629 = tpu.sem_alloc : memref<!tpu.dma_semaphore, #tpu.memory_space<semaphore_mem>>
      %dma_start3A_630 = arith.constant 0 : i32
      %dma_start3A_631 = arith.constant 0 : i32
      %dma_start3A_632 = tpu.memref_slice %arg8[%run_scoped3A_35, %dma_start3A_630, %dma_start3A_631] : memref<2x64x128xf32, #tpu.memory_space<vmem>> -> memref<1x64x128xf32, #tpu.memory_space<vmem>>
      %dma_start3A_633 = tpu.memref_squeeze %dma_start3A_632 : memref<1x64x128xf32, #tpu.memory_space<vmem>> -> memref<64x128xf32, #tpu.memory_space<vmem>>
      %dma_start3A_634 = arith.constant 0 : i32
      %dma_start3A_635 = tpu.memref_slice %arg11[%add3A_34, %dma_start3A_634] : memref<12832x128xf32, #tpu.memory_space<vmem_shared>> -> memref<64x128xf32, #tpu.memory_space<vmem_shared>>
      %dma_start3A_636 = arith.constant 0 : i32
      %dma_start3A_637 = tpu.memref_slice %arg11[%add3A_34, %dma_start3A_636] : memref<12832x128xf32, #tpu.memory_space<vmem_shared>> -> memref<64x128xf32, #tpu.memory_space<vmem_shared>>
      %dma_start3A_638 = arith.constant 0 : i32
      %dma_start3A_639 = arith.constant 0 : i32
      %dma_start3A_640 = tpu.memref_slice %arg8[%run_scoped3A_35, %dma_start3A_638, %dma_start3A_639] : memref<2x64x128xf32, #tpu.memory_space<vmem>> -> memref<1x64x128xf32, #tpu.memory_space<vmem>>
      %dma_start3A_641 = tpu.memref_squeeze %dma_start3A_640 : memref<1x64x128xf32, #tpu.memory_space<vmem>> -> memref<64x128xf32, #tpu.memory_space<vmem>>
      tpu.enqueue_dma source(%dma_start3A_641 : memref<64x128xf32, #tpu.memory_space<vmem>>) target(%dma_start3A_637 : memref<64x128xf32, #tpu.memory_space<vmem_shared>>) target_semaphore(%run_scoped3A_629 : memref<!tpu.dma_semaphore, #tpu.memory_space<semaphore_mem>>)
      %dma_wait3A_642 = arith.constant 0 : i32
      %dma_wait3A_643 = arith.constant 0 : i32
      %dma_wait3A_644 = tpu.memref_slice %arg8[%run_scoped3A_35, %dma_wait3A_642, %dma_wait3A_643] : memref<2x64x128xf32, #tpu.memory_space<vmem>> -> memref<1x64x128xf32, #tpu.memory_space<vmem>>
      %dma_wait3A_645 = tpu.memref_squeeze %dma_wait3A_644 : memref<1x64x128xf32, #tpu.memory_space<vmem>> -> memref<64x128xf32, #tpu.memory_space<vmem>>
      %dma_wait3A_646 = arith.constant 0 : i32
      %dma_wait3A_647 = tpu.memref_slice %arg11[%add3A_34, %dma_wait3A_646] : memref<12832x128xf32, #tpu.memory_space<vmem_shared>> -> memref<64x128xf32, #tpu.memory_space<vmem_shared>>
      %dma_wait3A_648 = arith.constant 0 : i32
      %dma_wait3A_649 = tpu.memref_slice %arg11[%add3A_34, %dma_wait3A_648] : memref<12832x128xf32, #tpu.memory_space<vmem_shared>> -> memref<64x128xf32, #tpu.memory_space<vmem_shared>>
      %dma_wait3A_650 = arith.constant 0 : i32
      %dma_wait3A_651 = arith.constant 0 : i32
      %dma_wait3A_652 = tpu.memref_slice %arg8[%run_scoped3A_35, %dma_wait3A_650, %dma_wait3A_651] : memref<2x64x128xf32, #tpu.memory_space<vmem>> -> memref<1x64x128xf32, #tpu.memory_space<vmem>>
      %dma_wait3A_653 = tpu.memref_squeeze %dma_wait3A_652 : memref<1x64x128xf32, #tpu.memory_space<vmem>> -> memref<64x128xf32, #tpu.memory_space<vmem>>
      tpu.wait_dma2 semaphore(%run_scoped3A_629 : memref<!tpu.dma_semaphore, #tpu.memory_space<semaphore_mem>>) src(%dma_wait3A_653 : memref<64x128xf32, #tpu.memory_space<vmem>>) dst(%dma_wait3A_649 : memref<64x128xf32, #tpu.memory_space<vmem_shared>>)
      tpu.yield
    }) : () -> ()
    %mul3A_36 = arith.constant 800 : i32
    %mul3A_37 = arith.muli %arg1, %mul3A_36 : i32
    %add3A_38 = arith.addi %mul3A_0, %mul3A_37 : i32
    %add3A_39 = arith.constant 80 : i32
    %add3A_40 = arith.addi %add3A_38, %add3A_39 : i32
    %add3A_41 = arith.constant 64 : i32
    %add3A_42 = arith.addi %add3A_40, %add3A_41 : i32
    %run_scoped3A_43 = arith.constant 1 : i32
    "tpu.region"() ({
      %run_scoped3A_629 = tpu.sem_alloc : memref<!tpu.dma_semaphore, #tpu.memory_space<semaphore_mem>>
      %dma_start3A_630 = arith.constant 0 : i32
      %dma_start3A_631 = arith.constant 0 : i32
      %dma_start3A_632 = tpu.memref_slice %arg8[%run_scoped3A_43, %dma_start3A_630, %dma_start3A_631] : memref<2x64x128xf32, #tpu.memory_space<vmem>> -> memref<1x16x128xf32, #tpu.memory_space<vmem>>
      %dma_start3A_633 = tpu.memref_squeeze %dma_start3A_632 : memref<1x16x128xf32, #tpu.memory_space<vmem>> -> memref<16x128xf32, #tpu.memory_space<vmem>>
      %dma_start3A_634 = arith.constant 0 : i32
      %dma_start3A_635 = tpu.memref_slice %arg2[%add3A_42, %dma_start3A_634] : memref<25600x128xf32, #tpu.memory_space<hbm>> -> memref<16x128xf32, #tpu.memory_space<hbm>>
      %dma_start3A_636 = arith.constant 0 : i32
      %dma_start3A_637 = arith.constant 0 : i32
      %dma_start3A_638 = tpu.memref_slice %arg8[%run_scoped3A_43, %dma_start3A_636, %dma_start3A_637] : memref<2x64x128xf32, #tpu.memory_space<vmem>> -> memref<1x16x128xf32, #tpu.memory_space<vmem>>
      %dma_start3A_639 = tpu.memref_squeeze %dma_start3A_638 : memref<1x16x128xf32, #tpu.memory_space<vmem>> -> memref<16x128xf32, #tpu.memory_space<vmem>>
      %dma_start3A_640 = arith.constant 0 : i32
      %dma_start3A_641 = tpu.memref_slice %arg2[%add3A_42, %dma_start3A_640] : memref<25600x128xf32, #tpu.memory_space<hbm>> -> memref<16x128xf32, #tpu.memory_space<hbm>>
      tpu.enqueue_dma source(%dma_start3A_641 : memref<16x128xf32, #tpu.memory_space<hbm>>) target(%dma_start3A_639 : memref<16x128xf32, #tpu.memory_space<vmem>>) target_semaphore(%run_scoped3A_629 : memref<!tpu.dma_semaphore, #tpu.memory_space<semaphore_mem>>)
      %dma_wait3A_642 = arith.constant 0 : i32
      %dma_wait3A_643 = arith.constant 0 : i32
      %dma_wait3A_644 = tpu.memref_slice %arg8[%run_scoped3A_43, %dma_wait3A_642, %dma_wait3A_643] : memref<2x64x128xf32, #tpu.memory_space<vmem>> -> memref<1x16x128xf32, #tpu.memory_space<vmem>>
      %dma_wait3A_645 = tpu.memref_squeeze %dma_wait3A_644 : memref<1x16x128xf32, #tpu.memory_space<vmem>> -> memref<16x128xf32, #tpu.memory_space<vmem>>
      %dma_wait3A_646 = arith.constant 0 : i32
      %dma_wait3A_647 = tpu.memref_slice %arg2[%add3A_42, %dma_wait3A_646] : memref<25600x128xf32, #tpu.memory_space<hbm>> -> memref<16x128xf32, #tpu.memory_space<hbm>>
      %dma_wait3A_648 = arith.constant 0 : i32
      %dma_wait3A_649 = arith.constant 0 : i32
      %dma_wait3A_650 = tpu.memref_slice %arg8[%run_scoped3A_43, %dma_wait3A_648, %dma_wait3A_649] : memref<2x64x128xf32, #tpu.memory_space<vmem>> -> memref<1x16x128xf32, #tpu.memory_space<vmem>>
      %dma_wait3A_651 = tpu.memref_squeeze %dma_wait3A_650 : memref<1x16x128xf32, #tpu.memory_space<vmem>> -> memref<16x128xf32, #tpu.memory_space<vmem>>
      %dma_wait3A_652 = arith.constant 0 : i32
      %dma_wait3A_653 = tpu.memref_slice %arg2[%add3A_42, %dma_wait3A_652] : memref<25600x128xf32, #tpu.memory_space<hbm>> -> memref<16x128xf32, #tpu.memory_space<hbm>>
      tpu.wait_dma2 semaphore(%run_scoped3A_629 : memref<!tpu.dma_semaphore, #tpu.memory_space<semaphore_mem>>) src(%dma_wait3A_653 : memref<16x128xf32, #tpu.memory_space<hbm>>) dst(%dma_wait3A_651 : memref<16x128xf32, #tpu.memory_space<vmem>>)
      tpu.yield
    }) : () -> ()
    %mul3A_44 = arith.constant 800 : i32
    %mul3A_45 = arith.muli %arg1, %mul3A_44 : i32
    %add3A_46 = arith.constant 80 : i32
    %add3A_47 = arith.addi %mul3A_45, %add3A_46 : i32
    %add3A_48 = arith.constant 64 : i32
    %add3A_49 = arith.addi %add3A_47, %add3A_48 : i32
    %run_scoped3A_50 = arith.constant 1 : i32
    "tpu.region"() ({
      %run_scoped3A_629 = tpu.sem_alloc : memref<!tpu.dma_semaphore, #tpu.memory_space<semaphore_mem>>
      %dma_start3A_630 = arith.constant 0 : i32
      %dma_start3A_631 = arith.constant 0 : i32
      %dma_start3A_632 = tpu.memref_slice %arg8[%run_scoped3A_50, %dma_start3A_630, %dma_start3A_631] : memref<2x64x128xf32, #tpu.memory_space<vmem>> -> memref<1x16x128xf32, #tpu.memory_space<vmem>>
      %dma_start3A_633 = tpu.memref_squeeze %dma_start3A_632 : memref<1x16x128xf32, #tpu.memory_space<vmem>> -> memref<16x128xf32, #tpu.memory_space<vmem>>
      %dma_start3A_634 = arith.constant 0 : i32
      %dma_start3A_635 = tpu.memref_slice %arg11[%add3A_49, %dma_start3A_634] : memref<12832x128xf32, #tpu.memory_space<vmem_shared>> -> memref<16x128xf32, #tpu.memory_space<vmem_shared>>
      %dma_start3A_636 = arith.constant 0 : i32
      %dma_start3A_637 = tpu.memref_slice %arg11[%add3A_49, %dma_start3A_636] : memref<12832x128xf32, #tpu.memory_space<vmem_shared>> -> memref<16x128xf32, #tpu.memory_space<vmem_shared>>
      %dma_start3A_638 = arith.constant 0 : i32
      %dma_start3A_639 = arith.constant 0 : i32
      %dma_start3A_640 = tpu.memref_slice %arg8[%run_scoped3A_50, %dma_start3A_638, %dma_start3A_639] : memref<2x64x128xf32, #tpu.memory_space<vmem>> -> memref<1x16x128xf32, #tpu.memory_space<vmem>>
      %dma_start3A_641 = tpu.memref_squeeze %dma_start3A_640 : memref<1x16x128xf32, #tpu.memory_space<vmem>> -> memref<16x128xf32, #tpu.memory_space<vmem>>
      tpu.enqueue_dma source(%dma_start3A_641 : memref<16x128xf32, #tpu.memory_space<vmem>>) target(%dma_start3A_637 : memref<16x128xf32, #tpu.memory_space<vmem_shared>>) target_semaphore(%run_scoped3A_629 : memref<!tpu.dma_semaphore, #tpu.memory_space<semaphore_mem>>)
      %dma_wait3A_642 = arith.constant 0 : i32
      %dma_wait3A_643 = arith.constant 0 : i32
      %dma_wait3A_644 = tpu.memref_slice %arg8[%run_scoped3A_50, %dma_wait3A_642, %dma_wait3A_643] : memref<2x64x128xf32, #tpu.memory_space<vmem>> -> memref<1x16x128xf32, #tpu.memory_space<vmem>>
      %dma_wait3A_645 = tpu.memref_squeeze %dma_wait3A_644 : memref<1x16x128xf32, #tpu.memory_space<vmem>> -> memref<16x128xf32, #tpu.memory_space<vmem>>
      %dma_wait3A_646 = arith.constant 0 : i32
      %dma_wait3A_647 = tpu.memref_slice %arg11[%add3A_49, %dma_wait3A_646] : memref<12832x128xf32, #tpu.memory_space<vmem_shared>> -> memref<16x128xf32, #tpu.memory_space<vmem_shared>>
      %dma_wait3A_648 = arith.constant 0 : i32
      %dma_wait3A_649 = tpu.memref_slice %arg11[%add3A_49, %dma_wait3A_648] : memref<12832x128xf32, #tpu.memory_space<vmem_shared>> -> memref<16x128xf32, #tpu.memory_space<vmem_shared>>
      %dma_wait3A_650 = arith.constant 0 : i32
      %dma_wait3A_651 = arith.constant 0 : i32
      %dma_wait3A_652 = tpu.memref_slice %arg8[%run_scoped3A_50, %dma_wait3A_650, %dma_wait3A_651] : memref<2x64x128xf32, #tpu.memory_space<vmem>> -> memref<1x16x128xf32, #tpu.memory_space<vmem>>
      %dma_wait3A_653 = tpu.memref_squeeze %dma_wait3A_652 : memref<1x16x128xf32, #tpu.memory_space<vmem>> -> memref<16x128xf32, #tpu.memory_space<vmem>>
      tpu.wait_dma2 semaphore(%run_scoped3A_629 : memref<!tpu.dma_semaphore, #tpu.memory_space<semaphore_mem>>) src(%dma_wait3A_653 : memref<16x128xf32, #tpu.memory_space<vmem>>) dst(%dma_wait3A_649 : memref<16x128xf32, #tpu.memory_space<vmem_shared>>)
      tpu.yield
    }) : () -> ()
    %mul3A_51 = arith.constant 800 : i32
    %mul3A_52 = arith.muli %arg1, %mul3A_51 : i32
    %add3A_53 = arith.addi %mul3A_0, %mul3A_52 : i32
    %add3A_54 = arith.constant 160 : i32
    %add3A_55 = arith.addi %add3A_53, %add3A_54 : i32
    %run_scoped3A_56 = arith.constant 0 : i32
    "tpu.region"() ({
      %run_scoped3A_629 = tpu.sem_alloc : memref<!tpu.dma_semaphore, #tpu.memory_space<semaphore_mem>>
      %dma_start3A_630 = arith.constant 0 : i32
      %dma_start3A_631 = arith.constant 0 : i32
      %dma_start3A_632 = tpu.memref_slice %arg8[%run_scoped3A_56, %dma_start3A_630, %dma_start3A_631] : memref<2x64x128xf32, #tpu.memory_space<vmem>> -> memref<1x64x128xf32, #tpu.memory_space<vmem>>
      %dma_start3A_633 = tpu.memref_squeeze %dma_start3A_632 : memref<1x64x128xf32, #tpu.memory_space<vmem>> -> memref<64x128xf32, #tpu.memory_space<vmem>>
      %dma_start3A_634 = arith.constant 0 : i32
      %dma_start3A_635 = tpu.memref_slice %arg2[%add3A_55, %dma_start3A_634] : memref<25600x128xf32, #tpu.memory_space<hbm>> -> memref<64x128xf32, #tpu.memory_space<hbm>>
      %dma_start3A_636 = arith.constant 0 : i32
      %dma_start3A_637 = arith.constant 0 : i32
      %dma_start3A_638 = tpu.memref_slice %arg8[%run_scoped3A_56, %dma_start3A_636, %dma_start3A_637] : memref<2x64x128xf32, #tpu.memory_space<vmem>> -> memref<1x64x128xf32, #tpu.memory_space<vmem>>
      %dma_start3A_639 = tpu.memref_squeeze %dma_start3A_638 : memref<1x64x128xf32, #tpu.memory_space<vmem>> -> memref<64x128xf32, #tpu.memory_space<vmem>>
      %dma_start3A_640 = arith.constant 0 : i32
      %dma_start3A_641 = tpu.memref_slice %arg2[%add3A_55, %dma_start3A_640] : memref<25600x128xf32, #tpu.memory_space<hbm>> -> memref<64x128xf32, #tpu.memory_space<hbm>>
      tpu.enqueue_dma source(%dma_start3A_641 : memref<64x128xf32, #tpu.memory_space<hbm>>) target(%dma_start3A_639 : memref<64x128xf32, #tpu.memory_space<vmem>>) target_semaphore(%run_scoped3A_629 : memref<!tpu.dma_semaphore, #tpu.memory_space<semaphore_mem>>)
      %dma_wait3A_642 = arith.constant 0 : i32
      %dma_wait3A_643 = arith.constant 0 : i32
      %dma_wait3A_644 = tpu.memref_slice %arg8[%run_scoped3A_56, %dma_wait3A_642, %dma_wait3A_643] : memref<2x64x128xf32, #tpu.memory_space<vmem>> -> memref<1x64x128xf32, #tpu.memory_space<vmem>>
      %dma_wait3A_645 = tpu.memref_squeeze %dma_wait3A_644 : memref<1x64x128xf32, #tpu.memory_space<vmem>> -> memref<64x128xf32, #tpu.memory_space<vmem>>
      %dma_wait3A_646 = arith.constant 0 : i32
      %dma_wait3A_647 = tpu.memref_slice %arg2[%add3A_55, %dma_wait3A_646] : memref<25600x128xf32, #tpu.memory_space<hbm>> -> memref<64x128xf32, #tpu.memory_space<hbm>>
      %dma_wait3A_648 = arith.constant 0 : i32
      %dma_wait3A_649 = arith.constant 0 : i32
      %dma_wait3A_650 = tpu.memref_slice %arg8[%run_scoped3A_56, %dma_wait3A_648, %dma_wait3A_649] : memref<2x64x128xf32, #tpu.memory_space<vmem>> -> memref<1x64x128xf32, #tpu.memory_space<vmem>>
      %dma_wait3A_651 = tpu.memref_squeeze %dma_wait3A_650 : memref<1x64x128xf32, #tpu.memory_space<vmem>> -> memref<64x128xf32, #tpu.memory_space<vmem>>
      %dma_wait3A_652 = arith.constant 0 : i32
      %dma_wait3A_653 = tpu.memref_slice %arg2[%add3A_55, %dma_wait3A_652] : memref<25600x128xf32, #tpu.memory_space<hbm>> -> memref<64x128xf32, #tpu.memory_space<hbm>>
      tpu.wait_dma2 semaphore(%run_scoped3A_629 : memref<!tpu.dma_semaphore, #tpu.memory_space<semaphore_mem>>) src(%dma_wait3A_653 : memref<64x128xf32, #tpu.memory_space<hbm>>) dst(%dma_wait3A_651 : memref<64x128xf32, #tpu.memory_space<vmem>>)
      tpu.yield
    }) : () -> ()
    %mul3A_57 = arith.constant 800 : i32
    %mul3A_58 = arith.muli %arg1, %mul3A_57 : i32
    %add3A_59 = arith.constant 160 : i32
    %add3A_60 = arith.addi %mul3A_58, %add3A_59 : i32
    %run_scoped3A_61 = arith.constant 0 : i32
    "tpu.region"() ({
      %run_scoped3A_629 = tpu.sem_alloc : memref<!tpu.dma_semaphore, #tpu.memory_space<semaphore_mem>>
      %dma_start3A_630 = arith.constant 0 : i32
      %dma_start3A_631 = arith.constant 0 : i32
      %dma_start3A_632 = tpu.memref_slice %arg8[%run_scoped3A_61, %dma_start3A_630, %dma_start3A_631] : memref<2x64x128xf32, #tpu.memory_space<vmem>> -> memref<1x64x128xf32, #tpu.memory_space<vmem>>
      %dma_start3A_633 = tpu.memref_squeeze %dma_start3A_632 : memref<1x64x128xf32, #tpu.memory_space<vmem>> -> memref<64x128xf32, #tpu.memory_space<vmem>>
      %dma_start3A_634 = arith.constant 0 : i32
      %dma_start3A_635 = tpu.memref_slice %arg11[%add3A_60, %dma_start3A_634] : memref<12832x128xf32, #tpu.memory_space<vmem_shared>> -> memref<64x128xf32, #tpu.memory_space<vmem_shared>>
      %dma_start3A_636 = arith.constant 0 : i32
      %dma_start3A_637 = tpu.memref_slice %arg11[%add3A_60, %dma_start3A_636] : memref<12832x128xf32, #tpu.memory_space<vmem_shared>> -> memref<64x128xf32, #tpu.memory_space<vmem_shared>>
      %dma_start3A_638 = arith.constant 0 : i32
      %dma_start3A_639 = arith.constant 0 : i32
      %dma_start3A_640 = tpu.memref_slice %arg8[%run_scoped3A_61, %dma_start3A_638, %dma_start3A_639] : memref<2x64x128xf32, #tpu.memory_space<vmem>> -> memref<1x64x128xf32, #tpu.memory_space<vmem>>
      %dma_start3A_641 = tpu.memref_squeeze %dma_start3A_640 : memref<1x64x128xf32, #tpu.memory_space<vmem>> -> memref<64x128xf32, #tpu.memory_space<vmem>>
      tpu.enqueue_dma source(%dma_start3A_641 : memref<64x128xf32, #tpu.memory_space<vmem>>) target(%dma_start3A_637 : memref<64x128xf32, #tpu.memory_space<vmem_shared>>) target_semaphore(%run_scoped3A_629 : memref<!tpu.dma_semaphore, #tpu.memory_space<semaphore_mem>>)
      %dma_wait3A_642 = arith.constant 0 : i32
      %dma_wait3A_643 = arith.constant 0 : i32
      %dma_wait3A_644 = tpu.memref_slice %arg8[%run_scoped3A_61, %dma_wait3A_642, %dma_wait3A_643] : memref<2x64x128xf32, #tpu.memory_space<vmem>> -> memref<1x64x128xf32, #tpu.memory_space<vmem>>
      %dma_wait3A_645 = tpu.memref_squeeze %dma_wait3A_644 : memref<1x64x128xf32, #tpu.memory_space<vmem>> -> memref<64x128xf32, #tpu.memory_space<vmem>>
      %dma_wait3A_646 = arith.constant 0 : i32
      %dma_wait3A_647 = tpu.memref_slice %arg11[%add3A_60, %dma_wait3A_646] : memref<12832x128xf32, #tpu.memory_space<vmem_shared>> -> memref<64x128xf32, #tpu.memory_space<vmem_shared>>
      %dma_wait3A_648 = arith.constant 0 : i32
      %dma_wait3A_649 = tpu.memref_slice %arg11[%add3A_60, %dma_wait3A_648] : memref<12832x128xf32, #tpu.memory_space<vmem_shared>> -> memref<64x128xf32, #tpu.memory_space<vmem_shared>>
      %dma_wait3A_650 = arith.constant 0 : i32
      %dma_wait3A_651 = arith.constant 0 : i32
      %dma_wait3A_652 = tpu.memref_slice %arg8[%run_scoped3A_61, %dma_wait3A_650, %dma_wait3A_651] : memref<2x64x128xf32, #tpu.memory_space<vmem>> -> memref<1x64x128xf32, #tpu.memory_space<vmem>>
      %dma_wait3A_653 = tpu.memref_squeeze %dma_wait3A_652 : memref<1x64x128xf32, #tpu.memory_space<vmem>> -> memref<64x128xf32, #tpu.memory_space<vmem>>
      tpu.wait_dma2 semaphore(%run_scoped3A_629 : memref<!tpu.dma_semaphore, #tpu.memory_space<semaphore_mem>>) src(%dma_wait3A_653 : memref<64x128xf32, #tpu.memory_space<vmem>>) dst(%dma_wait3A_649 : memref<64x128xf32, #tpu.memory_space<vmem_shared>>)
      tpu.yield
    }) : () -> ()
    %mul3A_62 = arith.constant 800 : i32
    %mul3A_63 = arith.muli %arg1, %mul3A_62 : i32
    %add3A_64 = arith.addi %mul3A_0, %mul3A_63 : i32
    %add3A_65 = arith.constant 160 : i32
    %add3A_66 = arith.addi %add3A_64, %add3A_65 : i32
    %add3A_67 = arith.constant 64 : i32
    %add3A_68 = arith.addi %add3A_66, %add3A_67 : i32
    %run_scoped3A_69 = arith.constant 1 : i32
    "tpu.region"() ({
      %run_scoped3A_629 = tpu.sem_alloc : memref<!tpu.dma_semaphore, #tpu.memory_space<semaphore_mem>>
      %dma_start3A_630 = arith.constant 0 : i32
      %dma_start3A_631 = arith.constant 0 : i32
      %dma_start3A_632 = tpu.memref_slice %arg8[%run_scoped3A_69, %dma_start3A_630, %dma_start3A_631] : memref<2x64x128xf32, #tpu.memory_space<vmem>> -> memref<1x16x128xf32, #tpu.memory_space<vmem>>
      %dma_start3A_633 = tpu.memref_squeeze %dma_start3A_632 : memref<1x16x128xf32, #tpu.memory_space<vmem>> -> memref<16x128xf32, #tpu.memory_space<vmem>>
      %dma_start3A_634 = arith.constant 0 : i32
      %dma_start3A_635 = tpu.memref_slice %arg2[%add3A_68, %dma_start3A_634] : memref<25600x128xf32, #tpu.memory_space<hbm>> -> memref<16x128xf32, #tpu.memory_space<hbm>>
      %dma_start3A_636 = arith.constant 0 : i32
      %dma_start3A_637 = arith.constant 0 : i32
      %dma_start3A_638 = tpu.memref_slice %arg8[%run_scoped3A_69, %dma_start3A_636, %dma_start3A_637] : memref<2x64x128xf32, #tpu.memory_space<vmem>> -> memref<1x16x128xf32, #tpu.memory_space<vmem>>
      %dma_start3A_639 = tpu.memref_squeeze %dma_start3A_638 : memref<1x16x128xf32, #tpu.memory_space<vmem>> -> memref<16x128xf32, #tpu.memory_space<vmem>>
      %dma_start3A_640 = arith.constant 0 : i32
      %dma_start3A_641 = tpu.memref_slice %arg2[%add3A_68, %dma_start3A_640] : memref<25600x128xf32, #tpu.memory_space<hbm>> -> memref<16x128xf32, #tpu.memory_space<hbm>>
      tpu.enqueue_dma source(%dma_start3A_641 : memref<16x128xf32, #tpu.memory_space<hbm>>) target(%dma_start3A_639 : memref<16x128xf32, #tpu.memory_space<vmem>>) target_semaphore(%run_scoped3A_629 : memref<!tpu.dma_semaphore, #tpu.memory_space<semaphore_mem>>)
      %dma_wait3A_642 = arith.constant 0 : i32
      %dma_wait3A_643 = arith.constant 0 : i32
      %dma_wait3A_644 = tpu.memref_slice %arg8[%run_scoped3A_69, %dma_wait3A_642, %dma_wait3A_643] : memref<2x64x128xf32, #tpu.memory_space<vmem>> -> memref<1x16x128xf32, #tpu.memory_space<vmem>>
      %dma_wait3A_645 = tpu.memref_squeeze %dma_wait3A_644 : memref<1x16x128xf32, #tpu.memory_space<vmem>> -> memref<16x128xf32, #tpu.memory_space<vmem>>
      %dma_wait3A_646 = arith.constant 0 : i32
      %dma_wait3A_647 = tpu.memref_slice %arg2[%add3A_68, %dma_wait3A_646] : memref<25600x128xf32, #tpu.memory_space<hbm>> -> memref<16x128xf32, #tpu.memory_space<hbm>>
      %dma_wait3A_648 = arith.constant 0 : i32
      %dma_wait3A_649 = arith.constant 0 : i32
      %dma_wait3A_650 = tpu.memref_slice %arg8[%run_scoped3A_69, %dma_wait3A_648, %dma_wait3A_649] : memref<2x64x128xf32, #tpu.memory_space<vmem>> -> memref<1x16x128xf32, #tpu.memory_space<vmem>>
      %dma_wait3A_651 = tpu.memref_squeeze %dma_wait3A_650 : memref<1x16x128xf32, #tpu.memory_space<vmem>> -> memref<16x128xf32, #tpu.memory_space<vmem>>
      %dma_wait3A_652 = arith.constant 0 : i32
      %dma_wait3A_653 = tpu.memref_slice %arg2[%add3A_68, %dma_wait3A_652] : memref<25600x128xf32, #tpu.memory_space<hbm>> -> memref<16x128xf32, #tpu.memory_space<hbm>>
      tpu.wait_dma2 semaphore(%run_scoped3A_629 : memref<!tpu.dma_semaphore, #tpu.memory_space<semaphore_mem>>) src(%dma_wait3A_653 : memref<16x128xf32, #tpu.memory_space<hbm>>) dst(%dma_wait3A_651 : memref<16x128xf32, #tpu.memory_space<vmem>>)
      tpu.yield
    }) : () -> ()
    %mul3A_70 = arith.constant 800 : i32
    %mul3A_71 = arith.muli %arg1, %mul3A_70 : i32
    %add3A_72 = arith.constant 160 : i32
    %add3A_73 = arith.addi %mul3A_71, %add3A_72 : i32
    %add3A_74 = arith.constant 64 : i32
    %add3A_75 = arith.addi %add3A_73, %add3A_74 : i32
    %run_scoped3A_76 = arith.constant 1 : i32
    "tpu.region"() ({
      %run_scoped3A_629 = tpu.sem_alloc : memref<!tpu.dma_semaphore, #tpu.memory_space<semaphore_mem>>
      %dma_start3A_630 = arith.constant 0 : i32
      %dma_start3A_631 = arith.constant 0 : i32
      %dma_start3A_632 = tpu.memref_slice %arg8[%run_scoped3A_76, %dma_start3A_630, %dma_start3A_631] : memref<2x64x128xf32, #tpu.memory_space<vmem>> -> memref<1x16x128xf32, #tpu.memory_space<vmem>>
      %dma_start3A_633 = tpu.memref_squeeze %dma_start3A_632 : memref<1x16x128xf32, #tpu.memory_space<vmem>> -> memref<16x128xf32, #tpu.memory_space<vmem>>
      %dma_start3A_634 = arith.constant 0 : i32
      %dma_start3A_635 = tpu.memref_slice %arg11[%add3A_75, %dma_start3A_634] : memref<12832x128xf32, #tpu.memory_space<vmem_shared>> -> memref<16x128xf32, #tpu.memory_space<vmem_shared>>
      %dma_start3A_636 = arith.constant 0 : i32
      %dma_start3A_637 = tpu.memref_slice %arg11[%add3A_75, %dma_start3A_636] : memref<12832x128xf32, #tpu.memory_space<vmem_shared>> -> memref<16x128xf32, #tpu.memory_space<vmem_shared>>
      %dma_start3A_638 = arith.constant 0 : i32
      %dma_start3A_639 = arith.constant 0 : i32
      %dma_start3A_640 = tpu.memref_slice %arg8[%run_scoped3A_76, %dma_start3A_638, %dma_start3A_639] : memref<2x64x128xf32, #tpu.memory_space<vmem>> -> memref<1x16x128xf32, #tpu.memory_space<vmem>>
      %dma_start3A_641 = tpu.memref_squeeze %dma_start3A_640 : memref<1x16x128xf32, #tpu.memory_space<vmem>> -> memref<16x128xf32, #tpu.memory_space<vmem>>
      tpu.enqueue_dma source(%dma_start3A_641 : memref<16x128xf32, #tpu.memory_space<vmem>>) target(%dma_start3A_637 : memref<16x128xf32, #tpu.memory_space<vmem_shared>>) target_semaphore(%run_scoped3A_629 : memref<!tpu.dma_semaphore, #tpu.memory_space<semaphore_mem>>)
      %dma_wait3A_642 = arith.constant 0 : i32
      %dma_wait3A_643 = arith.constant 0 : i32
      %dma_wait3A_644 = tpu.memref_slice %arg8[%run_scoped3A_76, %dma_wait3A_642, %dma_wait3A_643] : memref<2x64x128xf32, #tpu.memory_space<vmem>> -> memref<1x16x128xf32, #tpu.memory_space<vmem>>
      %dma_wait3A_645 = tpu.memref_squeeze %dma_wait3A_644 : memref<1x16x128xf32, #tpu.memory_space<vmem>> -> memref<16x128xf32, #tpu.memory_space<vmem>>
      %dma_wait3A_646 = arith.constant 0 : i32
      %dma_wait3A_647 = tpu.memref_slice %arg11[%add3A_75, %dma_wait3A_646] : memref<12832x128xf32, #tpu.memory_space<vmem_shared>> -> memref<16x128xf32, #tpu.memory_space<vmem_shared>>
      %dma_wait3A_648 = arith.constant 0 : i32
      %dma_wait3A_649 = tpu.memref_slice %arg11[%add3A_75, %dma_wait3A_648] : memref<12832x128xf32, #tpu.memory_space<vmem_shared>> -> memref<16x128xf32, #tpu.memory_space<vmem_shared>>
      %dma_wait3A_650 = arith.constant 0 : i32
      %dma_wait3A_651 = arith.constant 0 : i32
      %dma_wait3A_652 = tpu.memref_slice %arg8[%run_scoped3A_76, %dma_wait3A_650, %dma_wait3A_651] : memref<2x64x128xf32, #tpu.memory_space<vmem>> -> memref<1x16x128xf32, #tpu.memory_space<vmem>>
      %dma_wait3A_653 = tpu.memref_squeeze %dma_wait3A_652 : memref<1x16x128xf32, #tpu.memory_space<vmem>> -> memref<16x128xf32, #tpu.memory_space<vmem>>
      tpu.wait_dma2 semaphore(%run_scoped3A_629 : memref<!tpu.dma_semaphore, #tpu.memory_space<semaphore_mem>>) src(%dma_wait3A_653 : memref<16x128xf32, #tpu.memory_space<vmem>>) dst(%dma_wait3A_649 : memref<16x128xf32, #tpu.memory_space<vmem_shared>>)
      tpu.yield
    }) : () -> ()
    %mul3A_77 = arith.constant 800 : i32
    %mul3A_78 = arith.muli %arg1, %mul3A_77 : i32
    %add3A_79 = arith.addi %mul3A_0, %mul3A_78 : i32
    %add3A_80 = arith.constant 240 : i32
    %add3A_81 = arith.addi %add3A_79, %add3A_80 : i32
    %run_scoped3A_82 = arith.constant 0 : i32
    "tpu.region"() ({
      %run_scoped3A_629 = tpu.sem_alloc : memref<!tpu.dma_semaphore, #tpu.memory_space<semaphore_mem>>
      %dma_start3A_630 = arith.constant 0 : i32
      %dma_start3A_631 = arith.constant 0 : i32
      %dma_start3A_632 = tpu.memref_slice %arg8[%run_scoped3A_82, %dma_start3A_630, %dma_start3A_631] : memref<2x64x128xf32, #tpu.memory_space<vmem>> -> memref<1x64x128xf32, #tpu.memory_space<vmem>>
      %dma_start3A_633 = tpu.memref_squeeze %dma_start3A_632 : memref<1x64x128xf32, #tpu.memory_space<vmem>> -> memref<64x128xf32, #tpu.memory_space<vmem>>
      %dma_start3A_634 = arith.constant 0 : i32
      %dma_start3A_635 = tpu.memref_slice %arg2[%add3A_81, %dma_start3A_634] : memref<25600x128xf32, #tpu.memory_space<hbm>> -> memref<64x128xf32, #tpu.memory_space<hbm>>
      %dma_start3A_636 = arith.constant 0 : i32
      %dma_start3A_637 = arith.constant 0 : i32
      %dma_start3A_638 = tpu.memref_slice %arg8[%run_scoped3A_82, %dma_start3A_636, %dma_start3A_637] : memref<2x64x128xf32, #tpu.memory_space<vmem>> -> memref<1x64x128xf32, #tpu.memory_space<vmem>>
      %dma_start3A_639 = tpu.memref_squeeze %dma_start3A_638 : memref<1x64x128xf32, #tpu.memory_space<vmem>> -> memref<64x128xf32, #tpu.memory_space<vmem>>
      %dma_start3A_640 = arith.constant 0 : i32
      %dma_start3A_641 = tpu.memref_slice %arg2[%add3A_81, %dma_start3A_640] : memref<25600x128xf32, #tpu.memory_space<hbm>> -> memref<64x128xf32, #tpu.memory_space<hbm>>
      tpu.enqueue_dma source(%dma_start3A_641 : memref<64x128xf32, #tpu.memory_space<hbm>>) target(%dma_start3A_639 : memref<64x128xf32, #tpu.memory_space<vmem>>) target_semaphore(%run_scoped3A_629 : memref<!tpu.dma_semaphore, #tpu.memory_space<semaphore_mem>>)
      %dma_wait3A_642 = arith.constant 0 : i32
      %dma_wait3A_643 = arith.constant 0 : i32
      %dma_wait3A_644 = tpu.memref_slice %arg8[%run_scoped3A_82, %dma_wait3A_642, %dma_wait3A_643] : memref<2x64x128xf32, #tpu.memory_space<vmem>> -> memref<1x64x128xf32, #tpu.memory_space<vmem>>
      %dma_wait3A_645 = tpu.memref_squeeze %dma_wait3A_644 : memref<1x64x128xf32, #tpu.memory_space<vmem>> -> memref<64x128xf32, #tpu.memory_space<vmem>>
      %dma_wait3A_646 = arith.constant 0 : i32
      %dma_wait3A_647 = tpu.memref_slice %arg2[%add3A_81, %dma_wait3A_646] : memref<25600x128xf32, #tpu.memory_space<hbm>> -> memref<64x128xf32, #tpu.memory_space<hbm>>
      %dma_wait3A_648 = arith.constant 0 : i32
      %dma_wait3A_649 = arith.constant 0 : i32
      %dma_wait3A_650 = tpu.memref_slice %arg8[%run_scoped3A_82, %dma_wait3A_648, %dma_wait3A_649] : memref<2x64x128xf32, #tpu.memory_space<vmem>> -> memref<1x64x128xf32, #tpu.memory_space<vmem>>
      %dma_wait3A_651 = tpu.memref_squeeze %dma_wait3A_650 : memref<1x64x128xf32, #tpu.memory_space<vmem>> -> memref<64x128xf32, #tpu.memory_space<vmem>>
      %dma_wait3A_652 = arith.constant 0 : i32
      %dma_wait3A_653 = tpu.memref_slice %arg2[%add3A_81, %dma_wait3A_652] : memref<25600x128xf32, #tpu.memory_space<hbm>> -> memref<64x128xf32, #tpu.memory_space<hbm>>
      tpu.wait_dma2 semaphore(%run_scoped3A_629 : memref<!tpu.dma_semaphore, #tpu.memory_space<semaphore_mem>>) src(%dma_wait3A_653 : memref<64x128xf32, #tpu.memory_space<hbm>>) dst(%dma_wait3A_651 : memref<64x128xf32, #tpu.memory_space<vmem>>)
      tpu.yield
    }) : () -> ()
    %mul3A_83 = arith.constant 800 : i32
    %mul3A_84 = arith.muli %arg1, %mul3A_83 : i32
    %add3A_85 = arith.constant 240 : i32
    %add3A_86 = arith.addi %mul3A_84, %add3A_85 : i32
    %run_scoped3A_87 = arith.constant 0 : i32
    "tpu.region"() ({
      %run_scoped3A_629 = tpu.sem_alloc : memref<!tpu.dma_semaphore, #tpu.memory_space<semaphore_mem>>
      %dma_start3A_630 = arith.constant 0 : i32
      %dma_start3A_631 = arith.constant 0 : i32
      %dma_start3A_632 = tpu.memref_slice %arg8[%run_scoped3A_87, %dma_start3A_630, %dma_start3A_631] : memref<2x64x128xf32, #tpu.memory_space<vmem>> -> memref<1x64x128xf32, #tpu.memory_space<vmem>>
      %dma_start3A_633 = tpu.memref_squeeze %dma_start3A_632 : memref<1x64x128xf32, #tpu.memory_space<vmem>> -> memref<64x128xf32, #tpu.memory_space<vmem>>
      %dma_start3A_634 = arith.constant 0 : i32
      %dma_start3A_635 = tpu.memref_slice %arg11[%add3A_86, %dma_start3A_634] : memref<12832x128xf32, #tpu.memory_space<vmem_shared>> -> memref<64x128xf32, #tpu.memory_space<vmem_shared>>
      %dma_start3A_636 = arith.constant 0 : i32
      %dma_start3A_637 = tpu.memref_slice %arg11[%add3A_86, %dma_start3A_636] : memref<12832x128xf32, #tpu.memory_space<vmem_shared>> -> memref<64x128xf32, #tpu.memory_space<vmem_shared>>
      %dma_start3A_638 = arith.constant 0 : i32
      %dma_start3A_639 = arith.constant 0 : i32
      %dma_start3A_640 = tpu.memref_slice %arg8[%run_scoped3A_87, %dma_start3A_638, %dma_start3A_639] : memref<2x64x128xf32, #tpu.memory_space<vmem>> -> memref<1x64x128xf32, #tpu.memory_space<vmem>>
      %dma_start3A_641 = tpu.memref_squeeze %dma_start3A_640 : memref<1x64x128xf32, #tpu.memory_space<vmem>> -> memref<64x128xf32, #tpu.memory_space<vmem>>
      tpu.enqueue_dma source(%dma_start3A_641 : memref<64x128xf32, #tpu.memory_space<vmem>>) target(%dma_start3A_637 : memref<64x128xf32, #tpu.memory_space<vmem_shared>>) target_semaphore(%run_scoped3A_629 : memref<!tpu.dma_semaphore, #tpu.memory_space<semaphore_mem>>)
      %dma_wait3A_642 = arith.constant 0 : i32
      %dma_wait3A_643 = arith.constant 0 : i32
      %dma_wait3A_644 = tpu.memref_slice %arg8[%run_scoped3A_87, %dma_wait3A_642, %dma_wait3A_643] : memref<2x64x128xf32, #tpu.memory_space<vmem>> -> memref<1x64x128xf32, #tpu.memory_space<vmem>>
      %dma_wait3A_645 = tpu.memref_squeeze %dma_wait3A_644 : memref<1x64x128xf32, #tpu.memory_space<vmem>> -> memref<64x128xf32, #tpu.memory_space<vmem>>
      %dma_wait3A_646 = arith.constant 0 : i32
      %dma_wait3A_647 = tpu.memref_slice %arg11[%add3A_86, %dma_wait3A_646] : memref<12832x128xf32, #tpu.memory_space<vmem_shared>> -> memref<64x128xf32, #tpu.memory_space<vmem_shared>>
      %dma_wait3A_648 = arith.constant 0 : i32
      %dma_wait3A_649 = tpu.memref_slice %arg11[%add3A_86, %dma_wait3A_648] : memref<12832x128xf32, #tpu.memory_space<vmem_shared>> -> memref<64x128xf32, #tpu.memory_space<vmem_shared>>
      %dma_wait3A_650 = arith.constant 0 : i32
      %dma_wait3A_651 = arith.constant 0 : i32
      %dma_wait3A_652 = tpu.memref_slice %arg8[%run_scoped3A_87, %dma_wait3A_650, %dma_wait3A_651] : memref<2x64x128xf32, #tpu.memory_space<vmem>> -> memref<1x64x128xf32, #tpu.memory_space<vmem>>
      %dma_wait3A_653 = tpu.memref_squeeze %dma_wait3A_652 : memref<1x64x128xf32, #tpu.memory_space<vmem>> -> memref<64x128xf32, #tpu.memory_space<vmem>>
      tpu.wait_dma2 semaphore(%run_scoped3A_629 : memref<!tpu.dma_semaphore, #tpu.memory_space<semaphore_mem>>) src(%dma_wait3A_653 : memref<64x128xf32, #tpu.memory_space<vmem>>) dst(%dma_wait3A_649 : memref<64x128xf32, #tpu.memory_space<vmem_shared>>)
      tpu.yield
    }) : () -> ()
    %mul3A_88 = arith.constant 800 : i32
    %mul3A_89 = arith.muli %arg1, %mul3A_88 : i32
    %add3A_90 = arith.addi %mul3A_0, %mul3A_89 : i32
    %add3A_91 = arith.constant 240 : i32
    %add3A_92 = arith.addi %add3A_90, %add3A_91 : i32
    %add3A_93 = arith.constant 64 : i32
    %add3A_94 = arith.addi %add3A_92, %add3A_93 : i32
    %run_scoped3A_95 = arith.constant 1 : i32
    "tpu.region"() ({
      %run_scoped3A_629 = tpu.sem_alloc : memref<!tpu.dma_semaphore, #tpu.memory_space<semaphore_mem>>
      %dma_start3A_630 = arith.constant 0 : i32
      %dma_start3A_631 = arith.constant 0 : i32
      %dma_start3A_632 = tpu.memref_slice %arg8[%run_scoped3A_95, %dma_start3A_630, %dma_start3A_631] : memref<2x64x128xf32, #tpu.memory_space<vmem>> -> memref<1x16x128xf32, #tpu.memory_space<vmem>>
      %dma_start3A_633 = tpu.memref_squeeze %dma_start3A_632 : memref<1x16x128xf32, #tpu.memory_space<vmem>> -> memref<16x128xf32, #tpu.memory_space<vmem>>
      %dma_start3A_634 = arith.constant 0 : i32
      %dma_start3A_635 = tpu.memref_slice %arg2[%add3A_94, %dma_start3A_634] : memref<25600x128xf32, #tpu.memory_space<hbm>> -> memref<16x128xf32, #tpu.memory_space<hbm>>
      %dma_start3A_636 = arith.constant 0 : i32
      %dma_start3A_637 = arith.constant 0 : i32
      %dma_start3A_638 = tpu.memref_slice %arg8[%run_scoped3A_95, %dma_start3A_636, %dma_start3A_637] : memref<2x64x128xf32, #tpu.memory_space<vmem>> -> memref<1x16x128xf32, #tpu.memory_space<vmem>>
      %dma_start3A_639 = tpu.memref_squeeze %dma_start3A_638 : memref<1x16x128xf32, #tpu.memory_space<vmem>> -> memref<16x128xf32, #tpu.memory_space<vmem>>
      %dma_start3A_640 = arith.constant 0 : i32
      %dma_start3A_641 = tpu.memref_slice %arg2[%add3A_94, %dma_start3A_640] : memref<25600x128xf32, #tpu.memory_space<hbm>> -> memref<16x128xf32, #tpu.memory_space<hbm>>
      tpu.enqueue_dma source(%dma_start3A_641 : memref<16x128xf32, #tpu.memory_space<hbm>>) target(%dma_start3A_639 : memref<16x128xf32, #tpu.memory_space<vmem>>) target_semaphore(%run_scoped3A_629 : memref<!tpu.dma_semaphore, #tpu.memory_space<semaphore_mem>>)
      %dma_wait3A_642 = arith.constant 0 : i32
      %dma_wait3A_643 = arith.constant 0 : i32
      %dma_wait3A_644 = tpu.memref_slice %arg8[%run_scoped3A_95, %dma_wait3A_642, %dma_wait3A_643] : memref<2x64x128xf32, #tpu.memory_space<vmem>> -> memref<1x16x128xf32, #tpu.memory_space<vmem>>
      %dma_wait3A_645 = tpu.memref_squeeze %dma_wait3A_644 : memref<1x16x128xf32, #tpu.memory_space<vmem>> -> memref<16x128xf32, #tpu.memory_space<vmem>>
      %dma_wait3A_646 = arith.constant 0 : i32
      %dma_wait3A_647 = tpu.memref_slice %arg2[%add3A_94, %dma_wait3A_646] : memref<25600x128xf32, #tpu.memory_space<hbm>> -> memref<16x128xf32, #tpu.memory_space<hbm>>
      %dma_wait3A_648 = arith.constant 0 : i32
      %dma_wait3A_649 = arith.constant 0 : i32
      %dma_wait3A_650 = tpu.memref_slice %arg8[%run_scoped3A_95, %dma_wait3A_648, %dma_wait3A_649] : memref<2x64x128xf32, #tpu.memory_space<vmem>> -> memref<1x16x128xf32, #tpu.memory_space<vmem>>
      %dma_wait3A_651 = tpu.memref_squeeze %dma_wait3A_650 : memref<1x16x128xf32, #tpu.memory_space<vmem>> -> memref<16x128xf32, #tpu.memory_space<vmem>>
      %dma_wait3A_652 = arith.constant 0 : i32
      %dma_wait3A_653 = tpu.memref_slice %arg2[%add3A_94, %dma_wait3A_652] : memref<25600x128xf32, #tpu.memory_space<hbm>> -> memref<16x128xf32, #tpu.memory_space<hbm>>
      tpu.wait_dma2 semaphore(%run_scoped3A_629 : memref<!tpu.dma_semaphore, #tpu.memory_space<semaphore_mem>>) src(%dma_wait3A_653 : memref<16x128xf32, #tpu.memory_space<hbm>>) dst(%dma_wait3A_651 : memref<16x128xf32, #tpu.memory_space<vmem>>)
      tpu.yield
    }) : () -> ()
    %mul3A_96 = arith.constant 800 : i32
    %mul3A_97 = arith.muli %arg1, %mul3A_96 : i32
    %add3A_98 = arith.constant 240 : i32
    %add3A_99 = arith.addi %mul3A_97, %add3A_98 : i32
    %add3A_100 = arith.constant 64 : i32
    %add3A_101 = arith.addi %add3A_99, %add3A_100 : i32
    %run_scoped3A_102 = arith.constant 1 : i32
    "tpu.region"() ({
      %run_scoped3A_629 = tpu.sem_alloc : memref<!tpu.dma_semaphore, #tpu.memory_space<semaphore_mem>>
      %dma_start3A_630 = arith.constant 0 : i32
      %dma_start3A_631 = arith.constant 0 : i32
      %dma_start3A_632 = tpu.memref_slice %arg8[%run_scoped3A_102, %dma_start3A_630, %dma_start3A_631] : memref<2x64x128xf32, #tpu.memory_space<vmem>> -> memref<1x16x128xf32, #tpu.memory_space<vmem>>
      %dma_start3A_633 = tpu.memref_squeeze %dma_start3A_632 : memref<1x16x128xf32, #tpu.memory_space<vmem>> -> memref<16x128xf32, #tpu.memory_space<vmem>>
      %dma_start3A_634 = arith.constant 0 : i32
      %dma_start3A_635 = tpu.memref_slice %arg11[%add3A_101, %dma_start3A_634] : memref<12832x128xf32, #tpu.memory_space<vmem_shared>> -> memref<16x128xf32, #tpu.memory_space<vmem_shared>>
      %dma_start3A_636 = arith.constant 0 : i32
      %dma_start3A_637 = tpu.memref_slice %arg11[%add3A_101, %dma_start3A_636] : memref<12832x128xf32, #tpu.memory_space<vmem_shared>> -> memref<16x128xf32, #tpu.memory_space<vmem_shared>>
      %dma_start3A_638 = arith.constant 0 : i32
      %dma_start3A_639 = arith.constant 0 : i32
      %dma_start3A_640 = tpu.memref_slice %arg8[%run_scoped3A_102, %dma_start3A_638, %dma_start3A_639] : memref<2x64x128xf32, #tpu.memory_space<vmem>> -> memref<1x16x128xf32, #tpu.memory_space<vmem>>
      %dma_start3A_641 = tpu.memref_squeeze %dma_start3A_640 : memref<1x16x128xf32, #tpu.memory_space<vmem>> -> memref<16x128xf32, #tpu.memory_space<vmem>>
      tpu.enqueue_dma source(%dma_start3A_641 : memref<16x128xf32, #tpu.memory_space<vmem>>) target(%dma_start3A_637 : memref<16x128xf32, #tpu.memory_space<vmem_shared>>) target_semaphore(%run_scoped3A_629 : memref<!tpu.dma_semaphore, #tpu.memory_space<semaphore_mem>>)
      %dma_wait3A_642 = arith.constant 0 : i32
      %dma_wait3A_643 = arith.constant 0 : i32
      %dma_wait3A_644 = tpu.memref_slice %arg8[%run_scoped3A_102, %dma_wait3A_642, %dma_wait3A_643] : memref<2x64x128xf32, #tpu.memory_space<vmem>> -> memref<1x16x128xf32, #tpu.memory_space<vmem>>
      %dma_wait3A_645 = tpu.memref_squeeze %dma_wait3A_644 : memref<1x16x128xf32, #tpu.memory_space<vmem>> -> memref<16x128xf32, #tpu.memory_space<vmem>>
      %dma_wait3A_646 = arith.constant 0 : i32
      %dma_wait3A_647 = tpu.memref_slice %arg11[%add3A_101, %dma_wait3A_646] : memref<12832x128xf32, #tpu.memory_space<vmem_shared>> -> memref<16x128xf32, #tpu.memory_space<vmem_shared>>
      %dma_wait3A_648 = arith.constant 0 : i32
      %dma_wait3A_649 = tpu.memref_slice %arg11[%add3A_101, %dma_wait3A_648] : memref<12832x128xf32, #tpu.memory_space<vmem_shared>> -> memref<16x128xf32, #tpu.memory_space<vmem_shared>>
      %dma_wait3A_650 = arith.constant 0 : i32
      %dma_wait3A_651 = arith.constant 0 : i32
      %dma_wait3A_652 = tpu.memref_slice %arg8[%run_scoped3A_102, %dma_wait3A_650, %dma_wait3A_651] : memref<2x64x128xf32, #tpu.memory_space<vmem>> -> memref<1x16x128xf32, #tpu.memory_space<vmem>>
      %dma_wait3A_653 = tpu.memref_squeeze %dma_wait3A_652 : memref<1x16x128xf32, #tpu.memory_space<vmem>> -> memref<16x128xf32, #tpu.memory_space<vmem>>
      tpu.wait_dma2 semaphore(%run_scoped3A_629 : memref<!tpu.dma_semaphore, #tpu.memory_space<semaphore_mem>>) src(%dma_wait3A_653 : memref<16x128xf32, #tpu.memory_space<vmem>>) dst(%dma_wait3A_649 : memref<16x128xf32, #tpu.memory_space<vmem_shared>>)
      tpu.yield
    }) : () -> ()
    %mul3A_103 = arith.constant 800 : i32
    %mul3A_104 = arith.muli %arg1, %mul3A_103 : i32
    %add3A_105 = arith.addi %mul3A_0, %mul3A_104 : i32
    %add3A_106 = arith.constant 320 : i32
    %add3A_107 = arith.addi %add3A_105, %add3A_106 : i32
    %run_scoped3A_108 = arith.constant 0 : i32
    "tpu.region"() ({
      %run_scoped3A_629 = tpu.sem_alloc : memref<!tpu.dma_semaphore, #tpu.memory_space<semaphore_mem>>
      %dma_start3A_630 = arith.constant 0 : i32
      %dma_start3A_631 = arith.constant 0 : i32
      %dma_start3A_632 = tpu.memref_slice %arg8[%run_scoped3A_108, %dma_start3A_630, %dma_start3A_631] : memref<2x64x128xf32, #tpu.memory_space<vmem>> -> memref<1x64x128xf32, #tpu.memory_space<vmem>>
      %dma_start3A_633 = tpu.memref_squeeze %dma_start3A_632 : memref<1x64x128xf32, #tpu.memory_space<vmem>> -> memref<64x128xf32, #tpu.memory_space<vmem>>
      %dma_start3A_634 = arith.constant 0 : i32
      %dma_start3A_635 = tpu.memref_slice %arg2[%add3A_107, %dma_start3A_634] : memref<25600x128xf32, #tpu.memory_space<hbm>> -> memref<64x128xf32, #tpu.memory_space<hbm>>
      %dma_start3A_636 = arith.constant 0 : i32
      %dma_start3A_637 = arith.constant 0 : i32
      %dma_start3A_638 = tpu.memref_slice %arg8[%run_scoped3A_108, %dma_start3A_636, %dma_start3A_637] : memref<2x64x128xf32, #tpu.memory_space<vmem>> -> memref<1x64x128xf32, #tpu.memory_space<vmem>>
      %dma_start3A_639 = tpu.memref_squeeze %dma_start3A_638 : memref<1x64x128xf32, #tpu.memory_space<vmem>> -> memref<64x128xf32, #tpu.memory_space<vmem>>
      %dma_start3A_640 = arith.constant 0 : i32
      %dma_start3A_641 = tpu.memref_slice %arg2[%add3A_107, %dma_start3A_640] : memref<25600x128xf32, #tpu.memory_space<hbm>> -> memref<64x128xf32, #tpu.memory_space<hbm>>
      tpu.enqueue_dma source(%dma_start3A_641 : memref<64x128xf32, #tpu.memory_space<hbm>>) target(%dma_start3A_639 : memref<64x128xf32, #tpu.memory_space<vmem>>) target_semaphore(%run_scoped3A_629 : memref<!tpu.dma_semaphore, #tpu.memory_space<semaphore_mem>>)
      %dma_wait3A_642 = arith.constant 0 : i32
      %dma_wait3A_643 = arith.constant 0 : i32
      %dma_wait3A_644 = tpu.memref_slice %arg8[%run_scoped3A_108, %dma_wait3A_642, %dma_wait3A_643] : memref<2x64x128xf32, #tpu.memory_space<vmem>> -> memref<1x64x128xf32, #tpu.memory_space<vmem>>
      %dma_wait3A_645 = tpu.memref_squeeze %dma_wait3A_644 : memref<1x64x128xf32, #tpu.memory_space<vmem>> -> memref<64x128xf32, #tpu.memory_space<vmem>>
      %dma_wait3A_646 = arith.constant 0 : i32
      %dma_wait3A_647 = tpu.memref_slice %arg2[%add3A_107, %dma_wait3A_646] : memref<25600x128xf32, #tpu.memory_space<hbm>> -> memref<64x128xf32, #tpu.memory_space<hbm>>
      %dma_wait3A_648 = arith.constant 0 : i32
      %dma_wait3A_649 = arith.constant 0 : i32
      %dma_wait3A_650 = tpu.memref_slice %arg8[%run_scoped3A_108, %dma_wait3A_648, %dma_wait3A_649] : memref<2x64x128xf32, #tpu.memory_space<vmem>> -> memref<1x64x128xf32, #tpu.memory_space<vmem>>
      %dma_wait3A_651 = tpu.memref_squeeze %dma_wait3A_650 : memref<1x64x128xf32, #tpu.memory_space<vmem>> -> memref<64x128xf32, #tpu.memory_space<vmem>>
      %dma_wait3A_652 = arith.constant 0 : i32
      %dma_wait3A_653 = tpu.memref_slice %arg2[%add3A_107, %dma_wait3A_652] : memref<25600x128xf32, #tpu.memory_space<hbm>> -> memref<64x128xf32, #tpu.memory_space<hbm>>
      tpu.wait_dma2 semaphore(%run_scoped3A_629 : memref<!tpu.dma_semaphore, #tpu.memory_space<semaphore_mem>>) src(%dma_wait3A_653 : memref<64x128xf32, #tpu.memory_space<hbm>>) dst(%dma_wait3A_651 : memref<64x128xf32, #tpu.memory_space<vmem>>)
      tpu.yield
    }) : () -> ()
    %mul3A_109 = arith.constant 800 : i32
    %mul3A_110 = arith.muli %arg1, %mul3A_109 : i32
    %add3A_111 = arith.constant 320 : i32
    %add3A_112 = arith.addi %mul3A_110, %add3A_111 : i32
    %run_scoped3A_113 = arith.constant 0 : i32
    "tpu.region"() ({
      %run_scoped3A_629 = tpu.sem_alloc : memref<!tpu.dma_semaphore, #tpu.memory_space<semaphore_mem>>
      %dma_start3A_630 = arith.constant 0 : i32
      %dma_start3A_631 = arith.constant 0 : i32
      %dma_start3A_632 = tpu.memref_slice %arg8[%run_scoped3A_113, %dma_start3A_630, %dma_start3A_631] : memref<2x64x128xf32, #tpu.memory_space<vmem>> -> memref<1x64x128xf32, #tpu.memory_space<vmem>>
      %dma_start3A_633 = tpu.memref_squeeze %dma_start3A_632 : memref<1x64x128xf32, #tpu.memory_space<vmem>> -> memref<64x128xf32, #tpu.memory_space<vmem>>
      %dma_start3A_634 = arith.constant 0 : i32
      %dma_start3A_635 = tpu.memref_slice %arg11[%add3A_112, %dma_start3A_634] : memref<12832x128xf32, #tpu.memory_space<vmem_shared>> -> memref<64x128xf32, #tpu.memory_space<vmem_shared>>
      %dma_start3A_636 = arith.constant 0 : i32
      %dma_start3A_637 = tpu.memref_slice %arg11[%add3A_112, %dma_start3A_636] : memref<12832x128xf32, #tpu.memory_space<vmem_shared>> -> memref<64x128xf32, #tpu.memory_space<vmem_shared>>
      %dma_start3A_638 = arith.constant 0 : i32
      %dma_start3A_639 = arith.constant 0 : i32
      %dma_start3A_640 = tpu.memref_slice %arg8[%run_scoped3A_113, %dma_start3A_638, %dma_start3A_639] : memref<2x64x128xf32, #tpu.memory_space<vmem>> -> memref<1x64x128xf32, #tpu.memory_space<vmem>>
      %dma_start3A_641 = tpu.memref_squeeze %dma_start3A_640 : memref<1x64x128xf32, #tpu.memory_space<vmem>> -> memref<64x128xf32, #tpu.memory_space<vmem>>
      tpu.enqueue_dma source(%dma_start3A_641 : memref<64x128xf32, #tpu.memory_space<vmem>>) target(%dma_start3A_637 : memref<64x128xf32, #tpu.memory_space<vmem_shared>>) target_semaphore(%run_scoped3A_629 : memref<!tpu.dma_semaphore, #tpu.memory_space<semaphore_mem>>)
      %dma_wait3A_642 = arith.constant 0 : i32
      %dma_wait3A_643 = arith.constant 0 : i32
      %dma_wait3A_644 = tpu.memref_slice %arg8[%run_scoped3A_113, %dma_wait3A_642, %dma_wait3A_643] : memref<2x64x128xf32, #tpu.memory_space<vmem>> -> memref<1x64x128xf32, #tpu.memory_space<vmem>>
      %dma_wait3A_645 = tpu.memref_squeeze %dma_wait3A_644 : memref<1x64x128xf32, #tpu.memory_space<vmem>> -> memref<64x128xf32, #tpu.memory_space<vmem>>
      %dma_wait3A_646 = arith.constant 0 : i32
      %dma_wait3A_647 = tpu.memref_slice %arg11[%add3A_112, %dma_wait3A_646] : memref<12832x128xf32, #tpu.memory_space<vmem_shared>> -> memref<64x128xf32, #tpu.memory_space<vmem_shared>>
      %dma_wait3A_648 = arith.constant 0 : i32
      %dma_wait3A_649 = tpu.memref_slice %arg11[%add3A_112, %dma_wait3A_648] : memref<12832x128xf32, #tpu.memory_space<vmem_shared>> -> memref<64x128xf32, #tpu.memory_space<vmem_shared>>
      %dma_wait3A_650 = arith.constant 0 : i32
      %dma_wait3A_651 = arith.constant 0 : i32
      %dma_wait3A_652 = tpu.memref_slice %arg8[%run_scoped3A_113, %dma_wait3A_650, %dma_wait3A_651] : memref<2x64x128xf32, #tpu.memory_space<vmem>> -> memref<1x64x128xf32, #tpu.memory_space<vmem>>
      %dma_wait3A_653 = tpu.memref_squeeze %dma_wait3A_652 : memref<1x64x128xf32, #tpu.memory_space<vmem>> -> memref<64x128xf32, #tpu.memory_space<vmem>>
      tpu.wait_dma2 semaphore(%run_scoped3A_629 : memref<!tpu.dma_semaphore, #tpu.memory_space<semaphore_mem>>) src(%dma_wait3A_653 : memref<64x128xf32, #tpu.memory_space<vmem>>) dst(%dma_wait3A_649 : memref<64x128xf32, #tpu.memory_space<vmem_shared>>)
      tpu.yield
    }) : () -> ()
    %mul3A_114 = arith.constant 800 : i32
    %mul3A_115 = arith.muli %arg1, %mul3A_114 : i32
    %add3A_116 = arith.addi %mul3A_0, %mul3A_115 : i32
    %add3A_117 = arith.constant 320 : i32
    %add3A_118 = arith.addi %add3A_116, %add3A_117 : i32
    %add3A_119 = arith.constant 64 : i32
    %add3A_120 = arith.addi %add3A_118, %add3A_119 : i32
    %run_scoped3A_121 = arith.constant 1 : i32
    "tpu.region"() ({
      %run_scoped3A_629 = tpu.sem_alloc : memref<!tpu.dma_semaphore, #tpu.memory_space<semaphore_mem>>
      %dma_start3A_630 = arith.constant 0 : i32
      %dma_start3A_631 = arith.constant 0 : i32
      %dma_start3A_632 = tpu.memref_slice %arg8[%run_scoped3A_121, %dma_start3A_630, %dma_start3A_631] : memref<2x64x128xf32, #tpu.memory_space<vmem>> -> memref<1x16x128xf32, #tpu.memory_space<vmem>>
      %dma_start3A_633 = tpu.memref_squeeze %dma_start3A_632 : memref<1x16x128xf32, #tpu.memory_space<vmem>> -> memref<16x128xf32, #tpu.memory_space<vmem>>
      %dma_start3A_634 = arith.constant 0 : i32
      %dma_start3A_635 = tpu.memref_slice %arg2[%add3A_120, %dma_start3A_634] : memref<25600x128xf32, #tpu.memory_space<hbm>> -> memref<16x128xf32, #tpu.memory_space<hbm>>
      %dma_start3A_636 = arith.constant 0 : i32
      %dma_start3A_637 = arith.constant 0 : i32
      %dma_start3A_638 = tpu.memref_slice %arg8[%run_scoped3A_121, %dma_start3A_636, %dma_start3A_637] : memref<2x64x128xf32, #tpu.memory_space<vmem>> -> memref<1x16x128xf32, #tpu.memory_space<vmem>>
      %dma_start3A_639 = tpu.memref_squeeze %dma_start3A_638 : memref<1x16x128xf32, #tpu.memory_space<vmem>> -> memref<16x128xf32, #tpu.memory_space<vmem>>
      %dma_start3A_640 = arith.constant 0 : i32
      %dma_start3A_641 = tpu.memref_slice %arg2[%add3A_120, %dma_start3A_640] : memref<25600x128xf32, #tpu.memory_space<hbm>> -> memref<16x128xf32, #tpu.memory_space<hbm>>
      tpu.enqueue_dma source(%dma_start3A_641 : memref<16x128xf32, #tpu.memory_space<hbm>>) target(%dma_start3A_639 : memref<16x128xf32, #tpu.memory_space<vmem>>) target_semaphore(%run_scoped3A_629 : memref<!tpu.dma_semaphore, #tpu.memory_space<semaphore_mem>>)
      %dma_wait3A_642 = arith.constant 0 : i32
      %dma_wait3A_643 = arith.constant 0 : i32
      %dma_wait3A_644 = tpu.memref_slice %arg8[%run_scoped3A_121, %dma_wait3A_642, %dma_wait3A_643] : memref<2x64x128xf32, #tpu.memory_space<vmem>> -> memref<1x16x128xf32, #tpu.memory_space<vmem>>
      %dma_wait3A_645 = tpu.memref_squeeze %dma_wait3A_644 : memref<1x16x128xf32, #tpu.memory_space<vmem>> -> memref<16x128xf32, #tpu.memory_space<vmem>>
      %dma_wait3A_646 = arith.constant 0 : i32
      %dma_wait3A_647 = tpu.memref_slice %arg2[%add3A_120, %dma_wait3A_646] : memref<25600x128xf32, #tpu.memory_space<hbm>> -> memref<16x128xf32, #tpu.memory_space<hbm>>
      %dma_wait3A_648 = arith.constant 0 : i32
      %dma_wait3A_649 = arith.constant 0 : i32
      %dma_wait3A_650 = tpu.memref_slice %arg8[%run_scoped3A_121, %dma_wait3A_648, %dma_wait3A_649] : memref<2x64x128xf32, #tpu.memory_space<vmem>> -> memref<1x16x128xf32, #tpu.memory_space<vmem>>
      %dma_wait3A_651 = tpu.memref_squeeze %dma_wait3A_650 : memref<1x16x128xf32, #tpu.memory_space<vmem>> -> memref<16x128xf32, #tpu.memory_space<vmem>>
      %dma_wait3A_652 = arith.constant 0 : i32
      %dma_wait3A_653 = tpu.memref_slice %arg2[%add3A_120, %dma_wait3A_652] : memref<25600x128xf32, #tpu.memory_space<hbm>> -> memref<16x128xf32, #tpu.memory_space<hbm>>
      tpu.wait_dma2 semaphore(%run_scoped3A_629 : memref<!tpu.dma_semaphore, #tpu.memory_space<semaphore_mem>>) src(%dma_wait3A_653 : memref<16x128xf32, #tpu.memory_space<hbm>>) dst(%dma_wait3A_651 : memref<16x128xf32, #tpu.memory_space<vmem>>)
      tpu.yield
    }) : () -> ()
    %mul3A_122 = arith.constant 800 : i32
    %mul3A_123 = arith.muli %arg1, %mul3A_122 : i32
    %add3A_124 = arith.constant 320 : i32
    %add3A_125 = arith.addi %mul3A_123, %add3A_124 : i32
    %add3A_126 = arith.constant 64 : i32
    %add3A_127 = arith.addi %add3A_125, %add3A_126 : i32
    %run_scoped3A_128 = arith.constant 1 : i32
    "tpu.region"() ({
      %run_scoped3A_629 = tpu.sem_alloc : memref<!tpu.dma_semaphore, #tpu.memory_space<semaphore_mem>>
      %dma_start3A_630 = arith.constant 0 : i32
      %dma_start3A_631 = arith.constant 0 : i32
      %dma_start3A_632 = tpu.memref_slice %arg8[%run_scoped3A_128, %dma_start3A_630, %dma_start3A_631] : memref<2x64x128xf32, #tpu.memory_space<vmem>> -> memref<1x16x128xf32, #tpu.memory_space<vmem>>
      %dma_start3A_633 = tpu.memref_squeeze %dma_start3A_632 : memref<1x16x128xf32, #tpu.memory_space<vmem>> -> memref<16x128xf32, #tpu.memory_space<vmem>>
      %dma_start3A_634 = arith.constant 0 : i32
      %dma_start3A_635 = tpu.memref_slice %arg11[%add3A_127, %dma_start3A_634] : memref<12832x128xf32, #tpu.memory_space<vmem_shared>> -> memref<16x128xf32, #tpu.memory_space<vmem_shared>>
      %dma_start3A_636 = arith.constant 0 : i32
      %dma_start3A_637 = tpu.memref_slice %arg11[%add3A_127, %dma_start3A_636] : memref<12832x128xf32, #tpu.memory_space<vmem_shared>> -> memref<16x128xf32, #tpu.memory_space<vmem_shared>>
      %dma_start3A_638 = arith.constant 0 : i32
      %dma_start3A_639 = arith.constant 0 : i32
      %dma_start3A_640 = tpu.memref_slice %arg8[%run_scoped3A_128, %dma_start3A_638, %dma_start3A_639] : memref<2x64x128xf32, #tpu.memory_space<vmem>> -> memref<1x16x128xf32, #tpu.memory_space<vmem>>
      %dma_start3A_641 = tpu.memref_squeeze %dma_start3A_640 : memref<1x16x128xf32, #tpu.memory_space<vmem>> -> memref<16x128xf32, #tpu.memory_space<vmem>>
      tpu.enqueue_dma source(%dma_start3A_641 : memref<16x128xf32, #tpu.memory_space<vmem>>) target(%dma_start3A_637 : memref<16x128xf32, #tpu.memory_space<vmem_shared>>) target_semaphore(%run_scoped3A_629 : memref<!tpu.dma_semaphore, #tpu.memory_space<semaphore_mem>>)
      %dma_wait3A_642 = arith.constant 0 : i32
      %dma_wait3A_643 = arith.constant 0 : i32
      %dma_wait3A_644 = tpu.memref_slice %arg8[%run_scoped3A_128, %dma_wait3A_642, %dma_wait3A_643] : memref<2x64x128xf32, #tpu.memory_space<vmem>> -> memref<1x16x128xf32, #tpu.memory_space<vmem>>
      %dma_wait3A_645 = tpu.memref_squeeze %dma_wait3A_644 : memref<1x16x128xf32, #tpu.memory_space<vmem>> -> memref<16x128xf32, #tpu.memory_space<vmem>>
      %dma_wait3A_646 = arith.constant 0 : i32
      %dma_wait3A_647 = tpu.memref_slice %arg11[%add3A_127, %dma_wait3A_646] : memref<12832x128xf32, #tpu.memory_space<vmem_shared>> -> memref<16x128xf32, #tpu.memory_space<vmem_shared>>
      %dma_wait3A_648 = arith.constant 0 : i32
      %dma_wait3A_649 = tpu.memref_slice %arg11[%add3A_127, %dma_wait3A_648] : memref<12832x128xf32, #tpu.memory_space<vmem_shared>> -> memref<16x128xf32, #tpu.memory_space<vmem_shared>>
      %dma_wait3A_650 = arith.constant 0 : i32
      %dma_wait3A_651 = arith.constant 0 : i32
      %dma_wait3A_652 = tpu.memref_slice %arg8[%run_scoped3A_128, %dma_wait3A_650, %dma_wait3A_651] : memref<2x64x128xf32, #tpu.memory_space<vmem>> -> memref<1x16x128xf32, #tpu.memory_space<vmem>>
      %dma_wait3A_653 = tpu.memref_squeeze %dma_wait3A_652 : memref<1x16x128xf32, #tpu.memory_space<vmem>> -> memref<16x128xf32, #tpu.memory_space<vmem>>
      tpu.wait_dma2 semaphore(%run_scoped3A_629 : memref<!tpu.dma_semaphore, #tpu.memory_space<semaphore_mem>>) src(%dma_wait3A_653 : memref<16x128xf32, #tpu.memory_space<vmem>>) dst(%dma_wait3A_649 : memref<16x128xf32, #tpu.memory_space<vmem_shared>>)
      tpu.yield
    }) : () -> ()
    %mul3A_129 = arith.constant 800 : i32
    %mul3A_130 = arith.muli %arg1, %mul3A_129 : i32
    %add3A_131 = arith.addi %mul3A_0, %mul3A_130 : i32
    %add3A_132 = arith.constant 400 : i32
    %add3A_133 = arith.addi %add3A_131, %add3A_132 : i32
    %run_scoped3A_134 = arith.constant 0 : i32
    "tpu.region"() ({
      %run_scoped3A_629 = tpu.sem_alloc : memref<!tpu.dma_semaphore, #tpu.memory_space<semaphore_mem>>
      %dma_start3A_630 = arith.constant 0 : i32
      %dma_start3A_631 = arith.constant 0 : i32
      %dma_start3A_632 = tpu.memref_slice %arg8[%run_scoped3A_134, %dma_start3A_630, %dma_start3A_631] : memref<2x64x128xf32, #tpu.memory_space<vmem>> -> memref<1x64x128xf32, #tpu.memory_space<vmem>>
      %dma_start3A_633 = tpu.memref_squeeze %dma_start3A_632 : memref<1x64x128xf32, #tpu.memory_space<vmem>> -> memref<64x128xf32, #tpu.memory_space<vmem>>
      %dma_start3A_634 = arith.constant 0 : i32
      %dma_start3A_635 = tpu.memref_slice %arg2[%add3A_133, %dma_start3A_634] : memref<25600x128xf32, #tpu.memory_space<hbm>> -> memref<64x128xf32, #tpu.memory_space<hbm>>
      %dma_start3A_636 = arith.constant 0 : i32
      %dma_start3A_637 = arith.constant 0 : i32
      %dma_start3A_638 = tpu.memref_slice %arg8[%run_scoped3A_134, %dma_start3A_636, %dma_start3A_637] : memref<2x64x128xf32, #tpu.memory_space<vmem>> -> memref<1x64x128xf32, #tpu.memory_space<vmem>>
      %dma_start3A_639 = tpu.memref_squeeze %dma_start3A_638 : memref<1x64x128xf32, #tpu.memory_space<vmem>> -> memref<64x128xf32, #tpu.memory_space<vmem>>
      %dma_start3A_640 = arith.constant 0 : i32
      %dma_start3A_641 = tpu.memref_slice %arg2[%add3A_133, %dma_start3A_640] : memref<25600x128xf32, #tpu.memory_space<hbm>> -> memref<64x128xf32, #tpu.memory_space<hbm>>
      tpu.enqueue_dma source(%dma_start3A_641 : memref<64x128xf32, #tpu.memory_space<hbm>>) target(%dma_start3A_639 : memref<64x128xf32, #tpu.memory_space<vmem>>) target_semaphore(%run_scoped3A_629 : memref<!tpu.dma_semaphore, #tpu.memory_space<semaphore_mem>>)
      %dma_wait3A_642 = arith.constant 0 : i32
      %dma_wait3A_643 = arith.constant 0 : i32
      %dma_wait3A_644 = tpu.memref_slice %arg8[%run_scoped3A_134, %dma_wait3A_642, %dma_wait3A_643] : memref<2x64x128xf32, #tpu.memory_space<vmem>> -> memref<1x64x128xf32, #tpu.memory_space<vmem>>
      %dma_wait3A_645 = tpu.memref_squeeze %dma_wait3A_644 : memref<1x64x128xf32, #tpu.memory_space<vmem>> -> memref<64x128xf32, #tpu.memory_space<vmem>>
      %dma_wait3A_646 = arith.constant 0 : i32
      %dma_wait3A_647 = tpu.memref_slice %arg2[%add3A_133, %dma_wait3A_646] : memref<25600x128xf32, #tpu.memory_space<hbm>> -> memref<64x128xf32, #tpu.memory_space<hbm>>
      %dma_wait3A_648 = arith.constant 0 : i32
      %dma_wait3A_649 = arith.constant 0 : i32
      %dma_wait3A_650 = tpu.memref_slice %arg8[%run_scoped3A_134, %dma_wait3A_648, %dma_wait3A_649] : memref<2x64x128xf32, #tpu.memory_space<vmem>> -> memref<1x64x128xf32, #tpu.memory_space<vmem>>
      %dma_wait3A_651 = tpu.memref_squeeze %dma_wait3A_650 : memref<1x64x128xf32, #tpu.memory_space<vmem>> -> memref<64x128xf32, #tpu.memory_space<vmem>>
      %dma_wait3A_652 = arith.constant 0 : i32
      %dma_wait3A_653 = tpu.memref_slice %arg2[%add3A_133, %dma_wait3A_652] : memref<25600x128xf32, #tpu.memory_space<hbm>> -> memref<64x128xf32, #tpu.memory_space<hbm>>
      tpu.wait_dma2 semaphore(%run_scoped3A_629 : memref<!tpu.dma_semaphore, #tpu.memory_space<semaphore_mem>>) src(%dma_wait3A_653 : memref<64x128xf32, #tpu.memory_space<hbm>>) dst(%dma_wait3A_651 : memref<64x128xf32, #tpu.memory_space<vmem>>)
      tpu.yield
    }) : () -> ()
    %mul3A_135 = arith.constant 800 : i32
    %mul3A_136 = arith.muli %arg1, %mul3A_135 : i32
    %add3A_137 = arith.constant 400 : i32
    %add3A_138 = arith.addi %mul3A_136, %add3A_137 : i32
    %run_scoped3A_139 = arith.constant 0 : i32
    "tpu.region"() ({
      %run_scoped3A_629 = tpu.sem_alloc : memref<!tpu.dma_semaphore, #tpu.memory_space<semaphore_mem>>
      %dma_start3A_630 = arith.constant 0 : i32
      %dma_start3A_631 = arith.constant 0 : i32
      %dma_start3A_632 = tpu.memref_slice %arg8[%run_scoped3A_139, %dma_start3A_630, %dma_start3A_631] : memref<2x64x128xf32, #tpu.memory_space<vmem>> -> memref<1x64x128xf32, #tpu.memory_space<vmem>>
      %dma_start3A_633 = tpu.memref_squeeze %dma_start3A_632 : memref<1x64x128xf32, #tpu.memory_space<vmem>> -> memref<64x128xf32, #tpu.memory_space<vmem>>
      %dma_start3A_634 = arith.constant 0 : i32
      %dma_start3A_635 = tpu.memref_slice %arg11[%add3A_138, %dma_start3A_634] : memref<12832x128xf32, #tpu.memory_space<vmem_shared>> -> memref<64x128xf32, #tpu.memory_space<vmem_shared>>
      %dma_start3A_636 = arith.constant 0 : i32
      %dma_start3A_637 = tpu.memref_slice %arg11[%add3A_138, %dma_start3A_636] : memref<12832x128xf32, #tpu.memory_space<vmem_shared>> -> memref<64x128xf32, #tpu.memory_space<vmem_shared>>
      %dma_start3A_638 = arith.constant 0 : i32
      %dma_start3A_639 = arith.constant 0 : i32
      %dma_start3A_640 = tpu.memref_slice %arg8[%run_scoped3A_139, %dma_start3A_638, %dma_start3A_639] : memref<2x64x128xf32, #tpu.memory_space<vmem>> -> memref<1x64x128xf32, #tpu.memory_space<vmem>>
      %dma_start3A_641 = tpu.memref_squeeze %dma_start3A_640 : memref<1x64x128xf32, #tpu.memory_space<vmem>> -> memref<64x128xf32, #tpu.memory_space<vmem>>
      tpu.enqueue_dma source(%dma_start3A_641 : memref<64x128xf32, #tpu.memory_space<vmem>>) target(%dma_start3A_637 : memref<64x128xf32, #tpu.memory_space<vmem_shared>>) target_semaphore(%run_scoped3A_629 : memref<!tpu.dma_semaphore, #tpu.memory_space<semaphore_mem>>)
      %dma_wait3A_642 = arith.constant 0 : i32
      %dma_wait3A_643 = arith.constant 0 : i32
      %dma_wait3A_644 = tpu.memref_slice %arg8[%run_scoped3A_139, %dma_wait3A_642, %dma_wait3A_643] : memref<2x64x128xf32, #tpu.memory_space<vmem>> -> memref<1x64x128xf32, #tpu.memory_space<vmem>>
      %dma_wait3A_645 = tpu.memref_squeeze %dma_wait3A_644 : memref<1x64x128xf32, #tpu.memory_space<vmem>> -> memref<64x128xf32, #tpu.memory_space<vmem>>
      %dma_wait3A_646 = arith.constant 0 : i32
      %dma_wait3A_647 = tpu.memref_slice %arg11[%add3A_138, %dma_wait3A_646] : memref<12832x128xf32, #tpu.memory_space<vmem_shared>> -> memref<64x128xf32, #tpu.memory_space<vmem_shared>>
      %dma_wait3A_648 = arith.constant 0 : i32
      %dma_wait3A_649 = tpu.memref_slice %arg11[%add3A_138, %dma_wait3A_648] : memref<12832x128xf32, #tpu.memory_space<vmem_shared>> -> memref<64x128xf32, #tpu.memory_space<vmem_shared>>
      %dma_wait3A_650 = arith.constant 0 : i32
      %dma_wait3A_651 = arith.constant 0 : i32
      %dma_wait3A_652 = tpu.memref_slice %arg8[%run_scoped3A_139, %dma_wait3A_650, %dma_wait3A_651] : memref<2x64x128xf32, #tpu.memory_space<vmem>> -> memref<1x64x128xf32, #tpu.memory_space<vmem>>
      %dma_wait3A_653 = tpu.memref_squeeze %dma_wait3A_652 : memref<1x64x128xf32, #tpu.memory_space<vmem>> -> memref<64x128xf32, #tpu.memory_space<vmem>>
      tpu.wait_dma2 semaphore(%run_scoped3A_629 : memref<!tpu.dma_semaphore, #tpu.memory_space<semaphore_mem>>) src(%dma_wait3A_653 : memref<64x128xf32, #tpu.memory_space<vmem>>) dst(%dma_wait3A_649 : memref<64x128xf32, #tpu.memory_space<vmem_shared>>)
      tpu.yield
    }) : () -> ()
    %mul3A_140 = arith.constant 800 : i32
    %mul3A_141 = arith.muli %arg1, %mul3A_140 : i32
    %add3A_142 = arith.addi %mul3A_0, %mul3A_141 : i32
    %add3A_143 = arith.constant 400 : i32
    %add3A_144 = arith.addi %add3A_142, %add3A_143 : i32
    %add3A_145 = arith.constant 64 : i32
    %add3A_146 = arith.addi %add3A_144, %add3A_145 : i32
    %run_scoped3A_147 = arith.constant 1 : i32
    "tpu.region"() ({
      %run_scoped3A_629 = tpu.sem_alloc : memref<!tpu.dma_semaphore, #tpu.memory_space<semaphore_mem>>
      %dma_start3A_630 = arith.constant 0 : i32
      %dma_start3A_631 = arith.constant 0 : i32
      %dma_start3A_632 = tpu.memref_slice %arg8[%run_scoped3A_147, %dma_start3A_630, %dma_start3A_631] : memref<2x64x128xf32, #tpu.memory_space<vmem>> -> memref<1x16x128xf32, #tpu.memory_space<vmem>>
      %dma_start3A_633 = tpu.memref_squeeze %dma_start3A_632 : memref<1x16x128xf32, #tpu.memory_space<vmem>> -> memref<16x128xf32, #tpu.memory_space<vmem>>
      %dma_start3A_634 = arith.constant 0 : i32
      %dma_start3A_635 = tpu.memref_slice %arg2[%add3A_146, %dma_start3A_634] : memref<25600x128xf32, #tpu.memory_space<hbm>> -> memref<16x128xf32, #tpu.memory_space<hbm>>
      %dma_start3A_636 = arith.constant 0 : i32
      %dma_start3A_637 = arith.constant 0 : i32
      %dma_start3A_638 = tpu.memref_slice %arg8[%run_scoped3A_147, %dma_start3A_636, %dma_start3A_637] : memref<2x64x128xf32, #tpu.memory_space<vmem>> -> memref<1x16x128xf32, #tpu.memory_space<vmem>>
      %dma_start3A_639 = tpu.memref_squeeze %dma_start3A_638 : memref<1x16x128xf32, #tpu.memory_space<vmem>> -> memref<16x128xf32, #tpu.memory_space<vmem>>
      %dma_start3A_640 = arith.constant 0 : i32
      %dma_start3A_641 = tpu.memref_slice %arg2[%add3A_146, %dma_start3A_640] : memref<25600x128xf32, #tpu.memory_space<hbm>> -> memref<16x128xf32, #tpu.memory_space<hbm>>
      tpu.enqueue_dma source(%dma_start3A_641 : memref<16x128xf32, #tpu.memory_space<hbm>>) target(%dma_start3A_639 : memref<16x128xf32, #tpu.memory_space<vmem>>) target_semaphore(%run_scoped3A_629 : memref<!tpu.dma_semaphore, #tpu.memory_space<semaphore_mem>>)
      %dma_wait3A_642 = arith.constant 0 : i32
      %dma_wait3A_643 = arith.constant 0 : i32
      %dma_wait3A_644 = tpu.memref_slice %arg8[%run_scoped3A_147, %dma_wait3A_642, %dma_wait3A_643] : memref<2x64x128xf32, #tpu.memory_space<vmem>> -> memref<1x16x128xf32, #tpu.memory_space<vmem>>
      %dma_wait3A_645 = tpu.memref_squeeze %dma_wait3A_644 : memref<1x16x128xf32, #tpu.memory_space<vmem>> -> memref<16x128xf32, #tpu.memory_space<vmem>>
      %dma_wait3A_646 = arith.constant 0 : i32
      %dma_wait3A_647 = tpu.memref_slice %arg2[%add3A_146, %dma_wait3A_646] : memref<25600x128xf32, #tpu.memory_space<hbm>> -> memref<16x128xf32, #tpu.memory_space<hbm>>
      %dma_wait3A_648 = arith.constant 0 : i32
      %dma_wait3A_649 = arith.constant 0 : i32
      %dma_wait3A_650 = tpu.memref_slice %arg8[%run_scoped3A_147, %dma_wait3A_648, %dma_wait3A_649] : memref<2x64x128xf32, #tpu.memory_space<vmem>> -> memref<1x16x128xf32, #tpu.memory_space<vmem>>
      %dma_wait3A_651 = tpu.memref_squeeze %dma_wait3A_650 : memref<1x16x128xf32, #tpu.memory_space<vmem>> -> memref<16x128xf32, #tpu.memory_space<vmem>>
      %dma_wait3A_652 = arith.constant 0 : i32
      %dma_wait3A_653 = tpu.memref_slice %arg2[%add3A_146, %dma_wait3A_652] : memref<25600x128xf32, #tpu.memory_space<hbm>> -> memref<16x128xf32, #tpu.memory_space<hbm>>
      tpu.wait_dma2 semaphore(%run_scoped3A_629 : memref<!tpu.dma_semaphore, #tpu.memory_space<semaphore_mem>>) src(%dma_wait3A_653 : memref<16x128xf32, #tpu.memory_space<hbm>>) dst(%dma_wait3A_651 : memref<16x128xf32, #tpu.memory_space<vmem>>)
      tpu.yield
    }) : () -> ()
    %mul3A_148 = arith.constant 800 : i32
    %mul3A_149 = arith.muli %arg1, %mul3A_148 : i32
    %add3A_150 = arith.constant 400 : i32
    %add3A_151 = arith.addi %mul3A_149, %add3A_150 : i32
    %add3A_152 = arith.constant 64 : i32
    %add3A_153 = arith.addi %add3A_151, %add3A_152 : i32
    %run_scoped3A_154 = arith.constant 1 : i32
    "tpu.region"() ({
      %run_scoped3A_629 = tpu.sem_alloc : memref<!tpu.dma_semaphore, #tpu.memory_space<semaphore_mem>>
      %dma_start3A_630 = arith.constant 0 : i32
      %dma_start3A_631 = arith.constant 0 : i32
      %dma_start3A_632 = tpu.memref_slice %arg8[%run_scoped3A_154, %dma_start3A_630, %dma_start3A_631] : memref<2x64x128xf32, #tpu.memory_space<vmem>> -> memref<1x16x128xf32, #tpu.memory_space<vmem>>
      %dma_start3A_633 = tpu.memref_squeeze %dma_start3A_632 : memref<1x16x128xf32, #tpu.memory_space<vmem>> -> memref<16x128xf32, #tpu.memory_space<vmem>>
      %dma_start3A_634 = arith.constant 0 : i32
      %dma_start3A_635 = tpu.memref_slice %arg11[%add3A_153, %dma_start3A_634] : memref<12832x128xf32, #tpu.memory_space<vmem_shared>> -> memref<16x128xf32, #tpu.memory_space<vmem_shared>>
      %dma_start3A_636 = arith.constant 0 : i32
      %dma_start3A_637 = tpu.memref_slice %arg11[%add3A_153, %dma_start3A_636] : memref<12832x128xf32, #tpu.memory_space<vmem_shared>> -> memref<16x128xf32, #tpu.memory_space<vmem_shared>>
      %dma_start3A_638 = arith.constant 0 : i32
      %dma_start3A_639 = arith.constant 0 : i32
      %dma_start3A_640 = tpu.memref_slice %arg8[%run_scoped3A_154, %dma_start3A_638, %dma_start3A_639] : memref<2x64x128xf32, #tpu.memory_space<vmem>> -> memref<1x16x128xf32, #tpu.memory_space<vmem>>
      %dma_start3A_641 = tpu.memref_squeeze %dma_start3A_640 : memref<1x16x128xf32, #tpu.memory_space<vmem>> -> memref<16x128xf32, #tpu.memory_space<vmem>>
      tpu.enqueue_dma source(%dma_start3A_641 : memref<16x128xf32, #tpu.memory_space<vmem>>) target(%dma_start3A_637 : memref<16x128xf32, #tpu.memory_space<vmem_shared>>) target_semaphore(%run_scoped3A_629 : memref<!tpu.dma_semaphore, #tpu.memory_space<semaphore_mem>>)
      %dma_wait3A_642 = arith.constant 0 : i32
      %dma_wait3A_643 = arith.constant 0 : i32
      %dma_wait3A_644 = tpu.memref_slice %arg8[%run_scoped3A_154, %dma_wait3A_642, %dma_wait3A_643] : memref<2x64x128xf32, #tpu.memory_space<vmem>> -> memref<1x16x128xf32, #tpu.memory_space<vmem>>
      %dma_wait3A_645 = tpu.memref_squeeze %dma_wait3A_644 : memref<1x16x128xf32, #tpu.memory_space<vmem>> -> memref<16x128xf32, #tpu.memory_space<vmem>>
      %dma_wait3A_646 = arith.constant 0 : i32
      %dma_wait3A_647 = tpu.memref_slice %arg11[%add3A_153, %dma_wait3A_646] : memref<12832x128xf32, #tpu.memory_space<vmem_shared>> -> memref<16x128xf32, #tpu.memory_space<vmem_shared>>
      %dma_wait3A_648 = arith.constant 0 : i32
      %dma_wait3A_649 = tpu.memref_slice %arg11[%add3A_153, %dma_wait3A_648] : memref<12832x128xf32, #tpu.memory_space<vmem_shared>> -> memref<16x128xf32, #tpu.memory_space<vmem_shared>>
      %dma_wait3A_650 = arith.constant 0 : i32
      %dma_wait3A_651 = arith.constant 0 : i32
      %dma_wait3A_652 = tpu.memref_slice %arg8[%run_scoped3A_154, %dma_wait3A_650, %dma_wait3A_651] : memref<2x64x128xf32, #tpu.memory_space<vmem>> -> memref<1x16x128xf32, #tpu.memory_space<vmem>>
      %dma_wait3A_653 = tpu.memref_squeeze %dma_wait3A_652 : memref<1x16x128xf32, #tpu.memory_space<vmem>> -> memref<16x128xf32, #tpu.memory_space<vmem>>
      tpu.wait_dma2 semaphore(%run_scoped3A_629 : memref<!tpu.dma_semaphore, #tpu.memory_space<semaphore_mem>>) src(%dma_wait3A_653 : memref<16x128xf32, #tpu.memory_space<vmem>>) dst(%dma_wait3A_649 : memref<16x128xf32, #tpu.memory_space<vmem_shared>>)
      tpu.yield
    }) : () -> ()
    %mul3A_155 = arith.constant 800 : i32
    %mul3A_156 = arith.muli %arg1, %mul3A_155 : i32
    %add3A_157 = arith.addi %mul3A_0, %mul3A_156 : i32
    %add3A_158 = arith.constant 480 : i32
    %add3A_159 = arith.addi %add3A_157, %add3A_158 : i32
    %run_scoped3A_160 = arith.constant 0 : i32
    "tpu.region"() ({
      %run_scoped3A_629 = tpu.sem_alloc : memref<!tpu.dma_semaphore, #tpu.memory_space<semaphore_mem>>
      %dma_start3A_630 = arith.constant 0 : i32
      %dma_start3A_631 = arith.constant 0 : i32
      %dma_start3A_632 = tpu.memref_slice %arg8[%run_scoped3A_160, %dma_start3A_630, %dma_start3A_631] : memref<2x64x128xf32, #tpu.memory_space<vmem>> -> memref<1x64x128xf32, #tpu.memory_space<vmem>>
      %dma_start3A_633 = tpu.memref_squeeze %dma_start3A_632 : memref<1x64x128xf32, #tpu.memory_space<vmem>> -> memref<64x128xf32, #tpu.memory_space<vmem>>
      %dma_start3A_634 = arith.constant 0 : i32
      %dma_start3A_635 = tpu.memref_slice %arg2[%add3A_159, %dma_start3A_634] : memref<25600x128xf32, #tpu.memory_space<hbm>> -> memref<64x128xf32, #tpu.memory_space<hbm>>
      %dma_start3A_636 = arith.constant 0 : i32
      %dma_start3A_637 = arith.constant 0 : i32
      %dma_start3A_638 = tpu.memref_slice %arg8[%run_scoped3A_160, %dma_start3A_636, %dma_start3A_637] : memref<2x64x128xf32, #tpu.memory_space<vmem>> -> memref<1x64x128xf32, #tpu.memory_space<vmem>>
      %dma_start3A_639 = tpu.memref_squeeze %dma_start3A_638 : memref<1x64x128xf32, #tpu.memory_space<vmem>> -> memref<64x128xf32, #tpu.memory_space<vmem>>
      %dma_start3A_640 = arith.constant 0 : i32
      %dma_start3A_641 = tpu.memref_slice %arg2[%add3A_159, %dma_start3A_640] : memref<25600x128xf32, #tpu.memory_space<hbm>> -> memref<64x128xf32, #tpu.memory_space<hbm>>
      tpu.enqueue_dma source(%dma_start3A_641 : memref<64x128xf32, #tpu.memory_space<hbm>>) target(%dma_start3A_639 : memref<64x128xf32, #tpu.memory_space<vmem>>) target_semaphore(%run_scoped3A_629 : memref<!tpu.dma_semaphore, #tpu.memory_space<semaphore_mem>>)
      %dma_wait3A_642 = arith.constant 0 : i32
      %dma_wait3A_643 = arith.constant 0 : i32
      %dma_wait3A_644 = tpu.memref_slice %arg8[%run_scoped3A_160, %dma_wait3A_642, %dma_wait3A_643] : memref<2x64x128xf32, #tpu.memory_space<vmem>> -> memref<1x64x128xf32, #tpu.memory_space<vmem>>
      %dma_wait3A_645 = tpu.memref_squeeze %dma_wait3A_644 : memref<1x64x128xf32, #tpu.memory_space<vmem>> -> memref<64x128xf32, #tpu.memory_space<vmem>>
      %dma_wait3A_646 = arith.constant 0 : i32
      %dma_wait3A_647 = tpu.memref_slice %arg2[%add3A_159, %dma_wait3A_646] : memref<25600x128xf32, #tpu.memory_space<hbm>> -> memref<64x128xf32, #tpu.memory_space<hbm>>
      %dma_wait3A_648 = arith.constant 0 : i32
      %dma_wait3A_649 = arith.constant 0 : i32
      %dma_wait3A_650 = tpu.memref_slice %arg8[%run_scoped3A_160, %dma_wait3A_648, %dma_wait3A_649] : memref<2x64x128xf32, #tpu.memory_space<vmem>> -> memref<1x64x128xf32, #tpu.memory_space<vmem>>
      %dma_wait3A_651 = tpu.memref_squeeze %dma_wait3A_650 : memref<1x64x128xf32, #tpu.memory_space<vmem>> -> memref<64x128xf32, #tpu.memory_space<vmem>>
      %dma_wait3A_652 = arith.constant 0 : i32
      %dma_wait3A_653 = tpu.memref_slice %arg2[%add3A_159, %dma_wait3A_652] : memref<25600x128xf32, #tpu.memory_space<hbm>> -> memref<64x128xf32, #tpu.memory_space<hbm>>
      tpu.wait_dma2 semaphore(%run_scoped3A_629 : memref<!tpu.dma_semaphore, #tpu.memory_space<semaphore_mem>>) src(%dma_wait3A_653 : memref<64x128xf32, #tpu.memory_space<hbm>>) dst(%dma_wait3A_651 : memref<64x128xf32, #tpu.memory_space<vmem>>)
      tpu.yield
    }) : () -> ()
    %mul3A_161 = arith.constant 800 : i32
    %mul3A_162 = arith.muli %arg1, %mul3A_161 : i32
    %add3A_163 = arith.constant 480 : i32
    %add3A_164 = arith.addi %mul3A_162, %add3A_163 : i32
    %run_scoped3A_165 = arith.constant 0 : i32
    "tpu.region"() ({
      %run_scoped3A_629 = tpu.sem_alloc : memref<!tpu.dma_semaphore, #tpu.memory_space<semaphore_mem>>
      %dma_start3A_630 = arith.constant 0 : i32
      %dma_start3A_631 = arith.constant 0 : i32
      %dma_start3A_632 = tpu.memref_slice %arg8[%run_scoped3A_165, %dma_start3A_630, %dma_start3A_631] : memref<2x64x128xf32, #tpu.memory_space<vmem>> -> memref<1x64x128xf32, #tpu.memory_space<vmem>>
      %dma_start3A_633 = tpu.memref_squeeze %dma_start3A_632 : memref<1x64x128xf32, #tpu.memory_space<vmem>> -> memref<64x128xf32, #tpu.memory_space<vmem>>
      %dma_start3A_634 = arith.constant 0 : i32
      %dma_start3A_635 = tpu.memref_slice %arg11[%add3A_164, %dma_start3A_634] : memref<12832x128xf32, #tpu.memory_space<vmem_shared>> -> memref<64x128xf32, #tpu.memory_space<vmem_shared>>
      %dma_start3A_636 = arith.constant 0 : i32
      %dma_start3A_637 = tpu.memref_slice %arg11[%add3A_164, %dma_start3A_636] : memref<12832x128xf32, #tpu.memory_space<vmem_shared>> -> memref<64x128xf32, #tpu.memory_space<vmem_shared>>
      %dma_start3A_638 = arith.constant 0 : i32
      %dma_start3A_639 = arith.constant 0 : i32
      %dma_start3A_640 = tpu.memref_slice %arg8[%run_scoped3A_165, %dma_start3A_638, %dma_start3A_639] : memref<2x64x128xf32, #tpu.memory_space<vmem>> -> memref<1x64x128xf32, #tpu.memory_space<vmem>>
      %dma_start3A_641 = tpu.memref_squeeze %dma_start3A_640 : memref<1x64x128xf32, #tpu.memory_space<vmem>> -> memref<64x128xf32, #tpu.memory_space<vmem>>
      tpu.enqueue_dma source(%dma_start3A_641 : memref<64x128xf32, #tpu.memory_space<vmem>>) target(%dma_start3A_637 : memref<64x128xf32, #tpu.memory_space<vmem_shared>>) target_semaphore(%run_scoped3A_629 : memref<!tpu.dma_semaphore, #tpu.memory_space<semaphore_mem>>)
      %dma_wait3A_642 = arith.constant 0 : i32
      %dma_wait3A_643 = arith.constant 0 : i32
      %dma_wait3A_644 = tpu.memref_slice %arg8[%run_scoped3A_165, %dma_wait3A_642, %dma_wait3A_643] : memref<2x64x128xf32, #tpu.memory_space<vmem>> -> memref<1x64x128xf32, #tpu.memory_space<vmem>>
      %dma_wait3A_645 = tpu.memref_squeeze %dma_wait3A_644 : memref<1x64x128xf32, #tpu.memory_space<vmem>> -> memref<64x128xf32, #tpu.memory_space<vmem>>
      %dma_wait3A_646 = arith.constant 0 : i32
      %dma_wait3A_647 = tpu.memref_slice %arg11[%add3A_164, %dma_wait3A_646] : memref<12832x128xf32, #tpu.memory_space<vmem_shared>> -> memref<64x128xf32, #tpu.memory_space<vmem_shared>>
      %dma_wait3A_648 = arith.constant 0 : i32
      %dma_wait3A_649 = tpu.memref_slice %arg11[%add3A_164, %dma_wait3A_648] : memref<12832x128xf32, #tpu.memory_space<vmem_shared>> -> memref<64x128xf32, #tpu.memory_space<vmem_shared>>
      %dma_wait3A_650 = arith.constant 0 : i32
      %dma_wait3A_651 = arith.constant 0 : i32
      %dma_wait3A_652 = tpu.memref_slice %arg8[%run_scoped3A_165, %dma_wait3A_650, %dma_wait3A_651] : memref<2x64x128xf32, #tpu.memory_space<vmem>> -> memref<1x64x128xf32, #tpu.memory_space<vmem>>
      %dma_wait3A_653 = tpu.memref_squeeze %dma_wait3A_652 : memref<1x64x128xf32, #tpu.memory_space<vmem>> -> memref<64x128xf32, #tpu.memory_space<vmem>>
      tpu.wait_dma2 semaphore(%run_scoped3A_629 : memref<!tpu.dma_semaphore, #tpu.memory_space<semaphore_mem>>) src(%dma_wait3A_653 : memref<64x128xf32, #tpu.memory_space<vmem>>) dst(%dma_wait3A_649 : memref<64x128xf32, #tpu.memory_space<vmem_shared>>)
      tpu.yield
    }) : () -> ()
    %mul3A_166 = arith.constant 800 : i32
    %mul3A_167 = arith.muli %arg1, %mul3A_166 : i32
    %add3A_168 = arith.addi %mul3A_0, %mul3A_167 : i32
    %add3A_169 = arith.constant 480 : i32
    %add3A_170 = arith.addi %add3A_168, %add3A_169 : i32
    %add3A_171 = arith.constant 64 : i32
    %add3A_172 = arith.addi %add3A_170, %add3A_171 : i32
    %run_scoped3A_173 = arith.constant 1 : i32
    "tpu.region"() ({
      %run_scoped3A_629 = tpu.sem_alloc : memref<!tpu.dma_semaphore, #tpu.memory_space<semaphore_mem>>
      %dma_start3A_630 = arith.constant 0 : i32
      %dma_start3A_631 = arith.constant 0 : i32
      %dma_start3A_632 = tpu.memref_slice %arg8[%run_scoped3A_173, %dma_start3A_630, %dma_start3A_631] : memref<2x64x128xf32, #tpu.memory_space<vmem>> -> memref<1x16x128xf32, #tpu.memory_space<vmem>>
      %dma_start3A_633 = tpu.memref_squeeze %dma_start3A_632 : memref<1x16x128xf32, #tpu.memory_space<vmem>> -> memref<16x128xf32, #tpu.memory_space<vmem>>
      %dma_start3A_634 = arith.constant 0 : i32
      %dma_start3A_635 = tpu.memref_slice %arg2[%add3A_172, %dma_start3A_634] : memref<25600x128xf32, #tpu.memory_space<hbm>> -> memref<16x128xf32, #tpu.memory_space<hbm>>
      %dma_start3A_636 = arith.constant 0 : i32
      %dma_start3A_637 = arith.constant 0 : i32
      %dma_start3A_638 = tpu.memref_slice %arg8[%run_scoped3A_173, %dma_start3A_636, %dma_start3A_637] : memref<2x64x128xf32, #tpu.memory_space<vmem>> -> memref<1x16x128xf32, #tpu.memory_space<vmem>>
      %dma_start3A_639 = tpu.memref_squeeze %dma_start3A_638 : memref<1x16x128xf32, #tpu.memory_space<vmem>> -> memref<16x128xf32, #tpu.memory_space<vmem>>
      %dma_start3A_640 = arith.constant 0 : i32
      %dma_start3A_641 = tpu.memref_slice %arg2[%add3A_172, %dma_start3A_640] : memref<25600x128xf32, #tpu.memory_space<hbm>> -> memref<16x128xf32, #tpu.memory_space<hbm>>
      tpu.enqueue_dma source(%dma_start3A_641 : memref<16x128xf32, #tpu.memory_space<hbm>>) target(%dma_start3A_639 : memref<16x128xf32, #tpu.memory_space<vmem>>) target_semaphore(%run_scoped3A_629 : memref<!tpu.dma_semaphore, #tpu.memory_space<semaphore_mem>>)
      %dma_wait3A_642 = arith.constant 0 : i32
      %dma_wait3A_643 = arith.constant 0 : i32
      %dma_wait3A_644 = tpu.memref_slice %arg8[%run_scoped3A_173, %dma_wait3A_642, %dma_wait3A_643] : memref<2x64x128xf32, #tpu.memory_space<vmem>> -> memref<1x16x128xf32, #tpu.memory_space<vmem>>
      %dma_wait3A_645 = tpu.memref_squeeze %dma_wait3A_644 : memref<1x16x128xf32, #tpu.memory_space<vmem>> -> memref<16x128xf32, #tpu.memory_space<vmem>>
      %dma_wait3A_646 = arith.constant 0 : i32
      %dma_wait3A_647 = tpu.memref_slice %arg2[%add3A_172, %dma_wait3A_646] : memref<25600x128xf32, #tpu.memory_space<hbm>> -> memref<16x128xf32, #tpu.memory_space<hbm>>
      %dma_wait3A_648 = arith.constant 0 : i32
      %dma_wait3A_649 = arith.constant 0 : i32
      %dma_wait3A_650 = tpu.memref_slice %arg8[%run_scoped3A_173, %dma_wait3A_648, %dma_wait3A_649] : memref<2x64x128xf32, #tpu.memory_space<vmem>> -> memref<1x16x128xf32, #tpu.memory_space<vmem>>
      %dma_wait3A_651 = tpu.memref_squeeze %dma_wait3A_650 : memref<1x16x128xf32, #tpu.memory_space<vmem>> -> memref<16x128xf32, #tpu.memory_space<vmem>>
      %dma_wait3A_652 = arith.constant 0 : i32
      %dma_wait3A_653 = tpu.memref_slice %arg2[%add3A_172, %dma_wait3A_652] : memref<25600x128xf32, #tpu.memory_space<hbm>> -> memref<16x128xf32, #tpu.memory_space<hbm>>
      tpu.wait_dma2 semaphore(%run_scoped3A_629 : memref<!tpu.dma_semaphore, #tpu.memory_space<semaphore_mem>>) src(%dma_wait3A_653 : memref<16x128xf32, #tpu.memory_space<hbm>>) dst(%dma_wait3A_651 : memref<16x128xf32, #tpu.memory_space<vmem>>)
      tpu.yield
    }) : () -> ()
    %mul3A_174 = arith.constant 800 : i32
    %mul3A_175 = arith.muli %arg1, %mul3A_174 : i32
    %add3A_176 = arith.constant 480 : i32
    %add3A_177 = arith.addi %mul3A_175, %add3A_176 : i32
    %add3A_178 = arith.constant 64 : i32
    %add3A_179 = arith.addi %add3A_177, %add3A_178 : i32
    %run_scoped3A_180 = arith.constant 1 : i32
    "tpu.region"() ({
      %run_scoped3A_629 = tpu.sem_alloc : memref<!tpu.dma_semaphore, #tpu.memory_space<semaphore_mem>>
      %dma_start3A_630 = arith.constant 0 : i32
      %dma_start3A_631 = arith.constant 0 : i32
      %dma_start3A_632 = tpu.memref_slice %arg8[%run_scoped3A_180, %dma_start3A_630, %dma_start3A_631] : memref<2x64x128xf32, #tpu.memory_space<vmem>> -> memref<1x16x128xf32, #tpu.memory_space<vmem>>
      %dma_start3A_633 = tpu.memref_squeeze %dma_start3A_632 : memref<1x16x128xf32, #tpu.memory_space<vmem>> -> memref<16x128xf32, #tpu.memory_space<vmem>>
      %dma_start3A_634 = arith.constant 0 : i32
      %dma_start3A_635 = tpu.memref_slice %arg11[%add3A_179, %dma_start3A_634] : memref<12832x128xf32, #tpu.memory_space<vmem_shared>> -> memref<16x128xf32, #tpu.memory_space<vmem_shared>>
      %dma_start3A_636 = arith.constant 0 : i32
      %dma_start3A_637 = tpu.memref_slice %arg11[%add3A_179, %dma_start3A_636] : memref<12832x128xf32, #tpu.memory_space<vmem_shared>> -> memref<16x128xf32, #tpu.memory_space<vmem_shared>>
      %dma_start3A_638 = arith.constant 0 : i32
      %dma_start3A_639 = arith.constant 0 : i32
      %dma_start3A_640 = tpu.memref_slice %arg8[%run_scoped3A_180, %dma_start3A_638, %dma_start3A_639] : memref<2x64x128xf32, #tpu.memory_space<vmem>> -> memref<1x16x128xf32, #tpu.memory_space<vmem>>
      %dma_start3A_641 = tpu.memref_squeeze %dma_start3A_640 : memref<1x16x128xf32, #tpu.memory_space<vmem>> -> memref<16x128xf32, #tpu.memory_space<vmem>>
      tpu.enqueue_dma source(%dma_start3A_641 : memref<16x128xf32, #tpu.memory_space<vmem>>) target(%dma_start3A_637 : memref<16x128xf32, #tpu.memory_space<vmem_shared>>) target_semaphore(%run_scoped3A_629 : memref<!tpu.dma_semaphore, #tpu.memory_space<semaphore_mem>>)
      %dma_wait3A_642 = arith.constant 0 : i32
      %dma_wait3A_643 = arith.constant 0 : i32
      %dma_wait3A_644 = tpu.memref_slice %arg8[%run_scoped3A_180, %dma_wait3A_642, %dma_wait3A_643] : memref<2x64x128xf32, #tpu.memory_space<vmem>> -> memref<1x16x128xf32, #tpu.memory_space<vmem>>
      %dma_wait3A_645 = tpu.memref_squeeze %dma_wait3A_644 : memref<1x16x128xf32, #tpu.memory_space<vmem>> -> memref<16x128xf32, #tpu.memory_space<vmem>>
      %dma_wait3A_646 = arith.constant 0 : i32
      %dma_wait3A_647 = tpu.memref_slice %arg11[%add3A_179, %dma_wait3A_646] : memref<12832x128xf32, #tpu.memory_space<vmem_shared>> -> memref<16x128xf32, #tpu.memory_space<vmem_shared>>
      %dma_wait3A_648 = arith.constant 0 : i32
      %dma_wait3A_649 = tpu.memref_slice %arg11[%add3A_179, %dma_wait3A_648] : memref<12832x128xf32, #tpu.memory_space<vmem_shared>> -> memref<16x128xf32, #tpu.memory_space<vmem_shared>>
      %dma_wait3A_650 = arith.constant 0 : i32
      %dma_wait3A_651 = arith.constant 0 : i32
      %dma_wait3A_652 = tpu.memref_slice %arg8[%run_scoped3A_180, %dma_wait3A_650, %dma_wait3A_651] : memref<2x64x128xf32, #tpu.memory_space<vmem>> -> memref<1x16x128xf32, #tpu.memory_space<vmem>>
      %dma_wait3A_653 = tpu.memref_squeeze %dma_wait3A_652 : memref<1x16x128xf32, #tpu.memory_space<vmem>> -> memref<16x128xf32, #tpu.memory_space<vmem>>
      tpu.wait_dma2 semaphore(%run_scoped3A_629 : memref<!tpu.dma_semaphore, #tpu.memory_space<semaphore_mem>>) src(%dma_wait3A_653 : memref<16x128xf32, #tpu.memory_space<vmem>>) dst(%dma_wait3A_649 : memref<16x128xf32, #tpu.memory_space<vmem_shared>>)
      tpu.yield
    }) : () -> ()
    %mul3A_181 = arith.constant 800 : i32
    %mul3A_182 = arith.muli %arg1, %mul3A_181 : i32
    %add3A_183 = arith.addi %mul3A_0, %mul3A_182 : i32
    %add3A_184 = arith.constant 560 : i32
    %add3A_185 = arith.addi %add3A_183, %add3A_184 : i32
    %run_scoped3A_186 = arith.constant 0 : i32
    "tpu.region"() ({
      %run_scoped3A_629 = tpu.sem_alloc : memref<!tpu.dma_semaphore, #tpu.memory_space<semaphore_mem>>
      %dma_start3A_630 = arith.constant 0 : i32
      %dma_start3A_631 = arith.constant 0 : i32
      %dma_start3A_632 = tpu.memref_slice %arg8[%run_scoped3A_186, %dma_start3A_630, %dma_start3A_631] : memref<2x64x128xf32, #tpu.memory_space<vmem>> -> memref<1x64x128xf32, #tpu.memory_space<vmem>>
      %dma_start3A_633 = tpu.memref_squeeze %dma_start3A_632 : memref<1x64x128xf32, #tpu.memory_space<vmem>> -> memref<64x128xf32, #tpu.memory_space<vmem>>
      %dma_start3A_634 = arith.constant 0 : i32
      %dma_start3A_635 = tpu.memref_slice %arg2[%add3A_185, %dma_start3A_634] : memref<25600x128xf32, #tpu.memory_space<hbm>> -> memref<64x128xf32, #tpu.memory_space<hbm>>
      %dma_start3A_636 = arith.constant 0 : i32
      %dma_start3A_637 = arith.constant 0 : i32
      %dma_start3A_638 = tpu.memref_slice %arg8[%run_scoped3A_186, %dma_start3A_636, %dma_start3A_637] : memref<2x64x128xf32, #tpu.memory_space<vmem>> -> memref<1x64x128xf32, #tpu.memory_space<vmem>>
      %dma_start3A_639 = tpu.memref_squeeze %dma_start3A_638 : memref<1x64x128xf32, #tpu.memory_space<vmem>> -> memref<64x128xf32, #tpu.memory_space<vmem>>
      %dma_start3A_640 = arith.constant 0 : i32
      %dma_start3A_641 = tpu.memref_slice %arg2[%add3A_185, %dma_start3A_640] : memref<25600x128xf32, #tpu.memory_space<hbm>> -> memref<64x128xf32, #tpu.memory_space<hbm>>
      tpu.enqueue_dma source(%dma_start3A_641 : memref<64x128xf32, #tpu.memory_space<hbm>>) target(%dma_start3A_639 : memref<64x128xf32, #tpu.memory_space<vmem>>) target_semaphore(%run_scoped3A_629 : memref<!tpu.dma_semaphore, #tpu.memory_space<semaphore_mem>>)
      %dma_wait3A_642 = arith.constant 0 : i32
      %dma_wait3A_643 = arith.constant 0 : i32
      %dma_wait3A_644 = tpu.memref_slice %arg8[%run_scoped3A_186, %dma_wait3A_642, %dma_wait3A_643] : memref<2x64x128xf32, #tpu.memory_space<vmem>> -> memref<1x64x128xf32, #tpu.memory_space<vmem>>
      %dma_wait3A_645 = tpu.memref_squeeze %dma_wait3A_644 : memref<1x64x128xf32, #tpu.memory_space<vmem>> -> memref<64x128xf32, #tpu.memory_space<vmem>>
      %dma_wait3A_646 = arith.constant 0 : i32
      %dma_wait3A_647 = tpu.memref_slice %arg2[%add3A_185, %dma_wait3A_646] : memref<25600x128xf32, #tpu.memory_space<hbm>> -> memref<64x128xf32, #tpu.memory_space<hbm>>
      %dma_wait3A_648 = arith.constant 0 : i32
      %dma_wait3A_649 = arith.constant 0 : i32
      %dma_wait3A_650 = tpu.memref_slice %arg8[%run_scoped3A_186, %dma_wait3A_648, %dma_wait3A_649] : memref<2x64x128xf32, #tpu.memory_space<vmem>> -> memref<1x64x128xf32, #tpu.memory_space<vmem>>
      %dma_wait3A_651 = tpu.memref_squeeze %dma_wait3A_650 : memref<1x64x128xf32, #tpu.memory_space<vmem>> -> memref<64x128xf32, #tpu.memory_space<vmem>>
      %dma_wait3A_652 = arith.constant 0 : i32
      %dma_wait3A_653 = tpu.memref_slice %arg2[%add3A_185, %dma_wait3A_652] : memref<25600x128xf32, #tpu.memory_space<hbm>> -> memref<64x128xf32, #tpu.memory_space<hbm>>
      tpu.wait_dma2 semaphore(%run_scoped3A_629 : memref<!tpu.dma_semaphore, #tpu.memory_space<semaphore_mem>>) src(%dma_wait3A_653 : memref<64x128xf32, #tpu.memory_space<hbm>>) dst(%dma_wait3A_651 : memref<64x128xf32, #tpu.memory_space<vmem>>)
      tpu.yield
    }) : () -> ()
    %mul3A_187 = arith.constant 800 : i32
    %mul3A_188 = arith.muli %arg1, %mul3A_187 : i32
    %add3A_189 = arith.constant 560 : i32
    %add3A_190 = arith.addi %mul3A_188, %add3A_189 : i32
    %run_scoped3A_191 = arith.constant 0 : i32
    "tpu.region"() ({
      %run_scoped3A_629 = tpu.sem_alloc : memref<!tpu.dma_semaphore, #tpu.memory_space<semaphore_mem>>
      %dma_start3A_630 = arith.constant 0 : i32
      %dma_start3A_631 = arith.constant 0 : i32
      %dma_start3A_632 = tpu.memref_slice %arg8[%run_scoped3A_191, %dma_start3A_630, %dma_start3A_631] : memref<2x64x128xf32, #tpu.memory_space<vmem>> -> memref<1x64x128xf32, #tpu.memory_space<vmem>>
      %dma_start3A_633 = tpu.memref_squeeze %dma_start3A_632 : memref<1x64x128xf32, #tpu.memory_space<vmem>> -> memref<64x128xf32, #tpu.memory_space<vmem>>
      %dma_start3A_634 = arith.constant 0 : i32
      %dma_start3A_635 = tpu.memref_slice %arg11[%add3A_190, %dma_start3A_634] : memref<12832x128xf32, #tpu.memory_space<vmem_shared>> -> memref<64x128xf32, #tpu.memory_space<vmem_shared>>
      %dma_start3A_636 = arith.constant 0 : i32
      %dma_start3A_637 = tpu.memref_slice %arg11[%add3A_190, %dma_start3A_636] : memref<12832x128xf32, #tpu.memory_space<vmem_shared>> -> memref<64x128xf32, #tpu.memory_space<vmem_shared>>
      %dma_start3A_638 = arith.constant 0 : i32
      %dma_start3A_639 = arith.constant 0 : i32
      %dma_start3A_640 = tpu.memref_slice %arg8[%run_scoped3A_191, %dma_start3A_638, %dma_start3A_639] : memref<2x64x128xf32, #tpu.memory_space<vmem>> -> memref<1x64x128xf32, #tpu.memory_space<vmem>>
      %dma_start3A_641 = tpu.memref_squeeze %dma_start3A_640 : memref<1x64x128xf32, #tpu.memory_space<vmem>> -> memref<64x128xf32, #tpu.memory_space<vmem>>
      tpu.enqueue_dma source(%dma_start3A_641 : memref<64x128xf32, #tpu.memory_space<vmem>>) target(%dma_start3A_637 : memref<64x128xf32, #tpu.memory_space<vmem_shared>>) target_semaphore(%run_scoped3A_629 : memref<!tpu.dma_semaphore, #tpu.memory_space<semaphore_mem>>)
      %dma_wait3A_642 = arith.constant 0 : i32
      %dma_wait3A_643 = arith.constant 0 : i32
      %dma_wait3A_644 = tpu.memref_slice %arg8[%run_scoped3A_191, %dma_wait3A_642, %dma_wait3A_643] : memref<2x64x128xf32, #tpu.memory_space<vmem>> -> memref<1x64x128xf32, #tpu.memory_space<vmem>>
      %dma_wait3A_645 = tpu.memref_squeeze %dma_wait3A_644 : memref<1x64x128xf32, #tpu.memory_space<vmem>> -> memref<64x128xf32, #tpu.memory_space<vmem>>
      %dma_wait3A_646 = arith.constant 0 : i32
      %dma_wait3A_647 = tpu.memref_slice %arg11[%add3A_190, %dma_wait3A_646] : memref<12832x128xf32, #tpu.memory_space<vmem_shared>> -> memref<64x128xf32, #tpu.memory_space<vmem_shared>>
      %dma_wait3A_648 = arith.constant 0 : i32
      %dma_wait3A_649 = tpu.memref_slice %arg11[%add3A_190, %dma_wait3A_648] : memref<12832x128xf32, #tpu.memory_space<vmem_shared>> -> memref<64x128xf32, #tpu.memory_space<vmem_shared>>
      %dma_wait3A_650 = arith.constant 0 : i32
      %dma_wait3A_651 = arith.constant 0 : i32
      %dma_wait3A_652 = tpu.memref_slice %arg8[%run_scoped3A_191, %dma_wait3A_650, %dma_wait3A_651] : memref<2x64x128xf32, #tpu.memory_space<vmem>> -> memref<1x64x128xf32, #tpu.memory_space<vmem>>
      %dma_wait3A_653 = tpu.memref_squeeze %dma_wait3A_652 : memref<1x64x128xf32, #tpu.memory_space<vmem>> -> memref<64x128xf32, #tpu.memory_space<vmem>>
      tpu.wait_dma2 semaphore(%run_scoped3A_629 : memref<!tpu.dma_semaphore, #tpu.memory_space<semaphore_mem>>) src(%dma_wait3A_653 : memref<64x128xf32, #tpu.memory_space<vmem>>) dst(%dma_wait3A_649 : memref<64x128xf32, #tpu.memory_space<vmem_shared>>)
      tpu.yield
    }) : () -> ()
    %mul3A_192 = arith.constant 800 : i32
    %mul3A_193 = arith.muli %arg1, %mul3A_192 : i32
    %add3A_194 = arith.addi %mul3A_0, %mul3A_193 : i32
    %add3A_195 = arith.constant 560 : i32
    %add3A_196 = arith.addi %add3A_194, %add3A_195 : i32
    %add3A_197 = arith.constant 64 : i32
    %add3A_198 = arith.addi %add3A_196, %add3A_197 : i32
    %run_scoped3A_199 = arith.constant 1 : i32
    "tpu.region"() ({
      %run_scoped3A_629 = tpu.sem_alloc : memref<!tpu.dma_semaphore, #tpu.memory_space<semaphore_mem>>
      %dma_start3A_630 = arith.constant 0 : i32
      %dma_start3A_631 = arith.constant 0 : i32
      %dma_start3A_632 = tpu.memref_slice %arg8[%run_scoped3A_199, %dma_start3A_630, %dma_start3A_631] : memref<2x64x128xf32, #tpu.memory_space<vmem>> -> memref<1x16x128xf32, #tpu.memory_space<vmem>>
      %dma_start3A_633 = tpu.memref_squeeze %dma_start3A_632 : memref<1x16x128xf32, #tpu.memory_space<vmem>> -> memref<16x128xf32, #tpu.memory_space<vmem>>
      %dma_start3A_634 = arith.constant 0 : i32
      %dma_start3A_635 = tpu.memref_slice %arg2[%add3A_198, %dma_start3A_634] : memref<25600x128xf32, #tpu.memory_space<hbm>> -> memref<16x128xf32, #tpu.memory_space<hbm>>
      %dma_start3A_636 = arith.constant 0 : i32
      %dma_start3A_637 = arith.constant 0 : i32
      %dma_start3A_638 = tpu.memref_slice %arg8[%run_scoped3A_199, %dma_start3A_636, %dma_start3A_637] : memref<2x64x128xf32, #tpu.memory_space<vmem>> -> memref<1x16x128xf32, #tpu.memory_space<vmem>>
      %dma_start3A_639 = tpu.memref_squeeze %dma_start3A_638 : memref<1x16x128xf32, #tpu.memory_space<vmem>> -> memref<16x128xf32, #tpu.memory_space<vmem>>
      %dma_start3A_640 = arith.constant 0 : i32
      %dma_start3A_641 = tpu.memref_slice %arg2[%add3A_198, %dma_start3A_640] : memref<25600x128xf32, #tpu.memory_space<hbm>> -> memref<16x128xf32, #tpu.memory_space<hbm>>
      tpu.enqueue_dma source(%dma_start3A_641 : memref<16x128xf32, #tpu.memory_space<hbm>>) target(%dma_start3A_639 : memref<16x128xf32, #tpu.memory_space<vmem>>) target_semaphore(%run_scoped3A_629 : memref<!tpu.dma_semaphore, #tpu.memory_space<semaphore_mem>>)
      %dma_wait3A_642 = arith.constant 0 : i32
      %dma_wait3A_643 = arith.constant 0 : i32
      %dma_wait3A_644 = tpu.memref_slice %arg8[%run_scoped3A_199, %dma_wait3A_642, %dma_wait3A_643] : memref<2x64x128xf32, #tpu.memory_space<vmem>> -> memref<1x16x128xf32, #tpu.memory_space<vmem>>
      %dma_wait3A_645 = tpu.memref_squeeze %dma_wait3A_644 : memref<1x16x128xf32, #tpu.memory_space<vmem>> -> memref<16x128xf32, #tpu.memory_space<vmem>>
      %dma_wait3A_646 = arith.constant 0 : i32
      %dma_wait3A_647 = tpu.memref_slice %arg2[%add3A_198, %dma_wait3A_646] : memref<25600x128xf32, #tpu.memory_space<hbm>> -> memref<16x128xf32, #tpu.memory_space<hbm>>
      %dma_wait3A_648 = arith.constant 0 : i32
      %dma_wait3A_649 = arith.constant 0 : i32
      %dma_wait3A_650 = tpu.memref_slice %arg8[%run_scoped3A_199, %dma_wait3A_648, %dma_wait3A_649] : memref<2x64x128xf32, #tpu.memory_space<vmem>> -> memref<1x16x128xf32, #tpu.memory_space<vmem>>
      %dma_wait3A_651 = tpu.memref_squeeze %dma_wait3A_650 : memref<1x16x128xf32, #tpu.memory_space<vmem>> -> memref<16x128xf32, #tpu.memory_space<vmem>>
      %dma_wait3A_652 = arith.constant 0 : i32
      %dma_wait3A_653 = tpu.memref_slice %arg2[%add3A_198, %dma_wait3A_652] : memref<25600x128xf32, #tpu.memory_space<hbm>> -> memref<16x128xf32, #tpu.memory_space<hbm>>
      tpu.wait_dma2 semaphore(%run_scoped3A_629 : memref<!tpu.dma_semaphore, #tpu.memory_space<semaphore_mem>>) src(%dma_wait3A_653 : memref<16x128xf32, #tpu.memory_space<hbm>>) dst(%dma_wait3A_651 : memref<16x128xf32, #tpu.memory_space<vmem>>)
      tpu.yield
    }) : () -> ()
    %mul3A_200 = arith.constant 800 : i32
    %mul3A_201 = arith.muli %arg1, %mul3A_200 : i32
    %add3A_202 = arith.constant 560 : i32
    %add3A_203 = arith.addi %mul3A_201, %add3A_202 : i32
    %add3A_204 = arith.constant 64 : i32
    %add3A_205 = arith.addi %add3A_203, %add3A_204 : i32
    %run_scoped3A_206 = arith.constant 1 : i32
    "tpu.region"() ({
      %run_scoped3A_629 = tpu.sem_alloc : memref<!tpu.dma_semaphore, #tpu.memory_space<semaphore_mem>>
      %dma_start3A_630 = arith.constant 0 : i32
      %dma_start3A_631 = arith.constant 0 : i32
      %dma_start3A_632 = tpu.memref_slice %arg8[%run_scoped3A_206, %dma_start3A_630, %dma_start3A_631] : memref<2x64x128xf32, #tpu.memory_space<vmem>> -> memref<1x16x128xf32, #tpu.memory_space<vmem>>
      %dma_start3A_633 = tpu.memref_squeeze %dma_start3A_632 : memref<1x16x128xf32, #tpu.memory_space<vmem>> -> memref<16x128xf32, #tpu.memory_space<vmem>>
      %dma_start3A_634 = arith.constant 0 : i32
      %dma_start3A_635 = tpu.memref_slice %arg11[%add3A_205, %dma_start3A_634] : memref<12832x128xf32, #tpu.memory_space<vmem_shared>> -> memref<16x128xf32, #tpu.memory_space<vmem_shared>>
      %dma_start3A_636 = arith.constant 0 : i32
      %dma_start3A_637 = tpu.memref_slice %arg11[%add3A_205, %dma_start3A_636] : memref<12832x128xf32, #tpu.memory_space<vmem_shared>> -> memref<16x128xf32, #tpu.memory_space<vmem_shared>>
      %dma_start3A_638 = arith.constant 0 : i32
      %dma_start3A_639 = arith.constant 0 : i32
      %dma_start3A_640 = tpu.memref_slice %arg8[%run_scoped3A_206, %dma_start3A_638, %dma_start3A_639] : memref<2x64x128xf32, #tpu.memory_space<vmem>> -> memref<1x16x128xf32, #tpu.memory_space<vmem>>
      %dma_start3A_641 = tpu.memref_squeeze %dma_start3A_640 : memref<1x16x128xf32, #tpu.memory_space<vmem>> -> memref<16x128xf32, #tpu.memory_space<vmem>>
      tpu.enqueue_dma source(%dma_start3A_641 : memref<16x128xf32, #tpu.memory_space<vmem>>) target(%dma_start3A_637 : memref<16x128xf32, #tpu.memory_space<vmem_shared>>) target_semaphore(%run_scoped3A_629 : memref<!tpu.dma_semaphore, #tpu.memory_space<semaphore_mem>>)
      %dma_wait3A_642 = arith.constant 0 : i32
      %dma_wait3A_643 = arith.constant 0 : i32
      %dma_wait3A_644 = tpu.memref_slice %arg8[%run_scoped3A_206, %dma_wait3A_642, %dma_wait3A_643] : memref<2x64x128xf32, #tpu.memory_space<vmem>> -> memref<1x16x128xf32, #tpu.memory_space<vmem>>
      %dma_wait3A_645 = tpu.memref_squeeze %dma_wait3A_644 : memref<1x16x128xf32, #tpu.memory_space<vmem>> -> memref<16x128xf32, #tpu.memory_space<vmem>>
      %dma_wait3A_646 = arith.constant 0 : i32
      %dma_wait3A_647 = tpu.memref_slice %arg11[%add3A_205, %dma_wait3A_646] : memref<12832x128xf32, #tpu.memory_space<vmem_shared>> -> memref<16x128xf32, #tpu.memory_space<vmem_shared>>
      %dma_wait3A_648 = arith.constant 0 : i32
      %dma_wait3A_649 = tpu.memref_slice %arg11[%add3A_205, %dma_wait3A_648] : memref<12832x128xf32, #tpu.memory_space<vmem_shared>> -> memref<16x128xf32, #tpu.memory_space<vmem_shared>>
      %dma_wait3A_650 = arith.constant 0 : i32
      %dma_wait3A_651 = arith.constant 0 : i32
      %dma_wait3A_652 = tpu.memref_slice %arg8[%run_scoped3A_206, %dma_wait3A_650, %dma_wait3A_651] : memref<2x64x128xf32, #tpu.memory_space<vmem>> -> memref<1x16x128xf32, #tpu.memory_space<vmem>>
      %dma_wait3A_653 = tpu.memref_squeeze %dma_wait3A_652 : memref<1x16x128xf32, #tpu.memory_space<vmem>> -> memref<16x128xf32, #tpu.memory_space<vmem>>
      tpu.wait_dma2 semaphore(%run_scoped3A_629 : memref<!tpu.dma_semaphore, #tpu.memory_space<semaphore_mem>>) src(%dma_wait3A_653 : memref<16x128xf32, #tpu.memory_space<vmem>>) dst(%dma_wait3A_649 : memref<16x128xf32, #tpu.memory_space<vmem_shared>>)
      tpu.yield
    }) : () -> ()
    %mul3A_207 = arith.constant 800 : i32
    %mul3A_208 = arith.muli %arg1, %mul3A_207 : i32
    %add3A_209 = arith.addi %mul3A_0, %mul3A_208 : i32
    %add3A_210 = arith.constant 640 : i32
    %add3A_211 = arith.addi %add3A_209, %add3A_210 : i32
    %run_scoped3A_212 = arith.constant 0 : i32
    "tpu.region"() ({
      %run_scoped3A_629 = tpu.sem_alloc : memref<!tpu.dma_semaphore, #tpu.memory_space<semaphore_mem>>
      %dma_start3A_630 = arith.constant 0 : i32
      %dma_start3A_631 = arith.constant 0 : i32
      %dma_start3A_632 = tpu.memref_slice %arg8[%run_scoped3A_212, %dma_start3A_630, %dma_start3A_631] : memref<2x64x128xf32, #tpu.memory_space<vmem>> -> memref<1x64x128xf32, #tpu.memory_space<vmem>>
      %dma_start3A_633 = tpu.memref_squeeze %dma_start3A_632 : memref<1x64x128xf32, #tpu.memory_space<vmem>> -> memref<64x128xf32, #tpu.memory_space<vmem>>
      %dma_start3A_634 = arith.constant 0 : i32
      %dma_start3A_635 = tpu.memref_slice %arg2[%add3A_211, %dma_start3A_634] : memref<25600x128xf32, #tpu.memory_space<hbm>> -> memref<64x128xf32, #tpu.memory_space<hbm>>
      %dma_start3A_636 = arith.constant 0 : i32
      %dma_start3A_637 = arith.constant 0 : i32
      %dma_start3A_638 = tpu.memref_slice %arg8[%run_scoped3A_212, %dma_start3A_636, %dma_start3A_637] : memref<2x64x128xf32, #tpu.memory_space<vmem>> -> memref<1x64x128xf32, #tpu.memory_space<vmem>>
      %dma_start3A_639 = tpu.memref_squeeze %dma_start3A_638 : memref<1x64x128xf32, #tpu.memory_space<vmem>> -> memref<64x128xf32, #tpu.memory_space<vmem>>
      %dma_start3A_640 = arith.constant 0 : i32
      %dma_start3A_641 = tpu.memref_slice %arg2[%add3A_211, %dma_start3A_640] : memref<25600x128xf32, #tpu.memory_space<hbm>> -> memref<64x128xf32, #tpu.memory_space<hbm>>
      tpu.enqueue_dma source(%dma_start3A_641 : memref<64x128xf32, #tpu.memory_space<hbm>>) target(%dma_start3A_639 : memref<64x128xf32, #tpu.memory_space<vmem>>) target_semaphore(%run_scoped3A_629 : memref<!tpu.dma_semaphore, #tpu.memory_space<semaphore_mem>>)
      %dma_wait3A_642 = arith.constant 0 : i32
      %dma_wait3A_643 = arith.constant 0 : i32
      %dma_wait3A_644 = tpu.memref_slice %arg8[%run_scoped3A_212, %dma_wait3A_642, %dma_wait3A_643] : memref<2x64x128xf32, #tpu.memory_space<vmem>> -> memref<1x64x128xf32, #tpu.memory_space<vmem>>
      %dma_wait3A_645 = tpu.memref_squeeze %dma_wait3A_644 : memref<1x64x128xf32, #tpu.memory_space<vmem>> -> memref<64x128xf32, #tpu.memory_space<vmem>>
      %dma_wait3A_646 = arith.constant 0 : i32
      %dma_wait3A_647 = tpu.memref_slice %arg2[%add3A_211, %dma_wait3A_646] : memref<25600x128xf32, #tpu.memory_space<hbm>> -> memref<64x128xf32, #tpu.memory_space<hbm>>
      %dma_wait3A_648 = arith.constant 0 : i32
      %dma_wait3A_649 = arith.constant 0 : i32
      %dma_wait3A_650 = tpu.memref_slice %arg8[%run_scoped3A_212, %dma_wait3A_648, %dma_wait3A_649] : memref<2x64x128xf32, #tpu.memory_space<vmem>> -> memref<1x64x128xf32, #tpu.memory_space<vmem>>
      %dma_wait3A_651 = tpu.memref_squeeze %dma_wait3A_650 : memref<1x64x128xf32, #tpu.memory_space<vmem>> -> memref<64x128xf32, #tpu.memory_space<vmem>>
      %dma_wait3A_652 = arith.constant 0 : i32
      %dma_wait3A_653 = tpu.memref_slice %arg2[%add3A_211, %dma_wait3A_652] : memref<25600x128xf32, #tpu.memory_space<hbm>> -> memref<64x128xf32, #tpu.memory_space<hbm>>
      tpu.wait_dma2 semaphore(%run_scoped3A_629 : memref<!tpu.dma_semaphore, #tpu.memory_space<semaphore_mem>>) src(%dma_wait3A_653 : memref<64x128xf32, #tpu.memory_space<hbm>>) dst(%dma_wait3A_651 : memref<64x128xf32, #tpu.memory_space<vmem>>)
      tpu.yield
    }) : () -> ()
    %mul3A_213 = arith.constant 800 : i32
    %mul3A_214 = arith.muli %arg1, %mul3A_213 : i32
    %add3A_215 = arith.constant 640 : i32
    %add3A_216 = arith.addi %mul3A_214, %add3A_215 : i32
    %run_scoped3A_217 = arith.constant 0 : i32
    "tpu.region"() ({
      %run_scoped3A_629 = tpu.sem_alloc : memref<!tpu.dma_semaphore, #tpu.memory_space<semaphore_mem>>
      %dma_start3A_630 = arith.constant 0 : i32
      %dma_start3A_631 = arith.constant 0 : i32
      %dma_start3A_632 = tpu.memref_slice %arg8[%run_scoped3A_217, %dma_start3A_630, %dma_start3A_631] : memref<2x64x128xf32, #tpu.memory_space<vmem>> -> memref<1x64x128xf32, #tpu.memory_space<vmem>>
      %dma_start3A_633 = tpu.memref_squeeze %dma_start3A_632 : memref<1x64x128xf32, #tpu.memory_space<vmem>> -> memref<64x128xf32, #tpu.memory_space<vmem>>
      %dma_start3A_634 = arith.constant 0 : i32
      %dma_start3A_635 = tpu.memref_slice %arg11[%add3A_216, %dma_start3A_634] : memref<12832x128xf32, #tpu.memory_space<vmem_shared>> -> memref<64x128xf32, #tpu.memory_space<vmem_shared>>
      %dma_start3A_636 = arith.constant 0 : i32
      %dma_start3A_637 = tpu.memref_slice %arg11[%add3A_216, %dma_start3A_636] : memref<12832x128xf32, #tpu.memory_space<vmem_shared>> -> memref<64x128xf32, #tpu.memory_space<vmem_shared>>
      %dma_start3A_638 = arith.constant 0 : i32
      %dma_start3A_639 = arith.constant 0 : i32
      %dma_start3A_640 = tpu.memref_slice %arg8[%run_scoped3A_217, %dma_start3A_638, %dma_start3A_639] : memref<2x64x128xf32, #tpu.memory_space<vmem>> -> memref<1x64x128xf32, #tpu.memory_space<vmem>>
      %dma_start3A_641 = tpu.memref_squeeze %dma_start3A_640 : memref<1x64x128xf32, #tpu.memory_space<vmem>> -> memref<64x128xf32, #tpu.memory_space<vmem>>
      tpu.enqueue_dma source(%dma_start3A_641 : memref<64x128xf32, #tpu.memory_space<vmem>>) target(%dma_start3A_637 : memref<64x128xf32, #tpu.memory_space<vmem_shared>>) target_semaphore(%run_scoped3A_629 : memref<!tpu.dma_semaphore, #tpu.memory_space<semaphore_mem>>)
      %dma_wait3A_642 = arith.constant 0 : i32
      %dma_wait3A_643 = arith.constant 0 : i32
      %dma_wait3A_644 = tpu.memref_slice %arg8[%run_scoped3A_217, %dma_wait3A_642, %dma_wait3A_643] : memref<2x64x128xf32, #tpu.memory_space<vmem>> -> memref<1x64x128xf32, #tpu.memory_space<vmem>>
      %dma_wait3A_645 = tpu.memref_squeeze %dma_wait3A_644 : memref<1x64x128xf32, #tpu.memory_space<vmem>> -> memref<64x128xf32, #tpu.memory_space<vmem>>
      %dma_wait3A_646 = arith.constant 0 : i32
      %dma_wait3A_647 = tpu.memref_slice %arg11[%add3A_216, %dma_wait3A_646] : memref<12832x128xf32, #tpu.memory_space<vmem_shared>> -> memref<64x128xf32, #tpu.memory_space<vmem_shared>>
      %dma_wait3A_648 = arith.constant 0 : i32
      %dma_wait3A_649 = tpu.memref_slice %arg11[%add3A_216, %dma_wait3A_648] : memref<12832x128xf32, #tpu.memory_space<vmem_shared>> -> memref<64x128xf32, #tpu.memory_space<vmem_shared>>
      %dma_wait3A_650 = arith.constant 0 : i32
      %dma_wait3A_651 = arith.constant 0 : i32
      %dma_wait3A_652 = tpu.memref_slice %arg8[%run_scoped3A_217, %dma_wait3A_650, %dma_wait3A_651] : memref<2x64x128xf32, #tpu.memory_space<vmem>> -> memref<1x64x128xf32, #tpu.memory_space<vmem>>
      %dma_wait3A_653 = tpu.memref_squeeze %dma_wait3A_652 : memref<1x64x128xf32, #tpu.memory_space<vmem>> -> memref<64x128xf32, #tpu.memory_space<vmem>>
      tpu.wait_dma2 semaphore(%run_scoped3A_629 : memref<!tpu.dma_semaphore, #tpu.memory_space<semaphore_mem>>) src(%dma_wait3A_653 : memref<64x128xf32, #tpu.memory_space<vmem>>) dst(%dma_wait3A_649 : memref<64x128xf32, #tpu.memory_space<vmem_shared>>)
      tpu.yield
    }) : () -> ()
    %mul3A_218 = arith.constant 800 : i32
    %mul3A_219 = arith.muli %arg1, %mul3A_218 : i32
    %add3A_220 = arith.addi %mul3A_0, %mul3A_219 : i32
    %add3A_221 = arith.constant 640 : i32
    %add3A_222 = arith.addi %add3A_220, %add3A_221 : i32
    %add3A_223 = arith.constant 64 : i32
    %add3A_224 = arith.addi %add3A_222, %add3A_223 : i32
    %run_scoped3A_225 = arith.constant 1 : i32
    "tpu.region"() ({
      %run_scoped3A_629 = tpu.sem_alloc : memref<!tpu.dma_semaphore, #tpu.memory_space<semaphore_mem>>
      %dma_start3A_630 = arith.constant 0 : i32
      %dma_start3A_631 = arith.constant 0 : i32
      %dma_start3A_632 = tpu.memref_slice %arg8[%run_scoped3A_225, %dma_start3A_630, %dma_start3A_631] : memref<2x64x128xf32, #tpu.memory_space<vmem>> -> memref<1x16x128xf32, #tpu.memory_space<vmem>>
      %dma_start3A_633 = tpu.memref_squeeze %dma_start3A_632 : memref<1x16x128xf32, #tpu.memory_space<vmem>> -> memref<16x128xf32, #tpu.memory_space<vmem>>
      %dma_start3A_634 = arith.constant 0 : i32
      %dma_start3A_635 = tpu.memref_slice %arg2[%add3A_224, %dma_start3A_634] : memref<25600x128xf32, #tpu.memory_space<hbm>> -> memref<16x128xf32, #tpu.memory_space<hbm>>
      %dma_start3A_636 = arith.constant 0 : i32
      %dma_start3A_637 = arith.constant 0 : i32
      %dma_start3A_638 = tpu.memref_slice %arg8[%run_scoped3A_225, %dma_start3A_636, %dma_start3A_637] : memref<2x64x128xf32, #tpu.memory_space<vmem>> -> memref<1x16x128xf32, #tpu.memory_space<vmem>>
      %dma_start3A_639 = tpu.memref_squeeze %dma_start3A_638 : memref<1x16x128xf32, #tpu.memory_space<vmem>> -> memref<16x128xf32, #tpu.memory_space<vmem>>
      %dma_start3A_640 = arith.constant 0 : i32
      %dma_start3A_641 = tpu.memref_slice %arg2[%add3A_224, %dma_start3A_640] : memref<25600x128xf32, #tpu.memory_space<hbm>> -> memref<16x128xf32, #tpu.memory_space<hbm>>
      tpu.enqueue_dma source(%dma_start3A_641 : memref<16x128xf32, #tpu.memory_space<hbm>>) target(%dma_start3A_639 : memref<16x128xf32, #tpu.memory_space<vmem>>) target_semaphore(%run_scoped3A_629 : memref<!tpu.dma_semaphore, #tpu.memory_space<semaphore_mem>>)
      %dma_wait3A_642 = arith.constant 0 : i32
      %dma_wait3A_643 = arith.constant 0 : i32
      %dma_wait3A_644 = tpu.memref_slice %arg8[%run_scoped3A_225, %dma_wait3A_642, %dma_wait3A_643] : memref<2x64x128xf32, #tpu.memory_space<vmem>> -> memref<1x16x128xf32, #tpu.memory_space<vmem>>
      %dma_wait3A_645 = tpu.memref_squeeze %dma_wait3A_644 : memref<1x16x128xf32, #tpu.memory_space<vmem>> -> memref<16x128xf32, #tpu.memory_space<vmem>>
      %dma_wait3A_646 = arith.constant 0 : i32
      %dma_wait3A_647 = tpu.memref_slice %arg2[%add3A_224, %dma_wait3A_646] : memref<25600x128xf32, #tpu.memory_space<hbm>> -> memref<16x128xf32, #tpu.memory_space<hbm>>
      %dma_wait3A_648 = arith.constant 0 : i32
      %dma_wait3A_649 = arith.constant 0 : i32
      %dma_wait3A_650 = tpu.memref_slice %arg8[%run_scoped3A_225, %dma_wait3A_648, %dma_wait3A_649] : memref<2x64x128xf32, #tpu.memory_space<vmem>> -> memref<1x16x128xf32, #tpu.memory_space<vmem>>
      %dma_wait3A_651 = tpu.memref_squeeze %dma_wait3A_650 : memref<1x16x128xf32, #tpu.memory_space<vmem>> -> memref<16x128xf32, #tpu.memory_space<vmem>>
      %dma_wait3A_652 = arith.constant 0 : i32
      %dma_wait3A_653 = tpu.memref_slice %arg2[%add3A_224, %dma_wait3A_652] : memref<25600x128xf32, #tpu.memory_space<hbm>> -> memref<16x128xf32, #tpu.memory_space<hbm>>
      tpu.wait_dma2 semaphore(%run_scoped3A_629 : memref<!tpu.dma_semaphore, #tpu.memory_space<semaphore_mem>>) src(%dma_wait3A_653 : memref<16x128xf32, #tpu.memory_space<hbm>>) dst(%dma_wait3A_651 : memref<16x128xf32, #tpu.memory_space<vmem>>)
      tpu.yield
    }) : () -> ()
    %mul3A_226 = arith.constant 800 : i32
    %mul3A_227 = arith.muli %arg1, %mul3A_226 : i32
    %add3A_228 = arith.constant 640 : i32
    %add3A_229 = arith.addi %mul3A_227, %add3A_228 : i32
    %add3A_230 = arith.constant 64 : i32
    %add3A_231 = arith.addi %add3A_229, %add3A_230 : i32
    %run_scoped3A_232 = arith.constant 1 : i32
    "tpu.region"() ({
      %run_scoped3A_629 = tpu.sem_alloc : memref<!tpu.dma_semaphore, #tpu.memory_space<semaphore_mem>>
      %dma_start3A_630 = arith.constant 0 : i32
      %dma_start3A_631 = arith.constant 0 : i32
      %dma_start3A_632 = tpu.memref_slice %arg8[%run_scoped3A_232, %dma_start3A_630, %dma_start3A_631] : memref<2x64x128xf32, #tpu.memory_space<vmem>> -> memref<1x16x128xf32, #tpu.memory_space<vmem>>
      %dma_start3A_633 = tpu.memref_squeeze %dma_start3A_632 : memref<1x16x128xf32, #tpu.memory_space<vmem>> -> memref<16x128xf32, #tpu.memory_space<vmem>>
      %dma_start3A_634 = arith.constant 0 : i32
      %dma_start3A_635 = tpu.memref_slice %arg11[%add3A_231, %dma_start3A_634] : memref<12832x128xf32, #tpu.memory_space<vmem_shared>> -> memref<16x128xf32, #tpu.memory_space<vmem_shared>>
      %dma_start3A_636 = arith.constant 0 : i32
      %dma_start3A_637 = tpu.memref_slice %arg11[%add3A_231, %dma_start3A_636] : memref<12832x128xf32, #tpu.memory_space<vmem_shared>> -> memref<16x128xf32, #tpu.memory_space<vmem_shared>>
      %dma_start3A_638 = arith.constant 0 : i32
      %dma_start3A_639 = arith.constant 0 : i32
      %dma_start3A_640 = tpu.memref_slice %arg8[%run_scoped3A_232, %dma_start3A_638, %dma_start3A_639] : memref<2x64x128xf32, #tpu.memory_space<vmem>> -> memref<1x16x128xf32, #tpu.memory_space<vmem>>
      %dma_start3A_641 = tpu.memref_squeeze %dma_start3A_640 : memref<1x16x128xf32, #tpu.memory_space<vmem>> -> memref<16x128xf32, #tpu.memory_space<vmem>>
      tpu.enqueue_dma source(%dma_start3A_641 : memref<16x128xf32, #tpu.memory_space<vmem>>) target(%dma_start3A_637 : memref<16x128xf32, #tpu.memory_space<vmem_shared>>) target_semaphore(%run_scoped3A_629 : memref<!tpu.dma_semaphore, #tpu.memory_space<semaphore_mem>>)
      %dma_wait3A_642 = arith.constant 0 : i32
      %dma_wait3A_643 = arith.constant 0 : i32
      %dma_wait3A_644 = tpu.memref_slice %arg8[%run_scoped3A_232, %dma_wait3A_642, %dma_wait3A_643] : memref<2x64x128xf32, #tpu.memory_space<vmem>> -> memref<1x16x128xf32, #tpu.memory_space<vmem>>
      %dma_wait3A_645 = tpu.memref_squeeze %dma_wait3A_644 : memref<1x16x128xf32, #tpu.memory_space<vmem>> -> memref<16x128xf32, #tpu.memory_space<vmem>>
      %dma_wait3A_646 = arith.constant 0 : i32
      %dma_wait3A_647 = tpu.memref_slice %arg11[%add3A_231, %dma_wait3A_646] : memref<12832x128xf32, #tpu.memory_space<vmem_shared>> -> memref<16x128xf32, #tpu.memory_space<vmem_shared>>
      %dma_wait3A_648 = arith.constant 0 : i32
      %dma_wait3A_649 = tpu.memref_slice %arg11[%add3A_231, %dma_wait3A_648] : memref<12832x128xf32, #tpu.memory_space<vmem_shared>> -> memref<16x128xf32, #tpu.memory_space<vmem_shared>>
      %dma_wait3A_650 = arith.constant 0 : i32
      %dma_wait3A_651 = arith.constant 0 : i32
      %dma_wait3A_652 = tpu.memref_slice %arg8[%run_scoped3A_232, %dma_wait3A_650, %dma_wait3A_651] : memref<2x64x128xf32, #tpu.memory_space<vmem>> -> memref<1x16x128xf32, #tpu.memory_space<vmem>>
      %dma_wait3A_653 = tpu.memref_squeeze %dma_wait3A_652 : memref<1x16x128xf32, #tpu.memory_space<vmem>> -> memref<16x128xf32, #tpu.memory_space<vmem>>
      tpu.wait_dma2 semaphore(%run_scoped3A_629 : memref<!tpu.dma_semaphore, #tpu.memory_space<semaphore_mem>>) src(%dma_wait3A_653 : memref<16x128xf32, #tpu.memory_space<vmem>>) dst(%dma_wait3A_649 : memref<16x128xf32, #tpu.memory_space<vmem_shared>>)
      tpu.yield
    }) : () -> ()
    %mul3A_233 = arith.constant 800 : i32
    %mul3A_234 = arith.muli %arg1, %mul3A_233 : i32
    %add3A_235 = arith.addi %mul3A_0, %mul3A_234 : i32
    %add3A_236 = arith.constant 720 : i32
    %add3A_237 = arith.addi %add3A_235, %add3A_236 : i32
    %run_scoped3A_238 = arith.constant 0 : i32
    "tpu.region"() ({
      %run_scoped3A_629 = tpu.sem_alloc : memref<!tpu.dma_semaphore, #tpu.memory_space<semaphore_mem>>
      %dma_start3A_630 = arith.constant 0 : i32
      %dma_start3A_631 = arith.constant 0 : i32
      %dma_start3A_632 = tpu.memref_slice %arg8[%run_scoped3A_238, %dma_start3A_630, %dma_start3A_631] : memref<2x64x128xf32, #tpu.memory_space<vmem>> -> memref<1x64x128xf32, #tpu.memory_space<vmem>>
      %dma_start3A_633 = tpu.memref_squeeze %dma_start3A_632 : memref<1x64x128xf32, #tpu.memory_space<vmem>> -> memref<64x128xf32, #tpu.memory_space<vmem>>
      %dma_start3A_634 = arith.constant 0 : i32
      %dma_start3A_635 = tpu.memref_slice %arg2[%add3A_237, %dma_start3A_634] : memref<25600x128xf32, #tpu.memory_space<hbm>> -> memref<64x128xf32, #tpu.memory_space<hbm>>
      %dma_start3A_636 = arith.constant 0 : i32
      %dma_start3A_637 = arith.constant 0 : i32
      %dma_start3A_638 = tpu.memref_slice %arg8[%run_scoped3A_238, %dma_start3A_636, %dma_start3A_637] : memref<2x64x128xf32, #tpu.memory_space<vmem>> -> memref<1x64x128xf32, #tpu.memory_space<vmem>>
      %dma_start3A_639 = tpu.memref_squeeze %dma_start3A_638 : memref<1x64x128xf32, #tpu.memory_space<vmem>> -> memref<64x128xf32, #tpu.memory_space<vmem>>
      %dma_start3A_640 = arith.constant 0 : i32
      %dma_start3A_641 = tpu.memref_slice %arg2[%add3A_237, %dma_start3A_640] : memref<25600x128xf32, #tpu.memory_space<hbm>> -> memref<64x128xf32, #tpu.memory_space<hbm>>
      tpu.enqueue_dma source(%dma_start3A_641 : memref<64x128xf32, #tpu.memory_space<hbm>>) target(%dma_start3A_639 : memref<64x128xf32, #tpu.memory_space<vmem>>) target_semaphore(%run_scoped3A_629 : memref<!tpu.dma_semaphore, #tpu.memory_space<semaphore_mem>>)
      %dma_wait3A_642 = arith.constant 0 : i32
      %dma_wait3A_643 = arith.constant 0 : i32
      %dma_wait3A_644 = tpu.memref_slice %arg8[%run_scoped3A_238, %dma_wait3A_642, %dma_wait3A_643] : memref<2x64x128xf32, #tpu.memory_space<vmem>> -> memref<1x64x128xf32, #tpu.memory_space<vmem>>
      %dma_wait3A_645 = tpu.memref_squeeze %dma_wait3A_644 : memref<1x64x128xf32, #tpu.memory_space<vmem>> -> memref<64x128xf32, #tpu.memory_space<vmem>>
      %dma_wait3A_646 = arith.constant 0 : i32
      %dma_wait3A_647 = tpu.memref_slice %arg2[%add3A_237, %dma_wait3A_646] : memref<25600x128xf32, #tpu.memory_space<hbm>> -> memref<64x128xf32, #tpu.memory_space<hbm>>
      %dma_wait3A_648 = arith.constant 0 : i32
      %dma_wait3A_649 = arith.constant 0 : i32
      %dma_wait3A_650 = tpu.memref_slice %arg8[%run_scoped3A_238, %dma_wait3A_648, %dma_wait3A_649] : memref<2x64x128xf32, #tpu.memory_space<vmem>> -> memref<1x64x128xf32, #tpu.memory_space<vmem>>
      %dma_wait3A_651 = tpu.memref_squeeze %dma_wait3A_650 : memref<1x64x128xf32, #tpu.memory_space<vmem>> -> memref<64x128xf32, #tpu.memory_space<vmem>>
      %dma_wait3A_652 = arith.constant 0 : i32
      %dma_wait3A_653 = tpu.memref_slice %arg2[%add3A_237, %dma_wait3A_652] : memref<25600x128xf32, #tpu.memory_space<hbm>> -> memref<64x128xf32, #tpu.memory_space<hbm>>
      tpu.wait_dma2 semaphore(%run_scoped3A_629 : memref<!tpu.dma_semaphore, #tpu.memory_space<semaphore_mem>>) src(%dma_wait3A_653 : memref<64x128xf32, #tpu.memory_space<hbm>>) dst(%dma_wait3A_651 : memref<64x128xf32, #tpu.memory_space<vmem>>)
      tpu.yield
    }) : () -> ()
    %mul3A_239 = arith.constant 800 : i32
    %mul3A_240 = arith.muli %arg1, %mul3A_239 : i32
    %add3A_241 = arith.constant 720 : i32
    %add3A_242 = arith.addi %mul3A_240, %add3A_241 : i32
    %run_scoped3A_243 = arith.constant 0 : i32
    "tpu.region"() ({
      %run_scoped3A_629 = tpu.sem_alloc : memref<!tpu.dma_semaphore, #tpu.memory_space<semaphore_mem>>
      %dma_start3A_630 = arith.constant 0 : i32
      %dma_start3A_631 = arith.constant 0 : i32
      %dma_start3A_632 = tpu.memref_slice %arg8[%run_scoped3A_243, %dma_start3A_630, %dma_start3A_631] : memref<2x64x128xf32, #tpu.memory_space<vmem>> -> memref<1x64x128xf32, #tpu.memory_space<vmem>>
      %dma_start3A_633 = tpu.memref_squeeze %dma_start3A_632 : memref<1x64x128xf32, #tpu.memory_space<vmem>> -> memref<64x128xf32, #tpu.memory_space<vmem>>
      %dma_start3A_634 = arith.constant 0 : i32
      %dma_start3A_635 = tpu.memref_slice %arg11[%add3A_242, %dma_start3A_634] : memref<12832x128xf32, #tpu.memory_space<vmem_shared>> -> memref<64x128xf32, #tpu.memory_space<vmem_shared>>
      %dma_start3A_636 = arith.constant 0 : i32
      %dma_start3A_637 = tpu.memref_slice %arg11[%add3A_242, %dma_start3A_636] : memref<12832x128xf32, #tpu.memory_space<vmem_shared>> -> memref<64x128xf32, #tpu.memory_space<vmem_shared>>
      %dma_start3A_638 = arith.constant 0 : i32
      %dma_start3A_639 = arith.constant 0 : i32
      %dma_start3A_640 = tpu.memref_slice %arg8[%run_scoped3A_243, %dma_start3A_638, %dma_start3A_639] : memref<2x64x128xf32, #tpu.memory_space<vmem>> -> memref<1x64x128xf32, #tpu.memory_space<vmem>>
      %dma_start3A_641 = tpu.memref_squeeze %dma_start3A_640 : memref<1x64x128xf32, #tpu.memory_space<vmem>> -> memref<64x128xf32, #tpu.memory_space<vmem>>
      tpu.enqueue_dma source(%dma_start3A_641 : memref<64x128xf32, #tpu.memory_space<vmem>>) target(%dma_start3A_637 : memref<64x128xf32, #tpu.memory_space<vmem_shared>>) target_semaphore(%run_scoped3A_629 : memref<!tpu.dma_semaphore, #tpu.memory_space<semaphore_mem>>)
      %dma_wait3A_642 = arith.constant 0 : i32
      %dma_wait3A_643 = arith.constant 0 : i32
      %dma_wait3A_644 = tpu.memref_slice %arg8[%run_scoped3A_243, %dma_wait3A_642, %dma_wait3A_643] : memref<2x64x128xf32, #tpu.memory_space<vmem>> -> memref<1x64x128xf32, #tpu.memory_space<vmem>>
      %dma_wait3A_645 = tpu.memref_squeeze %dma_wait3A_644 : memref<1x64x128xf32, #tpu.memory_space<vmem>> -> memref<64x128xf32, #tpu.memory_space<vmem>>
      %dma_wait3A_646 = arith.constant 0 : i32
      %dma_wait3A_647 = tpu.memref_slice %arg11[%add3A_242, %dma_wait3A_646] : memref<12832x128xf32, #tpu.memory_space<vmem_shared>> -> memref<64x128xf32, #tpu.memory_space<vmem_shared>>
      %dma_wait3A_648 = arith.constant 0 : i32
      %dma_wait3A_649 = tpu.memref_slice %arg11[%add3A_242, %dma_wait3A_648] : memref<12832x128xf32, #tpu.memory_space<vmem_shared>> -> memref<64x128xf32, #tpu.memory_space<vmem_shared>>
      %dma_wait3A_650 = arith.constant 0 : i32
      %dma_wait3A_651 = arith.constant 0 : i32
      %dma_wait3A_652 = tpu.memref_slice %arg8[%run_scoped3A_243, %dma_wait3A_650, %dma_wait3A_651] : memref<2x64x128xf32, #tpu.memory_space<vmem>> -> memref<1x64x128xf32, #tpu.memory_space<vmem>>
      %dma_wait3A_653 = tpu.memref_squeeze %dma_wait3A_652 : memref<1x64x128xf32, #tpu.memory_space<vmem>> -> memref<64x128xf32, #tpu.memory_space<vmem>>
      tpu.wait_dma2 semaphore(%run_scoped3A_629 : memref<!tpu.dma_semaphore, #tpu.memory_space<semaphore_mem>>) src(%dma_wait3A_653 : memref<64x128xf32, #tpu.memory_space<vmem>>) dst(%dma_wait3A_649 : memref<64x128xf32, #tpu.memory_space<vmem_shared>>)
      tpu.yield
    }) : () -> ()
    %mul3A_244 = arith.constant 800 : i32
    %mul3A_245 = arith.muli %arg1, %mul3A_244 : i32
    %add3A_246 = arith.addi %mul3A_0, %mul3A_245 : i32
    %add3A_247 = arith.constant 720 : i32
    %add3A_248 = arith.addi %add3A_246, %add3A_247 : i32
    %add3A_249 = arith.constant 64 : i32
    %add3A_250 = arith.addi %add3A_248, %add3A_249 : i32
    %run_scoped3A_251 = arith.constant 1 : i32
    "tpu.region"() ({
      %run_scoped3A_629 = tpu.sem_alloc : memref<!tpu.dma_semaphore, #tpu.memory_space<semaphore_mem>>
      %dma_start3A_630 = arith.constant 0 : i32
      %dma_start3A_631 = arith.constant 0 : i32
      %dma_start3A_632 = tpu.memref_slice %arg8[%run_scoped3A_251, %dma_start3A_630, %dma_start3A_631] : memref<2x64x128xf32, #tpu.memory_space<vmem>> -> memref<1x16x128xf32, #tpu.memory_space<vmem>>
      %dma_start3A_633 = tpu.memref_squeeze %dma_start3A_632 : memref<1x16x128xf32, #tpu.memory_space<vmem>> -> memref<16x128xf32, #tpu.memory_space<vmem>>
      %dma_start3A_634 = arith.constant 0 : i32
      %dma_start3A_635 = tpu.memref_slice %arg2[%add3A_250, %dma_start3A_634] : memref<25600x128xf32, #tpu.memory_space<hbm>> -> memref<16x128xf32, #tpu.memory_space<hbm>>
      %dma_start3A_636 = arith.constant 0 : i32
      %dma_start3A_637 = arith.constant 0 : i32
      %dma_start3A_638 = tpu.memref_slice %arg8[%run_scoped3A_251, %dma_start3A_636, %dma_start3A_637] : memref<2x64x128xf32, #tpu.memory_space<vmem>> -> memref<1x16x128xf32, #tpu.memory_space<vmem>>
      %dma_start3A_639 = tpu.memref_squeeze %dma_start3A_638 : memref<1x16x128xf32, #tpu.memory_space<vmem>> -> memref<16x128xf32, #tpu.memory_space<vmem>>
      %dma_start3A_640 = arith.constant 0 : i32
      %dma_start3A_641 = tpu.memref_slice %arg2[%add3A_250, %dma_start3A_640] : memref<25600x128xf32, #tpu.memory_space<hbm>> -> memref<16x128xf32, #tpu.memory_space<hbm>>
      tpu.enqueue_dma source(%dma_start3A_641 : memref<16x128xf32, #tpu.memory_space<hbm>>) target(%dma_start3A_639 : memref<16x128xf32, #tpu.memory_space<vmem>>) target_semaphore(%run_scoped3A_629 : memref<!tpu.dma_semaphore, #tpu.memory_space<semaphore_mem>>)
      %dma_wait3A_642 = arith.constant 0 : i32
      %dma_wait3A_643 = arith.constant 0 : i32
      %dma_wait3A_644 = tpu.memref_slice %arg8[%run_scoped3A_251, %dma_wait3A_642, %dma_wait3A_643] : memref<2x64x128xf32, #tpu.memory_space<vmem>> -> memref<1x16x128xf32, #tpu.memory_space<vmem>>
      %dma_wait3A_645 = tpu.memref_squeeze %dma_wait3A_644 : memref<1x16x128xf32, #tpu.memory_space<vmem>> -> memref<16x128xf32, #tpu.memory_space<vmem>>
      %dma_wait3A_646 = arith.constant 0 : i32
      %dma_wait3A_647 = tpu.memref_slice %arg2[%add3A_250, %dma_wait3A_646] : memref<25600x128xf32, #tpu.memory_space<hbm>> -> memref<16x128xf32, #tpu.memory_space<hbm>>
      %dma_wait3A_648 = arith.constant 0 : i32
      %dma_wait3A_649 = arith.constant 0 : i32
      %dma_wait3A_650 = tpu.memref_slice %arg8[%run_scoped3A_251, %dma_wait3A_648, %dma_wait3A_649] : memref<2x64x128xf32, #tpu.memory_space<vmem>> -> memref<1x16x128xf32, #tpu.memory_space<vmem>>
      %dma_wait3A_651 = tpu.memref_squeeze %dma_wait3A_650 : memref<1x16x128xf32, #tpu.memory_space<vmem>> -> memref<16x128xf32, #tpu.memory_space<vmem>>
      %dma_wait3A_652 = arith.constant 0 : i32
      %dma_wait3A_653 = tpu.memref_slice %arg2[%add3A_250, %dma_wait3A_652] : memref<25600x128xf32, #tpu.memory_space<hbm>> -> memref<16x128xf32, #tpu.memory_space<hbm>>
      tpu.wait_dma2 semaphore(%run_scoped3A_629 : memref<!tpu.dma_semaphore, #tpu.memory_space<semaphore_mem>>) src(%dma_wait3A_653 : memref<16x128xf32, #tpu.memory_space<hbm>>) dst(%dma_wait3A_651 : memref<16x128xf32, #tpu.memory_space<vmem>>)
      tpu.yield
    }) : () -> ()
    %mul3A_252 = arith.constant 800 : i32
    %mul3A_253 = arith.muli %arg1, %mul3A_252 : i32
    %add3A_254 = arith.constant 720 : i32
    %add3A_255 = arith.addi %mul3A_253, %add3A_254 : i32
    %add3A_256 = arith.constant 64 : i32
    %add3A_257 = arith.addi %add3A_255, %add3A_256 : i32
    %run_scoped3A_258 = arith.constant 1 : i32
    "tpu.region"() ({
      %run_scoped3A_629 = tpu.sem_alloc : memref<!tpu.dma_semaphore, #tpu.memory_space<semaphore_mem>>
      %dma_start3A_630 = arith.constant 0 : i32
      %dma_start3A_631 = arith.constant 0 : i32
      %dma_start3A_632 = tpu.memref_slice %arg8[%run_scoped3A_258, %dma_start3A_630, %dma_start3A_631] : memref<2x64x128xf32, #tpu.memory_space<vmem>> -> memref<1x16x128xf32, #tpu.memory_space<vmem>>
      %dma_start3A_633 = tpu.memref_squeeze %dma_start3A_632 : memref<1x16x128xf32, #tpu.memory_space<vmem>> -> memref<16x128xf32, #tpu.memory_space<vmem>>
      %dma_start3A_634 = arith.constant 0 : i32
      %dma_start3A_635 = tpu.memref_slice %arg11[%add3A_257, %dma_start3A_634] : memref<12832x128xf32, #tpu.memory_space<vmem_shared>> -> memref<16x128xf32, #tpu.memory_space<vmem_shared>>
      %dma_start3A_636 = arith.constant 0 : i32
      %dma_start3A_637 = tpu.memref_slice %arg11[%add3A_257, %dma_start3A_636] : memref<12832x128xf32, #tpu.memory_space<vmem_shared>> -> memref<16x128xf32, #tpu.memory_space<vmem_shared>>
      %dma_start3A_638 = arith.constant 0 : i32
      %dma_start3A_639 = arith.constant 0 : i32
      %dma_start3A_640 = tpu.memref_slice %arg8[%run_scoped3A_258, %dma_start3A_638, %dma_start3A_639] : memref<2x64x128xf32, #tpu.memory_space<vmem>> -> memref<1x16x128xf32, #tpu.memory_space<vmem>>
      %dma_start3A_641 = tpu.memref_squeeze %dma_start3A_640 : memref<1x16x128xf32, #tpu.memory_space<vmem>> -> memref<16x128xf32, #tpu.memory_space<vmem>>
      tpu.enqueue_dma source(%dma_start3A_641 : memref<16x128xf32, #tpu.memory_space<vmem>>) target(%dma_start3A_637 : memref<16x128xf32, #tpu.memory_space<vmem_shared>>) target_semaphore(%run_scoped3A_629 : memref<!tpu.dma_semaphore, #tpu.memory_space<semaphore_mem>>)
      %dma_wait3A_642 = arith.constant 0 : i32
      %dma_wait3A_643 = arith.constant 0 : i32
      %dma_wait3A_644 = tpu.memref_slice %arg8[%run_scoped3A_258, %dma_wait3A_642, %dma_wait3A_643] : memref<2x64x128xf32, #tpu.memory_space<vmem>> -> memref<1x16x128xf32, #tpu.memory_space<vmem>>
      %dma_wait3A_645 = tpu.memref_squeeze %dma_wait3A_644 : memref<1x16x128xf32, #tpu.memory_space<vmem>> -> memref<16x128xf32, #tpu.memory_space<vmem>>
      %dma_wait3A_646 = arith.constant 0 : i32
      %dma_wait3A_647 = tpu.memref_slice %arg11[%add3A_257, %dma_wait3A_646] : memref<12832x128xf32, #tpu.memory_space<vmem_shared>> -> memref<16x128xf32, #tpu.memory_space<vmem_shared>>
      %dma_wait3A_648 = arith.constant 0 : i32
      %dma_wait3A_649 = tpu.memref_slice %arg11[%add3A_257, %dma_wait3A_648] : memref<12832x128xf32, #tpu.memory_space<vmem_shared>> -> memref<16x128xf32, #tpu.memory_space<vmem_shared>>
      %dma_wait3A_650 = arith.constant 0 : i32
      %dma_wait3A_651 = arith.constant 0 : i32
      %dma_wait3A_652 = tpu.memref_slice %arg8[%run_scoped3A_258, %dma_wait3A_650, %dma_wait3A_651] : memref<2x64x128xf32, #tpu.memory_space<vmem>> -> memref<1x16x128xf32, #tpu.memory_space<vmem>>
      %dma_wait3A_653 = tpu.memref_squeeze %dma_wait3A_652 : memref<1x16x128xf32, #tpu.memory_space<vmem>> -> memref<16x128xf32, #tpu.memory_space<vmem>>
      tpu.wait_dma2 semaphore(%run_scoped3A_629 : memref<!tpu.dma_semaphore, #tpu.memory_space<semaphore_mem>>) src(%dma_wait3A_653 : memref<16x128xf32, #tpu.memory_space<vmem>>) dst(%dma_wait3A_649 : memref<16x128xf32, #tpu.memory_space<vmem_shared>>)
      tpu.yield
    }) : () -> ()
    %barrier3A = arith.constant 0 : index
    tpu.barrier barrier_id(%barrier3A)
    %dma_start3A = arith.constant 0 : i32
    %dma_start3A_259 = arith.constant 0 : i32
    %dma_start3A_260 = arith.constant 0 : i32
    %dma_start3A_261 = arith.constant 0 : i32
    %dma_start3A_262 = arith.constant 0 : i32
    %dma_start3A_263 = tpu.memref_slice %arg6[%dma_start3A_259, %dma_start3A_261, %dma_start3A_262] : memref<2x16x64xi32, #tpu.memory_space<vmem>> -> memref<1x16x64xi32, #tpu.memory_space<vmem>>
    %dma_start3A_264 = tpu.memref_squeeze %dma_start3A_263 : memref<1x16x64xi32, #tpu.memory_space<vmem>> -> memref<16x64xi32, #tpu.memory_space<vmem>>
    %dma_start3A_265 = arith.constant 0 : i32
    %dma_start3A_266 = arith.constant 0 : i32
    %dma_start3A_267 = tpu.memref_slice %arg3[%arg1, %dma_start3A, %dma_start3A_265, %dma_start3A_266] : memref<16x25x16x64xi32, #tpu.memory_space<hbm>> -> memref<1x1x16x64xi32, #tpu.memory_space<hbm>>
    %dma_start3A_268 = tpu.memref_squeeze %dma_start3A_267 : memref<1x1x16x64xi32, #tpu.memory_space<hbm>> -> memref<16x64xi32, #tpu.memory_space<hbm>>
    %dma_start3A_269 = tpu.memref_slice %arg10[%dma_start3A_260] : memref<2x!tpu.dma_semaphore, #tpu.memory_space<semaphore_mem>> -> memref<1x!tpu.dma_semaphore, #tpu.memory_space<semaphore_mem>>
    %dma_start3A_270 = tpu.memref_squeeze %dma_start3A_269 : memref<1x!tpu.dma_semaphore, #tpu.memory_space<semaphore_mem>> -> memref<!tpu.dma_semaphore, #tpu.memory_space<semaphore_mem>>
    %dma_start3A_271 = arith.constant 0 : i32
    %dma_start3A_272 = arith.constant 0 : i32
    %dma_start3A_273 = tpu.memref_slice %arg6[%dma_start3A_259, %dma_start3A_271, %dma_start3A_272] : memref<2x16x64xi32, #tpu.memory_space<vmem>> -> memref<1x16x64xi32, #tpu.memory_space<vmem>>
    %dma_start3A_274 = tpu.memref_squeeze %dma_start3A_273 : memref<1x16x64xi32, #tpu.memory_space<vmem>> -> memref<16x64xi32, #tpu.memory_space<vmem>>
    %dma_start3A_275 = arith.constant 0 : i32
    %dma_start3A_276 = arith.constant 0 : i32
    %dma_start3A_277 = tpu.memref_slice %arg3[%arg1, %dma_start3A, %dma_start3A_275, %dma_start3A_276] : memref<16x25x16x64xi32, #tpu.memory_space<hbm>> -> memref<1x1x16x64xi32, #tpu.memory_space<hbm>>
    %dma_start3A_278 = tpu.memref_squeeze %dma_start3A_277 : memref<1x1x16x64xi32, #tpu.memory_space<hbm>> -> memref<16x64xi32, #tpu.memory_space<hbm>>
    tpu.enqueue_dma source(%dma_start3A_278 : memref<16x64xi32, #tpu.memory_space<hbm>>) target(%dma_start3A_274 : memref<16x64xi32, #tpu.memory_space<vmem>>) target_semaphore(%dma_start3A_270 : memref<!tpu.dma_semaphore, #tpu.memory_space<semaphore_mem>>)
    %dma_start3A_279 = arith.constant 0 : i32
    %dma_start3A_280 = arith.constant 0 : i32
    %dma_start3A_281 = arith.constant 0 : i32
    %dma_start3A_282 = arith.constant 0 : i32
    %dma_start3A_283 = arith.constant 0 : i32
    %dma_start3A_284 = tpu.memref_slice %arg7[%dma_start3A_280, %dma_start3A_282, %dma_start3A_283] : memref<2x16x64xi32, #tpu.memory_space<vmem>> -> memref<1x16x64xi32, #tpu.memory_space<vmem>>
    %dma_start3A_285 = tpu.memref_squeeze %dma_start3A_284 : memref<1x16x64xi32, #tpu.memory_space<vmem>> -> memref<16x64xi32, #tpu.memory_space<vmem>>
    %dma_start3A_286 = arith.constant 0 : i32
    %dma_start3A_287 = arith.constant 0 : i32
    %dma_start3A_288 = tpu.memref_slice %arg4[%arg1, %dma_start3A_279, %dma_start3A_286, %dma_start3A_287] : memref<16x25x16x64xi32, #tpu.memory_space<hbm>> -> memref<1x1x16x64xi32, #tpu.memory_space<hbm>>
    %dma_start3A_289 = tpu.memref_squeeze %dma_start3A_288 : memref<1x1x16x64xi32, #tpu.memory_space<hbm>> -> memref<16x64xi32, #tpu.memory_space<hbm>>
    %dma_start3A_290 = tpu.memref_slice %arg10[%dma_start3A_281] : memref<2x!tpu.dma_semaphore, #tpu.memory_space<semaphore_mem>> -> memref<1x!tpu.dma_semaphore, #tpu.memory_space<semaphore_mem>>
    %dma_start3A_291 = tpu.memref_squeeze %dma_start3A_290 : memref<1x!tpu.dma_semaphore, #tpu.memory_space<semaphore_mem>> -> memref<!tpu.dma_semaphore, #tpu.memory_space<semaphore_mem>>
    %dma_start3A_292 = arith.constant 0 : i32
    %dma_start3A_293 = arith.constant 0 : i32
    %dma_start3A_294 = tpu.memref_slice %arg7[%dma_start3A_280, %dma_start3A_292, %dma_start3A_293] : memref<2x16x64xi32, #tpu.memory_space<vmem>> -> memref<1x16x64xi32, #tpu.memory_space<vmem>>
    %dma_start3A_295 = tpu.memref_squeeze %dma_start3A_294 : memref<1x16x64xi32, #tpu.memory_space<vmem>> -> memref<16x64xi32, #tpu.memory_space<vmem>>
    %dma_start3A_296 = arith.constant 0 : i32
    %dma_start3A_297 = arith.constant 0 : i32
    %dma_start3A_298 = tpu.memref_slice %arg4[%arg1, %dma_start3A_279, %dma_start3A_296, %dma_start3A_297] : memref<16x25x16x64xi32, #tpu.memory_space<hbm>> -> memref<1x1x16x64xi32, #tpu.memory_space<hbm>>
    %dma_start3A_299 = tpu.memref_squeeze %dma_start3A_298 : memref<1x1x16x64xi32, #tpu.memory_space<hbm>> -> memref<16x64xi32, #tpu.memory_space<hbm>>
    tpu.enqueue_dma source(%dma_start3A_299 : memref<16x64xi32, #tpu.memory_space<hbm>>) target(%dma_start3A_295 : memref<16x64xi32, #tpu.memory_space<vmem>>) target_semaphore(%dma_start3A_291 : memref<!tpu.dma_semaphore, #tpu.memory_space<semaphore_mem>>)
    %dma_wait3A = arith.constant 0 : i32
    %dma_wait3A_300 = arith.constant 0 : i32
    %dma_wait3A_301 = arith.constant 0 : i32
    %dma_wait3A_302 = arith.constant 0 : i32
    %dma_wait3A_303 = arith.constant 0 : i32
    %dma_wait3A_304 = tpu.memref_slice %arg6[%dma_wait3A_300, %dma_wait3A_302, %dma_wait3A_303] : memref<2x16x64xi32, #tpu.memory_space<vmem>> -> memref<1x16x64xi32, #tpu.memory_space<vmem>>
    %dma_wait3A_305 = tpu.memref_squeeze %dma_wait3A_304 : memref<1x16x64xi32, #tpu.memory_space<vmem>> -> memref<16x64xi32, #tpu.memory_space<vmem>>
    %dma_wait3A_306 = arith.constant 0 : i32
    %dma_wait3A_307 = arith.constant 0 : i32
    %dma_wait3A_308 = tpu.memref_slice %arg3[%arg1, %dma_wait3A, %dma_wait3A_306, %dma_wait3A_307] : memref<16x25x16x64xi32, #tpu.memory_space<hbm>> -> memref<1x1x16x64xi32, #tpu.memory_space<hbm>>
    %dma_wait3A_309 = tpu.memref_squeeze %dma_wait3A_308 : memref<1x1x16x64xi32, #tpu.memory_space<hbm>> -> memref<16x64xi32, #tpu.memory_space<hbm>>
    %dma_wait3A_310 = tpu.memref_slice %arg10[%dma_wait3A_301] : memref<2x!tpu.dma_semaphore, #tpu.memory_space<semaphore_mem>> -> memref<1x!tpu.dma_semaphore, #tpu.memory_space<semaphore_mem>>
    %dma_wait3A_311 = tpu.memref_squeeze %dma_wait3A_310 : memref<1x!tpu.dma_semaphore, #tpu.memory_space<semaphore_mem>> -> memref<!tpu.dma_semaphore, #tpu.memory_space<semaphore_mem>>
    %dma_wait3A_312 = arith.constant 0 : i32
    %dma_wait3A_313 = arith.constant 0 : i32
    %dma_wait3A_314 = tpu.memref_slice %arg6[%dma_wait3A_300, %dma_wait3A_312, %dma_wait3A_313] : memref<2x16x64xi32, #tpu.memory_space<vmem>> -> memref<1x16x64xi32, #tpu.memory_space<vmem>>
    %dma_wait3A_315 = tpu.memref_squeeze %dma_wait3A_314 : memref<1x16x64xi32, #tpu.memory_space<vmem>> -> memref<16x64xi32, #tpu.memory_space<vmem>>
    %dma_wait3A_316 = arith.constant 0 : i32
    %dma_wait3A_317 = arith.constant 0 : i32
    %dma_wait3A_318 = tpu.memref_slice %arg3[%arg1, %dma_wait3A, %dma_wait3A_316, %dma_wait3A_317] : memref<16x25x16x64xi32, #tpu.memory_space<hbm>> -> memref<1x1x16x64xi32, #tpu.memory_space<hbm>>
    %dma_wait3A_319 = tpu.memref_squeeze %dma_wait3A_318 : memref<1x1x16x64xi32, #tpu.memory_space<hbm>> -> memref<16x64xi32, #tpu.memory_space<hbm>>
    tpu.wait_dma2 semaphore(%dma_wait3A_311 : memref<!tpu.dma_semaphore, #tpu.memory_space<semaphore_mem>>) src(%dma_wait3A_319 : memref<16x64xi32, #tpu.memory_space<hbm>>) dst(%dma_wait3A_315 : memref<16x64xi32, #tpu.memory_space<vmem>>)
    %dma_wait3A_320 = arith.constant 0 : i32
    %dma_wait3A_321 = arith.constant 0 : i32
    %dma_wait3A_322 = arith.constant 0 : i32
    %dma_wait3A_323 = arith.constant 0 : i32
    %dma_wait3A_324 = arith.constant 0 : i32
    %dma_wait3A_325 = tpu.memref_slice %arg7[%dma_wait3A_321, %dma_wait3A_323, %dma_wait3A_324] : memref<2x16x64xi32, #tpu.memory_space<vmem>> -> memref<1x16x64xi32, #tpu.memory_space<vmem>>
    %dma_wait3A_326 = tpu.memref_squeeze %dma_wait3A_325 : memref<1x16x64xi32, #tpu.memory_space<vmem>> -> memref<16x64xi32, #tpu.memory_space<vmem>>
    %dma_wait3A_327 = arith.constant 0 : i32
    %dma_wait3A_328 = arith.constant 0 : i32
    %dma_wait3A_329 = tpu.memref_slice %arg4[%arg1, %dma_wait3A_320, %dma_wait3A_327, %dma_wait3A_328] : memref<16x25x16x64xi32, #tpu.memory_space<hbm>> -> memref<1x1x16x64xi32, #tpu.memory_space<hbm>>
    %dma_wait3A_330 = tpu.memref_squeeze %dma_wait3A_329 : memref<1x1x16x64xi32, #tpu.memory_space<hbm>> -> memref<16x64xi32, #tpu.memory_space<hbm>>
    %dma_wait3A_331 = tpu.memref_slice %arg10[%dma_wait3A_322] : memref<2x!tpu.dma_semaphore, #tpu.memory_space<semaphore_mem>> -> memref<1x!tpu.dma_semaphore, #tpu.memory_space<semaphore_mem>>
    %dma_wait3A_332 = tpu.memref_squeeze %dma_wait3A_331 : memref<1x!tpu.dma_semaphore, #tpu.memory_space<semaphore_mem>> -> memref<!tpu.dma_semaphore, #tpu.memory_space<semaphore_mem>>
    %dma_wait3A_333 = arith.constant 0 : i32
    %dma_wait3A_334 = arith.constant 0 : i32
    %dma_wait3A_335 = tpu.memref_slice %arg7[%dma_wait3A_321, %dma_wait3A_333, %dma_wait3A_334] : memref<2x16x64xi32, #tpu.memory_space<vmem>> -> memref<1x16x64xi32, #tpu.memory_space<vmem>>
    %dma_wait3A_336 = tpu.memref_squeeze %dma_wait3A_335 : memref<1x16x64xi32, #tpu.memory_space<vmem>> -> memref<16x64xi32, #tpu.memory_space<vmem>>
    %dma_wait3A_337 = arith.constant 0 : i32
    %dma_wait3A_338 = arith.constant 0 : i32
    %dma_wait3A_339 = tpu.memref_slice %arg4[%arg1, %dma_wait3A_320, %dma_wait3A_337, %dma_wait3A_338] : memref<16x25x16x64xi32, #tpu.memory_space<hbm>> -> memref<1x1x16x64xi32, #tpu.memory_space<hbm>>
    %dma_wait3A_340 = tpu.memref_squeeze %dma_wait3A_339 : memref<1x1x16x64xi32, #tpu.memory_space<hbm>> -> memref<16x64xi32, #tpu.memory_space<hbm>>
    tpu.wait_dma2 semaphore(%dma_wait3A_332 : memref<!tpu.dma_semaphore, #tpu.memory_space<semaphore_mem>>) src(%dma_wait3A_340 : memref<16x64xi32, #tpu.memory_space<hbm>>) dst(%dma_wait3A_336 : memref<16x64xi32, #tpu.memory_space<vmem>>)
    %scan3A = arith.constant 0 : i32
    %scan3A_341 = arith.constant 0 : i32
    %scan3A_342 = arith.constant 64 : i32
    %scan3A_343 = arith.addi %scan3A_341, %scan3A_342 : i32
    %scan3A_344 = arith.constant 1 : i32
    scf.for %scan3A_629 = %scan3A_341 to %scan3A_343 step %scan3A_344  : i32 {
      %jit3A = arith.constant 4 : i32
      %div3A = arith.divsi %scan3A_629, %jit3A : i32
      %sign3A = arith.constant 0 : i32
      %sign3A_630 = arith.cmpi sgt, %scan3A_629, %sign3A : i32
      %sign3A_631 = arith.extui %sign3A_630 : i1 to i32
      %sign3A_632 = arith.constant 0 : i32
      %sign3A_633 = arith.cmpi slt, %scan3A_629, %sign3A_632 : i32
      %sign3A_634 = arith.extui %sign3A_633 : i1 to i32
      %sign3A_635 = arith.subi %sign3A_631, %sign3A_634 : i32
      %sign3A_636 = arith.constant 0 : i32
      %sign3A_637 = arith.cmpi sgt, %jit3A, %sign3A_636 : i32
      %sign3A_638 = arith.extui %sign3A_637 : i1 to i32
      %sign3A_639 = arith.constant 0 : i32
      %sign3A_640 = arith.cmpi slt, %jit3A, %sign3A_639 : i32
      %sign3A_641 = arith.extui %sign3A_640 : i1 to i32
      %sign3A_642 = arith.subi %sign3A_638, %sign3A_641 : i32
      %ne3A = arith.cmpi ne, %sign3A_635, %sign3A_642 : i32
      %rem3A = arith.remsi %scan3A_629, %jit3A : i32
      %ne3A_643 = arith.constant 0 : i32
      %ne3A_644 = arith.cmpi ne, %rem3A, %ne3A_643 : i32
      %and3A = arith.andi %ne3A, %ne3A_644 : i1
      %sub3A = arith.constant 1 : i32
      %sub3A_645 = arith.subi %div3A, %sub3A : i32
      %select_n3A = arith.select %and3A, %sub3A_645, %div3A : i32
      %rem3A_646 = arith.constant 4 : i32
      %rem3A_647 = arith.remsi %scan3A_629, %rem3A_646 : i32
      %mul3A_648 = arith.constant 16 : i32
      %mul3A_649 = arith.muli %rem3A_647, %mul3A_648 : i32
      %get3A = arith.constant 0 : i32
      %get3A_650 = arith.index_cast %get3A : i32 to index
      %get3A_651 = arith.index_cast %select_n3A : i32 to index
      %get3A_652 = arith.index_cast %mul3A_649 : i32 to index
      %get3A_653 = tpu.vector_load %arg7[%get3A_650, %get3A_651, %get3A_652] {strides = array<i32>} : memref<2x16x64xi32, #tpu.memory_space<vmem>>, vector<1x1x16xi32>,
      %get3A_654 = vector.shape_cast %get3A_653 : vector<1x1x16xi32> to vector<16xi32>
      %sub3A_655 = vector.broadcast %mul3A_0 : i32 to vector<16xi32>
      %sub3A_656 = arith.subi %get3A_654, %sub3A_655 : vector<16xi32>
      %lt3A = arith.constant 0 : i32
      %lt3A_657 = vector.broadcast %lt3A : i32 to vector<16xi32>
      %lt3A_658 = arith.cmpi slt, %sub3A_656, %lt3A_657 : vector<16xi32>
      %ge3A = arith.constant 12800 : i32
      %ge3A_659 = vector.broadcast %ge3A : i32 to vector<16xi32>
      %ge3A_660 = arith.cmpi sge, %sub3A_656, %ge3A_659 : vector<16xi32>
      %or3A = arith.ori %lt3A_658, %ge3A_660 : vector<16xi1>
      %and3A_661 = arith.constant 31 : i32
      %and3A_662 = vector.broadcast %and3A_661 : i32 to vector<16xi32>
      %and3A_663 = arith.andi %get3A_654, %and3A_662 : vector<16xi32>
      %add3A_664 = arith.constant 12800 : i32
      %add3A_665 = vector.broadcast %add3A_664 : i32 to vector<16xi32>
      %add3A_666 = arith.addi %add3A_665, %and3A_663 : vector<16xi32>
      %select_n3A_667 = arith.select %or3A, %add3A_666, %sub3A_656 : vector<16xi1>, vector<16xi32>
      %swap3A = arith.constant 0 : i32
      %swap3A_668 = arith.index_cast %swap3A : i32 to index
      %swap3A_669 = arith.index_cast %select_n3A : i32 to index
      %swap3A_670 = arith.index_cast %mul3A_649 : i32 to index
      %swap3A_671 = tpu.vector_load %arg7[%swap3A_668, %swap3A_669, %swap3A_670] {strides = array<i32>} : memref<2x16x64xi32, #tpu.memory_space<vmem>>, vector<1x1x16xi32>,
      %swap3A_672 = vector.shape_cast %swap3A_671 : vector<1x1x16xi32> to vector<16xi32>
      %swap3A_673 = vector.shape_cast %select_n3A_667 : vector<16xi32> to vector<1x1x16xi32>
      tpu.vector_store %arg7[%swap3A_668, %swap3A_669, %swap3A_670], %swap3A_673 {strides = array<i32>} : memref<2x16x64xi32, #tpu.memory_space<vmem>>, vector<1x1x16xi32>,
    }
    %scan3A_345 = arith.constant 64 : i32
    %dma_start3A_346 = arith.constant 0 : i32
    %dma_start3A_347 = arith.constant 0 : i32
    %dma_start3A_348 = arith.constant 0 : i32
    %dma_start3A_349 = arith.constant 0 : i32
    %dma_start3A_350 = arith.constant 0 : i32
    %dma_start3A_351 = arith.constant 0 : i32
    %dma_start3A_352 = tpu.memref_slice %arg8[%dma_start3A_348, %dma_start3A_350, %dma_start3A_351] : memref<2x64x128xf32, #tpu.memory_space<vmem>> -> memref<1x64x128xf32, #tpu.memory_space<vmem>>
    %dma_start3A_353 = tpu.memref_squeeze %dma_start3A_352 : memref<1x64x128xf32, #tpu.memory_space<vmem>> -> memref<64x128xf32, #tpu.memory_space<vmem>>
    %dma_start3A_354 = arith.constant 0 : i32
    %dma_start3A_355 = tpu.memref_slice %arg6[%dma_start3A_346, %dma_start3A_347, %dma_start3A_354] : memref<2x16x64xi32, #tpu.memory_space<vmem>> -> memref<1x1x64xi32, #tpu.memory_space<vmem>>
    %dma_start3A_356 = tpu.memref_squeeze %dma_start3A_355 : memref<1x1x64xi32, #tpu.memory_space<vmem>> -> memref<64xi32, #tpu.memory_space<vmem>>
    %dma_start3A_357 = arith.constant 0 : i32
    %dma_start3A_358 = arith.constant 0 : i32
    %dma_start3A_359 = tpu.memref_slice %arg2[%dma_start3A_357, %dma_start3A_358] : memref<25600x128xf32, #tpu.memory_space<hbm>> -> memref<25600x128xf32, #tpu.memory_space<hbm>>
    %dma_start3A_360 = tpu.memref_slice %arg9[%dma_start3A_349] : memref<2x!tpu.dma_semaphore, #tpu.memory_space<semaphore_mem>> -> memref<1x!tpu.dma_semaphore, #tpu.memory_space<semaphore_mem>>
    %dma_start3A_361 = tpu.memref_squeeze %dma_start3A_360 : memref<1x!tpu.dma_semaphore, #tpu.memory_space<semaphore_mem>> -> memref<!tpu.dma_semaphore, #tpu.memory_space<semaphore_mem>>
    tpu.enqueue_indirect_dma source(%dma_start3A_359 : memref<25600x128xf32, #tpu.memory_space<hbm>>) target(%dma_start3A_353 : memref<64x128xf32, #tpu.memory_space<vmem>>) offsets(%dma_start3A_356 : memref<64xi32, #tpu.memory_space<vmem>>) semaphore(%dma_start3A_361 : memref<!tpu.dma_semaphore, #tpu.memory_space<semaphore_mem>>)
    %scan3A_362 = arith.constant 0 : i32
    %scan3A_363 = arith.constant 0 : i32
    %scan3A_364 = arith.constant 25 : i32
    %scan3A_365 = arith.addi %scan3A_363, %scan3A_364 : i32
    %scan3A_366 = arith.constant 1 : i32
    scf.for %scan3A_629 = %scan3A_363 to %scan3A_365 step %scan3A_366  : i32 {
      %rem3A = arith.constant 2 : i32
      %rem3A_630 = arith.remsi %scan3A_629, %rem3A : i32
      %add3A_631 = arith.constant 1 : i32
      %add3A_632 = arith.addi %scan3A_629, %add3A_631 : i32
      %rem3A_633 = arith.constant 2 : i32
      %rem3A_634 = arith.remsi %add3A_632, %rem3A_633 : i32
      %lt3A = arith.constant 24 : i32
      %lt3A_635 = arith.cmpi slt, %scan3A_629, %lt3A : i32
      %convert_element_type3A = arith.extui %lt3A_635 : i1 to i32
      %cond3A = arith.constant 0 : i32
      %cond3A_636 = arith.cmpi ne, %convert_element_type3A, %cond3A : i32
      scf.if %cond3A_636 {
        %add3A_648 = arith.constant 1 : i32
        %add3A_649 = arith.addi %scan3A_629, %add3A_648 : i32
        %dma_start3A_650 = arith.constant 0 : i32
        %dma_start3A_651 = arith.constant 0 : i32
        %dma_start3A_652 = tpu.memref_slice %arg6[%rem3A_634, %dma_start3A_650, %dma_start3A_651] : memref<2x16x64xi32, #tpu.memory_space<vmem>> -> memref<1x16x64xi32, #tpu.memory_space<vmem>>
        %dma_start3A_653 = tpu.memref_squeeze %dma_start3A_652 : memref<1x16x64xi32, #tpu.memory_space<vmem>> -> memref<16x64xi32, #tpu.memory_space<vmem>>
        %dma_start3A_654 = arith.constant 0 : i32
        %dma_start3A_655 = arith.constant 0 : i32
        %dma_start3A_656 = tpu.memref_slice %arg3[%arg1, %add3A_649, %dma_start3A_654, %dma_start3A_655] : memref<16x25x16x64xi32, #tpu.memory_space<hbm>> -> memref<1x1x16x64xi32, #tpu.memory_space<hbm>>
        %dma_start3A_657 = tpu.memref_squeeze %dma_start3A_656 : memref<1x1x16x64xi32, #tpu.memory_space<hbm>> -> memref<16x64xi32, #tpu.memory_space<hbm>>
        %dma_start3A_658 = tpu.memref_slice %arg10[%rem3A_634] : memref<2x!tpu.dma_semaphore, #tpu.memory_space<semaphore_mem>> -> memref<1x!tpu.dma_semaphore, #tpu.memory_space<semaphore_mem>>
        %dma_start3A_659 = tpu.memref_squeeze %dma_start3A_658 : memref<1x!tpu.dma_semaphore, #tpu.memory_space<semaphore_mem>> -> memref<!tpu.dma_semaphore, #tpu.memory_space<semaphore_mem>>
        %dma_start3A_660 = arith.constant 0 : i32
        %dma_start3A_661 = arith.constant 0 : i32
        %dma_start3A_662 = tpu.memref_slice %arg6[%rem3A_634, %dma_start3A_660, %dma_start3A_661] : memref<2x16x64xi32, #tpu.memory_space<vmem>> -> memref<1x16x64xi32, #tpu.memory_space<vmem>>
        %dma_start3A_663 = tpu.memref_squeeze %dma_start3A_662 : memref<1x16x64xi32, #tpu.memory_space<vmem>> -> memref<16x64xi32, #tpu.memory_space<vmem>>
        %dma_start3A_664 = arith.constant 0 : i32
        %dma_start3A_665 = arith.constant 0 : i32
        %dma_start3A_666 = tpu.memref_slice %arg3[%arg1, %add3A_649, %dma_start3A_664, %dma_start3A_665] : memref<16x25x16x64xi32, #tpu.memory_space<hbm>> -> memref<1x1x16x64xi32, #tpu.memory_space<hbm>>
        %dma_start3A_667 = tpu.memref_squeeze %dma_start3A_666 : memref<1x1x16x64xi32, #tpu.memory_space<hbm>> -> memref<16x64xi32, #tpu.memory_space<hbm>>
        tpu.enqueue_dma source(%dma_start3A_667 : memref<16x64xi32, #tpu.memory_space<hbm>>) target(%dma_start3A_663 : memref<16x64xi32, #tpu.memory_space<vmem>>) target_semaphore(%dma_start3A_659 : memref<!tpu.dma_semaphore, #tpu.memory_space<semaphore_mem>>)
        %dma_start3A_668 = arith.constant 0 : i32
        %dma_start3A_669 = arith.constant 0 : i32
        %dma_start3A_670 = tpu.memref_slice %arg7[%rem3A_634, %dma_start3A_668, %dma_start3A_669] : memref<2x16x64xi32, #tpu.memory_space<vmem>> -> memref<1x16x64xi32, #tpu.memory_space<vmem>>
        %dma_start3A_671 = tpu.memref_squeeze %dma_start3A_670 : memref<1x16x64xi32, #tpu.memory_space<vmem>> -> memref<16x64xi32, #tpu.memory_space<vmem>>
        %dma_start3A_672 = arith.constant 0 : i32
        %dma_start3A_673 = arith.constant 0 : i32
        %dma_start3A_674 = tpu.memref_slice %arg4[%arg1, %add3A_649, %dma_start3A_672, %dma_start3A_673] : memref<16x25x16x64xi32, #tpu.memory_space<hbm>> -> memref<1x1x16x64xi32, #tpu.memory_space<hbm>>
        %dma_start3A_675 = tpu.memref_squeeze %dma_start3A_674 : memref<1x1x16x64xi32, #tpu.memory_space<hbm>> -> memref<16x64xi32, #tpu.memory_space<hbm>>
        %dma_start3A_676 = tpu.memref_slice %arg10[%rem3A_634] : memref<2x!tpu.dma_semaphore, #tpu.memory_space<semaphore_mem>> -> memref<1x!tpu.dma_semaphore, #tpu.memory_space<semaphore_mem>>
        %dma_start3A_677 = tpu.memref_squeeze %dma_start3A_676 : memref<1x!tpu.dma_semaphore, #tpu.memory_space<semaphore_mem>> -> memref<!tpu.dma_semaphore, #tpu.memory_space<semaphore_mem>>
        %dma_start3A_678 = arith.constant 0 : i32
        %dma_start3A_679 = arith.constant 0 : i32
        %dma_start3A_680 = tpu.memref_slice %arg7[%rem3A_634, %dma_start3A_678, %dma_start3A_679] : memref<2x16x64xi32, #tpu.memory_space<vmem>> -> memref<1x16x64xi32, #tpu.memory_space<vmem>>
        %dma_start3A_681 = tpu.memref_squeeze %dma_start3A_680 : memref<1x16x64xi32, #tpu.memory_space<vmem>> -> memref<16x64xi32, #tpu.memory_space<vmem>>
        %dma_start3A_682 = arith.constant 0 : i32
        %dma_start3A_683 = arith.constant 0 : i32
        %dma_start3A_684 = tpu.memref_slice %arg4[%arg1, %add3A_649, %dma_start3A_682, %dma_start3A_683] : memref<16x25x16x64xi32, #tpu.memory_space<hbm>> -> memref<1x1x16x64xi32, #tpu.memory_space<hbm>>
        %dma_start3A_685 = tpu.memref_squeeze %dma_start3A_684 : memref<1x1x16x64xi32, #tpu.memory_space<hbm>> -> memref<16x64xi32, #tpu.memory_space<hbm>>
        tpu.enqueue_dma source(%dma_start3A_685 : memref<16x64xi32, #tpu.memory_space<hbm>>) target(%dma_start3A_681 : memref<16x64xi32, #tpu.memory_space<vmem>>) target_semaphore(%dma_start3A_677 : memref<!tpu.dma_semaphore, #tpu.memory_space<semaphore_mem>>)
      } else {
      }
      %scan3A_637 = arith.constant 0 : i32
      %scan3A_638 = arith.constant 0 : i32
      %scan3A_639 = arith.constant 16 : i32
      %scan3A_640 = arith.addi %scan3A_638, %scan3A_639 : i32
      %scan3A_641 = arith.constant 1 : i32
      scf.for %scan3A_648 = %scan3A_638 to %scan3A_640 step %scan3A_641  : i32 {
        %rem3A_649 = arith.constant 2 : i32
        %rem3A_650 = arith.remsi %scan3A_648, %rem3A_649 : i32
        %lt3A_651 = arith.constant 15 : i32
        %lt3A_652 = arith.cmpi slt, %scan3A_648, %lt3A_651 : i32
        %convert_element_type3A_653 = arith.extui %lt3A_652 : i1 to i32
        %cond3A_654 = arith.constant 0 : i32
        %cond3A_655 = arith.cmpi ne, %convert_element_type3A_653, %cond3A_654 : i32
        scf.if %cond3A_655 {
          %add3A_668 = arith.constant 1 : i32
          %add3A_669 = arith.addi %scan3A_648, %add3A_668 : i32
          %rem3A_670 = arith.constant 2 : i32
          %rem3A_671 = arith.remsi %add3A_669, %rem3A_670 : i32
          %add3A_672 = arith.constant 1 : i32
          %add3A_673 = arith.addi %scan3A_648, %add3A_672 : i32
          %dma_start3A_674 = arith.constant 0 : i32
          %dma_start3A_675 = arith.constant 0 : i32
          %dma_start3A_676 = tpu.memref_slice %arg8[%rem3A_671, %dma_start3A_674, %dma_start3A_675] : memref<2x64x128xf32, #tpu.memory_space<vmem>> -> memref<1x64x128xf32, #tpu.memory_space<vmem>>
          %dma_start3A_677 = tpu.memref_squeeze %dma_start3A_676 : memref<1x64x128xf32, #tpu.memory_space<vmem>> -> memref<64x128xf32, #tpu.memory_space<vmem>>
          %dma_start3A_678 = arith.constant 0 : i32
          %dma_start3A_679 = tpu.memref_slice %arg6[%rem3A_630, %add3A_673, %dma_start3A_678] : memref<2x16x64xi32, #tpu.memory_space<vmem>> -> memref<1x1x64xi32, #tpu.memory_space<vmem>>
          %dma_start3A_680 = tpu.memref_squeeze %dma_start3A_679 : memref<1x1x64xi32, #tpu.memory_space<vmem>> -> memref<64xi32, #tpu.memory_space<vmem>>
          %dma_start3A_681 = arith.constant 0 : i32
          %dma_start3A_682 = arith.constant 0 : i32
          %dma_start3A_683 = tpu.memref_slice %arg2[%dma_start3A_681, %dma_start3A_682] : memref<25600x128xf32, #tpu.memory_space<hbm>> -> memref<25600x128xf32, #tpu.memory_space<hbm>>
          %dma_start3A_684 = tpu.memref_slice %arg9[%rem3A_671] : memref<2x!tpu.dma_semaphore, #tpu.memory_space<semaphore_mem>> -> memref<1x!tpu.dma_semaphore, #tpu.memory_space<semaphore_mem>>
          %dma_start3A_685 = tpu.memref_squeeze %dma_start3A_684 : memref<1x!tpu.dma_semaphore, #tpu.memory_space<semaphore_mem>> -> memref<!tpu.dma_semaphore, #tpu.memory_space<semaphore_mem>>
          tpu.enqueue_indirect_dma source(%dma_start3A_683 : memref<25600x128xf32, #tpu.memory_space<hbm>>) target(%dma_start3A_677 : memref<64x128xf32, #tpu.memory_space<vmem>>) offsets(%dma_start3A_680 : memref<64xi32, #tpu.memory_space<vmem>>) semaphore(%dma_start3A_685 : memref<!tpu.dma_semaphore, #tpu.memory_space<semaphore_mem>>)
        } else {
        }
        %dma_wait3A_656 = arith.constant 0 : i32
        %dma_wait3A_657 = arith.constant 0 : i32
        %dma_wait3A_658 = tpu.memref_slice %arg8[%rem3A_650, %dma_wait3A_656, %dma_wait3A_657] : memref<2x64x128xf32, #tpu.memory_space<vmem>> -> memref<1x64x128xf32, #tpu.memory_space<vmem>>
        %dma_wait3A_659 = tpu.memref_squeeze %dma_wait3A_658 : memref<1x64x128xf32, #tpu.memory_space<vmem>> -> memref<64x128xf32, #tpu.memory_space<vmem>>
        %dma_wait3A_660 = arith.constant 0 : i32
        %dma_wait3A_661 = tpu.memref_slice %arg6[%rem3A_630, %scan3A_648, %dma_wait3A_660] : memref<2x16x64xi32, #tpu.memory_space<vmem>> -> memref<1x1x64xi32, #tpu.memory_space<vmem>>
        %dma_wait3A_662 = tpu.memref_squeeze %dma_wait3A_661 : memref<1x1x64xi32, #tpu.memory_space<vmem>> -> memref<64xi32, #tpu.memory_space<vmem>>
        %dma_wait3A_663 = arith.constant 0 : i32
        %dma_wait3A_664 = arith.constant 0 : i32
        %dma_wait3A_665 = tpu.memref_slice %arg2[%dma_wait3A_663, %dma_wait3A_664] : memref<25600x128xf32, #tpu.memory_space<hbm>> -> memref<25600x128xf32, #tpu.memory_space<hbm>>
        %dma_wait3A_666 = tpu.memref_slice %arg9[%rem3A_650] : memref<2x!tpu.dma_semaphore, #tpu.memory_space<semaphore_mem>> -> memref<1x!tpu.dma_semaphore, #tpu.memory_space<semaphore_mem>>
        %dma_wait3A_667 = tpu.memref_squeeze %dma_wait3A_666 : memref<1x!tpu.dma_semaphore, #tpu.memory_space<semaphore_mem>> -> memref<!tpu.dma_semaphore, #tpu.memory_space<semaphore_mem>>
        tpu.wait_indirect_dma semaphore(%dma_wait3A_667 : memref<!tpu.dma_semaphore, #tpu.memory_space<semaphore_mem>>) src(%dma_wait3A_665 : memref<25600x128xf32, #tpu.memory_space<hbm>>) dst(%dma_wait3A_659 : memref<64x128xf32, #tpu.memory_space<vmem>>)
        "tpu.region"() ({
          %run_scoped3A_668 = tpu.sem_alloc : memref<!tpu.dma_semaphore, #tpu.memory_space<semaphore_mem>>
          %dma_start3A_669 = arith.constant 0 : i32
          %dma_start3A_670 = arith.constant 0 : i32
          %dma_start3A_671 = tpu.memref_slice %arg8[%rem3A_650, %dma_start3A_669, %dma_start3A_670] : memref<2x64x128xf32, #tpu.memory_space<vmem>> -> memref<1x64x128xf32, #tpu.memory_space<vmem>>
          %dma_start3A_672 = tpu.memref_squeeze %dma_start3A_671 : memref<1x64x128xf32, #tpu.memory_space<vmem>> -> memref<64x128xf32, #tpu.memory_space<vmem>>
          %dma_start3A_673 = arith.constant 0 : i32
          %dma_start3A_674 = tpu.memref_slice %arg7[%rem3A_630, %scan3A_648, %dma_start3A_673] : memref<2x16x64xi32, #tpu.memory_space<vmem>> -> memref<1x1x64xi32, #tpu.memory_space<vmem>>
          %dma_start3A_675 = tpu.memref_squeeze %dma_start3A_674 : memref<1x1x64xi32, #tpu.memory_space<vmem>> -> memref<64xi32, #tpu.memory_space<vmem>>
          %dma_start3A_676 = arith.constant 0 : i32
          %dma_start3A_677 = arith.constant 0 : i32
          %dma_start3A_678 = tpu.memref_slice %arg11[%dma_start3A_676, %dma_start3A_677] : memref<12832x128xf32, #tpu.memory_space<vmem_shared>> -> memref<12832x128xf32, #tpu.memory_space<vmem_shared>>
          tpu.enqueue_indirect_dma source(%dma_start3A_672 : memref<64x128xf32, #tpu.memory_space<vmem>>) target(%dma_start3A_678 : memref<12832x128xf32, #tpu.memory_space<vmem_shared>>) offsets(%dma_start3A_675 : memref<64xi32, #tpu.memory_space<vmem>>) semaphore(%run_scoped3A_668 : memref<!tpu.dma_semaphore, #tpu.memory_space<semaphore_mem>>) {add = true}
          %dma_wait3A_679 = arith.constant 0 : i32
          %dma_wait3A_680 = arith.constant 0 : i32
          %dma_wait3A_681 = tpu.memref_slice %arg8[%rem3A_650, %dma_wait3A_679, %dma_wait3A_680] : memref<2x64x128xf32, #tpu.memory_space<vmem>> -> memref<1x64x128xf32, #tpu.memory_space<vmem>>
          %dma_wait3A_682 = tpu.memref_squeeze %dma_wait3A_681 : memref<1x64x128xf32, #tpu.memory_space<vmem>> -> memref<64x128xf32, #tpu.memory_space<vmem>>
          %dma_wait3A_683 = arith.constant 0 : i32
          %dma_wait3A_684 = tpu.memref_slice %arg7[%rem3A_630, %scan3A_648, %dma_wait3A_683] : memref<2x16x64xi32, #tpu.memory_space<vmem>> -> memref<1x1x64xi32, #tpu.memory_space<vmem>>
          %dma_wait3A_685 = tpu.memref_squeeze %dma_wait3A_684 : memref<1x1x64xi32, #tpu.memory_space<vmem>> -> memref<64xi32, #tpu.memory_space<vmem>>
          %dma_wait3A_686 = arith.constant 0 : i32
          %dma_wait3A_687 = arith.constant 0 : i32
          %dma_wait3A_688 = tpu.memref_slice %arg11[%dma_wait3A_686, %dma_wait3A_687] : memref<12832x128xf32, #tpu.memory_space<vmem_shared>> -> memref<12832x128xf32, #tpu.memory_space<vmem_shared>>
          tpu.wait_indirect_dma semaphore(%run_scoped3A_668 : memref<!tpu.dma_semaphore, #tpu.memory_space<semaphore_mem>>) src(%dma_wait3A_682 : memref<64x128xf32, #tpu.memory_space<vmem>>) dst(%dma_wait3A_688 : memref<12832x128xf32, #tpu.memory_space<vmem_shared>>)
          tpu.yield
        }) : () -> ()
      }
      %scan3A_642 = arith.constant 16 : i32
      %lt3A_643 = arith.constant 24 : i32
      %lt3A_644 = arith.cmpi slt, %scan3A_629, %lt3A_643 : i32
      %convert_element_type3A_645 = arith.extui %lt3A_644 : i1 to i32
      %cond3A_646 = arith.constant 0 : i32
      %cond3A_647 = arith.cmpi ne, %convert_element_type3A_645, %cond3A_646 : i32
      scf.if %cond3A_647 {
        %add3A_648 = arith.constant 1 : i32
        %add3A_649 = arith.addi %scan3A_629, %add3A_648 : i32
        %dma_wait3A_650 = arith.constant 0 : i32
        %dma_wait3A_651 = arith.constant 0 : i32
        %dma_wait3A_652 = tpu.memref_slice %arg6[%rem3A_634, %dma_wait3A_650, %dma_wait3A_651] : memref<2x16x64xi32, #tpu.memory_space<vmem>> -> memref<1x16x64xi32, #tpu.memory_space<vmem>>
        %dma_wait3A_653 = tpu.memref_squeeze %dma_wait3A_652 : memref<1x16x64xi32, #tpu.memory_space<vmem>> -> memref<16x64xi32, #tpu.memory_space<vmem>>
        %dma_wait3A_654 = arith.constant 0 : i32
        %dma_wait3A_655 = arith.constant 0 : i32
        %dma_wait3A_656 = tpu.memref_slice %arg3[%arg1, %add3A_649, %dma_wait3A_654, %dma_wait3A_655] : memref<16x25x16x64xi32, #tpu.memory_space<hbm>> -> memref<1x1x16x64xi32, #tpu.memory_space<hbm>>
        %dma_wait3A_657 = tpu.memref_squeeze %dma_wait3A_656 : memref<1x1x16x64xi32, #tpu.memory_space<hbm>> -> memref<16x64xi32, #tpu.memory_space<hbm>>
        %dma_wait3A_658 = tpu.memref_slice %arg10[%rem3A_634] : memref<2x!tpu.dma_semaphore, #tpu.memory_space<semaphore_mem>> -> memref<1x!tpu.dma_semaphore, #tpu.memory_space<semaphore_mem>>
        %dma_wait3A_659 = tpu.memref_squeeze %dma_wait3A_658 : memref<1x!tpu.dma_semaphore, #tpu.memory_space<semaphore_mem>> -> memref<!tpu.dma_semaphore, #tpu.memory_space<semaphore_mem>>
        %dma_wait3A_660 = arith.constant 0 : i32
        %dma_wait3A_661 = arith.constant 0 : i32
        %dma_wait3A_662 = tpu.memref_slice %arg6[%rem3A_634, %dma_wait3A_660, %dma_wait3A_661] : memref<2x16x64xi32, #tpu.memory_space<vmem>> -> memref<1x16x64xi32, #tpu.memory_space<vmem>>
        %dma_wait3A_663 = tpu.memref_squeeze %dma_wait3A_662 : memref<1x16x64xi32, #tpu.memory_space<vmem>> -> memref<16x64xi32, #tpu.memory_space<vmem>>
        %dma_wait3A_664 = arith.constant 0 : i32
        %dma_wait3A_665 = arith.constant 0 : i32
        %dma_wait3A_666 = tpu.memref_slice %arg3[%arg1, %add3A_649, %dma_wait3A_664, %dma_wait3A_665] : memref<16x25x16x64xi32, #tpu.memory_space<hbm>> -> memref<1x1x16x64xi32, #tpu.memory_space<hbm>>
        %dma_wait3A_667 = tpu.memref_squeeze %dma_wait3A_666 : memref<1x1x16x64xi32, #tpu.memory_space<hbm>> -> memref<16x64xi32, #tpu.memory_space<hbm>>
        tpu.wait_dma2 semaphore(%dma_wait3A_659 : memref<!tpu.dma_semaphore, #tpu.memory_space<semaphore_mem>>) src(%dma_wait3A_667 : memref<16x64xi32, #tpu.memory_space<hbm>>) dst(%dma_wait3A_663 : memref<16x64xi32, #tpu.memory_space<vmem>>)
        %dma_wait3A_668 = arith.constant 0 : i32
        %dma_wait3A_669 = arith.constant 0 : i32
        %dma_wait3A_670 = tpu.memref_slice %arg7[%rem3A_634, %dma_wait3A_668, %dma_wait3A_669] : memref<2x16x64xi32, #tpu.memory_space<vmem>> -> memref<1x16x64xi32, #tpu.memory_space<vmem>>
        %dma_wait3A_671 = tpu.memref_squeeze %dma_wait3A_670 : memref<1x16x64xi32, #tpu.memory_space<vmem>> -> memref<16x64xi32, #tpu.memory_space<vmem>>
        %dma_wait3A_672 = arith.constant 0 : i32
        %dma_wait3A_673 = arith.constant 0 : i32
        %dma_wait3A_674 = tpu.memref_slice %arg4[%arg1, %add3A_649, %dma_wait3A_672, %dma_wait3A_673] : memref<16x25x16x64xi32, #tpu.memory_space<hbm>> -> memref<1x1x16x64xi32, #tpu.memory_space<hbm>>
        %dma_wait3A_675 = tpu.memref_squeeze %dma_wait3A_674 : memref<1x1x16x64xi32, #tpu.memory_space<hbm>> -> memref<16x64xi32, #tpu.memory_space<hbm>>
        %dma_wait3A_676 = tpu.memref_slice %arg10[%rem3A_634] : memref<2x!tpu.dma_semaphore, #tpu.memory_space<semaphore_mem>> -> memref<1x!tpu.dma_semaphore, #tpu.memory_space<semaphore_mem>>
        %dma_wait3A_677 = tpu.memref_squeeze %dma_wait3A_676 : memref<1x!tpu.dma_semaphore, #tpu.memory_space<semaphore_mem>> -> memref<!tpu.dma_semaphore, #tpu.memory_space<semaphore_mem>>
        %dma_wait3A_678 = arith.constant 0 : i32
        %dma_wait3A_679 = arith.constant 0 : i32
        %dma_wait3A_680 = tpu.memref_slice %arg7[%rem3A_634, %dma_wait3A_678, %dma_wait3A_679] : memref<2x16x64xi32, #tpu.memory_space<vmem>> -> memref<1x16x64xi32, #tpu.memory_space<vmem>>
        %dma_wait3A_681 = tpu.memref_squeeze %dma_wait3A_680 : memref<1x16x64xi32, #tpu.memory_space<vmem>> -> memref<16x64xi32, #tpu.memory_space<vmem>>
        %dma_wait3A_682 = arith.constant 0 : i32
        %dma_wait3A_683 = arith.constant 0 : i32
        %dma_wait3A_684 = tpu.memref_slice %arg4[%arg1, %add3A_649, %dma_wait3A_682, %dma_wait3A_683] : memref<16x25x16x64xi32, #tpu.memory_space<hbm>> -> memref<1x1x16x64xi32, #tpu.memory_space<hbm>>
        %dma_wait3A_685 = tpu.memref_squeeze %dma_wait3A_684 : memref<1x1x16x64xi32, #tpu.memory_space<hbm>> -> memref<16x64xi32, #tpu.memory_space<hbm>>
        tpu.wait_dma2 semaphore(%dma_wait3A_677 : memref<!tpu.dma_semaphore, #tpu.memory_space<semaphore_mem>>) src(%dma_wait3A_685 : memref<16x64xi32, #tpu.memory_space<hbm>>) dst(%dma_wait3A_681 : memref<16x64xi32, #tpu.memory_space<vmem>>)
        %scan3A_686 = arith.constant 0 : i32
        %scan3A_687 = arith.constant 0 : i32
        %scan3A_688 = arith.constant 64 : i32
        %scan3A_689 = arith.addi %scan3A_687, %scan3A_688 : i32
        %scan3A_690 = arith.constant 1 : i32
        scf.for %scan3A_707 = %scan3A_687 to %scan3A_689 step %scan3A_690  : i32 {
          %jit3A = arith.constant 4 : i32
          %div3A = arith.divsi %scan3A_707, %jit3A : i32
          %sign3A = arith.constant 0 : i32
          %sign3A_708 = arith.cmpi sgt, %scan3A_707, %sign3A : i32
          %sign3A_709 = arith.extui %sign3A_708 : i1 to i32
          %sign3A_710 = arith.constant 0 : i32
          %sign3A_711 = arith.cmpi slt, %scan3A_707, %sign3A_710 : i32
          %sign3A_712 = arith.extui %sign3A_711 : i1 to i32
          %sign3A_713 = arith.subi %sign3A_709, %sign3A_712 : i32
          %sign3A_714 = arith.constant 0 : i32
          %sign3A_715 = arith.cmpi sgt, %jit3A, %sign3A_714 : i32
          %sign3A_716 = arith.extui %sign3A_715 : i1 to i32
          %sign3A_717 = arith.constant 0 : i32
          %sign3A_718 = arith.cmpi slt, %jit3A, %sign3A_717 : i32
          %sign3A_719 = arith.extui %sign3A_718 : i1 to i32
          %sign3A_720 = arith.subi %sign3A_716, %sign3A_719 : i32
          %ne3A = arith.cmpi ne, %sign3A_713, %sign3A_720 : i32
          %rem3A_721 = arith.remsi %scan3A_707, %jit3A : i32
          %ne3A_722 = arith.constant 0 : i32
          %ne3A_723 = arith.cmpi ne, %rem3A_721, %ne3A_722 : i32
          %and3A = arith.andi %ne3A, %ne3A_723 : i1
          %sub3A = arith.constant 1 : i32
          %sub3A_724 = arith.subi %div3A, %sub3A : i32
          %select_n3A = arith.select %and3A, %sub3A_724, %div3A : i32
          %rem3A_725 = arith.constant 4 : i32
          %rem3A_726 = arith.remsi %scan3A_707, %rem3A_725 : i32
          %mul3A_727 = arith.constant 16 : i32
          %mul3A_728 = arith.muli %rem3A_726, %mul3A_727 : i32
          %get3A = arith.index_cast %rem3A_634 : i32 to index
          %get3A_729 = arith.index_cast %select_n3A : i32 to index
          %get3A_730 = arith.index_cast %mul3A_728 : i32 to index
          %get3A_731 = tpu.vector_load %arg7[%get3A, %get3A_729, %get3A_730] {strides = array<i32>} : memref<2x16x64xi32, #tpu.memory_space<vmem>>, vector<1x1x16xi32>,
          %get3A_732 = vector.shape_cast %get3A_731 : vector<1x1x16xi32> to vector<16xi32>
          %sub3A_733 = vector.broadcast %mul3A_0 : i32 to vector<16xi32>
          %sub3A_734 = arith.subi %get3A_732, %sub3A_733 : vector<16xi32>
          %lt3A_735 = arith.constant 0 : i32
          %lt3A_736 = vector.broadcast %lt3A_735 : i32 to vector<16xi32>
          %lt3A_737 = arith.cmpi slt, %sub3A_734, %lt3A_736 : vector<16xi32>
          %ge3A = arith.constant 12800 : i32
          %ge3A_738 = vector.broadcast %ge3A : i32 to vector<16xi32>
          %ge3A_739 = arith.cmpi sge, %sub3A_734, %ge3A_738 : vector<16xi32>
          %or3A = arith.ori %lt3A_737, %ge3A_739 : vector<16xi1>
          %and3A_740 = arith.constant 31 : i32
          %and3A_741 = vector.broadcast %and3A_740 : i32 to vector<16xi32>
          %and3A_742 = arith.andi %get3A_732, %and3A_741 : vector<16xi32>
          %add3A_743 = arith.constant 12800 : i32
          %add3A_744 = vector.broadcast %add3A_743 : i32 to vector<16xi32>
          %add3A_745 = arith.addi %add3A_744, %and3A_742 : vector<16xi32>
          %select_n3A_746 = arith.select %or3A, %add3A_745, %sub3A_734 : vector<16xi1>, vector<16xi32>
          %swap3A = arith.index_cast %rem3A_634 : i32 to index
          %swap3A_747 = arith.index_cast %select_n3A : i32 to index
          %swap3A_748 = arith.index_cast %mul3A_728 : i32 to index
          %swap3A_749 = tpu.vector_load %arg7[%swap3A, %swap3A_747, %swap3A_748] {strides = array<i32>} : memref<2x16x64xi32, #tpu.memory_space<vmem>>, vector<1x1x16xi32>,
          %swap3A_750 = vector.shape_cast %swap3A_749 : vector<1x1x16xi32> to vector<16xi32>
          %swap3A_751 = vector.shape_cast %select_n3A_746 : vector<16xi32> to vector<1x1x16xi32>
          tpu.vector_store %arg7[%swap3A, %swap3A_747, %swap3A_748], %swap3A_751 {strides = array<i32>} : memref<2x16x64xi32, #tpu.memory_space<vmem>>, vector<1x1x16xi32>,
        }
        %scan3A_691 = arith.constant 64 : i32
        %dma_start3A_692 = arith.constant 0 : i32
        %dma_start3A_693 = arith.constant 0 : i32
        %dma_start3A_694 = arith.constant 0 : i32
        %dma_start3A_695 = arith.constant 0 : i32
        %dma_start3A_696 = arith.constant 0 : i32
        %dma_start3A_697 = tpu.memref_slice %arg8[%dma_start3A_693, %dma_start3A_695, %dma_start3A_696] : memref<2x64x128xf32, #tpu.memory_space<vmem>> -> memref<1x64x128xf32, #tpu.memory_space<vmem>>
        %dma_start3A_698 = tpu.memref_squeeze %dma_start3A_697 : memref<1x64x128xf32, #tpu.memory_space<vmem>> -> memref<64x128xf32, #tpu.memory_space<vmem>>
        %dma_start3A_699 = arith.constant 0 : i32
        %dma_start3A_700 = tpu.memref_slice %arg6[%rem3A_634, %dma_start3A_692, %dma_start3A_699] : memref<2x16x64xi32, #tpu.memory_space<vmem>> -> memref<1x1x64xi32, #tpu.memory_space<vmem>>
        %dma_start3A_701 = tpu.memref_squeeze %dma_start3A_700 : memref<1x1x64xi32, #tpu.memory_space<vmem>> -> memref<64xi32, #tpu.memory_space<vmem>>
        %dma_start3A_702 = arith.constant 0 : i32
        %dma_start3A_703 = arith.constant 0 : i32
        %dma_start3A_704 = tpu.memref_slice %arg2[%dma_start3A_702, %dma_start3A_703] : memref<25600x128xf32, #tpu.memory_space<hbm>> -> memref<25600x128xf32, #tpu.memory_space<hbm>>
        %dma_start3A_705 = tpu.memref_slice %arg9[%dma_start3A_694] : memref<2x!tpu.dma_semaphore, #tpu.memory_space<semaphore_mem>> -> memref<1x!tpu.dma_semaphore, #tpu.memory_space<semaphore_mem>>
        %dma_start3A_706 = tpu.memref_squeeze %dma_start3A_705 : memref<1x!tpu.dma_semaphore, #tpu.memory_space<semaphore_mem>> -> memref<!tpu.dma_semaphore, #tpu.memory_space<semaphore_mem>>
        tpu.enqueue_indirect_dma source(%dma_start3A_704 : memref<25600x128xf32, #tpu.memory_space<hbm>>) target(%dma_start3A_698 : memref<64x128xf32, #tpu.memory_space<vmem>>) offsets(%dma_start3A_701 : memref<64xi32, #tpu.memory_space<vmem>>) semaphore(%dma_start3A_706 : memref<!tpu.dma_semaphore, #tpu.memory_space<semaphore_mem>>)
      } else {
      }
    }
    %scan3A_367 = arith.constant 25 : i32
    %barrier3A_368 = arith.constant 0 : index
    tpu.barrier barrier_id(%barrier3A_368)
    %mul3A_369 = arith.constant 800 : i32
    %mul3A_370 = arith.muli %arg1, %mul3A_369 : i32
    %add3A_371 = arith.constant 0 : i32
    %add3A_372 = arith.addi %mul3A_370, %add3A_371 : i32
    %run_scoped3A_373 = arith.constant 0 : i32
    "tpu.region"() ({
      %run_scoped3A_629 = tpu.sem_alloc : memref<!tpu.dma_semaphore, #tpu.memory_space<semaphore_mem>>
      %dma_start3A_630 = arith.constant 0 : i32
      %dma_start3A_631 = arith.constant 0 : i32
      %dma_start3A_632 = tpu.memref_slice %arg8[%run_scoped3A_373, %dma_start3A_630, %dma_start3A_631] : memref<2x64x128xf32, #tpu.memory_space<vmem>> -> memref<1x64x128xf32, #tpu.memory_space<vmem>>
      %dma_start3A_633 = tpu.memref_squeeze %dma_start3A_632 : memref<1x64x128xf32, #tpu.memory_space<vmem>> -> memref<64x128xf32, #tpu.memory_space<vmem>>
      %dma_start3A_634 = arith.constant 0 : i32
      %dma_start3A_635 = tpu.memref_slice %arg11[%add3A_372, %dma_start3A_634] : memref<12832x128xf32, #tpu.memory_space<vmem_shared>> -> memref<64x128xf32, #tpu.memory_space<vmem_shared>>
      %dma_start3A_636 = arith.constant 0 : i32
      %dma_start3A_637 = arith.constant 0 : i32
      %dma_start3A_638 = tpu.memref_slice %arg8[%run_scoped3A_373, %dma_start3A_636, %dma_start3A_637] : memref<2x64x128xf32, #tpu.memory_space<vmem>> -> memref<1x64x128xf32, #tpu.memory_space<vmem>>
      %dma_start3A_639 = tpu.memref_squeeze %dma_start3A_638 : memref<1x64x128xf32, #tpu.memory_space<vmem>> -> memref<64x128xf32, #tpu.memory_space<vmem>>
      %dma_start3A_640 = arith.constant 0 : i32
      %dma_start3A_641 = tpu.memref_slice %arg11[%add3A_372, %dma_start3A_640] : memref<12832x128xf32, #tpu.memory_space<vmem_shared>> -> memref<64x128xf32, #tpu.memory_space<vmem_shared>>
      tpu.enqueue_dma source(%dma_start3A_641 : memref<64x128xf32, #tpu.memory_space<vmem_shared>>) target(%dma_start3A_639 : memref<64x128xf32, #tpu.memory_space<vmem>>) target_semaphore(%run_scoped3A_629 : memref<!tpu.dma_semaphore, #tpu.memory_space<semaphore_mem>>)
      %dma_wait3A_642 = arith.constant 0 : i32
      %dma_wait3A_643 = arith.constant 0 : i32
      %dma_wait3A_644 = tpu.memref_slice %arg8[%run_scoped3A_373, %dma_wait3A_642, %dma_wait3A_643] : memref<2x64x128xf32, #tpu.memory_space<vmem>> -> memref<1x64x128xf32, #tpu.memory_space<vmem>>
      %dma_wait3A_645 = tpu.memref_squeeze %dma_wait3A_644 : memref<1x64x128xf32, #tpu.memory_space<vmem>> -> memref<64x128xf32, #tpu.memory_space<vmem>>
      %dma_wait3A_646 = arith.constant 0 : i32
      %dma_wait3A_647 = tpu.memref_slice %arg11[%add3A_372, %dma_wait3A_646] : memref<12832x128xf32, #tpu.memory_space<vmem_shared>> -> memref<64x128xf32, #tpu.memory_space<vmem_shared>>
      %dma_wait3A_648 = arith.constant 0 : i32
      %dma_wait3A_649 = arith.constant 0 : i32
      %dma_wait3A_650 = tpu.memref_slice %arg8[%run_scoped3A_373, %dma_wait3A_648, %dma_wait3A_649] : memref<2x64x128xf32, #tpu.memory_space<vmem>> -> memref<1x64x128xf32, #tpu.memory_space<vmem>>
      %dma_wait3A_651 = tpu.memref_squeeze %dma_wait3A_650 : memref<1x64x128xf32, #tpu.memory_space<vmem>> -> memref<64x128xf32, #tpu.memory_space<vmem>>
      %dma_wait3A_652 = arith.constant 0 : i32
      %dma_wait3A_653 = tpu.memref_slice %arg11[%add3A_372, %dma_wait3A_652] : memref<12832x128xf32, #tpu.memory_space<vmem_shared>> -> memref<64x128xf32, #tpu.memory_space<vmem_shared>>
      tpu.wait_dma2 semaphore(%run_scoped3A_629 : memref<!tpu.dma_semaphore, #tpu.memory_space<semaphore_mem>>) src(%dma_wait3A_653 : memref<64x128xf32, #tpu.memory_space<vmem_shared>>) dst(%dma_wait3A_651 : memref<64x128xf32, #tpu.memory_space<vmem>>)
      tpu.yield
    }) : () -> ()
    %mul3A_374 = arith.constant 800 : i32
    %mul3A_375 = arith.muli %arg1, %mul3A_374 : i32
    %add3A_376 = arith.addi %mul3A_0, %mul3A_375 : i32
    %add3A_377 = arith.constant 0 : i32
    %add3A_378 = arith.addi %add3A_376, %add3A_377 : i32
    %run_scoped3A_379 = arith.constant 0 : i32
    "tpu.region"() ({
      %run_scoped3A_629 = tpu.sem_alloc : memref<!tpu.dma_semaphore, #tpu.memory_space<semaphore_mem>>
      %dma_start3A_630 = arith.constant 0 : i32
      %dma_start3A_631 = arith.constant 0 : i32
      %dma_start3A_632 = tpu.memref_slice %arg8[%run_scoped3A_379, %dma_start3A_630, %dma_start3A_631] : memref<2x64x128xf32, #tpu.memory_space<vmem>> -> memref<1x64x128xf32, #tpu.memory_space<vmem>>
      %dma_start3A_633 = tpu.memref_squeeze %dma_start3A_632 : memref<1x64x128xf32, #tpu.memory_space<vmem>> -> memref<64x128xf32, #tpu.memory_space<vmem>>
      %dma_start3A_634 = arith.constant 0 : i32
      %dma_start3A_635 = tpu.memref_slice %arg5[%add3A_378, %dma_start3A_634] : memref<25600x128xf32, #tpu.memory_space<hbm>> -> memref<64x128xf32, #tpu.memory_space<hbm>>
      %dma_start3A_636 = arith.constant 0 : i32
      %dma_start3A_637 = tpu.memref_slice %arg5[%add3A_378, %dma_start3A_636] : memref<25600x128xf32, #tpu.memory_space<hbm>> -> memref<64x128xf32, #tpu.memory_space<hbm>>
      %dma_start3A_638 = arith.constant 0 : i32
      %dma_start3A_639 = arith.constant 0 : i32
      %dma_start3A_640 = tpu.memref_slice %arg8[%run_scoped3A_379, %dma_start3A_638, %dma_start3A_639] : memref<2x64x128xf32, #tpu.memory_space<vmem>> -> memref<1x64x128xf32, #tpu.memory_space<vmem>>
      %dma_start3A_641 = tpu.memref_squeeze %dma_start3A_640 : memref<1x64x128xf32, #tpu.memory_space<vmem>> -> memref<64x128xf32, #tpu.memory_space<vmem>>
      tpu.enqueue_dma source(%dma_start3A_641 : memref<64x128xf32, #tpu.memory_space<vmem>>) target(%dma_start3A_637 : memref<64x128xf32, #tpu.memory_space<hbm>>) target_semaphore(%run_scoped3A_629 : memref<!tpu.dma_semaphore, #tpu.memory_space<semaphore_mem>>)
      %dma_wait3A_642 = arith.constant 0 : i32
      %dma_wait3A_643 = arith.constant 0 : i32
      %dma_wait3A_644 = tpu.memref_slice %arg8[%run_scoped3A_379, %dma_wait3A_642, %dma_wait3A_643] : memref<2x64x128xf32, #tpu.memory_space<vmem>> -> memref<1x64x128xf32, #tpu.memory_space<vmem>>
      %dma_wait3A_645 = tpu.memref_squeeze %dma_wait3A_644 : memref<1x64x128xf32, #tpu.memory_space<vmem>> -> memref<64x128xf32, #tpu.memory_space<vmem>>
      %dma_wait3A_646 = arith.constant 0 : i32
      %dma_wait3A_647 = tpu.memref_slice %arg5[%add3A_378, %dma_wait3A_646] : memref<25600x128xf32, #tpu.memory_space<hbm>> -> memref<64x128xf32, #tpu.memory_space<hbm>>
      %dma_wait3A_648 = arith.constant 0 : i32
      %dma_wait3A_649 = tpu.memref_slice %arg5[%add3A_378, %dma_wait3A_648] : memref<25600x128xf32, #tpu.memory_space<hbm>> -> memref<64x128xf32, #tpu.memory_space<hbm>>
      %dma_wait3A_650 = arith.constant 0 : i32
      %dma_wait3A_651 = arith.constant 0 : i32
      %dma_wait3A_652 = tpu.memref_slice %arg8[%run_scoped3A_379, %dma_wait3A_650, %dma_wait3A_651] : memref<2x64x128xf32, #tpu.memory_space<vmem>> -> memref<1x64x128xf32, #tpu.memory_space<vmem>>
      %dma_wait3A_653 = tpu.memref_squeeze %dma_wait3A_652 : memref<1x64x128xf32, #tpu.memory_space<vmem>> -> memref<64x128xf32, #tpu.memory_space<vmem>>
      tpu.wait_dma2 semaphore(%run_scoped3A_629 : memref<!tpu.dma_semaphore, #tpu.memory_space<semaphore_mem>>) src(%dma_wait3A_653 : memref<64x128xf32, #tpu.memory_space<vmem>>) dst(%dma_wait3A_649 : memref<64x128xf32, #tpu.memory_space<hbm>>)
      tpu.yield
    }) : () -> ()
    %mul3A_380 = arith.constant 800 : i32
    %mul3A_381 = arith.muli %arg1, %mul3A_380 : i32
    %add3A_382 = arith.constant 0 : i32
    %add3A_383 = arith.addi %mul3A_381, %add3A_382 : i32
    %add3A_384 = arith.constant 64 : i32
    %add3A_385 = arith.addi %add3A_383, %add3A_384 : i32
    %run_scoped3A_386 = arith.constant 1 : i32
    "tpu.region"() ({
      %run_scoped3A_629 = tpu.sem_alloc : memref<!tpu.dma_semaphore, #tpu.memory_space<semaphore_mem>>
      %dma_start3A_630 = arith.constant 0 : i32
      %dma_start3A_631 = arith.constant 0 : i32
      %dma_start3A_632 = tpu.memref_slice %arg8[%run_scoped3A_386, %dma_start3A_630, %dma_start3A_631] : memref<2x64x128xf32, #tpu.memory_space<vmem>> -> memref<1x16x128xf32, #tpu.memory_space<vmem>>
      %dma_start3A_633 = tpu.memref_squeeze %dma_start3A_632 : memref<1x16x128xf32, #tpu.memory_space<vmem>> -> memref<16x128xf32, #tpu.memory_space<vmem>>
      %dma_start3A_634 = arith.constant 0 : i32
      %dma_start3A_635 = tpu.memref_slice %arg11[%add3A_385, %dma_start3A_634] : memref<12832x128xf32, #tpu.memory_space<vmem_shared>> -> memref<16x128xf32, #tpu.memory_space<vmem_shared>>
      %dma_start3A_636 = arith.constant 0 : i32
      %dma_start3A_637 = arith.constant 0 : i32
      %dma_start3A_638 = tpu.memref_slice %arg8[%run_scoped3A_386, %dma_start3A_636, %dma_start3A_637] : memref<2x64x128xf32, #tpu.memory_space<vmem>> -> memref<1x16x128xf32, #tpu.memory_space<vmem>>
      %dma_start3A_639 = tpu.memref_squeeze %dma_start3A_638 : memref<1x16x128xf32, #tpu.memory_space<vmem>> -> memref<16x128xf32, #tpu.memory_space<vmem>>
      %dma_start3A_640 = arith.constant 0 : i32
      %dma_start3A_641 = tpu.memref_slice %arg11[%add3A_385, %dma_start3A_640] : memref<12832x128xf32, #tpu.memory_space<vmem_shared>> -> memref<16x128xf32, #tpu.memory_space<vmem_shared>>
      tpu.enqueue_dma source(%dma_start3A_641 : memref<16x128xf32, #tpu.memory_space<vmem_shared>>) target(%dma_start3A_639 : memref<16x128xf32, #tpu.memory_space<vmem>>) target_semaphore(%run_scoped3A_629 : memref<!tpu.dma_semaphore, #tpu.memory_space<semaphore_mem>>)
      %dma_wait3A_642 = arith.constant 0 : i32
      %dma_wait3A_643 = arith.constant 0 : i32
      %dma_wait3A_644 = tpu.memref_slice %arg8[%run_scoped3A_386, %dma_wait3A_642, %dma_wait3A_643] : memref<2x64x128xf32, #tpu.memory_space<vmem>> -> memref<1x16x128xf32, #tpu.memory_space<vmem>>
      %dma_wait3A_645 = tpu.memref_squeeze %dma_wait3A_644 : memref<1x16x128xf32, #tpu.memory_space<vmem>> -> memref<16x128xf32, #tpu.memory_space<vmem>>
      %dma_wait3A_646 = arith.constant 0 : i32
      %dma_wait3A_647 = tpu.memref_slice %arg11[%add3A_385, %dma_wait3A_646] : memref<12832x128xf32, #tpu.memory_space<vmem_shared>> -> memref<16x128xf32, #tpu.memory_space<vmem_shared>>
      %dma_wait3A_648 = arith.constant 0 : i32
      %dma_wait3A_649 = arith.constant 0 : i32
      %dma_wait3A_650 = tpu.memref_slice %arg8[%run_scoped3A_386, %dma_wait3A_648, %dma_wait3A_649] : memref<2x64x128xf32, #tpu.memory_space<vmem>> -> memref<1x16x128xf32, #tpu.memory_space<vmem>>
      %dma_wait3A_651 = tpu.memref_squeeze %dma_wait3A_650 : memref<1x16x128xf32, #tpu.memory_space<vmem>> -> memref<16x128xf32, #tpu.memory_space<vmem>>
      %dma_wait3A_652 = arith.constant 0 : i32
      %dma_wait3A_653 = tpu.memref_slice %arg11[%add3A_385, %dma_wait3A_652] : memref<12832x128xf32, #tpu.memory_space<vmem_shared>> -> memref<16x128xf32, #tpu.memory_space<vmem_shared>>
      tpu.wait_dma2 semaphore(%run_scoped3A_629 : memref<!tpu.dma_semaphore, #tpu.memory_space<semaphore_mem>>) src(%dma_wait3A_653 : memref<16x128xf32, #tpu.memory_space<vmem_shared>>) dst(%dma_wait3A_651 : memref<16x128xf32, #tpu.memory_space<vmem>>)
      tpu.yield
    }) : () -> ()
    %mul3A_387 = arith.constant 800 : i32
    %mul3A_388 = arith.muli %arg1, %mul3A_387 : i32
    %add3A_389 = arith.addi %mul3A_0, %mul3A_388 : i32
    %add3A_390 = arith.constant 0 : i32
    %add3A_391 = arith.addi %add3A_389, %add3A_390 : i32
    %add3A_392 = arith.constant 64 : i32
    %add3A_393 = arith.addi %add3A_391, %add3A_392 : i32
    %run_scoped3A_394 = arith.constant 1 : i32
    "tpu.region"() ({
      %run_scoped3A_629 = tpu.sem_alloc : memref<!tpu.dma_semaphore, #tpu.memory_space<semaphore_mem>>
      %dma_start3A_630 = arith.constant 0 : i32
      %dma_start3A_631 = arith.constant 0 : i32
      %dma_start3A_632 = tpu.memref_slice %arg8[%run_scoped3A_394, %dma_start3A_630, %dma_start3A_631] : memref<2x64x128xf32, #tpu.memory_space<vmem>> -> memref<1x16x128xf32, #tpu.memory_space<vmem>>
      %dma_start3A_633 = tpu.memref_squeeze %dma_start3A_632 : memref<1x16x128xf32, #tpu.memory_space<vmem>> -> memref<16x128xf32, #tpu.memory_space<vmem>>
      %dma_start3A_634 = arith.constant 0 : i32
      %dma_start3A_635 = tpu.memref_slice %arg5[%add3A_393, %dma_start3A_634] : memref<25600x128xf32, #tpu.memory_space<hbm>> -> memref<16x128xf32, #tpu.memory_space<hbm>>
      %dma_start3A_636 = arith.constant 0 : i32
      %dma_start3A_637 = tpu.memref_slice %arg5[%add3A_393, %dma_start3A_636] : memref<25600x128xf32, #tpu.memory_space<hbm>> -> memref<16x128xf32, #tpu.memory_space<hbm>>
      %dma_start3A_638 = arith.constant 0 : i32
      %dma_start3A_639 = arith.constant 0 : i32
      %dma_start3A_640 = tpu.memref_slice %arg8[%run_scoped3A_394, %dma_start3A_638, %dma_start3A_639] : memref<2x64x128xf32, #tpu.memory_space<vmem>> -> memref<1x16x128xf32, #tpu.memory_space<vmem>>
      %dma_start3A_641 = tpu.memref_squeeze %dma_start3A_640 : memref<1x16x128xf32, #tpu.memory_space<vmem>> -> memref<16x128xf32, #tpu.memory_space<vmem>>
      tpu.enqueue_dma source(%dma_start3A_641 : memref<16x128xf32, #tpu.memory_space<vmem>>) target(%dma_start3A_637 : memref<16x128xf32, #tpu.memory_space<hbm>>) target_semaphore(%run_scoped3A_629 : memref<!tpu.dma_semaphore, #tpu.memory_space<semaphore_mem>>)
      %dma_wait3A_642 = arith.constant 0 : i32
      %dma_wait3A_643 = arith.constant 0 : i32
      %dma_wait3A_644 = tpu.memref_slice %arg8[%run_scoped3A_394, %dma_wait3A_642, %dma_wait3A_643] : memref<2x64x128xf32, #tpu.memory_space<vmem>> -> memref<1x16x128xf32, #tpu.memory_space<vmem>>
      %dma_wait3A_645 = tpu.memref_squeeze %dma_wait3A_644 : memref<1x16x128xf32, #tpu.memory_space<vmem>> -> memref<16x128xf32, #tpu.memory_space<vmem>>
      %dma_wait3A_646 = arith.constant 0 : i32
      %dma_wait3A_647 = tpu.memref_slice %arg5[%add3A_393, %dma_wait3A_646] : memref<25600x128xf32, #tpu.memory_space<hbm>> -> memref<16x128xf32, #tpu.memory_space<hbm>>
      %dma_wait3A_648 = arith.constant 0 : i32
      %dma_wait3A_649 = tpu.memref_slice %arg5[%add3A_393, %dma_wait3A_648] : memref<25600x128xf32, #tpu.memory_space<hbm>> -> memref<16x128xf32, #tpu.memory_space<hbm>>
      %dma_wait3A_650 = arith.constant 0 : i32
      %dma_wait3A_651 = arith.constant 0 : i32
      %dma_wait3A_652 = tpu.memref_slice %arg8[%run_scoped3A_394, %dma_wait3A_650, %dma_wait3A_651] : memref<2x64x128xf32, #tpu.memory_space<vmem>> -> memref<1x16x128xf32, #tpu.memory_space<vmem>>
      %dma_wait3A_653 = tpu.memref_squeeze %dma_wait3A_652 : memref<1x16x128xf32, #tpu.memory_space<vmem>> -> memref<16x128xf32, #tpu.memory_space<vmem>>
      tpu.wait_dma2 semaphore(%run_scoped3A_629 : memref<!tpu.dma_semaphore, #tpu.memory_space<semaphore_mem>>) src(%dma_wait3A_653 : memref<16x128xf32, #tpu.memory_space<vmem>>) dst(%dma_wait3A_649 : memref<16x128xf32, #tpu.memory_space<hbm>>)
      tpu.yield
    }) : () -> ()
    %mul3A_395 = arith.constant 800 : i32
    %mul3A_396 = arith.muli %arg1, %mul3A_395 : i32
    %add3A_397 = arith.constant 80 : i32
    %add3A_398 = arith.addi %mul3A_396, %add3A_397 : i32
    %run_scoped3A_399 = arith.constant 0 : i32
    "tpu.region"() ({
      %run_scoped3A_629 = tpu.sem_alloc : memref<!tpu.dma_semaphore, #tpu.memory_space<semaphore_mem>>
      %dma_start3A_630 = arith.constant 0 : i32
      %dma_start3A_631 = arith.constant 0 : i32
      %dma_start3A_632 = tpu.memref_slice %arg8[%run_scoped3A_399, %dma_start3A_630, %dma_start3A_631] : memref<2x64x128xf32, #tpu.memory_space<vmem>> -> memref<1x64x128xf32, #tpu.memory_space<vmem>>
      %dma_start3A_633 = tpu.memref_squeeze %dma_start3A_632 : memref<1x64x128xf32, #tpu.memory_space<vmem>> -> memref<64x128xf32, #tpu.memory_space<vmem>>
      %dma_start3A_634 = arith.constant 0 : i32
      %dma_start3A_635 = tpu.memref_slice %arg11[%add3A_398, %dma_start3A_634] : memref<12832x128xf32, #tpu.memory_space<vmem_shared>> -> memref<64x128xf32, #tpu.memory_space<vmem_shared>>
      %dma_start3A_636 = arith.constant 0 : i32
      %dma_start3A_637 = arith.constant 0 : i32
      %dma_start3A_638 = tpu.memref_slice %arg8[%run_scoped3A_399, %dma_start3A_636, %dma_start3A_637] : memref<2x64x128xf32, #tpu.memory_space<vmem>> -> memref<1x64x128xf32, #tpu.memory_space<vmem>>
      %dma_start3A_639 = tpu.memref_squeeze %dma_start3A_638 : memref<1x64x128xf32, #tpu.memory_space<vmem>> -> memref<64x128xf32, #tpu.memory_space<vmem>>
      %dma_start3A_640 = arith.constant 0 : i32
      %dma_start3A_641 = tpu.memref_slice %arg11[%add3A_398, %dma_start3A_640] : memref<12832x128xf32, #tpu.memory_space<vmem_shared>> -> memref<64x128xf32, #tpu.memory_space<vmem_shared>>
      tpu.enqueue_dma source(%dma_start3A_641 : memref<64x128xf32, #tpu.memory_space<vmem_shared>>) target(%dma_start3A_639 : memref<64x128xf32, #tpu.memory_space<vmem>>) target_semaphore(%run_scoped3A_629 : memref<!tpu.dma_semaphore, #tpu.memory_space<semaphore_mem>>)
      %dma_wait3A_642 = arith.constant 0 : i32
      %dma_wait3A_643 = arith.constant 0 : i32
      %dma_wait3A_644 = tpu.memref_slice %arg8[%run_scoped3A_399, %dma_wait3A_642, %dma_wait3A_643] : memref<2x64x128xf32, #tpu.memory_space<vmem>> -> memref<1x64x128xf32, #tpu.memory_space<vmem>>
      %dma_wait3A_645 = tpu.memref_squeeze %dma_wait3A_644 : memref<1x64x128xf32, #tpu.memory_space<vmem>> -> memref<64x128xf32, #tpu.memory_space<vmem>>
      %dma_wait3A_646 = arith.constant 0 : i32
      %dma_wait3A_647 = tpu.memref_slice %arg11[%add3A_398, %dma_wait3A_646] : memref<12832x128xf32, #tpu.memory_space<vmem_shared>> -> memref<64x128xf32, #tpu.memory_space<vmem_shared>>
      %dma_wait3A_648 = arith.constant 0 : i32
      %dma_wait3A_649 = arith.constant 0 : i32
      %dma_wait3A_650 = tpu.memref_slice %arg8[%run_scoped3A_399, %dma_wait3A_648, %dma_wait3A_649] : memref<2x64x128xf32, #tpu.memory_space<vmem>> -> memref<1x64x128xf32, #tpu.memory_space<vmem>>
      %dma_wait3A_651 = tpu.memref_squeeze %dma_wait3A_650 : memref<1x64x128xf32, #tpu.memory_space<vmem>> -> memref<64x128xf32, #tpu.memory_space<vmem>>
      %dma_wait3A_652 = arith.constant 0 : i32
      %dma_wait3A_653 = tpu.memref_slice %arg11[%add3A_398, %dma_wait3A_652] : memref<12832x128xf32, #tpu.memory_space<vmem_shared>> -> memref<64x128xf32, #tpu.memory_space<vmem_shared>>
      tpu.wait_dma2 semaphore(%run_scoped3A_629 : memref<!tpu.dma_semaphore, #tpu.memory_space<semaphore_mem>>) src(%dma_wait3A_653 : memref<64x128xf32, #tpu.memory_space<vmem_shared>>) dst(%dma_wait3A_651 : memref<64x128xf32, #tpu.memory_space<vmem>>)
      tpu.yield
    }) : () -> ()
    %mul3A_400 = arith.constant 800 : i32
    %mul3A_401 = arith.muli %arg1, %mul3A_400 : i32
    %add3A_402 = arith.addi %mul3A_0, %mul3A_401 : i32
    %add3A_403 = arith.constant 80 : i32
    %add3A_404 = arith.addi %add3A_402, %add3A_403 : i32
    %run_scoped3A_405 = arith.constant 0 : i32
    "tpu.region"() ({
      %run_scoped3A_629 = tpu.sem_alloc : memref<!tpu.dma_semaphore, #tpu.memory_space<semaphore_mem>>
      %dma_start3A_630 = arith.constant 0 : i32
      %dma_start3A_631 = arith.constant 0 : i32
      %dma_start3A_632 = tpu.memref_slice %arg8[%run_scoped3A_405, %dma_start3A_630, %dma_start3A_631] : memref<2x64x128xf32, #tpu.memory_space<vmem>> -> memref<1x64x128xf32, #tpu.memory_space<vmem>>
      %dma_start3A_633 = tpu.memref_squeeze %dma_start3A_632 : memref<1x64x128xf32, #tpu.memory_space<vmem>> -> memref<64x128xf32, #tpu.memory_space<vmem>>
      %dma_start3A_634 = arith.constant 0 : i32
      %dma_start3A_635 = tpu.memref_slice %arg5[%add3A_404, %dma_start3A_634] : memref<25600x128xf32, #tpu.memory_space<hbm>> -> memref<64x128xf32, #tpu.memory_space<hbm>>
      %dma_start3A_636 = arith.constant 0 : i32
      %dma_start3A_637 = tpu.memref_slice %arg5[%add3A_404, %dma_start3A_636] : memref<25600x128xf32, #tpu.memory_space<hbm>> -> memref<64x128xf32, #tpu.memory_space<hbm>>
      %dma_start3A_638 = arith.constant 0 : i32
      %dma_start3A_639 = arith.constant 0 : i32
      %dma_start3A_640 = tpu.memref_slice %arg8[%run_scoped3A_405, %dma_start3A_638, %dma_start3A_639] : memref<2x64x128xf32, #tpu.memory_space<vmem>> -> memref<1x64x128xf32, #tpu.memory_space<vmem>>
      %dma_start3A_641 = tpu.memref_squeeze %dma_start3A_640 : memref<1x64x128xf32, #tpu.memory_space<vmem>> -> memref<64x128xf32, #tpu.memory_space<vmem>>
      tpu.enqueue_dma source(%dma_start3A_641 : memref<64x128xf32, #tpu.memory_space<vmem>>) target(%dma_start3A_637 : memref<64x128xf32, #tpu.memory_space<hbm>>) target_semaphore(%run_scoped3A_629 : memref<!tpu.dma_semaphore, #tpu.memory_space<semaphore_mem>>)
      %dma_wait3A_642 = arith.constant 0 : i32
      %dma_wait3A_643 = arith.constant 0 : i32
      %dma_wait3A_644 = tpu.memref_slice %arg8[%run_scoped3A_405, %dma_wait3A_642, %dma_wait3A_643] : memref<2x64x128xf32, #tpu.memory_space<vmem>> -> memref<1x64x128xf32, #tpu.memory_space<vmem>>
      %dma_wait3A_645 = tpu.memref_squeeze %dma_wait3A_644 : memref<1x64x128xf32, #tpu.memory_space<vmem>> -> memref<64x128xf32, #tpu.memory_space<vmem>>
      %dma_wait3A_646 = arith.constant 0 : i32
      %dma_wait3A_647 = tpu.memref_slice %arg5[%add3A_404, %dma_wait3A_646] : memref<25600x128xf32, #tpu.memory_space<hbm>> -> memref<64x128xf32, #tpu.memory_space<hbm>>
      %dma_wait3A_648 = arith.constant 0 : i32
      %dma_wait3A_649 = tpu.memref_slice %arg5[%add3A_404, %dma_wait3A_648] : memref<25600x128xf32, #tpu.memory_space<hbm>> -> memref<64x128xf32, #tpu.memory_space<hbm>>
      %dma_wait3A_650 = arith.constant 0 : i32
      %dma_wait3A_651 = arith.constant 0 : i32
      %dma_wait3A_652 = tpu.memref_slice %arg8[%run_scoped3A_405, %dma_wait3A_650, %dma_wait3A_651] : memref<2x64x128xf32, #tpu.memory_space<vmem>> -> memref<1x64x128xf32, #tpu.memory_space<vmem>>
      %dma_wait3A_653 = tpu.memref_squeeze %dma_wait3A_652 : memref<1x64x128xf32, #tpu.memory_space<vmem>> -> memref<64x128xf32, #tpu.memory_space<vmem>>
      tpu.wait_dma2 semaphore(%run_scoped3A_629 : memref<!tpu.dma_semaphore, #tpu.memory_space<semaphore_mem>>) src(%dma_wait3A_653 : memref<64x128xf32, #tpu.memory_space<vmem>>) dst(%dma_wait3A_649 : memref<64x128xf32, #tpu.memory_space<hbm>>)
      tpu.yield
    }) : () -> ()
    %mul3A_406 = arith.constant 800 : i32
    %mul3A_407 = arith.muli %arg1, %mul3A_406 : i32
    %add3A_408 = arith.constant 80 : i32
    %add3A_409 = arith.addi %mul3A_407, %add3A_408 : i32
    %add3A_410 = arith.constant 64 : i32
    %add3A_411 = arith.addi %add3A_409, %add3A_410 : i32
    %run_scoped3A_412 = arith.constant 1 : i32
    "tpu.region"() ({
      %run_scoped3A_629 = tpu.sem_alloc : memref<!tpu.dma_semaphore, #tpu.memory_space<semaphore_mem>>
      %dma_start3A_630 = arith.constant 0 : i32
      %dma_start3A_631 = arith.constant 0 : i32
      %dma_start3A_632 = tpu.memref_slice %arg8[%run_scoped3A_412, %dma_start3A_630, %dma_start3A_631] : memref<2x64x128xf32, #tpu.memory_space<vmem>> -> memref<1x16x128xf32, #tpu.memory_space<vmem>>
      %dma_start3A_633 = tpu.memref_squeeze %dma_start3A_632 : memref<1x16x128xf32, #tpu.memory_space<vmem>> -> memref<16x128xf32, #tpu.memory_space<vmem>>
      %dma_start3A_634 = arith.constant 0 : i32
      %dma_start3A_635 = tpu.memref_slice %arg11[%add3A_411, %dma_start3A_634] : memref<12832x128xf32, #tpu.memory_space<vmem_shared>> -> memref<16x128xf32, #tpu.memory_space<vmem_shared>>
      %dma_start3A_636 = arith.constant 0 : i32
      %dma_start3A_637 = arith.constant 0 : i32
      %dma_start3A_638 = tpu.memref_slice %arg8[%run_scoped3A_412, %dma_start3A_636, %dma_start3A_637] : memref<2x64x128xf32, #tpu.memory_space<vmem>> -> memref<1x16x128xf32, #tpu.memory_space<vmem>>
      %dma_start3A_639 = tpu.memref_squeeze %dma_start3A_638 : memref<1x16x128xf32, #tpu.memory_space<vmem>> -> memref<16x128xf32, #tpu.memory_space<vmem>>
      %dma_start3A_640 = arith.constant 0 : i32
      %dma_start3A_641 = tpu.memref_slice %arg11[%add3A_411, %dma_start3A_640] : memref<12832x128xf32, #tpu.memory_space<vmem_shared>> -> memref<16x128xf32, #tpu.memory_space<vmem_shared>>
      tpu.enqueue_dma source(%dma_start3A_641 : memref<16x128xf32, #tpu.memory_space<vmem_shared>>) target(%dma_start3A_639 : memref<16x128xf32, #tpu.memory_space<vmem>>) target_semaphore(%run_scoped3A_629 : memref<!tpu.dma_semaphore, #tpu.memory_space<semaphore_mem>>)
      %dma_wait3A_642 = arith.constant 0 : i32
      %dma_wait3A_643 = arith.constant 0 : i32
      %dma_wait3A_644 = tpu.memref_slice %arg8[%run_scoped3A_412, %dma_wait3A_642, %dma_wait3A_643] : memref<2x64x128xf32, #tpu.memory_space<vmem>> -> memref<1x16x128xf32, #tpu.memory_space<vmem>>
      %dma_wait3A_645 = tpu.memref_squeeze %dma_wait3A_644 : memref<1x16x128xf32, #tpu.memory_space<vmem>> -> memref<16x128xf32, #tpu.memory_space<vmem>>
      %dma_wait3A_646 = arith.constant 0 : i32
      %dma_wait3A_647 = tpu.memref_slice %arg11[%add3A_411, %dma_wait3A_646] : memref<12832x128xf32, #tpu.memory_space<vmem_shared>> -> memref<16x128xf32, #tpu.memory_space<vmem_shared>>
      %dma_wait3A_648 = arith.constant 0 : i32
      %dma_wait3A_649 = arith.constant 0 : i32
      %dma_wait3A_650 = tpu.memref_slice %arg8[%run_scoped3A_412, %dma_wait3A_648, %dma_wait3A_649] : memref<2x64x128xf32, #tpu.memory_space<vmem>> -> memref<1x16x128xf32, #tpu.memory_space<vmem>>
      %dma_wait3A_651 = tpu.memref_squeeze %dma_wait3A_650 : memref<1x16x128xf32, #tpu.memory_space<vmem>> -> memref<16x128xf32, #tpu.memory_space<vmem>>
      %dma_wait3A_652 = arith.constant 0 : i32
      %dma_wait3A_653 = tpu.memref_slice %arg11[%add3A_411, %dma_wait3A_652] : memref<12832x128xf32, #tpu.memory_space<vmem_shared>> -> memref<16x128xf32, #tpu.memory_space<vmem_shared>>
      tpu.wait_dma2 semaphore(%run_scoped3A_629 : memref<!tpu.dma_semaphore, #tpu.memory_space<semaphore_mem>>) src(%dma_wait3A_653 : memref<16x128xf32, #tpu.memory_space<vmem_shared>>) dst(%dma_wait3A_651 : memref<16x128xf32, #tpu.memory_space<vmem>>)
      tpu.yield
    }) : () -> ()
    %mul3A_413 = arith.constant 800 : i32
    %mul3A_414 = arith.muli %arg1, %mul3A_413 : i32
    %add3A_415 = arith.addi %mul3A_0, %mul3A_414 : i32
    %add3A_416 = arith.constant 80 : i32
    %add3A_417 = arith.addi %add3A_415, %add3A_416 : i32
    %add3A_418 = arith.constant 64 : i32
    %add3A_419 = arith.addi %add3A_417, %add3A_418 : i32
    %run_scoped3A_420 = arith.constant 1 : i32
    "tpu.region"() ({
      %run_scoped3A_629 = tpu.sem_alloc : memref<!tpu.dma_semaphore, #tpu.memory_space<semaphore_mem>>
      %dma_start3A_630 = arith.constant 0 : i32
      %dma_start3A_631 = arith.constant 0 : i32
      %dma_start3A_632 = tpu.memref_slice %arg8[%run_scoped3A_420, %dma_start3A_630, %dma_start3A_631] : memref<2x64x128xf32, #tpu.memory_space<vmem>> -> memref<1x16x128xf32, #tpu.memory_space<vmem>>
      %dma_start3A_633 = tpu.memref_squeeze %dma_start3A_632 : memref<1x16x128xf32, #tpu.memory_space<vmem>> -> memref<16x128xf32, #tpu.memory_space<vmem>>
      %dma_start3A_634 = arith.constant 0 : i32
      %dma_start3A_635 = tpu.memref_slice %arg5[%add3A_419, %dma_start3A_634] : memref<25600x128xf32, #tpu.memory_space<hbm>> -> memref<16x128xf32, #tpu.memory_space<hbm>>
      %dma_start3A_636 = arith.constant 0 : i32
      %dma_start3A_637 = tpu.memref_slice %arg5[%add3A_419, %dma_start3A_636] : memref<25600x128xf32, #tpu.memory_space<hbm>> -> memref<16x128xf32, #tpu.memory_space<hbm>>
      %dma_start3A_638 = arith.constant 0 : i32
      %dma_start3A_639 = arith.constant 0 : i32
      %dma_start3A_640 = tpu.memref_slice %arg8[%run_scoped3A_420, %dma_start3A_638, %dma_start3A_639] : memref<2x64x128xf32, #tpu.memory_space<vmem>> -> memref<1x16x128xf32, #tpu.memory_space<vmem>>
      %dma_start3A_641 = tpu.memref_squeeze %dma_start3A_640 : memref<1x16x128xf32, #tpu.memory_space<vmem>> -> memref<16x128xf32, #tpu.memory_space<vmem>>
      tpu.enqueue_dma source(%dma_start3A_641 : memref<16x128xf32, #tpu.memory_space<vmem>>) target(%dma_start3A_637 : memref<16x128xf32, #tpu.memory_space<hbm>>) target_semaphore(%run_scoped3A_629 : memref<!tpu.dma_semaphore, #tpu.memory_space<semaphore_mem>>)
      %dma_wait3A_642 = arith.constant 0 : i32
      %dma_wait3A_643 = arith.constant 0 : i32
      %dma_wait3A_644 = tpu.memref_slice %arg8[%run_scoped3A_420, %dma_wait3A_642, %dma_wait3A_643] : memref<2x64x128xf32, #tpu.memory_space<vmem>> -> memref<1x16x128xf32, #tpu.memory_space<vmem>>
      %dma_wait3A_645 = tpu.memref_squeeze %dma_wait3A_644 : memref<1x16x128xf32, #tpu.memory_space<vmem>> -> memref<16x128xf32, #tpu.memory_space<vmem>>
      %dma_wait3A_646 = arith.constant 0 : i32
      %dma_wait3A_647 = tpu.memref_slice %arg5[%add3A_419, %dma_wait3A_646] : memref<25600x128xf32, #tpu.memory_space<hbm>> -> memref<16x128xf32, #tpu.memory_space<hbm>>
      %dma_wait3A_648 = arith.constant 0 : i32
      %dma_wait3A_649 = tpu.memref_slice %arg5[%add3A_419, %dma_wait3A_648] : memref<25600x128xf32, #tpu.memory_space<hbm>> -> memref<16x128xf32, #tpu.memory_space<hbm>>
      %dma_wait3A_650 = arith.constant 0 : i32
      %dma_wait3A_651 = arith.constant 0 : i32
      %dma_wait3A_652 = tpu.memref_slice %arg8[%run_scoped3A_420, %dma_wait3A_650, %dma_wait3A_651] : memref<2x64x128xf32, #tpu.memory_space<vmem>> -> memref<1x16x128xf32, #tpu.memory_space<vmem>>
      %dma_wait3A_653 = tpu.memref_squeeze %dma_wait3A_652 : memref<1x16x128xf32, #tpu.memory_space<vmem>> -> memref<16x128xf32, #tpu.memory_space<vmem>>
      tpu.wait_dma2 semaphore(%run_scoped3A_629 : memref<!tpu.dma_semaphore, #tpu.memory_space<semaphore_mem>>) src(%dma_wait3A_653 : memref<16x128xf32, #tpu.memory_space<vmem>>) dst(%dma_wait3A_649 : memref<16x128xf32, #tpu.memory_space<hbm>>)
      tpu.yield
    }) : () -> ()
    %mul3A_421 = arith.constant 800 : i32
    %mul3A_422 = arith.muli %arg1, %mul3A_421 : i32
    %add3A_423 = arith.constant 160 : i32
    %add3A_424 = arith.addi %mul3A_422, %add3A_423 : i32
    %run_scoped3A_425 = arith.constant 0 : i32
    "tpu.region"() ({
      %run_scoped3A_629 = tpu.sem_alloc : memref<!tpu.dma_semaphore, #tpu.memory_space<semaphore_mem>>
      %dma_start3A_630 = arith.constant 0 : i32
      %dma_start3A_631 = arith.constant 0 : i32
      %dma_start3A_632 = tpu.memref_slice %arg8[%run_scoped3A_425, %dma_start3A_630, %dma_start3A_631] : memref<2x64x128xf32, #tpu.memory_space<vmem>> -> memref<1x64x128xf32, #tpu.memory_space<vmem>>
      %dma_start3A_633 = tpu.memref_squeeze %dma_start3A_632 : memref<1x64x128xf32, #tpu.memory_space<vmem>> -> memref<64x128xf32, #tpu.memory_space<vmem>>
      %dma_start3A_634 = arith.constant 0 : i32
      %dma_start3A_635 = tpu.memref_slice %arg11[%add3A_424, %dma_start3A_634] : memref<12832x128xf32, #tpu.memory_space<vmem_shared>> -> memref<64x128xf32, #tpu.memory_space<vmem_shared>>
      %dma_start3A_636 = arith.constant 0 : i32
      %dma_start3A_637 = arith.constant 0 : i32
      %dma_start3A_638 = tpu.memref_slice %arg8[%run_scoped3A_425, %dma_start3A_636, %dma_start3A_637] : memref<2x64x128xf32, #tpu.memory_space<vmem>> -> memref<1x64x128xf32, #tpu.memory_space<vmem>>
      %dma_start3A_639 = tpu.memref_squeeze %dma_start3A_638 : memref<1x64x128xf32, #tpu.memory_space<vmem>> -> memref<64x128xf32, #tpu.memory_space<vmem>>
      %dma_start3A_640 = arith.constant 0 : i32
      %dma_start3A_641 = tpu.memref_slice %arg11[%add3A_424, %dma_start3A_640] : memref<12832x128xf32, #tpu.memory_space<vmem_shared>> -> memref<64x128xf32, #tpu.memory_space<vmem_shared>>
      tpu.enqueue_dma source(%dma_start3A_641 : memref<64x128xf32, #tpu.memory_space<vmem_shared>>) target(%dma_start3A_639 : memref<64x128xf32, #tpu.memory_space<vmem>>) target_semaphore(%run_scoped3A_629 : memref<!tpu.dma_semaphore, #tpu.memory_space<semaphore_mem>>)
      %dma_wait3A_642 = arith.constant 0 : i32
      %dma_wait3A_643 = arith.constant 0 : i32
      %dma_wait3A_644 = tpu.memref_slice %arg8[%run_scoped3A_425, %dma_wait3A_642, %dma_wait3A_643] : memref<2x64x128xf32, #tpu.memory_space<vmem>> -> memref<1x64x128xf32, #tpu.memory_space<vmem>>
      %dma_wait3A_645 = tpu.memref_squeeze %dma_wait3A_644 : memref<1x64x128xf32, #tpu.memory_space<vmem>> -> memref<64x128xf32, #tpu.memory_space<vmem>>
      %dma_wait3A_646 = arith.constant 0 : i32
      %dma_wait3A_647 = tpu.memref_slice %arg11[%add3A_424, %dma_wait3A_646] : memref<12832x128xf32, #tpu.memory_space<vmem_shared>> -> memref<64x128xf32, #tpu.memory_space<vmem_shared>>
      %dma_wait3A_648 = arith.constant 0 : i32
      %dma_wait3A_649 = arith.constant 0 : i32
      %dma_wait3A_650 = tpu.memref_slice %arg8[%run_scoped3A_425, %dma_wait3A_648, %dma_wait3A_649] : memref<2x64x128xf32, #tpu.memory_space<vmem>> -> memref<1x64x128xf32, #tpu.memory_space<vmem>>
      %dma_wait3A_651 = tpu.memref_squeeze %dma_wait3A_650 : memref<1x64x128xf32, #tpu.memory_space<vmem>> -> memref<64x128xf32, #tpu.memory_space<vmem>>
      %dma_wait3A_652 = arith.constant 0 : i32
      %dma_wait3A_653 = tpu.memref_slice %arg11[%add3A_424, %dma_wait3A_652] : memref<12832x128xf32, #tpu.memory_space<vmem_shared>> -> memref<64x128xf32, #tpu.memory_space<vmem_shared>>
      tpu.wait_dma2 semaphore(%run_scoped3A_629 : memref<!tpu.dma_semaphore, #tpu.memory_space<semaphore_mem>>) src(%dma_wait3A_653 : memref<64x128xf32, #tpu.memory_space<vmem_shared>>) dst(%dma_wait3A_651 : memref<64x128xf32, #tpu.memory_space<vmem>>)
      tpu.yield
    }) : () -> ()
    %mul3A_426 = arith.constant 800 : i32
    %mul3A_427 = arith.muli %arg1, %mul3A_426 : i32
    %add3A_428 = arith.addi %mul3A_0, %mul3A_427 : i32
    %add3A_429 = arith.constant 160 : i32
    %add3A_430 = arith.addi %add3A_428, %add3A_429 : i32
    %run_scoped3A_431 = arith.constant 0 : i32
    "tpu.region"() ({
      %run_scoped3A_629 = tpu.sem_alloc : memref<!tpu.dma_semaphore, #tpu.memory_space<semaphore_mem>>
      %dma_start3A_630 = arith.constant 0 : i32
      %dma_start3A_631 = arith.constant 0 : i32
      %dma_start3A_632 = tpu.memref_slice %arg8[%run_scoped3A_431, %dma_start3A_630, %dma_start3A_631] : memref<2x64x128xf32, #tpu.memory_space<vmem>> -> memref<1x64x128xf32, #tpu.memory_space<vmem>>
      %dma_start3A_633 = tpu.memref_squeeze %dma_start3A_632 : memref<1x64x128xf32, #tpu.memory_space<vmem>> -> memref<64x128xf32, #tpu.memory_space<vmem>>
      %dma_start3A_634 = arith.constant 0 : i32
      %dma_start3A_635 = tpu.memref_slice %arg5[%add3A_430, %dma_start3A_634] : memref<25600x128xf32, #tpu.memory_space<hbm>> -> memref<64x128xf32, #tpu.memory_space<hbm>>
      %dma_start3A_636 = arith.constant 0 : i32
      %dma_start3A_637 = tpu.memref_slice %arg5[%add3A_430, %dma_start3A_636] : memref<25600x128xf32, #tpu.memory_space<hbm>> -> memref<64x128xf32, #tpu.memory_space<hbm>>
      %dma_start3A_638 = arith.constant 0 : i32
      %dma_start3A_639 = arith.constant 0 : i32
      %dma_start3A_640 = tpu.memref_slice %arg8[%run_scoped3A_431, %dma_start3A_638, %dma_start3A_639] : memref<2x64x128xf32, #tpu.memory_space<vmem>> -> memref<1x64x128xf32, #tpu.memory_space<vmem>>
      %dma_start3A_641 = tpu.memref_squeeze %dma_start3A_640 : memref<1x64x128xf32, #tpu.memory_space<vmem>> -> memref<64x128xf32, #tpu.memory_space<vmem>>
      tpu.enqueue_dma source(%dma_start3A_641 : memref<64x128xf32, #tpu.memory_space<vmem>>) target(%dma_start3A_637 : memref<64x128xf32, #tpu.memory_space<hbm>>) target_semaphore(%run_scoped3A_629 : memref<!tpu.dma_semaphore, #tpu.memory_space<semaphore_mem>>)
      %dma_wait3A_642 = arith.constant 0 : i32
      %dma_wait3A_643 = arith.constant 0 : i32
      %dma_wait3A_644 = tpu.memref_slice %arg8[%run_scoped3A_431, %dma_wait3A_642, %dma_wait3A_643] : memref<2x64x128xf32, #tpu.memory_space<vmem>> -> memref<1x64x128xf32, #tpu.memory_space<vmem>>
      %dma_wait3A_645 = tpu.memref_squeeze %dma_wait3A_644 : memref<1x64x128xf32, #tpu.memory_space<vmem>> -> memref<64x128xf32, #tpu.memory_space<vmem>>
      %dma_wait3A_646 = arith.constant 0 : i32
      %dma_wait3A_647 = tpu.memref_slice %arg5[%add3A_430, %dma_wait3A_646] : memref<25600x128xf32, #tpu.memory_space<hbm>> -> memref<64x128xf32, #tpu.memory_space<hbm>>
      %dma_wait3A_648 = arith.constant 0 : i32
      %dma_wait3A_649 = tpu.memref_slice %arg5[%add3A_430, %dma_wait3A_648] : memref<25600x128xf32, #tpu.memory_space<hbm>> -> memref<64x128xf32, #tpu.memory_space<hbm>>
      %dma_wait3A_650 = arith.constant 0 : i32
      %dma_wait3A_651 = arith.constant 0 : i32
      %dma_wait3A_652 = tpu.memref_slice %arg8[%run_scoped3A_431, %dma_wait3A_650, %dma_wait3A_651] : memref<2x64x128xf32, #tpu.memory_space<vmem>> -> memref<1x64x128xf32, #tpu.memory_space<vmem>>
      %dma_wait3A_653 = tpu.memref_squeeze %dma_wait3A_652 : memref<1x64x128xf32, #tpu.memory_space<vmem>> -> memref<64x128xf32, #tpu.memory_space<vmem>>
      tpu.wait_dma2 semaphore(%run_scoped3A_629 : memref<!tpu.dma_semaphore, #tpu.memory_space<semaphore_mem>>) src(%dma_wait3A_653 : memref<64x128xf32, #tpu.memory_space<vmem>>) dst(%dma_wait3A_649 : memref<64x128xf32, #tpu.memory_space<hbm>>)
      tpu.yield
    }) : () -> ()
    %mul3A_432 = arith.constant 800 : i32
    %mul3A_433 = arith.muli %arg1, %mul3A_432 : i32
    %add3A_434 = arith.constant 160 : i32
    %add3A_435 = arith.addi %mul3A_433, %add3A_434 : i32
    %add3A_436 = arith.constant 64 : i32
    %add3A_437 = arith.addi %add3A_435, %add3A_436 : i32
    %run_scoped3A_438 = arith.constant 1 : i32
    "tpu.region"() ({
      %run_scoped3A_629 = tpu.sem_alloc : memref<!tpu.dma_semaphore, #tpu.memory_space<semaphore_mem>>
      %dma_start3A_630 = arith.constant 0 : i32
      %dma_start3A_631 = arith.constant 0 : i32
      %dma_start3A_632 = tpu.memref_slice %arg8[%run_scoped3A_438, %dma_start3A_630, %dma_start3A_631] : memref<2x64x128xf32, #tpu.memory_space<vmem>> -> memref<1x16x128xf32, #tpu.memory_space<vmem>>
      %dma_start3A_633 = tpu.memref_squeeze %dma_start3A_632 : memref<1x16x128xf32, #tpu.memory_space<vmem>> -> memref<16x128xf32, #tpu.memory_space<vmem>>
      %dma_start3A_634 = arith.constant 0 : i32
      %dma_start3A_635 = tpu.memref_slice %arg11[%add3A_437, %dma_start3A_634] : memref<12832x128xf32, #tpu.memory_space<vmem_shared>> -> memref<16x128xf32, #tpu.memory_space<vmem_shared>>
      %dma_start3A_636 = arith.constant 0 : i32
      %dma_start3A_637 = arith.constant 0 : i32
      %dma_start3A_638 = tpu.memref_slice %arg8[%run_scoped3A_438, %dma_start3A_636, %dma_start3A_637] : memref<2x64x128xf32, #tpu.memory_space<vmem>> -> memref<1x16x128xf32, #tpu.memory_space<vmem>>
      %dma_start3A_639 = tpu.memref_squeeze %dma_start3A_638 : memref<1x16x128xf32, #tpu.memory_space<vmem>> -> memref<16x128xf32, #tpu.memory_space<vmem>>
      %dma_start3A_640 = arith.constant 0 : i32
      %dma_start3A_641 = tpu.memref_slice %arg11[%add3A_437, %dma_start3A_640] : memref<12832x128xf32, #tpu.memory_space<vmem_shared>> -> memref<16x128xf32, #tpu.memory_space<vmem_shared>>
      tpu.enqueue_dma source(%dma_start3A_641 : memref<16x128xf32, #tpu.memory_space<vmem_shared>>) target(%dma_start3A_639 : memref<16x128xf32, #tpu.memory_space<vmem>>) target_semaphore(%run_scoped3A_629 : memref<!tpu.dma_semaphore, #tpu.memory_space<semaphore_mem>>)
      %dma_wait3A_642 = arith.constant 0 : i32
      %dma_wait3A_643 = arith.constant 0 : i32
      %dma_wait3A_644 = tpu.memref_slice %arg8[%run_scoped3A_438, %dma_wait3A_642, %dma_wait3A_643] : memref<2x64x128xf32, #tpu.memory_space<vmem>> -> memref<1x16x128xf32, #tpu.memory_space<vmem>>
      %dma_wait3A_645 = tpu.memref_squeeze %dma_wait3A_644 : memref<1x16x128xf32, #tpu.memory_space<vmem>> -> memref<16x128xf32, #tpu.memory_space<vmem>>
      %dma_wait3A_646 = arith.constant 0 : i32
      %dma_wait3A_647 = tpu.memref_slice %arg11[%add3A_437, %dma_wait3A_646] : memref<12832x128xf32, #tpu.memory_space<vmem_shared>> -> memref<16x128xf32, #tpu.memory_space<vmem_shared>>
      %dma_wait3A_648 = arith.constant 0 : i32
      %dma_wait3A_649 = arith.constant 0 : i32
      %dma_wait3A_650 = tpu.memref_slice %arg8[%run_scoped3A_438, %dma_wait3A_648, %dma_wait3A_649] : memref<2x64x128xf32, #tpu.memory_space<vmem>> -> memref<1x16x128xf32, #tpu.memory_space<vmem>>
      %dma_wait3A_651 = tpu.memref_squeeze %dma_wait3A_650 : memref<1x16x128xf32, #tpu.memory_space<vmem>> -> memref<16x128xf32, #tpu.memory_space<vmem>>
      %dma_wait3A_652 = arith.constant 0 : i32
      %dma_wait3A_653 = tpu.memref_slice %arg11[%add3A_437, %dma_wait3A_652] : memref<12832x128xf32, #tpu.memory_space<vmem_shared>> -> memref<16x128xf32, #tpu.memory_space<vmem_shared>>
      tpu.wait_dma2 semaphore(%run_scoped3A_629 : memref<!tpu.dma_semaphore, #tpu.memory_space<semaphore_mem>>) src(%dma_wait3A_653 : memref<16x128xf32, #tpu.memory_space<vmem_shared>>) dst(%dma_wait3A_651 : memref<16x128xf32, #tpu.memory_space<vmem>>)
      tpu.yield
    }) : () -> ()
    %mul3A_439 = arith.constant 800 : i32
    %mul3A_440 = arith.muli %arg1, %mul3A_439 : i32
    %add3A_441 = arith.addi %mul3A_0, %mul3A_440 : i32
    %add3A_442 = arith.constant 160 : i32
    %add3A_443 = arith.addi %add3A_441, %add3A_442 : i32
    %add3A_444 = arith.constant 64 : i32
    %add3A_445 = arith.addi %add3A_443, %add3A_444 : i32
    %run_scoped3A_446 = arith.constant 1 : i32
    "tpu.region"() ({
      %run_scoped3A_629 = tpu.sem_alloc : memref<!tpu.dma_semaphore, #tpu.memory_space<semaphore_mem>>
      %dma_start3A_630 = arith.constant 0 : i32
      %dma_start3A_631 = arith.constant 0 : i32
      %dma_start3A_632 = tpu.memref_slice %arg8[%run_scoped3A_446, %dma_start3A_630, %dma_start3A_631] : memref<2x64x128xf32, #tpu.memory_space<vmem>> -> memref<1x16x128xf32, #tpu.memory_space<vmem>>
      %dma_start3A_633 = tpu.memref_squeeze %dma_start3A_632 : memref<1x16x128xf32, #tpu.memory_space<vmem>> -> memref<16x128xf32, #tpu.memory_space<vmem>>
      %dma_start3A_634 = arith.constant 0 : i32
      %dma_start3A_635 = tpu.memref_slice %arg5[%add3A_445, %dma_start3A_634] : memref<25600x128xf32, #tpu.memory_space<hbm>> -> memref<16x128xf32, #tpu.memory_space<hbm>>
      %dma_start3A_636 = arith.constant 0 : i32
      %dma_start3A_637 = tpu.memref_slice %arg5[%add3A_445, %dma_start3A_636] : memref<25600x128xf32, #tpu.memory_space<hbm>> -> memref<16x128xf32, #tpu.memory_space<hbm>>
      %dma_start3A_638 = arith.constant 0 : i32
      %dma_start3A_639 = arith.constant 0 : i32
      %dma_start3A_640 = tpu.memref_slice %arg8[%run_scoped3A_446, %dma_start3A_638, %dma_start3A_639] : memref<2x64x128xf32, #tpu.memory_space<vmem>> -> memref<1x16x128xf32, #tpu.memory_space<vmem>>
      %dma_start3A_641 = tpu.memref_squeeze %dma_start3A_640 : memref<1x16x128xf32, #tpu.memory_space<vmem>> -> memref<16x128xf32, #tpu.memory_space<vmem>>
      tpu.enqueue_dma source(%dma_start3A_641 : memref<16x128xf32, #tpu.memory_space<vmem>>) target(%dma_start3A_637 : memref<16x128xf32, #tpu.memory_space<hbm>>) target_semaphore(%run_scoped3A_629 : memref<!tpu.dma_semaphore, #tpu.memory_space<semaphore_mem>>)
      %dma_wait3A_642 = arith.constant 0 : i32
      %dma_wait3A_643 = arith.constant 0 : i32
      %dma_wait3A_644 = tpu.memref_slice %arg8[%run_scoped3A_446, %dma_wait3A_642, %dma_wait3A_643] : memref<2x64x128xf32, #tpu.memory_space<vmem>> -> memref<1x16x128xf32, #tpu.memory_space<vmem>>
      %dma_wait3A_645 = tpu.memref_squeeze %dma_wait3A_644 : memref<1x16x128xf32, #tpu.memory_space<vmem>> -> memref<16x128xf32, #tpu.memory_space<vmem>>
      %dma_wait3A_646 = arith.constant 0 : i32
      %dma_wait3A_647 = tpu.memref_slice %arg5[%add3A_445, %dma_wait3A_646] : memref<25600x128xf32, #tpu.memory_space<hbm>> -> memref<16x128xf32, #tpu.memory_space<hbm>>
      %dma_wait3A_648 = arith.constant 0 : i32
      %dma_wait3A_649 = tpu.memref_slice %arg5[%add3A_445, %dma_wait3A_648] : memref<25600x128xf32, #tpu.memory_space<hbm>> -> memref<16x128xf32, #tpu.memory_space<hbm>>
      %dma_wait3A_650 = arith.constant 0 : i32
      %dma_wait3A_651 = arith.constant 0 : i32
      %dma_wait3A_652 = tpu.memref_slice %arg8[%run_scoped3A_446, %dma_wait3A_650, %dma_wait3A_651] : memref<2x64x128xf32, #tpu.memory_space<vmem>> -> memref<1x16x128xf32, #tpu.memory_space<vmem>>
      %dma_wait3A_653 = tpu.memref_squeeze %dma_wait3A_652 : memref<1x16x128xf32, #tpu.memory_space<vmem>> -> memref<16x128xf32, #tpu.memory_space<vmem>>
      tpu.wait_dma2 semaphore(%run_scoped3A_629 : memref<!tpu.dma_semaphore, #tpu.memory_space<semaphore_mem>>) src(%dma_wait3A_653 : memref<16x128xf32, #tpu.memory_space<vmem>>) dst(%dma_wait3A_649 : memref<16x128xf32, #tpu.memory_space<hbm>>)
      tpu.yield
    }) : () -> ()
    %mul3A_447 = arith.constant 800 : i32
    %mul3A_448 = arith.muli %arg1, %mul3A_447 : i32
    %add3A_449 = arith.constant 240 : i32
    %add3A_450 = arith.addi %mul3A_448, %add3A_449 : i32
    %run_scoped3A_451 = arith.constant 0 : i32
    "tpu.region"() ({
      %run_scoped3A_629 = tpu.sem_alloc : memref<!tpu.dma_semaphore, #tpu.memory_space<semaphore_mem>>
      %dma_start3A_630 = arith.constant 0 : i32
      %dma_start3A_631 = arith.constant 0 : i32
      %dma_start3A_632 = tpu.memref_slice %arg8[%run_scoped3A_451, %dma_start3A_630, %dma_start3A_631] : memref<2x64x128xf32, #tpu.memory_space<vmem>> -> memref<1x64x128xf32, #tpu.memory_space<vmem>>
      %dma_start3A_633 = tpu.memref_squeeze %dma_start3A_632 : memref<1x64x128xf32, #tpu.memory_space<vmem>> -> memref<64x128xf32, #tpu.memory_space<vmem>>
      %dma_start3A_634 = arith.constant 0 : i32
      %dma_start3A_635 = tpu.memref_slice %arg11[%add3A_450, %dma_start3A_634] : memref<12832x128xf32, #tpu.memory_space<vmem_shared>> -> memref<64x128xf32, #tpu.memory_space<vmem_shared>>
      %dma_start3A_636 = arith.constant 0 : i32
      %dma_start3A_637 = arith.constant 0 : i32
      %dma_start3A_638 = tpu.memref_slice %arg8[%run_scoped3A_451, %dma_start3A_636, %dma_start3A_637] : memref<2x64x128xf32, #tpu.memory_space<vmem>> -> memref<1x64x128xf32, #tpu.memory_space<vmem>>
      %dma_start3A_639 = tpu.memref_squeeze %dma_start3A_638 : memref<1x64x128xf32, #tpu.memory_space<vmem>> -> memref<64x128xf32, #tpu.memory_space<vmem>>
      %dma_start3A_640 = arith.constant 0 : i32
      %dma_start3A_641 = tpu.memref_slice %arg11[%add3A_450, %dma_start3A_640] : memref<12832x128xf32, #tpu.memory_space<vmem_shared>> -> memref<64x128xf32, #tpu.memory_space<vmem_shared>>
      tpu.enqueue_dma source(%dma_start3A_641 : memref<64x128xf32, #tpu.memory_space<vmem_shared>>) target(%dma_start3A_639 : memref<64x128xf32, #tpu.memory_space<vmem>>) target_semaphore(%run_scoped3A_629 : memref<!tpu.dma_semaphore, #tpu.memory_space<semaphore_mem>>)
      %dma_wait3A_642 = arith.constant 0 : i32
      %dma_wait3A_643 = arith.constant 0 : i32
      %dma_wait3A_644 = tpu.memref_slice %arg8[%run_scoped3A_451, %dma_wait3A_642, %dma_wait3A_643] : memref<2x64x128xf32, #tpu.memory_space<vmem>> -> memref<1x64x128xf32, #tpu.memory_space<vmem>>
      %dma_wait3A_645 = tpu.memref_squeeze %dma_wait3A_644 : memref<1x64x128xf32, #tpu.memory_space<vmem>> -> memref<64x128xf32, #tpu.memory_space<vmem>>
      %dma_wait3A_646 = arith.constant 0 : i32
      %dma_wait3A_647 = tpu.memref_slice %arg11[%add3A_450, %dma_wait3A_646] : memref<12832x128xf32, #tpu.memory_space<vmem_shared>> -> memref<64x128xf32, #tpu.memory_space<vmem_shared>>
      %dma_wait3A_648 = arith.constant 0 : i32
      %dma_wait3A_649 = arith.constant 0 : i32
      %dma_wait3A_650 = tpu.memref_slice %arg8[%run_scoped3A_451, %dma_wait3A_648, %dma_wait3A_649] : memref<2x64x128xf32, #tpu.memory_space<vmem>> -> memref<1x64x128xf32, #tpu.memory_space<vmem>>
      %dma_wait3A_651 = tpu.memref_squeeze %dma_wait3A_650 : memref<1x64x128xf32, #tpu.memory_space<vmem>> -> memref<64x128xf32, #tpu.memory_space<vmem>>
      %dma_wait3A_652 = arith.constant 0 : i32
      %dma_wait3A_653 = tpu.memref_slice %arg11[%add3A_450, %dma_wait3A_652] : memref<12832x128xf32, #tpu.memory_space<vmem_shared>> -> memref<64x128xf32, #tpu.memory_space<vmem_shared>>
      tpu.wait_dma2 semaphore(%run_scoped3A_629 : memref<!tpu.dma_semaphore, #tpu.memory_space<semaphore_mem>>) src(%dma_wait3A_653 : memref<64x128xf32, #tpu.memory_space<vmem_shared>>) dst(%dma_wait3A_651 : memref<64x128xf32, #tpu.memory_space<vmem>>)
      tpu.yield
    }) : () -> ()
    %mul3A_452 = arith.constant 800 : i32
    %mul3A_453 = arith.muli %arg1, %mul3A_452 : i32
    %add3A_454 = arith.addi %mul3A_0, %mul3A_453 : i32
    %add3A_455 = arith.constant 240 : i32
    %add3A_456 = arith.addi %add3A_454, %add3A_455 : i32
    %run_scoped3A_457 = arith.constant 0 : i32
    "tpu.region"() ({
      %run_scoped3A_629 = tpu.sem_alloc : memref<!tpu.dma_semaphore, #tpu.memory_space<semaphore_mem>>
      %dma_start3A_630 = arith.constant 0 : i32
      %dma_start3A_631 = arith.constant 0 : i32
      %dma_start3A_632 = tpu.memref_slice %arg8[%run_scoped3A_457, %dma_start3A_630, %dma_start3A_631] : memref<2x64x128xf32, #tpu.memory_space<vmem>> -> memref<1x64x128xf32, #tpu.memory_space<vmem>>
      %dma_start3A_633 = tpu.memref_squeeze %dma_start3A_632 : memref<1x64x128xf32, #tpu.memory_space<vmem>> -> memref<64x128xf32, #tpu.memory_space<vmem>>
      %dma_start3A_634 = arith.constant 0 : i32
      %dma_start3A_635 = tpu.memref_slice %arg5[%add3A_456, %dma_start3A_634] : memref<25600x128xf32, #tpu.memory_space<hbm>> -> memref<64x128xf32, #tpu.memory_space<hbm>>
      %dma_start3A_636 = arith.constant 0 : i32
      %dma_start3A_637 = tpu.memref_slice %arg5[%add3A_456, %dma_start3A_636] : memref<25600x128xf32, #tpu.memory_space<hbm>> -> memref<64x128xf32, #tpu.memory_space<hbm>>
      %dma_start3A_638 = arith.constant 0 : i32
      %dma_start3A_639 = arith.constant 0 : i32
      %dma_start3A_640 = tpu.memref_slice %arg8[%run_scoped3A_457, %dma_start3A_638, %dma_start3A_639] : memref<2x64x128xf32, #tpu.memory_space<vmem>> -> memref<1x64x128xf32, #tpu.memory_space<vmem>>
      %dma_start3A_641 = tpu.memref_squeeze %dma_start3A_640 : memref<1x64x128xf32, #tpu.memory_space<vmem>> -> memref<64x128xf32, #tpu.memory_space<vmem>>
      tpu.enqueue_dma source(%dma_start3A_641 : memref<64x128xf32, #tpu.memory_space<vmem>>) target(%dma_start3A_637 : memref<64x128xf32, #tpu.memory_space<hbm>>) target_semaphore(%run_scoped3A_629 : memref<!tpu.dma_semaphore, #tpu.memory_space<semaphore_mem>>)
      %dma_wait3A_642 = arith.constant 0 : i32
      %dma_wait3A_643 = arith.constant 0 : i32
      %dma_wait3A_644 = tpu.memref_slice %arg8[%run_scoped3A_457, %dma_wait3A_642, %dma_wait3A_643] : memref<2x64x128xf32, #tpu.memory_space<vmem>> -> memref<1x64x128xf32, #tpu.memory_space<vmem>>
      %dma_wait3A_645 = tpu.memref_squeeze %dma_wait3A_644 : memref<1x64x128xf32, #tpu.memory_space<vmem>> -> memref<64x128xf32, #tpu.memory_space<vmem>>
      %dma_wait3A_646 = arith.constant 0 : i32
      %dma_wait3A_647 = tpu.memref_slice %arg5[%add3A_456, %dma_wait3A_646] : memref<25600x128xf32, #tpu.memory_space<hbm>> -> memref<64x128xf32, #tpu.memory_space<hbm>>
      %dma_wait3A_648 = arith.constant 0 : i32
      %dma_wait3A_649 = tpu.memref_slice %arg5[%add3A_456, %dma_wait3A_648] : memref<25600x128xf32, #tpu.memory_space<hbm>> -> memref<64x128xf32, #tpu.memory_space<hbm>>
      %dma_wait3A_650 = arith.constant 0 : i32
      %dma_wait3A_651 = arith.constant 0 : i32
      %dma_wait3A_652 = tpu.memref_slice %arg8[%run_scoped3A_457, %dma_wait3A_650, %dma_wait3A_651] : memref<2x64x128xf32, #tpu.memory_space<vmem>> -> memref<1x64x128xf32, #tpu.memory_space<vmem>>
      %dma_wait3A_653 = tpu.memref_squeeze %dma_wait3A_652 : memref<1x64x128xf32, #tpu.memory_space<vmem>> -> memref<64x128xf32, #tpu.memory_space<vmem>>
      tpu.wait_dma2 semaphore(%run_scoped3A_629 : memref<!tpu.dma_semaphore, #tpu.memory_space<semaphore_mem>>) src(%dma_wait3A_653 : memref<64x128xf32, #tpu.memory_space<vmem>>) dst(%dma_wait3A_649 : memref<64x128xf32, #tpu.memory_space<hbm>>)
      tpu.yield
    }) : () -> ()
    %mul3A_458 = arith.constant 800 : i32
    %mul3A_459 = arith.muli %arg1, %mul3A_458 : i32
    %add3A_460 = arith.constant 240 : i32
    %add3A_461 = arith.addi %mul3A_459, %add3A_460 : i32
    %add3A_462 = arith.constant 64 : i32
    %add3A_463 = arith.addi %add3A_461, %add3A_462 : i32
    %run_scoped3A_464 = arith.constant 1 : i32
    "tpu.region"() ({
      %run_scoped3A_629 = tpu.sem_alloc : memref<!tpu.dma_semaphore, #tpu.memory_space<semaphore_mem>>
      %dma_start3A_630 = arith.constant 0 : i32
      %dma_start3A_631 = arith.constant 0 : i32
      %dma_start3A_632 = tpu.memref_slice %arg8[%run_scoped3A_464, %dma_start3A_630, %dma_start3A_631] : memref<2x64x128xf32, #tpu.memory_space<vmem>> -> memref<1x16x128xf32, #tpu.memory_space<vmem>>
      %dma_start3A_633 = tpu.memref_squeeze %dma_start3A_632 : memref<1x16x128xf32, #tpu.memory_space<vmem>> -> memref<16x128xf32, #tpu.memory_space<vmem>>
      %dma_start3A_634 = arith.constant 0 : i32
      %dma_start3A_635 = tpu.memref_slice %arg11[%add3A_463, %dma_start3A_634] : memref<12832x128xf32, #tpu.memory_space<vmem_shared>> -> memref<16x128xf32, #tpu.memory_space<vmem_shared>>
      %dma_start3A_636 = arith.constant 0 : i32
      %dma_start3A_637 = arith.constant 0 : i32
      %dma_start3A_638 = tpu.memref_slice %arg8[%run_scoped3A_464, %dma_start3A_636, %dma_start3A_637] : memref<2x64x128xf32, #tpu.memory_space<vmem>> -> memref<1x16x128xf32, #tpu.memory_space<vmem>>
      %dma_start3A_639 = tpu.memref_squeeze %dma_start3A_638 : memref<1x16x128xf32, #tpu.memory_space<vmem>> -> memref<16x128xf32, #tpu.memory_space<vmem>>
      %dma_start3A_640 = arith.constant 0 : i32
      %dma_start3A_641 = tpu.memref_slice %arg11[%add3A_463, %dma_start3A_640] : memref<12832x128xf32, #tpu.memory_space<vmem_shared>> -> memref<16x128xf32, #tpu.memory_space<vmem_shared>>
      tpu.enqueue_dma source(%dma_start3A_641 : memref<16x128xf32, #tpu.memory_space<vmem_shared>>) target(%dma_start3A_639 : memref<16x128xf32, #tpu.memory_space<vmem>>) target_semaphore(%run_scoped3A_629 : memref<!tpu.dma_semaphore, #tpu.memory_space<semaphore_mem>>)
      %dma_wait3A_642 = arith.constant 0 : i32
      %dma_wait3A_643 = arith.constant 0 : i32
      %dma_wait3A_644 = tpu.memref_slice %arg8[%run_scoped3A_464, %dma_wait3A_642, %dma_wait3A_643] : memref<2x64x128xf32, #tpu.memory_space<vmem>> -> memref<1x16x128xf32, #tpu.memory_space<vmem>>
      %dma_wait3A_645 = tpu.memref_squeeze %dma_wait3A_644 : memref<1x16x128xf32, #tpu.memory_space<vmem>> -> memref<16x128xf32, #tpu.memory_space<vmem>>
      %dma_wait3A_646 = arith.constant 0 : i32
      %dma_wait3A_647 = tpu.memref_slice %arg11[%add3A_463, %dma_wait3A_646] : memref<12832x128xf32, #tpu.memory_space<vmem_shared>> -> memref<16x128xf32, #tpu.memory_space<vmem_shared>>
      %dma_wait3A_648 = arith.constant 0 : i32
      %dma_wait3A_649 = arith.constant 0 : i32
      %dma_wait3A_650 = tpu.memref_slice %arg8[%run_scoped3A_464, %dma_wait3A_648, %dma_wait3A_649] : memref<2x64x128xf32, #tpu.memory_space<vmem>> -> memref<1x16x128xf32, #tpu.memory_space<vmem>>
      %dma_wait3A_651 = tpu.memref_squeeze %dma_wait3A_650 : memref<1x16x128xf32, #tpu.memory_space<vmem>> -> memref<16x128xf32, #tpu.memory_space<vmem>>
      %dma_wait3A_652 = arith.constant 0 : i32
      %dma_wait3A_653 = tpu.memref_slice %arg11[%add3A_463, %dma_wait3A_652] : memref<12832x128xf32, #tpu.memory_space<vmem_shared>> -> memref<16x128xf32, #tpu.memory_space<vmem_shared>>
      tpu.wait_dma2 semaphore(%run_scoped3A_629 : memref<!tpu.dma_semaphore, #tpu.memory_space<semaphore_mem>>) src(%dma_wait3A_653 : memref<16x128xf32, #tpu.memory_space<vmem_shared>>) dst(%dma_wait3A_651 : memref<16x128xf32, #tpu.memory_space<vmem>>)
      tpu.yield
    }) : () -> ()
    %mul3A_465 = arith.constant 800 : i32
    %mul3A_466 = arith.muli %arg1, %mul3A_465 : i32
    %add3A_467 = arith.addi %mul3A_0, %mul3A_466 : i32
    %add3A_468 = arith.constant 240 : i32
    %add3A_469 = arith.addi %add3A_467, %add3A_468 : i32
    %add3A_470 = arith.constant 64 : i32
    %add3A_471 = arith.addi %add3A_469, %add3A_470 : i32
    %run_scoped3A_472 = arith.constant 1 : i32
    "tpu.region"() ({
      %run_scoped3A_629 = tpu.sem_alloc : memref<!tpu.dma_semaphore, #tpu.memory_space<semaphore_mem>>
      %dma_start3A_630 = arith.constant 0 : i32
      %dma_start3A_631 = arith.constant 0 : i32
      %dma_start3A_632 = tpu.memref_slice %arg8[%run_scoped3A_472, %dma_start3A_630, %dma_start3A_631] : memref<2x64x128xf32, #tpu.memory_space<vmem>> -> memref<1x16x128xf32, #tpu.memory_space<vmem>>
      %dma_start3A_633 = tpu.memref_squeeze %dma_start3A_632 : memref<1x16x128xf32, #tpu.memory_space<vmem>> -> memref<16x128xf32, #tpu.memory_space<vmem>>
      %dma_start3A_634 = arith.constant 0 : i32
      %dma_start3A_635 = tpu.memref_slice %arg5[%add3A_471, %dma_start3A_634] : memref<25600x128xf32, #tpu.memory_space<hbm>> -> memref<16x128xf32, #tpu.memory_space<hbm>>
      %dma_start3A_636 = arith.constant 0 : i32
      %dma_start3A_637 = tpu.memref_slice %arg5[%add3A_471, %dma_start3A_636] : memref<25600x128xf32, #tpu.memory_space<hbm>> -> memref<16x128xf32, #tpu.memory_space<hbm>>
      %dma_start3A_638 = arith.constant 0 : i32
      %dma_start3A_639 = arith.constant 0 : i32
      %dma_start3A_640 = tpu.memref_slice %arg8[%run_scoped3A_472, %dma_start3A_638, %dma_start3A_639] : memref<2x64x128xf32, #tpu.memory_space<vmem>> -> memref<1x16x128xf32, #tpu.memory_space<vmem>>
      %dma_start3A_641 = tpu.memref_squeeze %dma_start3A_640 : memref<1x16x128xf32, #tpu.memory_space<vmem>> -> memref<16x128xf32, #tpu.memory_space<vmem>>
      tpu.enqueue_dma source(%dma_start3A_641 : memref<16x128xf32, #tpu.memory_space<vmem>>) target(%dma_start3A_637 : memref<16x128xf32, #tpu.memory_space<hbm>>) target_semaphore(%run_scoped3A_629 : memref<!tpu.dma_semaphore, #tpu.memory_space<semaphore_mem>>)
      %dma_wait3A_642 = arith.constant 0 : i32
      %dma_wait3A_643 = arith.constant 0 : i32
      %dma_wait3A_644 = tpu.memref_slice %arg8[%run_scoped3A_472, %dma_wait3A_642, %dma_wait3A_643] : memref<2x64x128xf32, #tpu.memory_space<vmem>> -> memref<1x16x128xf32, #tpu.memory_space<vmem>>
      %dma_wait3A_645 = tpu.memref_squeeze %dma_wait3A_644 : memref<1x16x128xf32, #tpu.memory_space<vmem>> -> memref<16x128xf32, #tpu.memory_space<vmem>>
      %dma_wait3A_646 = arith.constant 0 : i32
      %dma_wait3A_647 = tpu.memref_slice %arg5[%add3A_471, %dma_wait3A_646] : memref<25600x128xf32, #tpu.memory_space<hbm>> -> memref<16x128xf32, #tpu.memory_space<hbm>>
      %dma_wait3A_648 = arith.constant 0 : i32
      %dma_wait3A_649 = tpu.memref_slice %arg5[%add3A_471, %dma_wait3A_648] : memref<25600x128xf32, #tpu.memory_space<hbm>> -> memref<16x128xf32, #tpu.memory_space<hbm>>
      %dma_wait3A_650 = arith.constant 0 : i32
      %dma_wait3A_651 = arith.constant 0 : i32
      %dma_wait3A_652 = tpu.memref_slice %arg8[%run_scoped3A_472, %dma_wait3A_650, %dma_wait3A_651] : memref<2x64x128xf32, #tpu.memory_space<vmem>> -> memref<1x16x128xf32, #tpu.memory_space<vmem>>
      %dma_wait3A_653 = tpu.memref_squeeze %dma_wait3A_652 : memref<1x16x128xf32, #tpu.memory_space<vmem>> -> memref<16x128xf32, #tpu.memory_space<vmem>>
      tpu.wait_dma2 semaphore(%run_scoped3A_629 : memref<!tpu.dma_semaphore, #tpu.memory_space<semaphore_mem>>) src(%dma_wait3A_653 : memref<16x128xf32, #tpu.memory_space<vmem>>) dst(%dma_wait3A_649 : memref<16x128xf32, #tpu.memory_space<hbm>>)
      tpu.yield
    }) : () -> ()
    %mul3A_473 = arith.constant 800 : i32
    %mul3A_474 = arith.muli %arg1, %mul3A_473 : i32
    %add3A_475 = arith.constant 320 : i32
    %add3A_476 = arith.addi %mul3A_474, %add3A_475 : i32
    %run_scoped3A_477 = arith.constant 0 : i32
    "tpu.region"() ({
      %run_scoped3A_629 = tpu.sem_alloc : memref<!tpu.dma_semaphore, #tpu.memory_space<semaphore_mem>>
      %dma_start3A_630 = arith.constant 0 : i32
      %dma_start3A_631 = arith.constant 0 : i32
      %dma_start3A_632 = tpu.memref_slice %arg8[%run_scoped3A_477, %dma_start3A_630, %dma_start3A_631] : memref<2x64x128xf32, #tpu.memory_space<vmem>> -> memref<1x64x128xf32, #tpu.memory_space<vmem>>
      %dma_start3A_633 = tpu.memref_squeeze %dma_start3A_632 : memref<1x64x128xf32, #tpu.memory_space<vmem>> -> memref<64x128xf32, #tpu.memory_space<vmem>>
      %dma_start3A_634 = arith.constant 0 : i32
      %dma_start3A_635 = tpu.memref_slice %arg11[%add3A_476, %dma_start3A_634] : memref<12832x128xf32, #tpu.memory_space<vmem_shared>> -> memref<64x128xf32, #tpu.memory_space<vmem_shared>>
      %dma_start3A_636 = arith.constant 0 : i32
      %dma_start3A_637 = arith.constant 0 : i32
      %dma_start3A_638 = tpu.memref_slice %arg8[%run_scoped3A_477, %dma_start3A_636, %dma_start3A_637] : memref<2x64x128xf32, #tpu.memory_space<vmem>> -> memref<1x64x128xf32, #tpu.memory_space<vmem>>
      %dma_start3A_639 = tpu.memref_squeeze %dma_start3A_638 : memref<1x64x128xf32, #tpu.memory_space<vmem>> -> memref<64x128xf32, #tpu.memory_space<vmem>>
      %dma_start3A_640 = arith.constant 0 : i32
      %dma_start3A_641 = tpu.memref_slice %arg11[%add3A_476, %dma_start3A_640] : memref<12832x128xf32, #tpu.memory_space<vmem_shared>> -> memref<64x128xf32, #tpu.memory_space<vmem_shared>>
      tpu.enqueue_dma source(%dma_start3A_641 : memref<64x128xf32, #tpu.memory_space<vmem_shared>>) target(%dma_start3A_639 : memref<64x128xf32, #tpu.memory_space<vmem>>) target_semaphore(%run_scoped3A_629 : memref<!tpu.dma_semaphore, #tpu.memory_space<semaphore_mem>>)
      %dma_wait3A_642 = arith.constant 0 : i32
      %dma_wait3A_643 = arith.constant 0 : i32
      %dma_wait3A_644 = tpu.memref_slice %arg8[%run_scoped3A_477, %dma_wait3A_642, %dma_wait3A_643] : memref<2x64x128xf32, #tpu.memory_space<vmem>> -> memref<1x64x128xf32, #tpu.memory_space<vmem>>
      %dma_wait3A_645 = tpu.memref_squeeze %dma_wait3A_644 : memref<1x64x128xf32, #tpu.memory_space<vmem>> -> memref<64x128xf32, #tpu.memory_space<vmem>>
      %dma_wait3A_646 = arith.constant 0 : i32
      %dma_wait3A_647 = tpu.memref_slice %arg11[%add3A_476, %dma_wait3A_646] : memref<12832x128xf32, #tpu.memory_space<vmem_shared>> -> memref<64x128xf32, #tpu.memory_space<vmem_shared>>
      %dma_wait3A_648 = arith.constant 0 : i32
      %dma_wait3A_649 = arith.constant 0 : i32
      %dma_wait3A_650 = tpu.memref_slice %arg8[%run_scoped3A_477, %dma_wait3A_648, %dma_wait3A_649] : memref<2x64x128xf32, #tpu.memory_space<vmem>> -> memref<1x64x128xf32, #tpu.memory_space<vmem>>
      %dma_wait3A_651 = tpu.memref_squeeze %dma_wait3A_650 : memref<1x64x128xf32, #tpu.memory_space<vmem>> -> memref<64x128xf32, #tpu.memory_space<vmem>>
      %dma_wait3A_652 = arith.constant 0 : i32
      %dma_wait3A_653 = tpu.memref_slice %arg11[%add3A_476, %dma_wait3A_652] : memref<12832x128xf32, #tpu.memory_space<vmem_shared>> -> memref<64x128xf32, #tpu.memory_space<vmem_shared>>
      tpu.wait_dma2 semaphore(%run_scoped3A_629 : memref<!tpu.dma_semaphore, #tpu.memory_space<semaphore_mem>>) src(%dma_wait3A_653 : memref<64x128xf32, #tpu.memory_space<vmem_shared>>) dst(%dma_wait3A_651 : memref<64x128xf32, #tpu.memory_space<vmem>>)
      tpu.yield
    }) : () -> ()
    %mul3A_478 = arith.constant 800 : i32
    %mul3A_479 = arith.muli %arg1, %mul3A_478 : i32
    %add3A_480 = arith.addi %mul3A_0, %mul3A_479 : i32
    %add3A_481 = arith.constant 320 : i32
    %add3A_482 = arith.addi %add3A_480, %add3A_481 : i32
    %run_scoped3A_483 = arith.constant 0 : i32
    "tpu.region"() ({
      %run_scoped3A_629 = tpu.sem_alloc : memref<!tpu.dma_semaphore, #tpu.memory_space<semaphore_mem>>
      %dma_start3A_630 = arith.constant 0 : i32
      %dma_start3A_631 = arith.constant 0 : i32
      %dma_start3A_632 = tpu.memref_slice %arg8[%run_scoped3A_483, %dma_start3A_630, %dma_start3A_631] : memref<2x64x128xf32, #tpu.memory_space<vmem>> -> memref<1x64x128xf32, #tpu.memory_space<vmem>>
      %dma_start3A_633 = tpu.memref_squeeze %dma_start3A_632 : memref<1x64x128xf32, #tpu.memory_space<vmem>> -> memref<64x128xf32, #tpu.memory_space<vmem>>
      %dma_start3A_634 = arith.constant 0 : i32
      %dma_start3A_635 = tpu.memref_slice %arg5[%add3A_482, %dma_start3A_634] : memref<25600x128xf32, #tpu.memory_space<hbm>> -> memref<64x128xf32, #tpu.memory_space<hbm>>
      %dma_start3A_636 = arith.constant 0 : i32
      %dma_start3A_637 = tpu.memref_slice %arg5[%add3A_482, %dma_start3A_636] : memref<25600x128xf32, #tpu.memory_space<hbm>> -> memref<64x128xf32, #tpu.memory_space<hbm>>
      %dma_start3A_638 = arith.constant 0 : i32
      %dma_start3A_639 = arith.constant 0 : i32
      %dma_start3A_640 = tpu.memref_slice %arg8[%run_scoped3A_483, %dma_start3A_638, %dma_start3A_639] : memref<2x64x128xf32, #tpu.memory_space<vmem>> -> memref<1x64x128xf32, #tpu.memory_space<vmem>>
      %dma_start3A_641 = tpu.memref_squeeze %dma_start3A_640 : memref<1x64x128xf32, #tpu.memory_space<vmem>> -> memref<64x128xf32, #tpu.memory_space<vmem>>
      tpu.enqueue_dma source(%dma_start3A_641 : memref<64x128xf32, #tpu.memory_space<vmem>>) target(%dma_start3A_637 : memref<64x128xf32, #tpu.memory_space<hbm>>) target_semaphore(%run_scoped3A_629 : memref<!tpu.dma_semaphore, #tpu.memory_space<semaphore_mem>>)
      %dma_wait3A_642 = arith.constant 0 : i32
      %dma_wait3A_643 = arith.constant 0 : i32
      %dma_wait3A_644 = tpu.memref_slice %arg8[%run_scoped3A_483, %dma_wait3A_642, %dma_wait3A_643] : memref<2x64x128xf32, #tpu.memory_space<vmem>> -> memref<1x64x128xf32, #tpu.memory_space<vmem>>
      %dma_wait3A_645 = tpu.memref_squeeze %dma_wait3A_644 : memref<1x64x128xf32, #tpu.memory_space<vmem>> -> memref<64x128xf32, #tpu.memory_space<vmem>>
      %dma_wait3A_646 = arith.constant 0 : i32
      %dma_wait3A_647 = tpu.memref_slice %arg5[%add3A_482, %dma_wait3A_646] : memref<25600x128xf32, #tpu.memory_space<hbm>> -> memref<64x128xf32, #tpu.memory_space<hbm>>
      %dma_wait3A_648 = arith.constant 0 : i32
      %dma_wait3A_649 = tpu.memref_slice %arg5[%add3A_482, %dma_wait3A_648] : memref<25600x128xf32, #tpu.memory_space<hbm>> -> memref<64x128xf32, #tpu.memory_space<hbm>>
      %dma_wait3A_650 = arith.constant 0 : i32
      %dma_wait3A_651 = arith.constant 0 : i32
      %dma_wait3A_652 = tpu.memref_slice %arg8[%run_scoped3A_483, %dma_wait3A_650, %dma_wait3A_651] : memref<2x64x128xf32, #tpu.memory_space<vmem>> -> memref<1x64x128xf32, #tpu.memory_space<vmem>>
      %dma_wait3A_653 = tpu.memref_squeeze %dma_wait3A_652 : memref<1x64x128xf32, #tpu.memory_space<vmem>> -> memref<64x128xf32, #tpu.memory_space<vmem>>
      tpu.wait_dma2 semaphore(%run_scoped3A_629 : memref<!tpu.dma_semaphore, #tpu.memory_space<semaphore_mem>>) src(%dma_wait3A_653 : memref<64x128xf32, #tpu.memory_space<vmem>>) dst(%dma_wait3A_649 : memref<64x128xf32, #tpu.memory_space<hbm>>)
      tpu.yield
    }) : () -> ()
    %mul3A_484 = arith.constant 800 : i32
    %mul3A_485 = arith.muli %arg1, %mul3A_484 : i32
    %add3A_486 = arith.constant 320 : i32
    %add3A_487 = arith.addi %mul3A_485, %add3A_486 : i32
    %add3A_488 = arith.constant 64 : i32
    %add3A_489 = arith.addi %add3A_487, %add3A_488 : i32
    %run_scoped3A_490 = arith.constant 1 : i32
    "tpu.region"() ({
      %run_scoped3A_629 = tpu.sem_alloc : memref<!tpu.dma_semaphore, #tpu.memory_space<semaphore_mem>>
      %dma_start3A_630 = arith.constant 0 : i32
      %dma_start3A_631 = arith.constant 0 : i32
      %dma_start3A_632 = tpu.memref_slice %arg8[%run_scoped3A_490, %dma_start3A_630, %dma_start3A_631] : memref<2x64x128xf32, #tpu.memory_space<vmem>> -> memref<1x16x128xf32, #tpu.memory_space<vmem>>
      %dma_start3A_633 = tpu.memref_squeeze %dma_start3A_632 : memref<1x16x128xf32, #tpu.memory_space<vmem>> -> memref<16x128xf32, #tpu.memory_space<vmem>>
      %dma_start3A_634 = arith.constant 0 : i32
      %dma_start3A_635 = tpu.memref_slice %arg11[%add3A_489, %dma_start3A_634] : memref<12832x128xf32, #tpu.memory_space<vmem_shared>> -> memref<16x128xf32, #tpu.memory_space<vmem_shared>>
      %dma_start3A_636 = arith.constant 0 : i32
      %dma_start3A_637 = arith.constant 0 : i32
      %dma_start3A_638 = tpu.memref_slice %arg8[%run_scoped3A_490, %dma_start3A_636, %dma_start3A_637] : memref<2x64x128xf32, #tpu.memory_space<vmem>> -> memref<1x16x128xf32, #tpu.memory_space<vmem>>
      %dma_start3A_639 = tpu.memref_squeeze %dma_start3A_638 : memref<1x16x128xf32, #tpu.memory_space<vmem>> -> memref<16x128xf32, #tpu.memory_space<vmem>>
      %dma_start3A_640 = arith.constant 0 : i32
      %dma_start3A_641 = tpu.memref_slice %arg11[%add3A_489, %dma_start3A_640] : memref<12832x128xf32, #tpu.memory_space<vmem_shared>> -> memref<16x128xf32, #tpu.memory_space<vmem_shared>>
      tpu.enqueue_dma source(%dma_start3A_641 : memref<16x128xf32, #tpu.memory_space<vmem_shared>>) target(%dma_start3A_639 : memref<16x128xf32, #tpu.memory_space<vmem>>) target_semaphore(%run_scoped3A_629 : memref<!tpu.dma_semaphore, #tpu.memory_space<semaphore_mem>>)
      %dma_wait3A_642 = arith.constant 0 : i32
      %dma_wait3A_643 = arith.constant 0 : i32
      %dma_wait3A_644 = tpu.memref_slice %arg8[%run_scoped3A_490, %dma_wait3A_642, %dma_wait3A_643] : memref<2x64x128xf32, #tpu.memory_space<vmem>> -> memref<1x16x128xf32, #tpu.memory_space<vmem>>
      %dma_wait3A_645 = tpu.memref_squeeze %dma_wait3A_644 : memref<1x16x128xf32, #tpu.memory_space<vmem>> -> memref<16x128xf32, #tpu.memory_space<vmem>>
      %dma_wait3A_646 = arith.constant 0 : i32
      %dma_wait3A_647 = tpu.memref_slice %arg11[%add3A_489, %dma_wait3A_646] : memref<12832x128xf32, #tpu.memory_space<vmem_shared>> -> memref<16x128xf32, #tpu.memory_space<vmem_shared>>
      %dma_wait3A_648 = arith.constant 0 : i32
      %dma_wait3A_649 = arith.constant 0 : i32
      %dma_wait3A_650 = tpu.memref_slice %arg8[%run_scoped3A_490, %dma_wait3A_648, %dma_wait3A_649] : memref<2x64x128xf32, #tpu.memory_space<vmem>> -> memref<1x16x128xf32, #tpu.memory_space<vmem>>
      %dma_wait3A_651 = tpu.memref_squeeze %dma_wait3A_650 : memref<1x16x128xf32, #tpu.memory_space<vmem>> -> memref<16x128xf32, #tpu.memory_space<vmem>>
      %dma_wait3A_652 = arith.constant 0 : i32
      %dma_wait3A_653 = tpu.memref_slice %arg11[%add3A_489, %dma_wait3A_652] : memref<12832x128xf32, #tpu.memory_space<vmem_shared>> -> memref<16x128xf32, #tpu.memory_space<vmem_shared>>
      tpu.wait_dma2 semaphore(%run_scoped3A_629 : memref<!tpu.dma_semaphore, #tpu.memory_space<semaphore_mem>>) src(%dma_wait3A_653 : memref<16x128xf32, #tpu.memory_space<vmem_shared>>) dst(%dma_wait3A_651 : memref<16x128xf32, #tpu.memory_space<vmem>>)
      tpu.yield
    }) : () -> ()
    %mul3A_491 = arith.constant 800 : i32
    %mul3A_492 = arith.muli %arg1, %mul3A_491 : i32
    %add3A_493 = arith.addi %mul3A_0, %mul3A_492 : i32
    %add3A_494 = arith.constant 320 : i32
    %add3A_495 = arith.addi %add3A_493, %add3A_494 : i32
    %add3A_496 = arith.constant 64 : i32
    %add3A_497 = arith.addi %add3A_495, %add3A_496 : i32
    %run_scoped3A_498 = arith.constant 1 : i32
    "tpu.region"() ({
      %run_scoped3A_629 = tpu.sem_alloc : memref<!tpu.dma_semaphore, #tpu.memory_space<semaphore_mem>>
      %dma_start3A_630 = arith.constant 0 : i32
      %dma_start3A_631 = arith.constant 0 : i32
      %dma_start3A_632 = tpu.memref_slice %arg8[%run_scoped3A_498, %dma_start3A_630, %dma_start3A_631] : memref<2x64x128xf32, #tpu.memory_space<vmem>> -> memref<1x16x128xf32, #tpu.memory_space<vmem>>
      %dma_start3A_633 = tpu.memref_squeeze %dma_start3A_632 : memref<1x16x128xf32, #tpu.memory_space<vmem>> -> memref<16x128xf32, #tpu.memory_space<vmem>>
      %dma_start3A_634 = arith.constant 0 : i32
      %dma_start3A_635 = tpu.memref_slice %arg5[%add3A_497, %dma_start3A_634] : memref<25600x128xf32, #tpu.memory_space<hbm>> -> memref<16x128xf32, #tpu.memory_space<hbm>>
      %dma_start3A_636 = arith.constant 0 : i32
      %dma_start3A_637 = tpu.memref_slice %arg5[%add3A_497, %dma_start3A_636] : memref<25600x128xf32, #tpu.memory_space<hbm>> -> memref<16x128xf32, #tpu.memory_space<hbm>>
      %dma_start3A_638 = arith.constant 0 : i32
      %dma_start3A_639 = arith.constant 0 : i32
      %dma_start3A_640 = tpu.memref_slice %arg8[%run_scoped3A_498, %dma_start3A_638, %dma_start3A_639] : memref<2x64x128xf32, #tpu.memory_space<vmem>> -> memref<1x16x128xf32, #tpu.memory_space<vmem>>
      %dma_start3A_641 = tpu.memref_squeeze %dma_start3A_640 : memref<1x16x128xf32, #tpu.memory_space<vmem>> -> memref<16x128xf32, #tpu.memory_space<vmem>>
      tpu.enqueue_dma source(%dma_start3A_641 : memref<16x128xf32, #tpu.memory_space<vmem>>) target(%dma_start3A_637 : memref<16x128xf32, #tpu.memory_space<hbm>>) target_semaphore(%run_scoped3A_629 : memref<!tpu.dma_semaphore, #tpu.memory_space<semaphore_mem>>)
      %dma_wait3A_642 = arith.constant 0 : i32
      %dma_wait3A_643 = arith.constant 0 : i32
      %dma_wait3A_644 = tpu.memref_slice %arg8[%run_scoped3A_498, %dma_wait3A_642, %dma_wait3A_643] : memref<2x64x128xf32, #tpu.memory_space<vmem>> -> memref<1x16x128xf32, #tpu.memory_space<vmem>>
      %dma_wait3A_645 = tpu.memref_squeeze %dma_wait3A_644 : memref<1x16x128xf32, #tpu.memory_space<vmem>> -> memref<16x128xf32, #tpu.memory_space<vmem>>
      %dma_wait3A_646 = arith.constant 0 : i32
      %dma_wait3A_647 = tpu.memref_slice %arg5[%add3A_497, %dma_wait3A_646] : memref<25600x128xf32, #tpu.memory_space<hbm>> -> memref<16x128xf32, #tpu.memory_space<hbm>>
      %dma_wait3A_648 = arith.constant 0 : i32
      %dma_wait3A_649 = tpu.memref_slice %arg5[%add3A_497, %dma_wait3A_648] : memref<25600x128xf32, #tpu.memory_space<hbm>> -> memref<16x128xf32, #tpu.memory_space<hbm>>
      %dma_wait3A_650 = arith.constant 0 : i32
      %dma_wait3A_651 = arith.constant 0 : i32
      %dma_wait3A_652 = tpu.memref_slice %arg8[%run_scoped3A_498, %dma_wait3A_650, %dma_wait3A_651] : memref<2x64x128xf32, #tpu.memory_space<vmem>> -> memref<1x16x128xf32, #tpu.memory_space<vmem>>
      %dma_wait3A_653 = tpu.memref_squeeze %dma_wait3A_652 : memref<1x16x128xf32, #tpu.memory_space<vmem>> -> memref<16x128xf32, #tpu.memory_space<vmem>>
      tpu.wait_dma2 semaphore(%run_scoped3A_629 : memref<!tpu.dma_semaphore, #tpu.memory_space<semaphore_mem>>) src(%dma_wait3A_653 : memref<16x128xf32, #tpu.memory_space<vmem>>) dst(%dma_wait3A_649 : memref<16x128xf32, #tpu.memory_space<hbm>>)
      tpu.yield
    }) : () -> ()
    %mul3A_499 = arith.constant 800 : i32
    %mul3A_500 = arith.muli %arg1, %mul3A_499 : i32
    %add3A_501 = arith.constant 400 : i32
    %add3A_502 = arith.addi %mul3A_500, %add3A_501 : i32
    %run_scoped3A_503 = arith.constant 0 : i32
    "tpu.region"() ({
      %run_scoped3A_629 = tpu.sem_alloc : memref<!tpu.dma_semaphore, #tpu.memory_space<semaphore_mem>>
      %dma_start3A_630 = arith.constant 0 : i32
      %dma_start3A_631 = arith.constant 0 : i32
      %dma_start3A_632 = tpu.memref_slice %arg8[%run_scoped3A_503, %dma_start3A_630, %dma_start3A_631] : memref<2x64x128xf32, #tpu.memory_space<vmem>> -> memref<1x64x128xf32, #tpu.memory_space<vmem>>
      %dma_start3A_633 = tpu.memref_squeeze %dma_start3A_632 : memref<1x64x128xf32, #tpu.memory_space<vmem>> -> memref<64x128xf32, #tpu.memory_space<vmem>>
      %dma_start3A_634 = arith.constant 0 : i32
      %dma_start3A_635 = tpu.memref_slice %arg11[%add3A_502, %dma_start3A_634] : memref<12832x128xf32, #tpu.memory_space<vmem_shared>> -> memref<64x128xf32, #tpu.memory_space<vmem_shared>>
      %dma_start3A_636 = arith.constant 0 : i32
      %dma_start3A_637 = arith.constant 0 : i32
      %dma_start3A_638 = tpu.memref_slice %arg8[%run_scoped3A_503, %dma_start3A_636, %dma_start3A_637] : memref<2x64x128xf32, #tpu.memory_space<vmem>> -> memref<1x64x128xf32, #tpu.memory_space<vmem>>
      %dma_start3A_639 = tpu.memref_squeeze %dma_start3A_638 : memref<1x64x128xf32, #tpu.memory_space<vmem>> -> memref<64x128xf32, #tpu.memory_space<vmem>>
      %dma_start3A_640 = arith.constant 0 : i32
      %dma_start3A_641 = tpu.memref_slice %arg11[%add3A_502, %dma_start3A_640] : memref<12832x128xf32, #tpu.memory_space<vmem_shared>> -> memref<64x128xf32, #tpu.memory_space<vmem_shared>>
      tpu.enqueue_dma source(%dma_start3A_641 : memref<64x128xf32, #tpu.memory_space<vmem_shared>>) target(%dma_start3A_639 : memref<64x128xf32, #tpu.memory_space<vmem>>) target_semaphore(%run_scoped3A_629 : memref<!tpu.dma_semaphore, #tpu.memory_space<semaphore_mem>>)
      %dma_wait3A_642 = arith.constant 0 : i32
      %dma_wait3A_643 = arith.constant 0 : i32
      %dma_wait3A_644 = tpu.memref_slice %arg8[%run_scoped3A_503, %dma_wait3A_642, %dma_wait3A_643] : memref<2x64x128xf32, #tpu.memory_space<vmem>> -> memref<1x64x128xf32, #tpu.memory_space<vmem>>
      %dma_wait3A_645 = tpu.memref_squeeze %dma_wait3A_644 : memref<1x64x128xf32, #tpu.memory_space<vmem>> -> memref<64x128xf32, #tpu.memory_space<vmem>>
      %dma_wait3A_646 = arith.constant 0 : i32
      %dma_wait3A_647 = tpu.memref_slice %arg11[%add3A_502, %dma_wait3A_646] : memref<12832x128xf32, #tpu.memory_space<vmem_shared>> -> memref<64x128xf32, #tpu.memory_space<vmem_shared>>
      %dma_wait3A_648 = arith.constant 0 : i32
      %dma_wait3A_649 = arith.constant 0 : i32
      %dma_wait3A_650 = tpu.memref_slice %arg8[%run_scoped3A_503, %dma_wait3A_648, %dma_wait3A_649] : memref<2x64x128xf32, #tpu.memory_space<vmem>> -> memref<1x64x128xf32, #tpu.memory_space<vmem>>
      %dma_wait3A_651 = tpu.memref_squeeze %dma_wait3A_650 : memref<1x64x128xf32, #tpu.memory_space<vmem>> -> memref<64x128xf32, #tpu.memory_space<vmem>>
      %dma_wait3A_652 = arith.constant 0 : i32
      %dma_wait3A_653 = tpu.memref_slice %arg11[%add3A_502, %dma_wait3A_652] : memref<12832x128xf32, #tpu.memory_space<vmem_shared>> -> memref<64x128xf32, #tpu.memory_space<vmem_shared>>
      tpu.wait_dma2 semaphore(%run_scoped3A_629 : memref<!tpu.dma_semaphore, #tpu.memory_space<semaphore_mem>>) src(%dma_wait3A_653 : memref<64x128xf32, #tpu.memory_space<vmem_shared>>) dst(%dma_wait3A_651 : memref<64x128xf32, #tpu.memory_space<vmem>>)
      tpu.yield
    }) : () -> ()
    %mul3A_504 = arith.constant 800 : i32
    %mul3A_505 = arith.muli %arg1, %mul3A_504 : i32
    %add3A_506 = arith.addi %mul3A_0, %mul3A_505 : i32
    %add3A_507 = arith.constant 400 : i32
    %add3A_508 = arith.addi %add3A_506, %add3A_507 : i32
    %run_scoped3A_509 = arith.constant 0 : i32
    "tpu.region"() ({
      %run_scoped3A_629 = tpu.sem_alloc : memref<!tpu.dma_semaphore, #tpu.memory_space<semaphore_mem>>
      %dma_start3A_630 = arith.constant 0 : i32
      %dma_start3A_631 = arith.constant 0 : i32
      %dma_start3A_632 = tpu.memref_slice %arg8[%run_scoped3A_509, %dma_start3A_630, %dma_start3A_631] : memref<2x64x128xf32, #tpu.memory_space<vmem>> -> memref<1x64x128xf32, #tpu.memory_space<vmem>>
      %dma_start3A_633 = tpu.memref_squeeze %dma_start3A_632 : memref<1x64x128xf32, #tpu.memory_space<vmem>> -> memref<64x128xf32, #tpu.memory_space<vmem>>
      %dma_start3A_634 = arith.constant 0 : i32
      %dma_start3A_635 = tpu.memref_slice %arg5[%add3A_508, %dma_start3A_634] : memref<25600x128xf32, #tpu.memory_space<hbm>> -> memref<64x128xf32, #tpu.memory_space<hbm>>
      %dma_start3A_636 = arith.constant 0 : i32
      %dma_start3A_637 = tpu.memref_slice %arg5[%add3A_508, %dma_start3A_636] : memref<25600x128xf32, #tpu.memory_space<hbm>> -> memref<64x128xf32, #tpu.memory_space<hbm>>
      %dma_start3A_638 = arith.constant 0 : i32
      %dma_start3A_639 = arith.constant 0 : i32
      %dma_start3A_640 = tpu.memref_slice %arg8[%run_scoped3A_509, %dma_start3A_638, %dma_start3A_639] : memref<2x64x128xf32, #tpu.memory_space<vmem>> -> memref<1x64x128xf32, #tpu.memory_space<vmem>>
      %dma_start3A_641 = tpu.memref_squeeze %dma_start3A_640 : memref<1x64x128xf32, #tpu.memory_space<vmem>> -> memref<64x128xf32, #tpu.memory_space<vmem>>
      tpu.enqueue_dma source(%dma_start3A_641 : memref<64x128xf32, #tpu.memory_space<vmem>>) target(%dma_start3A_637 : memref<64x128xf32, #tpu.memory_space<hbm>>) target_semaphore(%run_scoped3A_629 : memref<!tpu.dma_semaphore, #tpu.memory_space<semaphore_mem>>)
      %dma_wait3A_642 = arith.constant 0 : i32
      %dma_wait3A_643 = arith.constant 0 : i32
      %dma_wait3A_644 = tpu.memref_slice %arg8[%run_scoped3A_509, %dma_wait3A_642, %dma_wait3A_643] : memref<2x64x128xf32, #tpu.memory_space<vmem>> -> memref<1x64x128xf32, #tpu.memory_space<vmem>>
      %dma_wait3A_645 = tpu.memref_squeeze %dma_wait3A_644 : memref<1x64x128xf32, #tpu.memory_space<vmem>> -> memref<64x128xf32, #tpu.memory_space<vmem>>
      %dma_wait3A_646 = arith.constant 0 : i32
      %dma_wait3A_647 = tpu.memref_slice %arg5[%add3A_508, %dma_wait3A_646] : memref<25600x128xf32, #tpu.memory_space<hbm>> -> memref<64x128xf32, #tpu.memory_space<hbm>>
      %dma_wait3A_648 = arith.constant 0 : i32
      %dma_wait3A_649 = tpu.memref_slice %arg5[%add3A_508, %dma_wait3A_648] : memref<25600x128xf32, #tpu.memory_space<hbm>> -> memref<64x128xf32, #tpu.memory_space<hbm>>
      %dma_wait3A_650 = arith.constant 0 : i32
      %dma_wait3A_651 = arith.constant 0 : i32
      %dma_wait3A_652 = tpu.memref_slice %arg8[%run_scoped3A_509, %dma_wait3A_650, %dma_wait3A_651] : memref<2x64x128xf32, #tpu.memory_space<vmem>> -> memref<1x64x128xf32, #tpu.memory_space<vmem>>
      %dma_wait3A_653 = tpu.memref_squeeze %dma_wait3A_652 : memref<1x64x128xf32, #tpu.memory_space<vmem>> -> memref<64x128xf32, #tpu.memory_space<vmem>>
      tpu.wait_dma2 semaphore(%run_scoped3A_629 : memref<!tpu.dma_semaphore, #tpu.memory_space<semaphore_mem>>) src(%dma_wait3A_653 : memref<64x128xf32, #tpu.memory_space<vmem>>) dst(%dma_wait3A_649 : memref<64x128xf32, #tpu.memory_space<hbm>>)
      tpu.yield
    }) : () -> ()
    %mul3A_510 = arith.constant 800 : i32
    %mul3A_511 = arith.muli %arg1, %mul3A_510 : i32
    %add3A_512 = arith.constant 400 : i32
    %add3A_513 = arith.addi %mul3A_511, %add3A_512 : i32
    %add3A_514 = arith.constant 64 : i32
    %add3A_515 = arith.addi %add3A_513, %add3A_514 : i32
    %run_scoped3A_516 = arith.constant 1 : i32
    "tpu.region"() ({
      %run_scoped3A_629 = tpu.sem_alloc : memref<!tpu.dma_semaphore, #tpu.memory_space<semaphore_mem>>
      %dma_start3A_630 = arith.constant 0 : i32
      %dma_start3A_631 = arith.constant 0 : i32
      %dma_start3A_632 = tpu.memref_slice %arg8[%run_scoped3A_516, %dma_start3A_630, %dma_start3A_631] : memref<2x64x128xf32, #tpu.memory_space<vmem>> -> memref<1x16x128xf32, #tpu.memory_space<vmem>>
      %dma_start3A_633 = tpu.memref_squeeze %dma_start3A_632 : memref<1x16x128xf32, #tpu.memory_space<vmem>> -> memref<16x128xf32, #tpu.memory_space<vmem>>
      %dma_start3A_634 = arith.constant 0 : i32
      %dma_start3A_635 = tpu.memref_slice %arg11[%add3A_515, %dma_start3A_634] : memref<12832x128xf32, #tpu.memory_space<vmem_shared>> -> memref<16x128xf32, #tpu.memory_space<vmem_shared>>
      %dma_start3A_636 = arith.constant 0 : i32
      %dma_start3A_637 = arith.constant 0 : i32
      %dma_start3A_638 = tpu.memref_slice %arg8[%run_scoped3A_516, %dma_start3A_636, %dma_start3A_637] : memref<2x64x128xf32, #tpu.memory_space<vmem>> -> memref<1x16x128xf32, #tpu.memory_space<vmem>>
      %dma_start3A_639 = tpu.memref_squeeze %dma_start3A_638 : memref<1x16x128xf32, #tpu.memory_space<vmem>> -> memref<16x128xf32, #tpu.memory_space<vmem>>
      %dma_start3A_640 = arith.constant 0 : i32
      %dma_start3A_641 = tpu.memref_slice %arg11[%add3A_515, %dma_start3A_640] : memref<12832x128xf32, #tpu.memory_space<vmem_shared>> -> memref<16x128xf32, #tpu.memory_space<vmem_shared>>
      tpu.enqueue_dma source(%dma_start3A_641 : memref<16x128xf32, #tpu.memory_space<vmem_shared>>) target(%dma_start3A_639 : memref<16x128xf32, #tpu.memory_space<vmem>>) target_semaphore(%run_scoped3A_629 : memref<!tpu.dma_semaphore, #tpu.memory_space<semaphore_mem>>)
      %dma_wait3A_642 = arith.constant 0 : i32
      %dma_wait3A_643 = arith.constant 0 : i32
      %dma_wait3A_644 = tpu.memref_slice %arg8[%run_scoped3A_516, %dma_wait3A_642, %dma_wait3A_643] : memref<2x64x128xf32, #tpu.memory_space<vmem>> -> memref<1x16x128xf32, #tpu.memory_space<vmem>>
      %dma_wait3A_645 = tpu.memref_squeeze %dma_wait3A_644 : memref<1x16x128xf32, #tpu.memory_space<vmem>> -> memref<16x128xf32, #tpu.memory_space<vmem>>
      %dma_wait3A_646 = arith.constant 0 : i32
      %dma_wait3A_647 = tpu.memref_slice %arg11[%add3A_515, %dma_wait3A_646] : memref<12832x128xf32, #tpu.memory_space<vmem_shared>> -> memref<16x128xf32, #tpu.memory_space<vmem_shared>>
      %dma_wait3A_648 = arith.constant 0 : i32
      %dma_wait3A_649 = arith.constant 0 : i32
      %dma_wait3A_650 = tpu.memref_slice %arg8[%run_scoped3A_516, %dma_wait3A_648, %dma_wait3A_649] : memref<2x64x128xf32, #tpu.memory_space<vmem>> -> memref<1x16x128xf32, #tpu.memory_space<vmem>>
      %dma_wait3A_651 = tpu.memref_squeeze %dma_wait3A_650 : memref<1x16x128xf32, #tpu.memory_space<vmem>> -> memref<16x128xf32, #tpu.memory_space<vmem>>
      %dma_wait3A_652 = arith.constant 0 : i32
      %dma_wait3A_653 = tpu.memref_slice %arg11[%add3A_515, %dma_wait3A_652] : memref<12832x128xf32, #tpu.memory_space<vmem_shared>> -> memref<16x128xf32, #tpu.memory_space<vmem_shared>>
      tpu.wait_dma2 semaphore(%run_scoped3A_629 : memref<!tpu.dma_semaphore, #tpu.memory_space<semaphore_mem>>) src(%dma_wait3A_653 : memref<16x128xf32, #tpu.memory_space<vmem_shared>>) dst(%dma_wait3A_651 : memref<16x128xf32, #tpu.memory_space<vmem>>)
      tpu.yield
    }) : () -> ()
    %mul3A_517 = arith.constant 800 : i32
    %mul3A_518 = arith.muli %arg1, %mul3A_517 : i32
    %add3A_519 = arith.addi %mul3A_0, %mul3A_518 : i32
    %add3A_520 = arith.constant 400 : i32
    %add3A_521 = arith.addi %add3A_519, %add3A_520 : i32
    %add3A_522 = arith.constant 64 : i32
    %add3A_523 = arith.addi %add3A_521, %add3A_522 : i32
    %run_scoped3A_524 = arith.constant 1 : i32
    "tpu.region"() ({
      %run_scoped3A_629 = tpu.sem_alloc : memref<!tpu.dma_semaphore, #tpu.memory_space<semaphore_mem>>
      %dma_start3A_630 = arith.constant 0 : i32
      %dma_start3A_631 = arith.constant 0 : i32
      %dma_start3A_632 = tpu.memref_slice %arg8[%run_scoped3A_524, %dma_start3A_630, %dma_start3A_631] : memref<2x64x128xf32, #tpu.memory_space<vmem>> -> memref<1x16x128xf32, #tpu.memory_space<vmem>>
      %dma_start3A_633 = tpu.memref_squeeze %dma_start3A_632 : memref<1x16x128xf32, #tpu.memory_space<vmem>> -> memref<16x128xf32, #tpu.memory_space<vmem>>
      %dma_start3A_634 = arith.constant 0 : i32
      %dma_start3A_635 = tpu.memref_slice %arg5[%add3A_523, %dma_start3A_634] : memref<25600x128xf32, #tpu.memory_space<hbm>> -> memref<16x128xf32, #tpu.memory_space<hbm>>
      %dma_start3A_636 = arith.constant 0 : i32
      %dma_start3A_637 = tpu.memref_slice %arg5[%add3A_523, %dma_start3A_636] : memref<25600x128xf32, #tpu.memory_space<hbm>> -> memref<16x128xf32, #tpu.memory_space<hbm>>
      %dma_start3A_638 = arith.constant 0 : i32
      %dma_start3A_639 = arith.constant 0 : i32
      %dma_start3A_640 = tpu.memref_slice %arg8[%run_scoped3A_524, %dma_start3A_638, %dma_start3A_639] : memref<2x64x128xf32, #tpu.memory_space<vmem>> -> memref<1x16x128xf32, #tpu.memory_space<vmem>>
      %dma_start3A_641 = tpu.memref_squeeze %dma_start3A_640 : memref<1x16x128xf32, #tpu.memory_space<vmem>> -> memref<16x128xf32, #tpu.memory_space<vmem>>
      tpu.enqueue_dma source(%dma_start3A_641 : memref<16x128xf32, #tpu.memory_space<vmem>>) target(%dma_start3A_637 : memref<16x128xf32, #tpu.memory_space<hbm>>) target_semaphore(%run_scoped3A_629 : memref<!tpu.dma_semaphore, #tpu.memory_space<semaphore_mem>>)
      %dma_wait3A_642 = arith.constant 0 : i32
      %dma_wait3A_643 = arith.constant 0 : i32
      %dma_wait3A_644 = tpu.memref_slice %arg8[%run_scoped3A_524, %dma_wait3A_642, %dma_wait3A_643] : memref<2x64x128xf32, #tpu.memory_space<vmem>> -> memref<1x16x128xf32, #tpu.memory_space<vmem>>
      %dma_wait3A_645 = tpu.memref_squeeze %dma_wait3A_644 : memref<1x16x128xf32, #tpu.memory_space<vmem>> -> memref<16x128xf32, #tpu.memory_space<vmem>>
      %dma_wait3A_646 = arith.constant 0 : i32
      %dma_wait3A_647 = tpu.memref_slice %arg5[%add3A_523, %dma_wait3A_646] : memref<25600x128xf32, #tpu.memory_space<hbm>> -> memref<16x128xf32, #tpu.memory_space<hbm>>
      %dma_wait3A_648 = arith.constant 0 : i32
      %dma_wait3A_649 = tpu.memref_slice %arg5[%add3A_523, %dma_wait3A_648] : memref<25600x128xf32, #tpu.memory_space<hbm>> -> memref<16x128xf32, #tpu.memory_space<hbm>>
      %dma_wait3A_650 = arith.constant 0 : i32
      %dma_wait3A_651 = arith.constant 0 : i32
      %dma_wait3A_652 = tpu.memref_slice %arg8[%run_scoped3A_524, %dma_wait3A_650, %dma_wait3A_651] : memref<2x64x128xf32, #tpu.memory_space<vmem>> -> memref<1x16x128xf32, #tpu.memory_space<vmem>>
      %dma_wait3A_653 = tpu.memref_squeeze %dma_wait3A_652 : memref<1x16x128xf32, #tpu.memory_space<vmem>> -> memref<16x128xf32, #tpu.memory_space<vmem>>
      tpu.wait_dma2 semaphore(%run_scoped3A_629 : memref<!tpu.dma_semaphore, #tpu.memory_space<semaphore_mem>>) src(%dma_wait3A_653 : memref<16x128xf32, #tpu.memory_space<vmem>>) dst(%dma_wait3A_649 : memref<16x128xf32, #tpu.memory_space<hbm>>)
      tpu.yield
    }) : () -> ()
    %mul3A_525 = arith.constant 800 : i32
    %mul3A_526 = arith.muli %arg1, %mul3A_525 : i32
    %add3A_527 = arith.constant 480 : i32
    %add3A_528 = arith.addi %mul3A_526, %add3A_527 : i32
    %run_scoped3A_529 = arith.constant 0 : i32
    "tpu.region"() ({
      %run_scoped3A_629 = tpu.sem_alloc : memref<!tpu.dma_semaphore, #tpu.memory_space<semaphore_mem>>
      %dma_start3A_630 = arith.constant 0 : i32
      %dma_start3A_631 = arith.constant 0 : i32
      %dma_start3A_632 = tpu.memref_slice %arg8[%run_scoped3A_529, %dma_start3A_630, %dma_start3A_631] : memref<2x64x128xf32, #tpu.memory_space<vmem>> -> memref<1x64x128xf32, #tpu.memory_space<vmem>>
      %dma_start3A_633 = tpu.memref_squeeze %dma_start3A_632 : memref<1x64x128xf32, #tpu.memory_space<vmem>> -> memref<64x128xf32, #tpu.memory_space<vmem>>
      %dma_start3A_634 = arith.constant 0 : i32
      %dma_start3A_635 = tpu.memref_slice %arg11[%add3A_528, %dma_start3A_634] : memref<12832x128xf32, #tpu.memory_space<vmem_shared>> -> memref<64x128xf32, #tpu.memory_space<vmem_shared>>
      %dma_start3A_636 = arith.constant 0 : i32
      %dma_start3A_637 = arith.constant 0 : i32
      %dma_start3A_638 = tpu.memref_slice %arg8[%run_scoped3A_529, %dma_start3A_636, %dma_start3A_637] : memref<2x64x128xf32, #tpu.memory_space<vmem>> -> memref<1x64x128xf32, #tpu.memory_space<vmem>>
      %dma_start3A_639 = tpu.memref_squeeze %dma_start3A_638 : memref<1x64x128xf32, #tpu.memory_space<vmem>> -> memref<64x128xf32, #tpu.memory_space<vmem>>
      %dma_start3A_640 = arith.constant 0 : i32
      %dma_start3A_641 = tpu.memref_slice %arg11[%add3A_528, %dma_start3A_640] : memref<12832x128xf32, #tpu.memory_space<vmem_shared>> -> memref<64x128xf32, #tpu.memory_space<vmem_shared>>
      tpu.enqueue_dma source(%dma_start3A_641 : memref<64x128xf32, #tpu.memory_space<vmem_shared>>) target(%dma_start3A_639 : memref<64x128xf32, #tpu.memory_space<vmem>>) target_semaphore(%run_scoped3A_629 : memref<!tpu.dma_semaphore, #tpu.memory_space<semaphore_mem>>)
      %dma_wait3A_642 = arith.constant 0 : i32
      %dma_wait3A_643 = arith.constant 0 : i32
      %dma_wait3A_644 = tpu.memref_slice %arg8[%run_scoped3A_529, %dma_wait3A_642, %dma_wait3A_643] : memref<2x64x128xf32, #tpu.memory_space<vmem>> -> memref<1x64x128xf32, #tpu.memory_space<vmem>>
      %dma_wait3A_645 = tpu.memref_squeeze %dma_wait3A_644 : memref<1x64x128xf32, #tpu.memory_space<vmem>> -> memref<64x128xf32, #tpu.memory_space<vmem>>
      %dma_wait3A_646 = arith.constant 0 : i32
      %dma_wait3A_647 = tpu.memref_slice %arg11[%add3A_528, %dma_wait3A_646] : memref<12832x128xf32, #tpu.memory_space<vmem_shared>> -> memref<64x128xf32, #tpu.memory_space<vmem_shared>>
      %dma_wait3A_648 = arith.constant 0 : i32
      %dma_wait3A_649 = arith.constant 0 : i32
      %dma_wait3A_650 = tpu.memref_slice %arg8[%run_scoped3A_529, %dma_wait3A_648, %dma_wait3A_649] : memref<2x64x128xf32, #tpu.memory_space<vmem>> -> memref<1x64x128xf32, #tpu.memory_space<vmem>>
      %dma_wait3A_651 = tpu.memref_squeeze %dma_wait3A_650 : memref<1x64x128xf32, #tpu.memory_space<vmem>> -> memref<64x128xf32, #tpu.memory_space<vmem>>
      %dma_wait3A_652 = arith.constant 0 : i32
      %dma_wait3A_653 = tpu.memref_slice %arg11[%add3A_528, %dma_wait3A_652] : memref<12832x128xf32, #tpu.memory_space<vmem_shared>> -> memref<64x128xf32, #tpu.memory_space<vmem_shared>>
      tpu.wait_dma2 semaphore(%run_scoped3A_629 : memref<!tpu.dma_semaphore, #tpu.memory_space<semaphore_mem>>) src(%dma_wait3A_653 : memref<64x128xf32, #tpu.memory_space<vmem_shared>>) dst(%dma_wait3A_651 : memref<64x128xf32, #tpu.memory_space<vmem>>)
      tpu.yield
    }) : () -> ()
    %mul3A_530 = arith.constant 800 : i32
    %mul3A_531 = arith.muli %arg1, %mul3A_530 : i32
    %add3A_532 = arith.addi %mul3A_0, %mul3A_531 : i32
    %add3A_533 = arith.constant 480 : i32
    %add3A_534 = arith.addi %add3A_532, %add3A_533 : i32
    %run_scoped3A_535 = arith.constant 0 : i32
    "tpu.region"() ({
      %run_scoped3A_629 = tpu.sem_alloc : memref<!tpu.dma_semaphore, #tpu.memory_space<semaphore_mem>>
      %dma_start3A_630 = arith.constant 0 : i32
      %dma_start3A_631 = arith.constant 0 : i32
      %dma_start3A_632 = tpu.memref_slice %arg8[%run_scoped3A_535, %dma_start3A_630, %dma_start3A_631] : memref<2x64x128xf32, #tpu.memory_space<vmem>> -> memref<1x64x128xf32, #tpu.memory_space<vmem>>
      %dma_start3A_633 = tpu.memref_squeeze %dma_start3A_632 : memref<1x64x128xf32, #tpu.memory_space<vmem>> -> memref<64x128xf32, #tpu.memory_space<vmem>>
      %dma_start3A_634 = arith.constant 0 : i32
      %dma_start3A_635 = tpu.memref_slice %arg5[%add3A_534, %dma_start3A_634] : memref<25600x128xf32, #tpu.memory_space<hbm>> -> memref<64x128xf32, #tpu.memory_space<hbm>>
      %dma_start3A_636 = arith.constant 0 : i32
      %dma_start3A_637 = tpu.memref_slice %arg5[%add3A_534, %dma_start3A_636] : memref<25600x128xf32, #tpu.memory_space<hbm>> -> memref<64x128xf32, #tpu.memory_space<hbm>>
      %dma_start3A_638 = arith.constant 0 : i32
      %dma_start3A_639 = arith.constant 0 : i32
      %dma_start3A_640 = tpu.memref_slice %arg8[%run_scoped3A_535, %dma_start3A_638, %dma_start3A_639] : memref<2x64x128xf32, #tpu.memory_space<vmem>> -> memref<1x64x128xf32, #tpu.memory_space<vmem>>
      %dma_start3A_641 = tpu.memref_squeeze %dma_start3A_640 : memref<1x64x128xf32, #tpu.memory_space<vmem>> -> memref<64x128xf32, #tpu.memory_space<vmem>>
      tpu.enqueue_dma source(%dma_start3A_641 : memref<64x128xf32, #tpu.memory_space<vmem>>) target(%dma_start3A_637 : memref<64x128xf32, #tpu.memory_space<hbm>>) target_semaphore(%run_scoped3A_629 : memref<!tpu.dma_semaphore, #tpu.memory_space<semaphore_mem>>)
      %dma_wait3A_642 = arith.constant 0 : i32
      %dma_wait3A_643 = arith.constant 0 : i32
      %dma_wait3A_644 = tpu.memref_slice %arg8[%run_scoped3A_535, %dma_wait3A_642, %dma_wait3A_643] : memref<2x64x128xf32, #tpu.memory_space<vmem>> -> memref<1x64x128xf32, #tpu.memory_space<vmem>>
      %dma_wait3A_645 = tpu.memref_squeeze %dma_wait3A_644 : memref<1x64x128xf32, #tpu.memory_space<vmem>> -> memref<64x128xf32, #tpu.memory_space<vmem>>
      %dma_wait3A_646 = arith.constant 0 : i32
      %dma_wait3A_647 = tpu.memref_slice %arg5[%add3A_534, %dma_wait3A_646] : memref<25600x128xf32, #tpu.memory_space<hbm>> -> memref<64x128xf32, #tpu.memory_space<hbm>>
      %dma_wait3A_648 = arith.constant 0 : i32
      %dma_wait3A_649 = tpu.memref_slice %arg5[%add3A_534, %dma_wait3A_648] : memref<25600x128xf32, #tpu.memory_space<hbm>> -> memref<64x128xf32, #tpu.memory_space<hbm>>
      %dma_wait3A_650 = arith.constant 0 : i32
      %dma_wait3A_651 = arith.constant 0 : i32
      %dma_wait3A_652 = tpu.memref_slice %arg8[%run_scoped3A_535, %dma_wait3A_650, %dma_wait3A_651] : memref<2x64x128xf32, #tpu.memory_space<vmem>> -> memref<1x64x128xf32, #tpu.memory_space<vmem>>
      %dma_wait3A_653 = tpu.memref_squeeze %dma_wait3A_652 : memref<1x64x128xf32, #tpu.memory_space<vmem>> -> memref<64x128xf32, #tpu.memory_space<vmem>>
      tpu.wait_dma2 semaphore(%run_scoped3A_629 : memref<!tpu.dma_semaphore, #tpu.memory_space<semaphore_mem>>) src(%dma_wait3A_653 : memref<64x128xf32, #tpu.memory_space<vmem>>) dst(%dma_wait3A_649 : memref<64x128xf32, #tpu.memory_space<hbm>>)
      tpu.yield
    }) : () -> ()
    %mul3A_536 = arith.constant 800 : i32
    %mul3A_537 = arith.muli %arg1, %mul3A_536 : i32
    %add3A_538 = arith.constant 480 : i32
    %add3A_539 = arith.addi %mul3A_537, %add3A_538 : i32
    %add3A_540 = arith.constant 64 : i32
    %add3A_541 = arith.addi %add3A_539, %add3A_540 : i32
    %run_scoped3A_542 = arith.constant 1 : i32
    "tpu.region"() ({
      %run_scoped3A_629 = tpu.sem_alloc : memref<!tpu.dma_semaphore, #tpu.memory_space<semaphore_mem>>
      %dma_start3A_630 = arith.constant 0 : i32
      %dma_start3A_631 = arith.constant 0 : i32
      %dma_start3A_632 = tpu.memref_slice %arg8[%run_scoped3A_542, %dma_start3A_630, %dma_start3A_631] : memref<2x64x128xf32, #tpu.memory_space<vmem>> -> memref<1x16x128xf32, #tpu.memory_space<vmem>>
      %dma_start3A_633 = tpu.memref_squeeze %dma_start3A_632 : memref<1x16x128xf32, #tpu.memory_space<vmem>> -> memref<16x128xf32, #tpu.memory_space<vmem>>
      %dma_start3A_634 = arith.constant 0 : i32
      %dma_start3A_635 = tpu.memref_slice %arg11[%add3A_541, %dma_start3A_634] : memref<12832x128xf32, #tpu.memory_space<vmem_shared>> -> memref<16x128xf32, #tpu.memory_space<vmem_shared>>
      %dma_start3A_636 = arith.constant 0 : i32
      %dma_start3A_637 = arith.constant 0 : i32
      %dma_start3A_638 = tpu.memref_slice %arg8[%run_scoped3A_542, %dma_start3A_636, %dma_start3A_637] : memref<2x64x128xf32, #tpu.memory_space<vmem>> -> memref<1x16x128xf32, #tpu.memory_space<vmem>>
      %dma_start3A_639 = tpu.memref_squeeze %dma_start3A_638 : memref<1x16x128xf32, #tpu.memory_space<vmem>> -> memref<16x128xf32, #tpu.memory_space<vmem>>
      %dma_start3A_640 = arith.constant 0 : i32
      %dma_start3A_641 = tpu.memref_slice %arg11[%add3A_541, %dma_start3A_640] : memref<12832x128xf32, #tpu.memory_space<vmem_shared>> -> memref<16x128xf32, #tpu.memory_space<vmem_shared>>
      tpu.enqueue_dma source(%dma_start3A_641 : memref<16x128xf32, #tpu.memory_space<vmem_shared>>) target(%dma_start3A_639 : memref<16x128xf32, #tpu.memory_space<vmem>>) target_semaphore(%run_scoped3A_629 : memref<!tpu.dma_semaphore, #tpu.memory_space<semaphore_mem>>)
      %dma_wait3A_642 = arith.constant 0 : i32
      %dma_wait3A_643 = arith.constant 0 : i32
      %dma_wait3A_644 = tpu.memref_slice %arg8[%run_scoped3A_542, %dma_wait3A_642, %dma_wait3A_643] : memref<2x64x128xf32, #tpu.memory_space<vmem>> -> memref<1x16x128xf32, #tpu.memory_space<vmem>>
      %dma_wait3A_645 = tpu.memref_squeeze %dma_wait3A_644 : memref<1x16x128xf32, #tpu.memory_space<vmem>> -> memref<16x128xf32, #tpu.memory_space<vmem>>
      %dma_wait3A_646 = arith.constant 0 : i32
      %dma_wait3A_647 = tpu.memref_slice %arg11[%add3A_541, %dma_wait3A_646] : memref<12832x128xf32, #tpu.memory_space<vmem_shared>> -> memref<16x128xf32, #tpu.memory_space<vmem_shared>>
      %dma_wait3A_648 = arith.constant 0 : i32
      %dma_wait3A_649 = arith.constant 0 : i32
      %dma_wait3A_650 = tpu.memref_slice %arg8[%run_scoped3A_542, %dma_wait3A_648, %dma_wait3A_649] : memref<2x64x128xf32, #tpu.memory_space<vmem>> -> memref<1x16x128xf32, #tpu.memory_space<vmem>>
      %dma_wait3A_651 = tpu.memref_squeeze %dma_wait3A_650 : memref<1x16x128xf32, #tpu.memory_space<vmem>> -> memref<16x128xf32, #tpu.memory_space<vmem>>
      %dma_wait3A_652 = arith.constant 0 : i32
      %dma_wait3A_653 = tpu.memref_slice %arg11[%add3A_541, %dma_wait3A_652] : memref<12832x128xf32, #tpu.memory_space<vmem_shared>> -> memref<16x128xf32, #tpu.memory_space<vmem_shared>>
      tpu.wait_dma2 semaphore(%run_scoped3A_629 : memref<!tpu.dma_semaphore, #tpu.memory_space<semaphore_mem>>) src(%dma_wait3A_653 : memref<16x128xf32, #tpu.memory_space<vmem_shared>>) dst(%dma_wait3A_651 : memref<16x128xf32, #tpu.memory_space<vmem>>)
      tpu.yield
    }) : () -> ()
    %mul3A_543 = arith.constant 800 : i32
    %mul3A_544 = arith.muli %arg1, %mul3A_543 : i32
    %add3A_545 = arith.addi %mul3A_0, %mul3A_544 : i32
    %add3A_546 = arith.constant 480 : i32
    %add3A_547 = arith.addi %add3A_545, %add3A_546 : i32
    %add3A_548 = arith.constant 64 : i32
    %add3A_549 = arith.addi %add3A_547, %add3A_548 : i32
    %run_scoped3A_550 = arith.constant 1 : i32
    "tpu.region"() ({
      %run_scoped3A_629 = tpu.sem_alloc : memref<!tpu.dma_semaphore, #tpu.memory_space<semaphore_mem>>
      %dma_start3A_630 = arith.constant 0 : i32
      %dma_start3A_631 = arith.constant 0 : i32
      %dma_start3A_632 = tpu.memref_slice %arg8[%run_scoped3A_550, %dma_start3A_630, %dma_start3A_631] : memref<2x64x128xf32, #tpu.memory_space<vmem>> -> memref<1x16x128xf32, #tpu.memory_space<vmem>>
      %dma_start3A_633 = tpu.memref_squeeze %dma_start3A_632 : memref<1x16x128xf32, #tpu.memory_space<vmem>> -> memref<16x128xf32, #tpu.memory_space<vmem>>
      %dma_start3A_634 = arith.constant 0 : i32
      %dma_start3A_635 = tpu.memref_slice %arg5[%add3A_549, %dma_start3A_634] : memref<25600x128xf32, #tpu.memory_space<hbm>> -> memref<16x128xf32, #tpu.memory_space<hbm>>
      %dma_start3A_636 = arith.constant 0 : i32
      %dma_start3A_637 = tpu.memref_slice %arg5[%add3A_549, %dma_start3A_636] : memref<25600x128xf32, #tpu.memory_space<hbm>> -> memref<16x128xf32, #tpu.memory_space<hbm>>
      %dma_start3A_638 = arith.constant 0 : i32
      %dma_start3A_639 = arith.constant 0 : i32
      %dma_start3A_640 = tpu.memref_slice %arg8[%run_scoped3A_550, %dma_start3A_638, %dma_start3A_639] : memref<2x64x128xf32, #tpu.memory_space<vmem>> -> memref<1x16x128xf32, #tpu.memory_space<vmem>>
      %dma_start3A_641 = tpu.memref_squeeze %dma_start3A_640 : memref<1x16x128xf32, #tpu.memory_space<vmem>> -> memref<16x128xf32, #tpu.memory_space<vmem>>
      tpu.enqueue_dma source(%dma_start3A_641 : memref<16x128xf32, #tpu.memory_space<vmem>>) target(%dma_start3A_637 : memref<16x128xf32, #tpu.memory_space<hbm>>) target_semaphore(%run_scoped3A_629 : memref<!tpu.dma_semaphore, #tpu.memory_space<semaphore_mem>>)
      %dma_wait3A_642 = arith.constant 0 : i32
      %dma_wait3A_643 = arith.constant 0 : i32
      %dma_wait3A_644 = tpu.memref_slice %arg8[%run_scoped3A_550, %dma_wait3A_642, %dma_wait3A_643] : memref<2x64x128xf32, #tpu.memory_space<vmem>> -> memref<1x16x128xf32, #tpu.memory_space<vmem>>
      %dma_wait3A_645 = tpu.memref_squeeze %dma_wait3A_644 : memref<1x16x128xf32, #tpu.memory_space<vmem>> -> memref<16x128xf32, #tpu.memory_space<vmem>>
      %dma_wait3A_646 = arith.constant 0 : i32
      %dma_wait3A_647 = tpu.memref_slice %arg5[%add3A_549, %dma_wait3A_646] : memref<25600x128xf32, #tpu.memory_space<hbm>> -> memref<16x128xf32, #tpu.memory_space<hbm>>
      %dma_wait3A_648 = arith.constant 0 : i32
      %dma_wait3A_649 = tpu.memref_slice %arg5[%add3A_549, %dma_wait3A_648] : memref<25600x128xf32, #tpu.memory_space<hbm>> -> memref<16x128xf32, #tpu.memory_space<hbm>>
      %dma_wait3A_650 = arith.constant 0 : i32
      %dma_wait3A_651 = arith.constant 0 : i32
      %dma_wait3A_652 = tpu.memref_slice %arg8[%run_scoped3A_550, %dma_wait3A_650, %dma_wait3A_651] : memref<2x64x128xf32, #tpu.memory_space<vmem>> -> memref<1x16x128xf32, #tpu.memory_space<vmem>>
      %dma_wait3A_653 = tpu.memref_squeeze %dma_wait3A_652 : memref<1x16x128xf32, #tpu.memory_space<vmem>> -> memref<16x128xf32, #tpu.memory_space<vmem>>
      tpu.wait_dma2 semaphore(%run_scoped3A_629 : memref<!tpu.dma_semaphore, #tpu.memory_space<semaphore_mem>>) src(%dma_wait3A_653 : memref<16x128xf32, #tpu.memory_space<vmem>>) dst(%dma_wait3A_649 : memref<16x128xf32, #tpu.memory_space<hbm>>)
      tpu.yield
    }) : () -> ()
    %mul3A_551 = arith.constant 800 : i32
    %mul3A_552 = arith.muli %arg1, %mul3A_551 : i32
    %add3A_553 = arith.constant 560 : i32
    %add3A_554 = arith.addi %mul3A_552, %add3A_553 : i32
    %run_scoped3A_555 = arith.constant 0 : i32
    "tpu.region"() ({
      %run_scoped3A_629 = tpu.sem_alloc : memref<!tpu.dma_semaphore, #tpu.memory_space<semaphore_mem>>
      %dma_start3A_630 = arith.constant 0 : i32
      %dma_start3A_631 = arith.constant 0 : i32
      %dma_start3A_632 = tpu.memref_slice %arg8[%run_scoped3A_555, %dma_start3A_630, %dma_start3A_631] : memref<2x64x128xf32, #tpu.memory_space<vmem>> -> memref<1x64x128xf32, #tpu.memory_space<vmem>>
      %dma_start3A_633 = tpu.memref_squeeze %dma_start3A_632 : memref<1x64x128xf32, #tpu.memory_space<vmem>> -> memref<64x128xf32, #tpu.memory_space<vmem>>
      %dma_start3A_634 = arith.constant 0 : i32
      %dma_start3A_635 = tpu.memref_slice %arg11[%add3A_554, %dma_start3A_634] : memref<12832x128xf32, #tpu.memory_space<vmem_shared>> -> memref<64x128xf32, #tpu.memory_space<vmem_shared>>
      %dma_start3A_636 = arith.constant 0 : i32
      %dma_start3A_637 = arith.constant 0 : i32
      %dma_start3A_638 = tpu.memref_slice %arg8[%run_scoped3A_555, %dma_start3A_636, %dma_start3A_637] : memref<2x64x128xf32, #tpu.memory_space<vmem>> -> memref<1x64x128xf32, #tpu.memory_space<vmem>>
      %dma_start3A_639 = tpu.memref_squeeze %dma_start3A_638 : memref<1x64x128xf32, #tpu.memory_space<vmem>> -> memref<64x128xf32, #tpu.memory_space<vmem>>
      %dma_start3A_640 = arith.constant 0 : i32
      %dma_start3A_641 = tpu.memref_slice %arg11[%add3A_554, %dma_start3A_640] : memref<12832x128xf32, #tpu.memory_space<vmem_shared>> -> memref<64x128xf32, #tpu.memory_space<vmem_shared>>
      tpu.enqueue_dma source(%dma_start3A_641 : memref<64x128xf32, #tpu.memory_space<vmem_shared>>) target(%dma_start3A_639 : memref<64x128xf32, #tpu.memory_space<vmem>>) target_semaphore(%run_scoped3A_629 : memref<!tpu.dma_semaphore, #tpu.memory_space<semaphore_mem>>)
      %dma_wait3A_642 = arith.constant 0 : i32
      %dma_wait3A_643 = arith.constant 0 : i32
      %dma_wait3A_644 = tpu.memref_slice %arg8[%run_scoped3A_555, %dma_wait3A_642, %dma_wait3A_643] : memref<2x64x128xf32, #tpu.memory_space<vmem>> -> memref<1x64x128xf32, #tpu.memory_space<vmem>>
      %dma_wait3A_645 = tpu.memref_squeeze %dma_wait3A_644 : memref<1x64x128xf32, #tpu.memory_space<vmem>> -> memref<64x128xf32, #tpu.memory_space<vmem>>
      %dma_wait3A_646 = arith.constant 0 : i32
      %dma_wait3A_647 = tpu.memref_slice %arg11[%add3A_554, %dma_wait3A_646] : memref<12832x128xf32, #tpu.memory_space<vmem_shared>> -> memref<64x128xf32, #tpu.memory_space<vmem_shared>>
      %dma_wait3A_648 = arith.constant 0 : i32
      %dma_wait3A_649 = arith.constant 0 : i32
      %dma_wait3A_650 = tpu.memref_slice %arg8[%run_scoped3A_555, %dma_wait3A_648, %dma_wait3A_649] : memref<2x64x128xf32, #tpu.memory_space<vmem>> -> memref<1x64x128xf32, #tpu.memory_space<vmem>>
      %dma_wait3A_651 = tpu.memref_squeeze %dma_wait3A_650 : memref<1x64x128xf32, #tpu.memory_space<vmem>> -> memref<64x128xf32, #tpu.memory_space<vmem>>
      %dma_wait3A_652 = arith.constant 0 : i32
      %dma_wait3A_653 = tpu.memref_slice %arg11[%add3A_554, %dma_wait3A_652] : memref<12832x128xf32, #tpu.memory_space<vmem_shared>> -> memref<64x128xf32, #tpu.memory_space<vmem_shared>>
      tpu.wait_dma2 semaphore(%run_scoped3A_629 : memref<!tpu.dma_semaphore, #tpu.memory_space<semaphore_mem>>) src(%dma_wait3A_653 : memref<64x128xf32, #tpu.memory_space<vmem_shared>>) dst(%dma_wait3A_651 : memref<64x128xf32, #tpu.memory_space<vmem>>)
      tpu.yield
    }) : () -> ()
    %mul3A_556 = arith.constant 800 : i32
    %mul3A_557 = arith.muli %arg1, %mul3A_556 : i32
    %add3A_558 = arith.addi %mul3A_0, %mul3A_557 : i32
    %add3A_559 = arith.constant 560 : i32
    %add3A_560 = arith.addi %add3A_558, %add3A_559 : i32
    %run_scoped3A_561 = arith.constant 0 : i32
    "tpu.region"() ({
      %run_scoped3A_629 = tpu.sem_alloc : memref<!tpu.dma_semaphore, #tpu.memory_space<semaphore_mem>>
      %dma_start3A_630 = arith.constant 0 : i32
      %dma_start3A_631 = arith.constant 0 : i32
      %dma_start3A_632 = tpu.memref_slice %arg8[%run_scoped3A_561, %dma_start3A_630, %dma_start3A_631] : memref<2x64x128xf32, #tpu.memory_space<vmem>> -> memref<1x64x128xf32, #tpu.memory_space<vmem>>
      %dma_start3A_633 = tpu.memref_squeeze %dma_start3A_632 : memref<1x64x128xf32, #tpu.memory_space<vmem>> -> memref<64x128xf32, #tpu.memory_space<vmem>>
      %dma_start3A_634 = arith.constant 0 : i32
      %dma_start3A_635 = tpu.memref_slice %arg5[%add3A_560, %dma_start3A_634] : memref<25600x128xf32, #tpu.memory_space<hbm>> -> memref<64x128xf32, #tpu.memory_space<hbm>>
      %dma_start3A_636 = arith.constant 0 : i32
      %dma_start3A_637 = tpu.memref_slice %arg5[%add3A_560, %dma_start3A_636] : memref<25600x128xf32, #tpu.memory_space<hbm>> -> memref<64x128xf32, #tpu.memory_space<hbm>>
      %dma_start3A_638 = arith.constant 0 : i32
      %dma_start3A_639 = arith.constant 0 : i32
      %dma_start3A_640 = tpu.memref_slice %arg8[%run_scoped3A_561, %dma_start3A_638, %dma_start3A_639] : memref<2x64x128xf32, #tpu.memory_space<vmem>> -> memref<1x64x128xf32, #tpu.memory_space<vmem>>
      %dma_start3A_641 = tpu.memref_squeeze %dma_start3A_640 : memref<1x64x128xf32, #tpu.memory_space<vmem>> -> memref<64x128xf32, #tpu.memory_space<vmem>>
      tpu.enqueue_dma source(%dma_start3A_641 : memref<64x128xf32, #tpu.memory_space<vmem>>) target(%dma_start3A_637 : memref<64x128xf32, #tpu.memory_space<hbm>>) target_semaphore(%run_scoped3A_629 : memref<!tpu.dma_semaphore, #tpu.memory_space<semaphore_mem>>)
      %dma_wait3A_642 = arith.constant 0 : i32
      %dma_wait3A_643 = arith.constant 0 : i32
      %dma_wait3A_644 = tpu.memref_slice %arg8[%run_scoped3A_561, %dma_wait3A_642, %dma_wait3A_643] : memref<2x64x128xf32, #tpu.memory_space<vmem>> -> memref<1x64x128xf32, #tpu.memory_space<vmem>>
      %dma_wait3A_645 = tpu.memref_squeeze %dma_wait3A_644 : memref<1x64x128xf32, #tpu.memory_space<vmem>> -> memref<64x128xf32, #tpu.memory_space<vmem>>
      %dma_wait3A_646 = arith.constant 0 : i32
      %dma_wait3A_647 = tpu.memref_slice %arg5[%add3A_560, %dma_wait3A_646] : memref<25600x128xf32, #tpu.memory_space<hbm>> -> memref<64x128xf32, #tpu.memory_space<hbm>>
      %dma_wait3A_648 = arith.constant 0 : i32
      %dma_wait3A_649 = tpu.memref_slice %arg5[%add3A_560, %dma_wait3A_648] : memref<25600x128xf32, #tpu.memory_space<hbm>> -> memref<64x128xf32, #tpu.memory_space<hbm>>
      %dma_wait3A_650 = arith.constant 0 : i32
      %dma_wait3A_651 = arith.constant 0 : i32
      %dma_wait3A_652 = tpu.memref_slice %arg8[%run_scoped3A_561, %dma_wait3A_650, %dma_wait3A_651] : memref<2x64x128xf32, #tpu.memory_space<vmem>> -> memref<1x64x128xf32, #tpu.memory_space<vmem>>
      %dma_wait3A_653 = tpu.memref_squeeze %dma_wait3A_652 : memref<1x64x128xf32, #tpu.memory_space<vmem>> -> memref<64x128xf32, #tpu.memory_space<vmem>>
      tpu.wait_dma2 semaphore(%run_scoped3A_629 : memref<!tpu.dma_semaphore, #tpu.memory_space<semaphore_mem>>) src(%dma_wait3A_653 : memref<64x128xf32, #tpu.memory_space<vmem>>) dst(%dma_wait3A_649 : memref<64x128xf32, #tpu.memory_space<hbm>>)
      tpu.yield
    }) : () -> ()
    %mul3A_562 = arith.constant 800 : i32
    %mul3A_563 = arith.muli %arg1, %mul3A_562 : i32
    %add3A_564 = arith.constant 560 : i32
    %add3A_565 = arith.addi %mul3A_563, %add3A_564 : i32
    %add3A_566 = arith.constant 64 : i32
    %add3A_567 = arith.addi %add3A_565, %add3A_566 : i32
    %run_scoped3A_568 = arith.constant 1 : i32
    "tpu.region"() ({
      %run_scoped3A_629 = tpu.sem_alloc : memref<!tpu.dma_semaphore, #tpu.memory_space<semaphore_mem>>
      %dma_start3A_630 = arith.constant 0 : i32
      %dma_start3A_631 = arith.constant 0 : i32
      %dma_start3A_632 = tpu.memref_slice %arg8[%run_scoped3A_568, %dma_start3A_630, %dma_start3A_631] : memref<2x64x128xf32, #tpu.memory_space<vmem>> -> memref<1x16x128xf32, #tpu.memory_space<vmem>>
      %dma_start3A_633 = tpu.memref_squeeze %dma_start3A_632 : memref<1x16x128xf32, #tpu.memory_space<vmem>> -> memref<16x128xf32, #tpu.memory_space<vmem>>
      %dma_start3A_634 = arith.constant 0 : i32
      %dma_start3A_635 = tpu.memref_slice %arg11[%add3A_567, %dma_start3A_634] : memref<12832x128xf32, #tpu.memory_space<vmem_shared>> -> memref<16x128xf32, #tpu.memory_space<vmem_shared>>
      %dma_start3A_636 = arith.constant 0 : i32
      %dma_start3A_637 = arith.constant 0 : i32
      %dma_start3A_638 = tpu.memref_slice %arg8[%run_scoped3A_568, %dma_start3A_636, %dma_start3A_637] : memref<2x64x128xf32, #tpu.memory_space<vmem>> -> memref<1x16x128xf32, #tpu.memory_space<vmem>>
      %dma_start3A_639 = tpu.memref_squeeze %dma_start3A_638 : memref<1x16x128xf32, #tpu.memory_space<vmem>> -> memref<16x128xf32, #tpu.memory_space<vmem>>
      %dma_start3A_640 = arith.constant 0 : i32
      %dma_start3A_641 = tpu.memref_slice %arg11[%add3A_567, %dma_start3A_640] : memref<12832x128xf32, #tpu.memory_space<vmem_shared>> -> memref<16x128xf32, #tpu.memory_space<vmem_shared>>
      tpu.enqueue_dma source(%dma_start3A_641 : memref<16x128xf32, #tpu.memory_space<vmem_shared>>) target(%dma_start3A_639 : memref<16x128xf32, #tpu.memory_space<vmem>>) target_semaphore(%run_scoped3A_629 : memref<!tpu.dma_semaphore, #tpu.memory_space<semaphore_mem>>)
      %dma_wait3A_642 = arith.constant 0 : i32
      %dma_wait3A_643 = arith.constant 0 : i32
      %dma_wait3A_644 = tpu.memref_slice %arg8[%run_scoped3A_568, %dma_wait3A_642, %dma_wait3A_643] : memref<2x64x128xf32, #tpu.memory_space<vmem>> -> memref<1x16x128xf32, #tpu.memory_space<vmem>>
      %dma_wait3A_645 = tpu.memref_squeeze %dma_wait3A_644 : memref<1x16x128xf32, #tpu.memory_space<vmem>> -> memref<16x128xf32, #tpu.memory_space<vmem>>
      %dma_wait3A_646 = arith.constant 0 : i32
      %dma_wait3A_647 = tpu.memref_slice %arg11[%add3A_567, %dma_wait3A_646] : memref<12832x128xf32, #tpu.memory_space<vmem_shared>> -> memref<16x128xf32, #tpu.memory_space<vmem_shared>>
      %dma_wait3A_648 = arith.constant 0 : i32
      %dma_wait3A_649 = arith.constant 0 : i32
      %dma_wait3A_650 = tpu.memref_slice %arg8[%run_scoped3A_568, %dma_wait3A_648, %dma_wait3A_649] : memref<2x64x128xf32, #tpu.memory_space<vmem>> -> memref<1x16x128xf32, #tpu.memory_space<vmem>>
      %dma_wait3A_651 = tpu.memref_squeeze %dma_wait3A_650 : memref<1x16x128xf32, #tpu.memory_space<vmem>> -> memref<16x128xf32, #tpu.memory_space<vmem>>
      %dma_wait3A_652 = arith.constant 0 : i32
      %dma_wait3A_653 = tpu.memref_slice %arg11[%add3A_567, %dma_wait3A_652] : memref<12832x128xf32, #tpu.memory_space<vmem_shared>> -> memref<16x128xf32, #tpu.memory_space<vmem_shared>>
      tpu.wait_dma2 semaphore(%run_scoped3A_629 : memref<!tpu.dma_semaphore, #tpu.memory_space<semaphore_mem>>) src(%dma_wait3A_653 : memref<16x128xf32, #tpu.memory_space<vmem_shared>>) dst(%dma_wait3A_651 : memref<16x128xf32, #tpu.memory_space<vmem>>)
      tpu.yield
    }) : () -> ()
    %mul3A_569 = arith.constant 800 : i32
    %mul3A_570 = arith.muli %arg1, %mul3A_569 : i32
    %add3A_571 = arith.addi %mul3A_0, %mul3A_570 : i32
    %add3A_572 = arith.constant 560 : i32
    %add3A_573 = arith.addi %add3A_571, %add3A_572 : i32
    %add3A_574 = arith.constant 64 : i32
    %add3A_575 = arith.addi %add3A_573, %add3A_574 : i32
    %run_scoped3A_576 = arith.constant 1 : i32
    "tpu.region"() ({
      %run_scoped3A_629 = tpu.sem_alloc : memref<!tpu.dma_semaphore, #tpu.memory_space<semaphore_mem>>
      %dma_start3A_630 = arith.constant 0 : i32
      %dma_start3A_631 = arith.constant 0 : i32
      %dma_start3A_632 = tpu.memref_slice %arg8[%run_scoped3A_576, %dma_start3A_630, %dma_start3A_631] : memref<2x64x128xf32, #tpu.memory_space<vmem>> -> memref<1x16x128xf32, #tpu.memory_space<vmem>>
      %dma_start3A_633 = tpu.memref_squeeze %dma_start3A_632 : memref<1x16x128xf32, #tpu.memory_space<vmem>> -> memref<16x128xf32, #tpu.memory_space<vmem>>
      %dma_start3A_634 = arith.constant 0 : i32
      %dma_start3A_635 = tpu.memref_slice %arg5[%add3A_575, %dma_start3A_634] : memref<25600x128xf32, #tpu.memory_space<hbm>> -> memref<16x128xf32, #tpu.memory_space<hbm>>
      %dma_start3A_636 = arith.constant 0 : i32
      %dma_start3A_637 = tpu.memref_slice %arg5[%add3A_575, %dma_start3A_636] : memref<25600x128xf32, #tpu.memory_space<hbm>> -> memref<16x128xf32, #tpu.memory_space<hbm>>
      %dma_start3A_638 = arith.constant 0 : i32
      %dma_start3A_639 = arith.constant 0 : i32
      %dma_start3A_640 = tpu.memref_slice %arg8[%run_scoped3A_576, %dma_start3A_638, %dma_start3A_639] : memref<2x64x128xf32, #tpu.memory_space<vmem>> -> memref<1x16x128xf32, #tpu.memory_space<vmem>>
      %dma_start3A_641 = tpu.memref_squeeze %dma_start3A_640 : memref<1x16x128xf32, #tpu.memory_space<vmem>> -> memref<16x128xf32, #tpu.memory_space<vmem>>
      tpu.enqueue_dma source(%dma_start3A_641 : memref<16x128xf32, #tpu.memory_space<vmem>>) target(%dma_start3A_637 : memref<16x128xf32, #tpu.memory_space<hbm>>) target_semaphore(%run_scoped3A_629 : memref<!tpu.dma_semaphore, #tpu.memory_space<semaphore_mem>>)
      %dma_wait3A_642 = arith.constant 0 : i32
      %dma_wait3A_643 = arith.constant 0 : i32
      %dma_wait3A_644 = tpu.memref_slice %arg8[%run_scoped3A_576, %dma_wait3A_642, %dma_wait3A_643] : memref<2x64x128xf32, #tpu.memory_space<vmem>> -> memref<1x16x128xf32, #tpu.memory_space<vmem>>
      %dma_wait3A_645 = tpu.memref_squeeze %dma_wait3A_644 : memref<1x16x128xf32, #tpu.memory_space<vmem>> -> memref<16x128xf32, #tpu.memory_space<vmem>>
      %dma_wait3A_646 = arith.constant 0 : i32
      %dma_wait3A_647 = tpu.memref_slice %arg5[%add3A_575, %dma_wait3A_646] : memref<25600x128xf32, #tpu.memory_space<hbm>> -> memref<16x128xf32, #tpu.memory_space<hbm>>
      %dma_wait3A_648 = arith.constant 0 : i32
      %dma_wait3A_649 = tpu.memref_slice %arg5[%add3A_575, %dma_wait3A_648] : memref<25600x128xf32, #tpu.memory_space<hbm>> -> memref<16x128xf32, #tpu.memory_space<hbm>>
      %dma_wait3A_650 = arith.constant 0 : i32
      %dma_wait3A_651 = arith.constant 0 : i32
      %dma_wait3A_652 = tpu.memref_slice %arg8[%run_scoped3A_576, %dma_wait3A_650, %dma_wait3A_651] : memref<2x64x128xf32, #tpu.memory_space<vmem>> -> memref<1x16x128xf32, #tpu.memory_space<vmem>>
      %dma_wait3A_653 = tpu.memref_squeeze %dma_wait3A_652 : memref<1x16x128xf32, #tpu.memory_space<vmem>> -> memref<16x128xf32, #tpu.memory_space<vmem>>
      tpu.wait_dma2 semaphore(%run_scoped3A_629 : memref<!tpu.dma_semaphore, #tpu.memory_space<semaphore_mem>>) src(%dma_wait3A_653 : memref<16x128xf32, #tpu.memory_space<vmem>>) dst(%dma_wait3A_649 : memref<16x128xf32, #tpu.memory_space<hbm>>)
      tpu.yield
    }) : () -> ()
    %mul3A_577 = arith.constant 800 : i32
    %mul3A_578 = arith.muli %arg1, %mul3A_577 : i32
    %add3A_579 = arith.constant 640 : i32
    %add3A_580 = arith.addi %mul3A_578, %add3A_579 : i32
    %run_scoped3A_581 = arith.constant 0 : i32
    "tpu.region"() ({
      %run_scoped3A_629 = tpu.sem_alloc : memref<!tpu.dma_semaphore, #tpu.memory_space<semaphore_mem>>
      %dma_start3A_630 = arith.constant 0 : i32
      %dma_start3A_631 = arith.constant 0 : i32
      %dma_start3A_632 = tpu.memref_slice %arg8[%run_scoped3A_581, %dma_start3A_630, %dma_start3A_631] : memref<2x64x128xf32, #tpu.memory_space<vmem>> -> memref<1x64x128xf32, #tpu.memory_space<vmem>>
      %dma_start3A_633 = tpu.memref_squeeze %dma_start3A_632 : memref<1x64x128xf32, #tpu.memory_space<vmem>> -> memref<64x128xf32, #tpu.memory_space<vmem>>
      %dma_start3A_634 = arith.constant 0 : i32
      %dma_start3A_635 = tpu.memref_slice %arg11[%add3A_580, %dma_start3A_634] : memref<12832x128xf32, #tpu.memory_space<vmem_shared>> -> memref<64x128xf32, #tpu.memory_space<vmem_shared>>
      %dma_start3A_636 = arith.constant 0 : i32
      %dma_start3A_637 = arith.constant 0 : i32
      %dma_start3A_638 = tpu.memref_slice %arg8[%run_scoped3A_581, %dma_start3A_636, %dma_start3A_637] : memref<2x64x128xf32, #tpu.memory_space<vmem>> -> memref<1x64x128xf32, #tpu.memory_space<vmem>>
      %dma_start3A_639 = tpu.memref_squeeze %dma_start3A_638 : memref<1x64x128xf32, #tpu.memory_space<vmem>> -> memref<64x128xf32, #tpu.memory_space<vmem>>
      %dma_start3A_640 = arith.constant 0 : i32
      %dma_start3A_641 = tpu.memref_slice %arg11[%add3A_580, %dma_start3A_640] : memref<12832x128xf32, #tpu.memory_space<vmem_shared>> -> memref<64x128xf32, #tpu.memory_space<vmem_shared>>
      tpu.enqueue_dma source(%dma_start3A_641 : memref<64x128xf32, #tpu.memory_space<vmem_shared>>) target(%dma_start3A_639 : memref<64x128xf32, #tpu.memory_space<vmem>>) target_semaphore(%run_scoped3A_629 : memref<!tpu.dma_semaphore, #tpu.memory_space<semaphore_mem>>)
      %dma_wait3A_642 = arith.constant 0 : i32
      %dma_wait3A_643 = arith.constant 0 : i32
      %dma_wait3A_644 = tpu.memref_slice %arg8[%run_scoped3A_581, %dma_wait3A_642, %dma_wait3A_643] : memref<2x64x128xf32, #tpu.memory_space<vmem>> -> memref<1x64x128xf32, #tpu.memory_space<vmem>>
      %dma_wait3A_645 = tpu.memref_squeeze %dma_wait3A_644 : memref<1x64x128xf32, #tpu.memory_space<vmem>> -> memref<64x128xf32, #tpu.memory_space<vmem>>
      %dma_wait3A_646 = arith.constant 0 : i32
      %dma_wait3A_647 = tpu.memref_slice %arg11[%add3A_580, %dma_wait3A_646] : memref<12832x128xf32, #tpu.memory_space<vmem_shared>> -> memref<64x128xf32, #tpu.memory_space<vmem_shared>>
      %dma_wait3A_648 = arith.constant 0 : i32
      %dma_wait3A_649 = arith.constant 0 : i32
      %dma_wait3A_650 = tpu.memref_slice %arg8[%run_scoped3A_581, %dma_wait3A_648, %dma_wait3A_649] : memref<2x64x128xf32, #tpu.memory_space<vmem>> -> memref<1x64x128xf32, #tpu.memory_space<vmem>>
      %dma_wait3A_651 = tpu.memref_squeeze %dma_wait3A_650 : memref<1x64x128xf32, #tpu.memory_space<vmem>> -> memref<64x128xf32, #tpu.memory_space<vmem>>
      %dma_wait3A_652 = arith.constant 0 : i32
      %dma_wait3A_653 = tpu.memref_slice %arg11[%add3A_580, %dma_wait3A_652] : memref<12832x128xf32, #tpu.memory_space<vmem_shared>> -> memref<64x128xf32, #tpu.memory_space<vmem_shared>>
      tpu.wait_dma2 semaphore(%run_scoped3A_629 : memref<!tpu.dma_semaphore, #tpu.memory_space<semaphore_mem>>) src(%dma_wait3A_653 : memref<64x128xf32, #tpu.memory_space<vmem_shared>>) dst(%dma_wait3A_651 : memref<64x128xf32, #tpu.memory_space<vmem>>)
      tpu.yield
    }) : () -> ()
    %mul3A_582 = arith.constant 800 : i32
    %mul3A_583 = arith.muli %arg1, %mul3A_582 : i32
    %add3A_584 = arith.addi %mul3A_0, %mul3A_583 : i32
    %add3A_585 = arith.constant 640 : i32
    %add3A_586 = arith.addi %add3A_584, %add3A_585 : i32
    %run_scoped3A_587 = arith.constant 0 : i32
    "tpu.region"() ({
      %run_scoped3A_629 = tpu.sem_alloc : memref<!tpu.dma_semaphore, #tpu.memory_space<semaphore_mem>>
      %dma_start3A_630 = arith.constant 0 : i32
      %dma_start3A_631 = arith.constant 0 : i32
      %dma_start3A_632 = tpu.memref_slice %arg8[%run_scoped3A_587, %dma_start3A_630, %dma_start3A_631] : memref<2x64x128xf32, #tpu.memory_space<vmem>> -> memref<1x64x128xf32, #tpu.memory_space<vmem>>
      %dma_start3A_633 = tpu.memref_squeeze %dma_start3A_632 : memref<1x64x128xf32, #tpu.memory_space<vmem>> -> memref<64x128xf32, #tpu.memory_space<vmem>>
      %dma_start3A_634 = arith.constant 0 : i32
      %dma_start3A_635 = tpu.memref_slice %arg5[%add3A_586, %dma_start3A_634] : memref<25600x128xf32, #tpu.memory_space<hbm>> -> memref<64x128xf32, #tpu.memory_space<hbm>>
      %dma_start3A_636 = arith.constant 0 : i32
      %dma_start3A_637 = tpu.memref_slice %arg5[%add3A_586, %dma_start3A_636] : memref<25600x128xf32, #tpu.memory_space<hbm>> -> memref<64x128xf32, #tpu.memory_space<hbm>>
      %dma_start3A_638 = arith.constant 0 : i32
      %dma_start3A_639 = arith.constant 0 : i32
      %dma_start3A_640 = tpu.memref_slice %arg8[%run_scoped3A_587, %dma_start3A_638, %dma_start3A_639] : memref<2x64x128xf32, #tpu.memory_space<vmem>> -> memref<1x64x128xf32, #tpu.memory_space<vmem>>
      %dma_start3A_641 = tpu.memref_squeeze %dma_start3A_640 : memref<1x64x128xf32, #tpu.memory_space<vmem>> -> memref<64x128xf32, #tpu.memory_space<vmem>>
      tpu.enqueue_dma source(%dma_start3A_641 : memref<64x128xf32, #tpu.memory_space<vmem>>) target(%dma_start3A_637 : memref<64x128xf32, #tpu.memory_space<hbm>>) target_semaphore(%run_scoped3A_629 : memref<!tpu.dma_semaphore, #tpu.memory_space<semaphore_mem>>)
      %dma_wait3A_642 = arith.constant 0 : i32
      %dma_wait3A_643 = arith.constant 0 : i32
      %dma_wait3A_644 = tpu.memref_slice %arg8[%run_scoped3A_587, %dma_wait3A_642, %dma_wait3A_643] : memref<2x64x128xf32, #tpu.memory_space<vmem>> -> memref<1x64x128xf32, #tpu.memory_space<vmem>>
      %dma_wait3A_645 = tpu.memref_squeeze %dma_wait3A_644 : memref<1x64x128xf32, #tpu.memory_space<vmem>> -> memref<64x128xf32, #tpu.memory_space<vmem>>
      %dma_wait3A_646 = arith.constant 0 : i32
      %dma_wait3A_647 = tpu.memref_slice %arg5[%add3A_586, %dma_wait3A_646] : memref<25600x128xf32, #tpu.memory_space<hbm>> -> memref<64x128xf32, #tpu.memory_space<hbm>>
      %dma_wait3A_648 = arith.constant 0 : i32
      %dma_wait3A_649 = tpu.memref_slice %arg5[%add3A_586, %dma_wait3A_648] : memref<25600x128xf32, #tpu.memory_space<hbm>> -> memref<64x128xf32, #tpu.memory_space<hbm>>
      %dma_wait3A_650 = arith.constant 0 : i32
      %dma_wait3A_651 = arith.constant 0 : i32
      %dma_wait3A_652 = tpu.memref_slice %arg8[%run_scoped3A_587, %dma_wait3A_650, %dma_wait3A_651] : memref<2x64x128xf32, #tpu.memory_space<vmem>> -> memref<1x64x128xf32, #tpu.memory_space<vmem>>
      %dma_wait3A_653 = tpu.memref_squeeze %dma_wait3A_652 : memref<1x64x128xf32, #tpu.memory_space<vmem>> -> memref<64x128xf32, #tpu.memory_space<vmem>>
      tpu.wait_dma2 semaphore(%run_scoped3A_629 : memref<!tpu.dma_semaphore, #tpu.memory_space<semaphore_mem>>) src(%dma_wait3A_653 : memref<64x128xf32, #tpu.memory_space<vmem>>) dst(%dma_wait3A_649 : memref<64x128xf32, #tpu.memory_space<hbm>>)
      tpu.yield
    }) : () -> ()
    %mul3A_588 = arith.constant 800 : i32
    %mul3A_589 = arith.muli %arg1, %mul3A_588 : i32
    %add3A_590 = arith.constant 640 : i32
    %add3A_591 = arith.addi %mul3A_589, %add3A_590 : i32
    %add3A_592 = arith.constant 64 : i32
    %add3A_593 = arith.addi %add3A_591, %add3A_592 : i32
    %run_scoped3A_594 = arith.constant 1 : i32
    "tpu.region"() ({
      %run_scoped3A_629 = tpu.sem_alloc : memref<!tpu.dma_semaphore, #tpu.memory_space<semaphore_mem>>
      %dma_start3A_630 = arith.constant 0 : i32
      %dma_start3A_631 = arith.constant 0 : i32
      %dma_start3A_632 = tpu.memref_slice %arg8[%run_scoped3A_594, %dma_start3A_630, %dma_start3A_631] : memref<2x64x128xf32, #tpu.memory_space<vmem>> -> memref<1x16x128xf32, #tpu.memory_space<vmem>>
      %dma_start3A_633 = tpu.memref_squeeze %dma_start3A_632 : memref<1x16x128xf32, #tpu.memory_space<vmem>> -> memref<16x128xf32, #tpu.memory_space<vmem>>
      %dma_start3A_634 = arith.constant 0 : i32
      %dma_start3A_635 = tpu.memref_slice %arg11[%add3A_593, %dma_start3A_634] : memref<12832x128xf32, #tpu.memory_space<vmem_shared>> -> memref<16x128xf32, #tpu.memory_space<vmem_shared>>
      %dma_start3A_636 = arith.constant 0 : i32
      %dma_start3A_637 = arith.constant 0 : i32
      %dma_start3A_638 = tpu.memref_slice %arg8[%run_scoped3A_594, %dma_start3A_636, %dma_start3A_637] : memref<2x64x128xf32, #tpu.memory_space<vmem>> -> memref<1x16x128xf32, #tpu.memory_space<vmem>>
      %dma_start3A_639 = tpu.memref_squeeze %dma_start3A_638 : memref<1x16x128xf32, #tpu.memory_space<vmem>> -> memref<16x128xf32, #tpu.memory_space<vmem>>
      %dma_start3A_640 = arith.constant 0 : i32
      %dma_start3A_641 = tpu.memref_slice %arg11[%add3A_593, %dma_start3A_640] : memref<12832x128xf32, #tpu.memory_space<vmem_shared>> -> memref<16x128xf32, #tpu.memory_space<vmem_shared>>
      tpu.enqueue_dma source(%dma_start3A_641 : memref<16x128xf32, #tpu.memory_space<vmem_shared>>) target(%dma_start3A_639 : memref<16x128xf32, #tpu.memory_space<vmem>>) target_semaphore(%run_scoped3A_629 : memref<!tpu.dma_semaphore, #tpu.memory_space<semaphore_mem>>)
      %dma_wait3A_642 = arith.constant 0 : i32
      %dma_wait3A_643 = arith.constant 0 : i32
      %dma_wait3A_644 = tpu.memref_slice %arg8[%run_scoped3A_594, %dma_wait3A_642, %dma_wait3A_643] : memref<2x64x128xf32, #tpu.memory_space<vmem>> -> memref<1x16x128xf32, #tpu.memory_space<vmem>>
      %dma_wait3A_645 = tpu.memref_squeeze %dma_wait3A_644 : memref<1x16x128xf32, #tpu.memory_space<vmem>> -> memref<16x128xf32, #tpu.memory_space<vmem>>
      %dma_wait3A_646 = arith.constant 0 : i32
      %dma_wait3A_647 = tpu.memref_slice %arg11[%add3A_593, %dma_wait3A_646] : memref<12832x128xf32, #tpu.memory_space<vmem_shared>> -> memref<16x128xf32, #tpu.memory_space<vmem_shared>>
      %dma_wait3A_648 = arith.constant 0 : i32
      %dma_wait3A_649 = arith.constant 0 : i32
      %dma_wait3A_650 = tpu.memref_slice %arg8[%run_scoped3A_594, %dma_wait3A_648, %dma_wait3A_649] : memref<2x64x128xf32, #tpu.memory_space<vmem>> -> memref<1x16x128xf32, #tpu.memory_space<vmem>>
      %dma_wait3A_651 = tpu.memref_squeeze %dma_wait3A_650 : memref<1x16x128xf32, #tpu.memory_space<vmem>> -> memref<16x128xf32, #tpu.memory_space<vmem>>
      %dma_wait3A_652 = arith.constant 0 : i32
      %dma_wait3A_653 = tpu.memref_slice %arg11[%add3A_593, %dma_wait3A_652] : memref<12832x128xf32, #tpu.memory_space<vmem_shared>> -> memref<16x128xf32, #tpu.memory_space<vmem_shared>>
      tpu.wait_dma2 semaphore(%run_scoped3A_629 : memref<!tpu.dma_semaphore, #tpu.memory_space<semaphore_mem>>) src(%dma_wait3A_653 : memref<16x128xf32, #tpu.memory_space<vmem_shared>>) dst(%dma_wait3A_651 : memref<16x128xf32, #tpu.memory_space<vmem>>)
      tpu.yield
    }) : () -> ()
    %mul3A_595 = arith.constant 800 : i32
    %mul3A_596 = arith.muli %arg1, %mul3A_595 : i32
    %add3A_597 = arith.addi %mul3A_0, %mul3A_596 : i32
    %add3A_598 = arith.constant 640 : i32
    %add3A_599 = arith.addi %add3A_597, %add3A_598 : i32
    %add3A_600 = arith.constant 64 : i32
    %add3A_601 = arith.addi %add3A_599, %add3A_600 : i32
    %run_scoped3A_602 = arith.constant 1 : i32
    "tpu.region"() ({
      %run_scoped3A_629 = tpu.sem_alloc : memref<!tpu.dma_semaphore, #tpu.memory_space<semaphore_mem>>
      %dma_start3A_630 = arith.constant 0 : i32
      %dma_start3A_631 = arith.constant 0 : i32
      %dma_start3A_632 = tpu.memref_slice %arg8[%run_scoped3A_602, %dma_start3A_630, %dma_start3A_631] : memref<2x64x128xf32, #tpu.memory_space<vmem>> -> memref<1x16x128xf32, #tpu.memory_space<vmem>>
      %dma_start3A_633 = tpu.memref_squeeze %dma_start3A_632 : memref<1x16x128xf32, #tpu.memory_space<vmem>> -> memref<16x128xf32, #tpu.memory_space<vmem>>
      %dma_start3A_634 = arith.constant 0 : i32
      %dma_start3A_635 = tpu.memref_slice %arg5[%add3A_601, %dma_start3A_634] : memref<25600x128xf32, #tpu.memory_space<hbm>> -> memref<16x128xf32, #tpu.memory_space<hbm>>
      %dma_start3A_636 = arith.constant 0 : i32
      %dma_start3A_637 = tpu.memref_slice %arg5[%add3A_601, %dma_start3A_636] : memref<25600x128xf32, #tpu.memory_space<hbm>> -> memref<16x128xf32, #tpu.memory_space<hbm>>
      %dma_start3A_638 = arith.constant 0 : i32
      %dma_start3A_639 = arith.constant 0 : i32
      %dma_start3A_640 = tpu.memref_slice %arg8[%run_scoped3A_602, %dma_start3A_638, %dma_start3A_639] : memref<2x64x128xf32, #tpu.memory_space<vmem>> -> memref<1x16x128xf32, #tpu.memory_space<vmem>>
      %dma_start3A_641 = tpu.memref_squeeze %dma_start3A_640 : memref<1x16x128xf32, #tpu.memory_space<vmem>> -> memref<16x128xf32, #tpu.memory_space<vmem>>
      tpu.enqueue_dma source(%dma_start3A_641 : memref<16x128xf32, #tpu.memory_space<vmem>>) target(%dma_start3A_637 : memref<16x128xf32, #tpu.memory_space<hbm>>) target_semaphore(%run_scoped3A_629 : memref<!tpu.dma_semaphore, #tpu.memory_space<semaphore_mem>>)
      %dma_wait3A_642 = arith.constant 0 : i32
      %dma_wait3A_643 = arith.constant 0 : i32
      %dma_wait3A_644 = tpu.memref_slice %arg8[%run_scoped3A_602, %dma_wait3A_642, %dma_wait3A_643] : memref<2x64x128xf32, #tpu.memory_space<vmem>> -> memref<1x16x128xf32, #tpu.memory_space<vmem>>
      %dma_wait3A_645 = tpu.memref_squeeze %dma_wait3A_644 : memref<1x16x128xf32, #tpu.memory_space<vmem>> -> memref<16x128xf32, #tpu.memory_space<vmem>>
      %dma_wait3A_646 = arith.constant 0 : i32
      %dma_wait3A_647 = tpu.memref_slice %arg5[%add3A_601, %dma_wait3A_646] : memref<25600x128xf32, #tpu.memory_space<hbm>> -> memref<16x128xf32, #tpu.memory_space<hbm>>
      %dma_wait3A_648 = arith.constant 0 : i32
      %dma_wait3A_649 = tpu.memref_slice %arg5[%add3A_601, %dma_wait3A_648] : memref<25600x128xf32, #tpu.memory_space<hbm>> -> memref<16x128xf32, #tpu.memory_space<hbm>>
      %dma_wait3A_650 = arith.constant 0 : i32
      %dma_wait3A_651 = arith.constant 0 : i32
      %dma_wait3A_652 = tpu.memref_slice %arg8[%run_scoped3A_602, %dma_wait3A_650, %dma_wait3A_651] : memref<2x64x128xf32, #tpu.memory_space<vmem>> -> memref<1x16x128xf32, #tpu.memory_space<vmem>>
      %dma_wait3A_653 = tpu.memref_squeeze %dma_wait3A_652 : memref<1x16x128xf32, #tpu.memory_space<vmem>> -> memref<16x128xf32, #tpu.memory_space<vmem>>
      tpu.wait_dma2 semaphore(%run_scoped3A_629 : memref<!tpu.dma_semaphore, #tpu.memory_space<semaphore_mem>>) src(%dma_wait3A_653 : memref<16x128xf32, #tpu.memory_space<vmem>>) dst(%dma_wait3A_649 : memref<16x128xf32, #tpu.memory_space<hbm>>)
      tpu.yield
    }) : () -> ()
    %mul3A_603 = arith.constant 800 : i32
    %mul3A_604 = arith.muli %arg1, %mul3A_603 : i32
    %add3A_605 = arith.constant 720 : i32
    %add3A_606 = arith.addi %mul3A_604, %add3A_605 : i32
    %run_scoped3A_607 = arith.constant 0 : i32
    "tpu.region"() ({
      %run_scoped3A_629 = tpu.sem_alloc : memref<!tpu.dma_semaphore, #tpu.memory_space<semaphore_mem>>
      %dma_start3A_630 = arith.constant 0 : i32
      %dma_start3A_631 = arith.constant 0 : i32
      %dma_start3A_632 = tpu.memref_slice %arg8[%run_scoped3A_607, %dma_start3A_630, %dma_start3A_631] : memref<2x64x128xf32, #tpu.memory_space<vmem>> -> memref<1x64x128xf32, #tpu.memory_space<vmem>>
      %dma_start3A_633 = tpu.memref_squeeze %dma_start3A_632 : memref<1x64x128xf32, #tpu.memory_space<vmem>> -> memref<64x128xf32, #tpu.memory_space<vmem>>
      %dma_start3A_634 = arith.constant 0 : i32
      %dma_start3A_635 = tpu.memref_slice %arg11[%add3A_606, %dma_start3A_634] : memref<12832x128xf32, #tpu.memory_space<vmem_shared>> -> memref<64x128xf32, #tpu.memory_space<vmem_shared>>
      %dma_start3A_636 = arith.constant 0 : i32
      %dma_start3A_637 = arith.constant 0 : i32
      %dma_start3A_638 = tpu.memref_slice %arg8[%run_scoped3A_607, %dma_start3A_636, %dma_start3A_637] : memref<2x64x128xf32, #tpu.memory_space<vmem>> -> memref<1x64x128xf32, #tpu.memory_space<vmem>>
      %dma_start3A_639 = tpu.memref_squeeze %dma_start3A_638 : memref<1x64x128xf32, #tpu.memory_space<vmem>> -> memref<64x128xf32, #tpu.memory_space<vmem>>
      %dma_start3A_640 = arith.constant 0 : i32
      %dma_start3A_641 = tpu.memref_slice %arg11[%add3A_606, %dma_start3A_640] : memref<12832x128xf32, #tpu.memory_space<vmem_shared>> -> memref<64x128xf32, #tpu.memory_space<vmem_shared>>
      tpu.enqueue_dma source(%dma_start3A_641 : memref<64x128xf32, #tpu.memory_space<vmem_shared>>) target(%dma_start3A_639 : memref<64x128xf32, #tpu.memory_space<vmem>>) target_semaphore(%run_scoped3A_629 : memref<!tpu.dma_semaphore, #tpu.memory_space<semaphore_mem>>)
      %dma_wait3A_642 = arith.constant 0 : i32
      %dma_wait3A_643 = arith.constant 0 : i32
      %dma_wait3A_644 = tpu.memref_slice %arg8[%run_scoped3A_607, %dma_wait3A_642, %dma_wait3A_643] : memref<2x64x128xf32, #tpu.memory_space<vmem>> -> memref<1x64x128xf32, #tpu.memory_space<vmem>>
      %dma_wait3A_645 = tpu.memref_squeeze %dma_wait3A_644 : memref<1x64x128xf32, #tpu.memory_space<vmem>> -> memref<64x128xf32, #tpu.memory_space<vmem>>
      %dma_wait3A_646 = arith.constant 0 : i32
      %dma_wait3A_647 = tpu.memref_slice %arg11[%add3A_606, %dma_wait3A_646] : memref<12832x128xf32, #tpu.memory_space<vmem_shared>> -> memref<64x128xf32, #tpu.memory_space<vmem_shared>>
      %dma_wait3A_648 = arith.constant 0 : i32
      %dma_wait3A_649 = arith.constant 0 : i32
      %dma_wait3A_650 = tpu.memref_slice %arg8[%run_scoped3A_607, %dma_wait3A_648, %dma_wait3A_649] : memref<2x64x128xf32, #tpu.memory_space<vmem>> -> memref<1x64x128xf32, #tpu.memory_space<vmem>>
      %dma_wait3A_651 = tpu.memref_squeeze %dma_wait3A_650 : memref<1x64x128xf32, #tpu.memory_space<vmem>> -> memref<64x128xf32, #tpu.memory_space<vmem>>
      %dma_wait3A_652 = arith.constant 0 : i32
      %dma_wait3A_653 = tpu.memref_slice %arg11[%add3A_606, %dma_wait3A_652] : memref<12832x128xf32, #tpu.memory_space<vmem_shared>> -> memref<64x128xf32, #tpu.memory_space<vmem_shared>>
      tpu.wait_dma2 semaphore(%run_scoped3A_629 : memref<!tpu.dma_semaphore, #tpu.memory_space<semaphore_mem>>) src(%dma_wait3A_653 : memref<64x128xf32, #tpu.memory_space<vmem_shared>>) dst(%dma_wait3A_651 : memref<64x128xf32, #tpu.memory_space<vmem>>)
      tpu.yield
    }) : () -> ()
    %mul3A_608 = arith.constant 800 : i32
    %mul3A_609 = arith.muli %arg1, %mul3A_608 : i32
    %add3A_610 = arith.addi %mul3A_0, %mul3A_609 : i32
    %add3A_611 = arith.constant 720 : i32
    %add3A_612 = arith.addi %add3A_610, %add3A_611 : i32
    %run_scoped3A_613 = arith.constant 0 : i32
    "tpu.region"() ({
      %run_scoped3A_629 = tpu.sem_alloc : memref<!tpu.dma_semaphore, #tpu.memory_space<semaphore_mem>>
      %dma_start3A_630 = arith.constant 0 : i32
      %dma_start3A_631 = arith.constant 0 : i32
      %dma_start3A_632 = tpu.memref_slice %arg8[%run_scoped3A_613, %dma_start3A_630, %dma_start3A_631] : memref<2x64x128xf32, #tpu.memory_space<vmem>> -> memref<1x64x128xf32, #tpu.memory_space<vmem>>
      %dma_start3A_633 = tpu.memref_squeeze %dma_start3A_632 : memref<1x64x128xf32, #tpu.memory_space<vmem>> -> memref<64x128xf32, #tpu.memory_space<vmem>>
      %dma_start3A_634 = arith.constant 0 : i32
      %dma_start3A_635 = tpu.memref_slice %arg5[%add3A_612, %dma_start3A_634] : memref<25600x128xf32, #tpu.memory_space<hbm>> -> memref<64x128xf32, #tpu.memory_space<hbm>>
      %dma_start3A_636 = arith.constant 0 : i32
      %dma_start3A_637 = tpu.memref_slice %arg5[%add3A_612, %dma_start3A_636] : memref<25600x128xf32, #tpu.memory_space<hbm>> -> memref<64x128xf32, #tpu.memory_space<hbm>>
      %dma_start3A_638 = arith.constant 0 : i32
      %dma_start3A_639 = arith.constant 0 : i32
      %dma_start3A_640 = tpu.memref_slice %arg8[%run_scoped3A_613, %dma_start3A_638, %dma_start3A_639] : memref<2x64x128xf32, #tpu.memory_space<vmem>> -> memref<1x64x128xf32, #tpu.memory_space<vmem>>
      %dma_start3A_641 = tpu.memref_squeeze %dma_start3A_640 : memref<1x64x128xf32, #tpu.memory_space<vmem>> -> memref<64x128xf32, #tpu.memory_space<vmem>>
      tpu.enqueue_dma source(%dma_start3A_641 : memref<64x128xf32, #tpu.memory_space<vmem>>) target(%dma_start3A_637 : memref<64x128xf32, #tpu.memory_space<hbm>>) target_semaphore(%run_scoped3A_629 : memref<!tpu.dma_semaphore, #tpu.memory_space<semaphore_mem>>)
      %dma_wait3A_642 = arith.constant 0 : i32
      %dma_wait3A_643 = arith.constant 0 : i32
      %dma_wait3A_644 = tpu.memref_slice %arg8[%run_scoped3A_613, %dma_wait3A_642, %dma_wait3A_643] : memref<2x64x128xf32, #tpu.memory_space<vmem>> -> memref<1x64x128xf32, #tpu.memory_space<vmem>>
      %dma_wait3A_645 = tpu.memref_squeeze %dma_wait3A_644 : memref<1x64x128xf32, #tpu.memory_space<vmem>> -> memref<64x128xf32, #tpu.memory_space<vmem>>
      %dma_wait3A_646 = arith.constant 0 : i32
      %dma_wait3A_647 = tpu.memref_slice %arg5[%add3A_612, %dma_wait3A_646] : memref<25600x128xf32, #tpu.memory_space<hbm>> -> memref<64x128xf32, #tpu.memory_space<hbm>>
      %dma_wait3A_648 = arith.constant 0 : i32
      %dma_wait3A_649 = tpu.memref_slice %arg5[%add3A_612, %dma_wait3A_648] : memref<25600x128xf32, #tpu.memory_space<hbm>> -> memref<64x128xf32, #tpu.memory_space<hbm>>
      %dma_wait3A_650 = arith.constant 0 : i32
      %dma_wait3A_651 = arith.constant 0 : i32
      %dma_wait3A_652 = tpu.memref_slice %arg8[%run_scoped3A_613, %dma_wait3A_650, %dma_wait3A_651] : memref<2x64x128xf32, #tpu.memory_space<vmem>> -> memref<1x64x128xf32, #tpu.memory_space<vmem>>
      %dma_wait3A_653 = tpu.memref_squeeze %dma_wait3A_652 : memref<1x64x128xf32, #tpu.memory_space<vmem>> -> memref<64x128xf32, #tpu.memory_space<vmem>>
      tpu.wait_dma2 semaphore(%run_scoped3A_629 : memref<!tpu.dma_semaphore, #tpu.memory_space<semaphore_mem>>) src(%dma_wait3A_653 : memref<64x128xf32, #tpu.memory_space<vmem>>) dst(%dma_wait3A_649 : memref<64x128xf32, #tpu.memory_space<hbm>>)
      tpu.yield
    }) : () -> ()
    %mul3A_614 = arith.constant 800 : i32
    %mul3A_615 = arith.muli %arg1, %mul3A_614 : i32
    %add3A_616 = arith.constant 720 : i32
    %add3A_617 = arith.addi %mul3A_615, %add3A_616 : i32
    %add3A_618 = arith.constant 64 : i32
    %add3A_619 = arith.addi %add3A_617, %add3A_618 : i32
    %run_scoped3A_620 = arith.constant 1 : i32
    "tpu.region"() ({
      %run_scoped3A_629 = tpu.sem_alloc : memref<!tpu.dma_semaphore, #tpu.memory_space<semaphore_mem>>
      %dma_start3A_630 = arith.constant 0 : i32
      %dma_start3A_631 = arith.constant 0 : i32
      %dma_start3A_632 = tpu.memref_slice %arg8[%run_scoped3A_620, %dma_start3A_630, %dma_start3A_631] : memref<2x64x128xf32, #tpu.memory_space<vmem>> -> memref<1x16x128xf32, #tpu.memory_space<vmem>>
      %dma_start3A_633 = tpu.memref_squeeze %dma_start3A_632 : memref<1x16x128xf32, #tpu.memory_space<vmem>> -> memref<16x128xf32, #tpu.memory_space<vmem>>
      %dma_start3A_634 = arith.constant 0 : i32
      %dma_start3A_635 = tpu.memref_slice %arg11[%add3A_619, %dma_start3A_634] : memref<12832x128xf32, #tpu.memory_space<vmem_shared>> -> memref<16x128xf32, #tpu.memory_space<vmem_shared>>
      %dma_start3A_636 = arith.constant 0 : i32
      %dma_start3A_637 = arith.constant 0 : i32
      %dma_start3A_638 = tpu.memref_slice %arg8[%run_scoped3A_620, %dma_start3A_636, %dma_start3A_637] : memref<2x64x128xf32, #tpu.memory_space<vmem>> -> memref<1x16x128xf32, #tpu.memory_space<vmem>>
      %dma_start3A_639 = tpu.memref_squeeze %dma_start3A_638 : memref<1x16x128xf32, #tpu.memory_space<vmem>> -> memref<16x128xf32, #tpu.memory_space<vmem>>
      %dma_start3A_640 = arith.constant 0 : i32
      %dma_start3A_641 = tpu.memref_slice %arg11[%add3A_619, %dma_start3A_640] : memref<12832x128xf32, #tpu.memory_space<vmem_shared>> -> memref<16x128xf32, #tpu.memory_space<vmem_shared>>
      tpu.enqueue_dma source(%dma_start3A_641 : memref<16x128xf32, #tpu.memory_space<vmem_shared>>) target(%dma_start3A_639 : memref<16x128xf32, #tpu.memory_space<vmem>>) target_semaphore(%run_scoped3A_629 : memref<!tpu.dma_semaphore, #tpu.memory_space<semaphore_mem>>)
      %dma_wait3A_642 = arith.constant 0 : i32
      %dma_wait3A_643 = arith.constant 0 : i32
      %dma_wait3A_644 = tpu.memref_slice %arg8[%run_scoped3A_620, %dma_wait3A_642, %dma_wait3A_643] : memref<2x64x128xf32, #tpu.memory_space<vmem>> -> memref<1x16x128xf32, #tpu.memory_space<vmem>>
      %dma_wait3A_645 = tpu.memref_squeeze %dma_wait3A_644 : memref<1x16x128xf32, #tpu.memory_space<vmem>> -> memref<16x128xf32, #tpu.memory_space<vmem>>
      %dma_wait3A_646 = arith.constant 0 : i32
      %dma_wait3A_647 = tpu.memref_slice %arg11[%add3A_619, %dma_wait3A_646] : memref<12832x128xf32, #tpu.memory_space<vmem_shared>> -> memref<16x128xf32, #tpu.memory_space<vmem_shared>>
      %dma_wait3A_648 = arith.constant 0 : i32
      %dma_wait3A_649 = arith.constant 0 : i32
      %dma_wait3A_650 = tpu.memref_slice %arg8[%run_scoped3A_620, %dma_wait3A_648, %dma_wait3A_649] : memref<2x64x128xf32, #tpu.memory_space<vmem>> -> memref<1x16x128xf32, #tpu.memory_space<vmem>>
      %dma_wait3A_651 = tpu.memref_squeeze %dma_wait3A_650 : memref<1x16x128xf32, #tpu.memory_space<vmem>> -> memref<16x128xf32, #tpu.memory_space<vmem>>
      %dma_wait3A_652 = arith.constant 0 : i32
      %dma_wait3A_653 = tpu.memref_slice %arg11[%add3A_619, %dma_wait3A_652] : memref<12832x128xf32, #tpu.memory_space<vmem_shared>> -> memref<16x128xf32, #tpu.memory_space<vmem_shared>>
      tpu.wait_dma2 semaphore(%run_scoped3A_629 : memref<!tpu.dma_semaphore, #tpu.memory_space<semaphore_mem>>) src(%dma_wait3A_653 : memref<16x128xf32, #tpu.memory_space<vmem_shared>>) dst(%dma_wait3A_651 : memref<16x128xf32, #tpu.memory_space<vmem>>)
      tpu.yield
    }) : () -> ()
    %mul3A_621 = arith.constant 800 : i32
    %mul3A_622 = arith.muli %arg1, %mul3A_621 : i32
    %add3A_623 = arith.addi %mul3A_0, %mul3A_622 : i32
    %add3A_624 = arith.constant 720 : i32
    %add3A_625 = arith.addi %add3A_623, %add3A_624 : i32
    %add3A_626 = arith.constant 64 : i32
    %add3A_627 = arith.addi %add3A_625, %add3A_626 : i32
    %run_scoped3A_628 = arith.constant 1 : i32
    "tpu.region"() ({
      %run_scoped3A_629 = tpu.sem_alloc : memref<!tpu.dma_semaphore, #tpu.memory_space<semaphore_mem>>
      %dma_start3A_630 = arith.constant 0 : i32
      %dma_start3A_631 = arith.constant 0 : i32
      %dma_start3A_632 = tpu.memref_slice %arg8[%run_scoped3A_628, %dma_start3A_630, %dma_start3A_631] : memref<2x64x128xf32, #tpu.memory_space<vmem>> -> memref<1x16x128xf32, #tpu.memory_space<vmem>>
      %dma_start3A_633 = tpu.memref_squeeze %dma_start3A_632 : memref<1x16x128xf32, #tpu.memory_space<vmem>> -> memref<16x128xf32, #tpu.memory_space<vmem>>
      %dma_start3A_634 = arith.constant 0 : i32
      %dma_start3A_635 = tpu.memref_slice %arg5[%add3A_627, %dma_start3A_634] : memref<25600x128xf32, #tpu.memory_space<hbm>> -> memref<16x128xf32, #tpu.memory_space<hbm>>
      %dma_start3A_636 = arith.constant 0 : i32
      %dma_start3A_637 = tpu.memref_slice %arg5[%add3A_627, %dma_start3A_636] : memref<25600x128xf32, #tpu.memory_space<hbm>> -> memref<16x128xf32, #tpu.memory_space<hbm>>
      %dma_start3A_638 = arith.constant 0 : i32
      %dma_start3A_639 = arith.constant 0 : i32
      %dma_start3A_640 = tpu.memref_slice %arg8[%run_scoped3A_628, %dma_start3A_638, %dma_start3A_639] : memref<2x64x128xf32, #tpu.memory_space<vmem>> -> memref<1x16x128xf32, #tpu.memory_space<vmem>>
      %dma_start3A_641 = tpu.memref_squeeze %dma_start3A_640 : memref<1x16x128xf32, #tpu.memory_space<vmem>> -> memref<16x128xf32, #tpu.memory_space<vmem>>
      tpu.enqueue_dma source(%dma_start3A_641 : memref<16x128xf32, #tpu.memory_space<vmem>>) target(%dma_start3A_637 : memref<16x128xf32, #tpu.memory_space<hbm>>) target_semaphore(%run_scoped3A_629 : memref<!tpu.dma_semaphore, #tpu.memory_space<semaphore_mem>>)
      %dma_wait3A_642 = arith.constant 0 : i32
      %dma_wait3A_643 = arith.constant 0 : i32
      %dma_wait3A_644 = tpu.memref_slice %arg8[%run_scoped3A_628, %dma_wait3A_642, %dma_wait3A_643] : memref<2x64x128xf32, #tpu.memory_space<vmem>> -> memref<1x16x128xf32, #tpu.memory_space<vmem>>
      %dma_wait3A_645 = tpu.memref_squeeze %dma_wait3A_644 : memref<1x16x128xf32, #tpu.memory_space<vmem>> -> memref<16x128xf32, #tpu.memory_space<vmem>>
      %dma_wait3A_646 = arith.constant 0 : i32
      %dma_wait3A_647 = tpu.memref_slice %arg5[%add3A_627, %dma_wait3A_646] : memref<25600x128xf32, #tpu.memory_space<hbm>> -> memref<16x128xf32, #tpu.memory_space<hbm>>
      %dma_wait3A_648 = arith.constant 0 : i32
      %dma_wait3A_649 = tpu.memref_slice %arg5[%add3A_627, %dma_wait3A_648] : memref<25600x128xf32, #tpu.memory_space<hbm>> -> memref<16x128xf32, #tpu.memory_space<hbm>>
      %dma_wait3A_650 = arith.constant 0 : i32
      %dma_wait3A_651 = arith.constant 0 : i32
      %dma_wait3A_652 = tpu.memref_slice %arg8[%run_scoped3A_628, %dma_wait3A_650, %dma_wait3A_651] : memref<2x64x128xf32, #tpu.memory_space<vmem>> -> memref<1x16x128xf32, #tpu.memory_space<vmem>>
      %dma_wait3A_653 = tpu.memref_squeeze %dma_wait3A_652 : memref<1x16x128xf32, #tpu.memory_space<vmem>> -> memref<16x128xf32, #tpu.memory_space<vmem>>
      tpu.wait_dma2 semaphore(%run_scoped3A_629 : memref<!tpu.dma_semaphore, #tpu.memory_space<semaphore_mem>>) src(%dma_wait3A_653 : memref<16x128xf32, #tpu.memory_space<vmem>>) dst(%dma_wait3A_649 : memref<16x128xf32, #tpu.memory_space<hbm>>)
      tpu.yield
    }) : () -> ()
    return
  }
}

#map = affine_map<(d0, d1) -> (0, 0, 0, 0)>
#map1 = affine_map<(d0, d1) -> (0)>
module attributes {stable_mosaic.version = 14 : i64} {
  func.func @_deg_kernel(%arg0: i32, %arg1: i32, %arg2: memref<2x16x100x128xi32, #tpu.memory_space<hbm>>, %arg3: memref<25600xf32, #tpu.memory_space<hbm>>, %arg4: memref<128xf32, #tpu.memory_space<hbm>>, %arg5: memref<51200xf32, #tpu.memory_space<hbm>>, %arg6: memref<100x128xi32, #tpu.memory_space<vmem>>, %arg7: memref<128xf32, #tpu.memory_space<vmem>>, %arg8: memref<1600xf32, #tpu.memory_space<vmem>>, %arg9: memref<25600xf32, #tpu.memory_space<vmem_shared>>) attributes {dimension_semantics = [#tpu.dimension_semantics<core_parallel>, #tpu.dimension_semantics<subcore_parallel>], iteration_bounds = array<i64: 2, 16>, scalar_prefetch = 0 : i64, scratch_operands = 4 : i64, tpu.core_type = #tpu.core_type<sc_vector_subcore>, window_params = [{transform_indices = #map}, {transform_indices = #map1}, {transform_indices = #map1}, {transform_indices = #map1}]} {
    %mul3A = arith.constant 1600 : i32
    %mul3A_0 = arith.muli %arg1, %mul3A : i32
    "tpu.region"() ({
      %run_scoped3A = tpu.sem_alloc : memref<!tpu.dma_semaphore, #tpu.memory_space<semaphore_mem>>
      %dma_start3A = tpu.memref_slice %arg3[%mul3A_0] : memref<25600xf32, #tpu.memory_space<hbm>> -> memref<1600xf32, #tpu.memory_space<hbm>>
      %dma_start3A_15 = tpu.memref_slice %arg3[%mul3A_0] : memref<25600xf32, #tpu.memory_space<hbm>> -> memref<1600xf32, #tpu.memory_space<hbm>>
      tpu.enqueue_dma source(%dma_start3A_15 : memref<1600xf32, #tpu.memory_space<hbm>>) target(%arg8 : memref<1600xf32, #tpu.memory_space<vmem>>) target_semaphore(%run_scoped3A : memref<!tpu.dma_semaphore, #tpu.memory_space<semaphore_mem>>)
      %dma_wait3A = tpu.memref_slice %arg3[%mul3A_0] : memref<25600xf32, #tpu.memory_space<hbm>> -> memref<1600xf32, #tpu.memory_space<hbm>>
      %dma_wait3A_16 = tpu.memref_slice %arg3[%mul3A_0] : memref<25600xf32, #tpu.memory_space<hbm>> -> memref<1600xf32, #tpu.memory_space<hbm>>
      tpu.wait_dma2 semaphore(%run_scoped3A : memref<!tpu.dma_semaphore, #tpu.memory_space<semaphore_mem>>) src(%dma_wait3A_16 : memref<1600xf32, #tpu.memory_space<hbm>>) dst(%arg8 : memref<1600xf32, #tpu.memory_space<vmem>>)
      tpu.yield
    }) : () -> ()
    %mul3A_1 = arith.constant 1600 : i32
    %mul3A_2 = arith.muli %arg1, %mul3A_1 : i32
    "tpu.region"() ({
      %run_scoped3A = tpu.sem_alloc : memref<!tpu.dma_semaphore, #tpu.memory_space<semaphore_mem>>
      %dma_start3A = tpu.memref_slice %arg9[%mul3A_2] : memref<25600xf32, #tpu.memory_space<vmem_shared>> -> memref<1600xf32, #tpu.memory_space<vmem_shared>>
      %dma_start3A_15 = tpu.memref_slice %arg9[%mul3A_2] : memref<25600xf32, #tpu.memory_space<vmem_shared>> -> memref<1600xf32, #tpu.memory_space<vmem_shared>>
      tpu.enqueue_dma source(%arg8 : memref<1600xf32, #tpu.memory_space<vmem>>) target(%dma_start3A_15 : memref<1600xf32, #tpu.memory_space<vmem_shared>>) target_semaphore(%run_scoped3A : memref<!tpu.dma_semaphore, #tpu.memory_space<semaphore_mem>>)
      %dma_wait3A = tpu.memref_slice %arg9[%mul3A_2] : memref<25600xf32, #tpu.memory_space<vmem_shared>> -> memref<1600xf32, #tpu.memory_space<vmem_shared>>
      %dma_wait3A_16 = tpu.memref_slice %arg9[%mul3A_2] : memref<25600xf32, #tpu.memory_space<vmem_shared>> -> memref<1600xf32, #tpu.memory_space<vmem_shared>>
      tpu.wait_dma2 semaphore(%run_scoped3A : memref<!tpu.dma_semaphore, #tpu.memory_space<semaphore_mem>>) src(%arg8 : memref<1600xf32, #tpu.memory_space<vmem>>) dst(%dma_wait3A_16 : memref<1600xf32, #tpu.memory_space<vmem_shared>>)
      tpu.yield
    }) : () -> ()
    "tpu.region"() ({
      %run_scoped3A = tpu.sem_alloc : memref<!tpu.dma_semaphore, #tpu.memory_space<semaphore_mem>>
      tpu.enqueue_dma source(%arg4 : memref<128xf32, #tpu.memory_space<hbm>>) target(%arg7 : memref<128xf32, #tpu.memory_space<vmem>>) target_semaphore(%run_scoped3A : memref<!tpu.dma_semaphore, #tpu.memory_space<semaphore_mem>>)
      tpu.wait_dma2 semaphore(%run_scoped3A : memref<!tpu.dma_semaphore, #tpu.memory_space<semaphore_mem>>) src(%arg4 : memref<128xf32, #tpu.memory_space<hbm>>) dst(%arg7 : memref<128xf32, #tpu.memory_space<vmem>>)
      tpu.yield
    }) : () -> ()
    "tpu.region"() ({
      %run_scoped3A = tpu.sem_alloc : memref<!tpu.dma_semaphore, #tpu.memory_space<semaphore_mem>>
      %dma_start3A = arith.constant 0 : i32
      %dma_start3A_15 = arith.constant 0 : i32
      %dma_start3A_16 = tpu.memref_slice %arg2[%arg0, %arg1, %dma_start3A, %dma_start3A_15] : memref<2x16x100x128xi32, #tpu.memory_space<hbm>> -> memref<1x1x100x128xi32, #tpu.memory_space<hbm>>
      %dma_start3A_17 = tpu.memref_squeeze %dma_start3A_16 : memref<1x1x100x128xi32, #tpu.memory_space<hbm>> -> memref<100x128xi32, #tpu.memory_space<hbm>>
      %dma_start3A_18 = arith.constant 0 : i32
      %dma_start3A_19 = arith.constant 0 : i32
      %dma_start3A_20 = tpu.memref_slice %arg2[%arg0, %arg1, %dma_start3A_18, %dma_start3A_19] : memref<2x16x100x128xi32, #tpu.memory_space<hbm>> -> memref<1x1x100x128xi32, #tpu.memory_space<hbm>>
      %dma_start3A_21 = tpu.memref_squeeze %dma_start3A_20 : memref<1x1x100x128xi32, #tpu.memory_space<hbm>> -> memref<100x128xi32, #tpu.memory_space<hbm>>
      tpu.enqueue_dma source(%dma_start3A_21 : memref<100x128xi32, #tpu.memory_space<hbm>>) target(%arg6 : memref<100x128xi32, #tpu.memory_space<vmem>>) target_semaphore(%run_scoped3A : memref<!tpu.dma_semaphore, #tpu.memory_space<semaphore_mem>>)
      %dma_wait3A = arith.constant 0 : i32
      %dma_wait3A_22 = arith.constant 0 : i32
      %dma_wait3A_23 = tpu.memref_slice %arg2[%arg0, %arg1, %dma_wait3A, %dma_wait3A_22] : memref<2x16x100x128xi32, #tpu.memory_space<hbm>> -> memref<1x1x100x128xi32, #tpu.memory_space<hbm>>
      %dma_wait3A_24 = tpu.memref_squeeze %dma_wait3A_23 : memref<1x1x100x128xi32, #tpu.memory_space<hbm>> -> memref<100x128xi32, #tpu.memory_space<hbm>>
      %dma_wait3A_25 = arith.constant 0 : i32
      %dma_wait3A_26 = arith.constant 0 : i32
      %dma_wait3A_27 = tpu.memref_slice %arg2[%arg0, %arg1, %dma_wait3A_25, %dma_wait3A_26] : memref<2x16x100x128xi32, #tpu.memory_space<hbm>> -> memref<1x1x100x128xi32, #tpu.memory_space<hbm>>
      %dma_wait3A_28 = tpu.memref_squeeze %dma_wait3A_27 : memref<1x1x100x128xi32, #tpu.memory_space<hbm>> -> memref<100x128xi32, #tpu.memory_space<hbm>>
      tpu.wait_dma2 semaphore(%run_scoped3A : memref<!tpu.dma_semaphore, #tpu.memory_space<semaphore_mem>>) src(%dma_wait3A_28 : memref<100x128xi32, #tpu.memory_space<hbm>>) dst(%arg6 : memref<100x128xi32, #tpu.memory_space<vmem>>)
      tpu.yield
    }) : () -> ()
    %barrier3A = arith.constant 0 : index
    tpu.barrier barrier_id(%barrier3A)
    %scan3A = arith.constant 0 : i32
    %scan3A_3 = arith.constant 0 : i32
    %scan3A_4 = arith.constant 100 : i32
    %scan3A_5 = arith.addi %scan3A_3, %scan3A_4 : i32
    %scan3A_6 = arith.constant 1 : i32
    scf.for %scan3A_15 = %scan3A_3 to %scan3A_5 step %scan3A_6  : i32 {
      "tpu.region"() ({
        %run_scoped3A = tpu.sem_alloc : memref<!tpu.dma_semaphore, #tpu.memory_space<semaphore_mem>>
        %dma_start3A = arith.constant 0 : i32
        %dma_start3A_16 = tpu.memref_slice %arg6[%scan3A_15, %dma_start3A] : memref<100x128xi32, #tpu.memory_space<vmem>> -> memref<1x128xi32, #tpu.memory_space<vmem>>
        %dma_start3A_17 = tpu.memref_squeeze %dma_start3A_16 : memref<1x128xi32, #tpu.memory_space<vmem>> -> memref<128xi32, #tpu.memory_space<vmem>>
        %dma_start3A_18 = arith.constant 0 : i32
        %dma_start3A_19 = tpu.memref_slice %arg9[%dma_start3A_18] : memref<25600xf32, #tpu.memory_space<vmem_shared>> -> memref<25600xf32, #tpu.memory_space<vmem_shared>>
        tpu.enqueue_indirect_dma source(%arg7 : memref<128xf32, #tpu.memory_space<vmem>>) target(%dma_start3A_19 : memref<25600xf32, #tpu.memory_space<vmem_shared>>) offsets(%dma_start3A_17 : memref<128xi32, #tpu.memory_space<vmem>>) semaphore(%run_scoped3A : memref<!tpu.dma_semaphore, #tpu.memory_space<semaphore_mem>>) {add = true}
        %dma_wait3A = arith.constant 0 : i32
        %dma_wait3A_20 = tpu.memref_slice %arg6[%scan3A_15, %dma_wait3A] : memref<100x128xi32, #tpu.memory_space<vmem>> -> memref<1x128xi32, #tpu.memory_space<vmem>>
        %dma_wait3A_21 = tpu.memref_squeeze %dma_wait3A_20 : memref<1x128xi32, #tpu.memory_space<vmem>> -> memref<128xi32, #tpu.memory_space<vmem>>
        %dma_wait3A_22 = arith.constant 0 : i32
        %dma_wait3A_23 = tpu.memref_slice %arg9[%dma_wait3A_22] : memref<25600xf32, #tpu.memory_space<vmem_shared>> -> memref<25600xf32, #tpu.memory_space<vmem_shared>>
        tpu.wait_indirect_dma semaphore(%run_scoped3A : memref<!tpu.dma_semaphore, #tpu.memory_space<semaphore_mem>>) src(%arg7 : memref<128xf32, #tpu.memory_space<vmem>>) dst(%dma_wait3A_23 : memref<25600xf32, #tpu.memory_space<vmem_shared>>)
        tpu.yield
      }) : () -> ()
    }
    %scan3A_7 = arith.constant 100 : i32
    %barrier3A_8 = arith.constant 0 : index
    tpu.barrier barrier_id(%barrier3A_8)
    %mul3A_9 = arith.constant 1600 : i32
    %mul3A_10 = arith.muli %arg1, %mul3A_9 : i32
    "tpu.region"() ({
      %run_scoped3A = tpu.sem_alloc : memref<!tpu.dma_semaphore, #tpu.memory_space<semaphore_mem>>
      %dma_start3A = tpu.memref_slice %arg9[%mul3A_10] : memref<25600xf32, #tpu.memory_space<vmem_shared>> -> memref<1600xf32, #tpu.memory_space<vmem_shared>>
      %dma_start3A_15 = tpu.memref_slice %arg9[%mul3A_10] : memref<25600xf32, #tpu.memory_space<vmem_shared>> -> memref<1600xf32, #tpu.memory_space<vmem_shared>>
      tpu.enqueue_dma source(%dma_start3A_15 : memref<1600xf32, #tpu.memory_space<vmem_shared>>) target(%arg8 : memref<1600xf32, #tpu.memory_space<vmem>>) target_semaphore(%run_scoped3A : memref<!tpu.dma_semaphore, #tpu.memory_space<semaphore_mem>>)
      %dma_wait3A = tpu.memref_slice %arg9[%mul3A_10] : memref<25600xf32, #tpu.memory_space<vmem_shared>> -> memref<1600xf32, #tpu.memory_space<vmem_shared>>
      %dma_wait3A_16 = tpu.memref_slice %arg9[%mul3A_10] : memref<25600xf32, #tpu.memory_space<vmem_shared>> -> memref<1600xf32, #tpu.memory_space<vmem_shared>>
      tpu.wait_dma2 semaphore(%run_scoped3A : memref<!tpu.dma_semaphore, #tpu.memory_space<semaphore_mem>>) src(%dma_wait3A_16 : memref<1600xf32, #tpu.memory_space<vmem_shared>>) dst(%arg8 : memref<1600xf32, #tpu.memory_space<vmem>>)
      tpu.yield
    }) : () -> ()
    %mul3A_11 = arith.constant 25600 : i32
    %mul3A_12 = arith.muli %arg0, %mul3A_11 : i32
    %mul3A_13 = arith.constant 1600 : i32
    %mul3A_14 = arith.muli %arg1, %mul3A_13 : i32
    %add3A = arith.addi %mul3A_12, %mul3A_14 : i32
    "tpu.region"() ({
      %run_scoped3A = tpu.sem_alloc : memref<!tpu.dma_semaphore, #tpu.memory_space<semaphore_mem>>
      %dma_start3A = tpu.memref_slice %arg5[%add3A] : memref<51200xf32, #tpu.memory_space<hbm>> -> memref<1600xf32, #tpu.memory_space<hbm>>
      %dma_start3A_15 = tpu.memref_slice %arg5[%add3A] : memref<51200xf32, #tpu.memory_space<hbm>> -> memref<1600xf32, #tpu.memory_space<hbm>>
      tpu.enqueue_dma source(%arg8 : memref<1600xf32, #tpu.memory_space<vmem>>) target(%dma_start3A_15 : memref<1600xf32, #tpu.memory_space<hbm>>) target_semaphore(%run_scoped3A : memref<!tpu.dma_semaphore, #tpu.memory_space<semaphore_mem>>)
      %dma_wait3A = tpu.memref_slice %arg5[%add3A] : memref<51200xf32, #tpu.memory_space<hbm>> -> memref<1600xf32, #tpu.memory_space<hbm>>
      %dma_wait3A_16 = tpu.memref_slice %arg5[%add3A] : memref<51200xf32, #tpu.memory_space<hbm>> -> memref<1600xf32, #tpu.memory_space<hbm>>
      tpu.wait_dma2 semaphore(%run_scoped3A : memref<!tpu.dma_semaphore, #tpu.memory_space<semaphore_mem>>) src(%arg8 : memref<1600xf32, #tpu.memory_space<vmem>>) dst(%dma_wait3A_16 : memref<1600xf32, #tpu.memory_space<hbm>>)
      tpu.yield
    }) : () -> ()
    return
  }
}

module attributes {stable_mosaic.version = 14 : i64} {
  func.func @_b_body(%arg0: i32, %arg1: memref<3200x128xf32, #tpu.memory_space<vmem>>, %arg2: memref<2x3200x1xf32, #tpu.memory_space<vmem>>, %arg3: memref<128x128xf32, #tpu.memory_space<vmem>>, %arg4: memref<3200x128xf32, #tpu.memory_space<vmem>>, %arg5: memref<3200x1xf32, #tpu.memory_space<vmem>>) attributes {dimension_semantics = [#tpu.dimension_semantics<arbitrary>], iteration_bounds = array<i64: 8>, scalar_prefetch = 0 : i64, scratch_operands = 0 : i64, tpu.core_type = #tpu.core_type<tc>, window_params = [{transform_indices = @transform_0, window_bounds = array<i64: 3200, 128>}, {transform_indices = @transform_1, window_bounds = array<i64: 2, 3200, 1>}, {pipeline_mode = #tpu.pipeline_mode<synchronous>, transform_indices = @transform_2, window_bounds = array<i64: 128, 128>}, {transform_indices = @transform_3, window_bounds = array<i64: 3200, 128>}, {transform_indices = @transform_4, window_bounds = array<i64: 3200, 1>}]} {
    %get3A = arith.constant 0 : index
    %get3A_0 = arith.constant 0 : index
    %get3A_1 = arith.constant 0 : index
    %get3A_2 = vector.load %arg2[%get3A, %get3A_0, %get3A_1] : memref<2x3200x1xf32, #tpu.memory_space<vmem>>, vector<2x3200x1xf32>
    %slice3A = vector.extract_strided_slice %get3A_2 {offsets = [0, 0, 0], sizes = [1, 3200, 1], strides = [1, 1, 1]} : vector<2x3200x1xf32> to vector<1x3200x1xf32>
    %squeeze3A = vector.shape_cast %slice3A : vector<1x3200x1xf32> to vector<3200x1xf32>
    %add3A = arith.constant 1.000000e+00 : f32
    %add3A_3 = vector.broadcast %add3A : f32 to vector<3200x1xf32>
    %add3A_4 = arith.addf %add3A_3, %squeeze3A : vector<3200x1xf32>
    %slice3A_5 = vector.extract_strided_slice %get3A_2 {offsets = [1, 0, 0], sizes = [1, 3200, 1], strides = [1, 1, 1]} : vector<2x3200x1xf32> to vector<1x3200x1xf32>
    %squeeze3A_6 = vector.shape_cast %slice3A_5 : vector<1x3200x1xf32> to vector<3200x1xf32>
    %add3A_7 = arith.addf %add3A_4, %squeeze3A_6 : vector<3200x1xf32>
    %rsqrt3A = math.rsqrt %add3A_7 : vector<3200x1xf32>
    %get3A_8 = arith.constant 0 : index
    %get3A_9 = arith.constant 0 : index
    %get3A_10 = vector.load %arg1[%get3A_8, %get3A_9] : memref<3200x128xf32, #tpu.memory_space<vmem>>, vector<3200x128xf32>
    %get3A_11 = arith.constant 0 : index
    %get3A_12 = arith.constant 0 : index
    %get3A_13 = vector.load %arg3[%get3A_11, %get3A_12] : memref<128x128xf32, #tpu.memory_space<vmem>>, vector<128x128xf32>
    %dot_general3A = arith.constant dense<0.000000e+00> : vector<3200x128xf32>
    %dot_general3A_14 = tpu.matmul %get3A_10, %get3A_13, %dot_general3A {dimension_numbers = #tpu.dot_dimension_numbers<[1], [0], [0], [1], [0, 0, 1, 1], [], []>, transpose_lhs_hint = false} : vector<3200x128xf32>, vector<128x128xf32>, vector<3200x128xf32> -> vector<3200x128xf32>
    %mul3A = vector.broadcast %rsqrt3A : vector<3200x1xf32> to vector<3200x128xf32>
    %mul3A_15 = arith.mulf %dot_general3A_14, %mul3A : vector<3200x128xf32>
    %swap3A = arith.constant 0 : index
    %swap3A_16 = arith.constant 0 : index
    %swap3A_17 = vector.load %arg4[%swap3A, %swap3A_16] : memref<3200x128xf32, #tpu.memory_space<vmem>>, vector<3200x128xf32>
    tpu.vector_store %arg4[%swap3A, %swap3A_16], %mul3A_15 {strides = array<i32>} : memref<3200x128xf32, #tpu.memory_space<vmem>>, vector<3200x128xf32>,
    %swap3A_18 = arith.constant 0 : index
    %swap3A_19 = arith.constant 0 : index
    %swap3A_20 = vector.load %arg5[%swap3A_18, %swap3A_19] : memref<3200x1xf32, #tpu.memory_space<vmem>>, vector<3200x1xf32>
    tpu.vector_store %arg5[%swap3A_18, %swap3A_19], %rsqrt3A {strides = array<i32>} : memref<3200x1xf32, #tpu.memory_space<vmem>>, vector<3200x1xf32>,
    return
  }
  func.func @transform_0(%arg0: i32) -> (i32, i32) {
    %c0_i32 = arith.constant 0 : i32
    %c0_i32_0 = arith.constant 0 : i32
    return %arg0, %c0_i32 : i32, i32
  }
  func.func @transform_1(%arg0: i32) -> (i32, i32, i32) {
    %c0_i32 = arith.constant 0 : i32
    %c0_i32_0 = arith.constant 0 : i32
    %c0_i32_1 = arith.constant 0 : i32
    return %c0_i32, %arg0, %c0_i32_0 : i32, i32, i32
  }
  func.func @transform_2(%arg0: i32) -> (i32, i32) {
    %c0_i32 = arith.constant 0 : i32
    %c0_i32_0 = arith.constant 0 : i32
    %c0_i32_1 = arith.constant 0 : i32
    return %c0_i32, %c0_i32_0 : i32, i32
  }
  func.func @transform_3(%arg0: i32) -> (i32, i32) {
    %c0_i32 = arith.constant 0 : i32
    %c0_i32_0 = arith.constant 0 : i32
    return %arg0, %c0_i32 : i32, i32
  }
  func.func @transform_4(%arg0: i32) -> (i32, i32) {
    %c0_i32 = arith.constant 0 : i32
    %c0_i32_0 = arith.constant 0 : i32
    return %arg0, %c0_i32 : i32, i32
  }
}

module attributes {stable_mosaic.version = 14 : i64} {
  func.func @_d1_body(%arg0: i32, %arg1: memref<3200x128xf32, #tpu.memory_space<vmem>>, %arg2: memref<3200x1xf32, #tpu.memory_space<vmem>>, %arg3: memref<1x128xf32, #tpu.memory_space<vmem>>, %arg4: memref<128x1024xf32, #tpu.memory_space<vmem>>, %arg5: memref<1x1024xf32, #tpu.memory_space<vmem>>, %arg6: memref<1x1024xf32, #tpu.memory_space<vmem>>, %arg7: memref<3200x1024xf32, #tpu.memory_space<vmem>>) attributes {dimension_semantics = [#tpu.dimension_semantics<arbitrary>], iteration_bounds = array<i64: 8>, scalar_prefetch = 0 : i64, scratch_operands = 0 : i64, tpu.core_type = #tpu.core_type<tc>, window_params = [{transform_indices = @transform_0, window_bounds = array<i64: 3200, 128>}, {transform_indices = @transform_1, window_bounds = array<i64: 3200, 1>}, {pipeline_mode = #tpu.pipeline_mode<synchronous>, transform_indices = @transform_2, window_bounds = array<i64: 1, 128>}, {pipeline_mode = #tpu.pipeline_mode<synchronous>, transform_indices = @transform_3, window_bounds = array<i64: 128, 1024>}, {pipeline_mode = #tpu.pipeline_mode<synchronous>, transform_indices = @transform_4, window_bounds = array<i64: 1, 1024>}, {pipeline_mode = #tpu.pipeline_mode<synchronous>, transform_indices = @transform_5, window_bounds = array<i64: 1, 1024>}, {transform_indices = @transform_6, window_bounds = array<i64: 3200, 1024>}]} {
    %get3A = arith.constant 0 : index
    %get3A_0 = arith.constant 0 : index
    %get3A_1 = vector.load %arg1[%get3A, %get3A_0] : memref<3200x128xf32, #tpu.memory_space<vmem>>, vector<3200x128xf32>
    %get3A_2 = arith.constant 0 : index
    %get3A_3 = arith.constant 0 : index
    %get3A_4 = vector.load %arg2[%get3A_2, %get3A_3] : memref<3200x1xf32, #tpu.memory_space<vmem>>, vector<3200x1xf32>
    %mul3A = vector.broadcast %get3A_4 : vector<3200x1xf32> to vector<3200x128xf32>
    %mul3A_5 = arith.mulf %get3A_1, %mul3A : vector<3200x128xf32>
    %get3A_6 = arith.constant 0 : index
    %get3A_7 = arith.constant 0 : index
    %get3A_8 = vector.load %arg3[%get3A_6, %get3A_7] : memref<1x128xf32, #tpu.memory_space<vmem>>, vector<1x128xf32>
    %add3A = vector.broadcast %get3A_8 : vector<1x128xf32> to vector<3200x128xf32>
    %add3A_9 = arith.addf %mul3A_5, %add3A : vector<3200x128xf32>
    %get3A_10 = arith.constant 0 : index
    %get3A_11 = arith.constant 0 : index
    %get3A_12 = vector.load %arg4[%get3A_10, %get3A_11] : memref<128x1024xf32, #tpu.memory_space<vmem>>, vector<128x1024xf32>
    %dot_general3A = arith.constant dense<0.000000e+00> : vector<3200x1024xf32>
    %dot_general3A_13 = tpu.matmul %add3A_9, %get3A_12, %dot_general3A {dimension_numbers = #tpu.dot_dimension_numbers<[1], [0], [0], [1], [0, 0, 1, 1], [], []>, transpose_lhs_hint = false} : vector<3200x128xf32>, vector<128x1024xf32>, vector<3200x1024xf32> -> vector<3200x1024xf32>
    %get3A_14 = arith.constant 0 : index
    %get3A_15 = arith.constant 0 : index
    %get3A_16 = vector.load %arg5[%get3A_14, %get3A_15] : memref<1x1024xf32, #tpu.memory_space<vmem>>, vector<1x1024xf32>
    %add3A_17 = vector.broadcast %get3A_16 : vector<1x1024xf32> to vector<3200x1024xf32>
    %add3A_18 = arith.addf %dot_general3A_13, %add3A_17 : vector<3200x1024xf32>
    %get3A_19 = arith.constant 0 : index
    %get3A_20 = arith.constant 0 : index
    %get3A_21 = vector.load %arg6[%get3A_19, %get3A_20] : memref<1x1024xf32, #tpu.memory_space<vmem>>, vector<1x1024xf32>
    %add3A_22 = vector.broadcast %get3A_21 : vector<1x1024xf32> to vector<3200x1024xf32>
    %add3A_23 = arith.addf %add3A_18, %add3A_22 : vector<3200x1024xf32>
    %swap3A = arith.constant 0 : index
    %swap3A_24 = arith.constant 0 : index
    %swap3A_25 = vector.load %arg7[%swap3A, %swap3A_24] : memref<3200x1024xf32, #tpu.memory_space<vmem>>, vector<3200x1024xf32>
    tpu.vector_store %arg7[%swap3A, %swap3A_24], %add3A_23 {strides = array<i32>} : memref<3200x1024xf32, #tpu.memory_space<vmem>>, vector<3200x1024xf32>,
    return
  }
  func.func @transform_0(%arg0: i32) -> (i32, i32) {
    %c0_i32 = arith.constant 0 : i32
    %c0_i32_0 = arith.constant 0 : i32
    return %arg0, %c0_i32 : i32, i32
  }
  func.func @transform_1(%arg0: i32) -> (i32, i32) {
    %c0_i32 = arith.constant 0 : i32
    %c0_i32_0 = arith.constant 0 : i32
    return %arg0, %c0_i32 : i32, i32
  }
  func.func @transform_2(%arg0: i32) -> (i32, i32) {
    %c0_i32 = arith.constant 0 : i32
    %c0_i32_0 = arith.constant 0 : i32
    %c0_i32_1 = arith.constant 0 : i32
    return %c0_i32, %c0_i32_0 : i32, i32
  }
  func.func @transform_3(%arg0: i32) -> (i32, i32) {
    %c0_i32 = arith.constant 0 : i32
    %c0_i32_0 = arith.constant 0 : i32
    %c0_i32_1 = arith.constant 0 : i32
    return %c0_i32, %c0_i32_0 : i32, i32
  }
  func.func @transform_4(%arg0: i32) -> (i32, i32) {
    %c0_i32 = arith.constant 0 : i32
    %c0_i32_0 = arith.constant 0 : i32
    %c0_i32_1 = arith.constant 0 : i32
    return %c0_i32, %c0_i32_0 : i32, i32
  }
  func.func @transform_5(%arg0: i32) -> (i32, i32) {
    %c0_i32 = arith.constant 0 : i32
    %c0_i32_0 = arith.constant 0 : i32
    %c0_i32_1 = arith.constant 0 : i32
    return %c0_i32, %c0_i32_0 : i32, i32
  }
  func.func @transform_6(%arg0: i32) -> (i32, i32) {
    %c0_i32 = arith.constant 0 : i32
    %c0_i32_0 = arith.constant 0 : i32
    return %arg0, %c0_i32 : i32, i32
  }
}

module attributes {stable_mosaic.version = 14 : i64} {
  func.func @_d2_body(%arg0: memref<50x512x1024xf32, #tpu.memory_space<any>>, %arg1: memref<256x1024xf32, #tpu.memory_space<vmem>>, %arg2: memref<512x128xf32, #tpu.memory_space<vmem>>, %arg3: memref<128x256xf32, #tpu.memory_space<vmem>>, %arg4: memref<1x256xf32, #tpu.memory_space<vmem>>, %arg5: memref<256x1xf32, #tpu.memory_space<vmem>>, %arg6: memref<256x1xf32, #tpu.memory_space<vmem>>, %arg7: memref<1x1xf32, #tpu.memory_space<vmem>>, %arg8: memref<512x1xf32, #tpu.memory_space<vmem>>, %arg9: memref<2x512x1024xf32, #tpu.memory_space<vmem>>, %arg10: memref<2x!tpu.dma_semaphore, #tpu.memory_space<semaphore_mem>>) attributes {dimension_semantics = [], scalar_prefetch = 0 : i64, scratch_operands = 2 : i64, tpu.core_type = #tpu.core_type<tc>} {
    %dma_start3A = arith.constant 0 : i32
    %dma_start3A_0 = arith.constant 0 : i32
    %dma_start3A_1 = arith.constant 0 : i32
    %dma_start3A_2 = tpu.memref_slice %arg10[%dma_start3A_1] : memref<2x!tpu.dma_semaphore, #tpu.memory_space<semaphore_mem>> -> memref<1x!tpu.dma_semaphore, #tpu.memory_space<semaphore_mem>>
    %dma_start3A_3 = tpu.memref_squeeze %dma_start3A_2 : memref<1x!tpu.dma_semaphore, #tpu.memory_space<semaphore_mem>> -> memref<!tpu.dma_semaphore, #tpu.memory_space<semaphore_mem>>
    %dma_start3A_4 = arith.constant 0 : i32
    %dma_start3A_5 = arith.constant 0 : i32
    %dma_start3A_6 = tpu.memref_slice %arg9[%dma_start3A_0, %dma_start3A_4, %dma_start3A_5] : memref<2x512x1024xf32, #tpu.memory_space<vmem>> -> memref<1x512x1024xf32, #tpu.memory_space<vmem>>
    %dma_start3A_7 = tpu.memref_squeeze %dma_start3A_6 : memref<1x512x1024xf32, #tpu.memory_space<vmem>> -> memref<512x1024xf32, #tpu.memory_space<vmem>>
    %dma_start3A_8 = arith.constant 0 : i32
    %dma_start3A_9 = arith.constant 0 : i32
    %dma_start3A_10 = tpu.memref_slice %arg0[%dma_start3A, %dma_start3A_8, %dma_start3A_9] : memref<50x512x1024xf32, #tpu.memory_space<any>> -> memref<1x512x1024xf32, #tpu.memory_space<any>>
    %dma_start3A_11 = tpu.memref_squeeze %dma_start3A_10 : memref<1x512x1024xf32, #tpu.memory_space<any>> -> memref<512x1024xf32, #tpu.memory_space<any>>
    tpu.enqueue_dma source(%dma_start3A_11 : memref<512x1024xf32, #tpu.memory_space<any>>) target(%dma_start3A_7 : memref<512x1024xf32, #tpu.memory_space<vmem>>) target_semaphore(%dma_start3A_3 : memref<!tpu.dma_semaphore, #tpu.memory_space<semaphore_mem>>)
    %broadcast_in_dim3A = arith.constant 0.000000e+00 : f32
    %broadcast_in_dim3A_12 = vector.broadcast %broadcast_in_dim3A : f32 to vector<512x256xf32>
    %scan3A = arith.constant 0 : i32
    %scan3A_13 = arith.constant 50 : i32
    %scan3A_14 = arith.addi %scan3A, %scan3A_13 : i32
    %scan3A_15 = arith.constant 1 : i32
    %scan3A_16:2 = scf.for %scan3A_46 = %scan3A to %scan3A_14 step %scan3A_15 iter_args(%scan3A_47 = %broadcast_in_dim3A_12, %scan3A_48 = %broadcast_in_dim3A_12) -> (vector<512x256xf32>, vector<512x256xf32>)  : i32 {
      %rem3A = arith.constant 2 : i32
      %rem3A_49 = arith.remsi %scan3A_46, %rem3A : i32
      %add3A_50 = arith.constant 1 : i32
      %add3A_51 = arith.addi %scan3A_46, %add3A_50 : i32
      %rem3A_52 = arith.constant 2 : i32
      %rem3A_53 = arith.remsi %add3A_51, %rem3A_52 : i32
      %lt3A = arith.constant 49 : i32
      %lt3A_54 = arith.cmpi slt, %scan3A_46, %lt3A : i32
      %convert_element_type3A = arith.extui %lt3A_54 : i1 to i32
      %cond3A = arith.constant 0 : i32
      %cond3A_55 = arith.cmpi ne, %convert_element_type3A, %cond3A : i32
      scf.if %cond3A_55 {
        %add3A_100 = arith.constant 1 : i32
        %add3A_101 = arith.addi %scan3A_46, %add3A_100 : i32
        %dma_start3A_102 = tpu.memref_slice %arg10[%rem3A_53] : memref<2x!tpu.dma_semaphore, #tpu.memory_space<semaphore_mem>> -> memref<1x!tpu.dma_semaphore, #tpu.memory_space<semaphore_mem>>
        %dma_start3A_103 = tpu.memref_squeeze %dma_start3A_102 : memref<1x!tpu.dma_semaphore, #tpu.memory_space<semaphore_mem>> -> memref<!tpu.dma_semaphore, #tpu.memory_space<semaphore_mem>>
        %dma_start3A_104 = arith.constant 0 : i32
        %dma_start3A_105 = arith.constant 0 : i32
        %dma_start3A_106 = tpu.memref_slice %arg9[%rem3A_53, %dma_start3A_104, %dma_start3A_105] : memref<2x512x1024xf32, #tpu.memory_space<vmem>> -> memref<1x512x1024xf32, #tpu.memory_space<vmem>>
        %dma_start3A_107 = tpu.memref_squeeze %dma_start3A_106 : memref<1x512x1024xf32, #tpu.memory_space<vmem>> -> memref<512x1024xf32, #tpu.memory_space<vmem>>
        %dma_start3A_108 = arith.constant 0 : i32
        %dma_start3A_109 = arith.constant 0 : i32
        %dma_start3A_110 = tpu.memref_slice %arg0[%add3A_101, %dma_start3A_108, %dma_start3A_109] : memref<50x512x1024xf32, #tpu.memory_space<any>> -> memref<1x512x1024xf32, #tpu.memory_space<any>>
        %dma_start3A_111 = tpu.memref_squeeze %dma_start3A_110 : memref<1x512x1024xf32, #tpu.memory_space<any>> -> memref<512x1024xf32, #tpu.memory_space<any>>
        tpu.enqueue_dma source(%dma_start3A_111 : memref<512x1024xf32, #tpu.memory_space<any>>) target(%dma_start3A_107 : memref<512x1024xf32, #tpu.memory_space<vmem>>) target_semaphore(%dma_start3A_103 : memref<!tpu.dma_semaphore, #tpu.memory_space<semaphore_mem>>)
      } else {
      }
      %dma_wait3A = tpu.memref_slice %arg10[%rem3A_49] : memref<2x!tpu.dma_semaphore, #tpu.memory_space<semaphore_mem>> -> memref<1x!tpu.dma_semaphore, #tpu.memory_space<semaphore_mem>>
      %dma_wait3A_56 = tpu.memref_squeeze %dma_wait3A : memref<1x!tpu.dma_semaphore, #tpu.memory_space<semaphore_mem>> -> memref<!tpu.dma_semaphore, #tpu.memory_space<semaphore_mem>>
      %dma_wait3A_57 = arith.constant 0 : i32
      %dma_wait3A_58 = arith.constant 0 : i32
      %dma_wait3A_59 = tpu.memref_slice %arg9[%rem3A_49, %dma_wait3A_57, %dma_wait3A_58] : memref<2x512x1024xf32, #tpu.memory_space<vmem>> -> memref<1x512x1024xf32, #tpu.memory_space<vmem>>
      %dma_wait3A_60 = tpu.memref_squeeze %dma_wait3A_59 : memref<1x512x1024xf32, #tpu.memory_space<vmem>> -> memref<512x1024xf32, #tpu.memory_space<vmem>>
      %dma_wait3A_61 = arith.constant 0 : i32
      %dma_wait3A_62 = arith.constant 0 : i32
      %dma_wait3A_63 = tpu.memref_slice %arg0[%scan3A_46, %dma_wait3A_61, %dma_wait3A_62] : memref<50x512x1024xf32, #tpu.memory_space<any>> -> memref<1x512x1024xf32, #tpu.memory_space<any>>
      %dma_wait3A_64 = tpu.memref_squeeze %dma_wait3A_63 : memref<1x512x1024xf32, #tpu.memory_space<any>> -> memref<512x1024xf32, #tpu.memory_space<any>>
      tpu.wait_dma2 semaphore(%dma_wait3A_56 : memref<!tpu.dma_semaphore, #tpu.memory_space<semaphore_mem>>) src(%dma_wait3A_64 : memref<512x1024xf32, #tpu.memory_space<any>>) dst(%dma_wait3A_60 : memref<512x1024xf32, #tpu.memory_space<vmem>>)
      %get3A_65 = arith.index_cast %rem3A_49 : i32 to index
      %get3A_66 = arith.constant 0 : index
      %get3A_67 = arith.constant 0 : index
      %get3A_68 = vector.load %arg9[%get3A_65, %get3A_66, %get3A_67] : memref<2x512x1024xf32, #tpu.memory_space<vmem>>, vector<1x512x1024xf32>
      %get3A_69 = vector.shape_cast %get3A_68 : vector<1x512x1024xf32> to vector<512x1024xf32>
      %get3A_70 = arith.constant 0 : index
      %get3A_71 = arith.constant 0 : index
      %get3A_72 = vector.load %arg1[%get3A_70, %get3A_71] : memref<256x1024xf32, #tpu.memory_space<vmem>>, vector<256x1024xf32>
      %dot_general3A_73 = arith.constant dense<0.000000e+00> : vector<512x1024xf32>
      %dot_general3A_74 = tpu.matmul %scan3A_47, %get3A_72, %dot_general3A_73 {dimension_numbers = #tpu.dot_dimension_numbers<[1], [0], [0], [1], [0, 0, 1, 1], [], []>, transpose_lhs_hint = false} : vector<512x256xf32>, vector<256x1024xf32>, vector<512x1024xf32> -> vector<512x1024xf32>
      %add3A_75 = arith.addf %get3A_69, %dot_general3A_74 : vector<512x1024xf32>
      %slice3A = vector.extract_strided_slice %add3A_75 {offsets = [0, 0], sizes = [512, 256], strides = [1, 1]} : vector<512x1024xf32> to vector<512x256xf32>
      %logistic3A = arith.negf %slice3A : vector<512x256xf32>
      %logistic3A_76 = math.exp %logistic3A : vector<512x256xf32>
      %logistic3A_77 = arith.constant 1.000000e+00 : f32
      %logistic3A_78 = vector.broadcast %logistic3A_77 : f32 to vector<512x256xf32>
      %logistic3A_79 = arith.addf %logistic3A_78, %logistic3A_76 : vector<512x256xf32>
      %logistic3A_80 = arith.divf %logistic3A_78, %logistic3A_79 : vector<512x256xf32>
      %slice3A_81 = vector.extract_strided_slice %add3A_75 {offsets = [0, 256], sizes = [512, 256], strides = [1, 1]} : vector<512x1024xf32> to vector<512x256xf32>
      %logistic3A_82 = arith.negf %slice3A_81 : vector<512x256xf32>
      %logistic3A_83 = math.exp %logistic3A_82 : vector<512x256xf32>
      %logistic3A_84 = arith.constant 1.000000e+00 : f32
      %logistic3A_85 = vector.broadcast %logistic3A_84 : f32 to vector<512x256xf32>
      %logistic3A_86 = arith.addf %logistic3A_85, %logistic3A_83 : vector<512x256xf32>
      %logistic3A_87 = arith.divf %logistic3A_85, %logistic3A_86 : vector<512x256xf32>
      %slice3A_88 = vector.extract_strided_slice %add3A_75 {offsets = [0, 512], sizes = [512, 256], strides = [1, 1]} : vector<512x1024xf32> to vector<512x256xf32>
      %tanh3A = math.tanh %slice3A_88 : vector<512x256xf32>
      %slice3A_89 = vector.extract_strided_slice %add3A_75 {offsets = [0, 768], sizes = [512, 256], strides = [1, 1]} : vector<512x1024xf32> to vector<512x256xf32>
      %logistic3A_90 = arith.negf %slice3A_89 : vector<512x256xf32>
      %logistic3A_91 = math.exp %logistic3A_90 : vector<512x256xf32>
      %logistic3A_92 = arith.constant 1.000000e+00 : f32
      %logistic3A_93 = vector.broadcast %logistic3A_92 : f32 to vector<512x256xf32>
      %logistic3A_94 = arith.addf %logistic3A_93, %logistic3A_91 : vector<512x256xf32>
      %logistic3A_95 = arith.divf %logistic3A_93, %logistic3A_94 : vector<512x256xf32>
      %mul3A = arith.mulf %logistic3A_87, %scan3A_48 : vector<512x256xf32>
      %mul3A_96 = arith.mulf %logistic3A_80, %tanh3A : vector<512x256xf32>
      %add3A_97 = arith.addf %mul3A, %mul3A_96 : vector<512x256xf32>
      %tanh3A_98 = math.tanh %add3A_97 : vector<512x256xf32>
      %mul3A_99 = arith.mulf %logistic3A_95, %tanh3A_98 : vector<512x256xf32>
      scf.yield %mul3A_99, %add3A_97 : vector<512x256xf32>, vector<512x256xf32>
    }
    %scan3A_17 = arith.constant 50 : i32
    %get3A = arith.constant 0 : index
    %get3A_18 = arith.constant 0 : index
    %get3A_19 = vector.load %arg2[%get3A, %get3A_18] : memref<512x128xf32, #tpu.memory_space<vmem>>, vector<512x128xf32>
    %get3A_20 = arith.constant 0 : index
    %get3A_21 = arith.constant 0 : index
    %get3A_22 = vector.load %arg3[%get3A_20, %get3A_21] : memref<128x256xf32, #tpu.memory_space<vmem>>, vector<128x256xf32>
    %dot_general3A = arith.constant dense<0.000000e+00> : vector<512x256xf32>
    %dot_general3A_23 = tpu.matmul %get3A_19, %get3A_22, %dot_general3A {dimension_numbers = #tpu.dot_dimension_numbers<[1], [0], [0], [1], [0, 0, 1, 1], [], []>, transpose_lhs_hint = false} : vector<512x128xf32>, vector<128x256xf32>, vector<512x256xf32> -> vector<512x256xf32>
    %get3A_24 = arith.constant 0 : index
    %get3A_25 = arith.constant 0 : index
    %get3A_26 = vector.load %arg4[%get3A_24, %get3A_25] : memref<1x256xf32, #tpu.memory_space<vmem>>, vector<1x256xf32>
    %add3A = vector.broadcast %get3A_26 : vector<1x256xf32> to vector<512x256xf32>
    %add3A_27 = arith.addf %dot_general3A_23, %add3A : vector<512x256xf32>
    %get3A_28 = arith.constant 0 : index
    %get3A_29 = arith.constant 0 : index
    %get3A_30 = vector.load %arg5[%get3A_28, %get3A_29] : memref<256x1xf32, #tpu.memory_space<vmem>>, vector<256x1xf32>
    %dot_general3A_31 = arith.constant dense<0.000000e+00> : vector<512x1xf32>
    %dot_general3A_32 = tpu.matmul %scan3A_16#0, %get3A_30, %dot_general3A_31 {dimension_numbers = #tpu.dot_dimension_numbers<[1], [0], [0], [1], [0, 0, 1, 1], [], []>, transpose_lhs_hint = false} : vector<512x256xf32>, vector<256x1xf32>, vector<512x1xf32> -> vector<512x1xf32>
    %get3A_33 = arith.constant 0 : index
    %get3A_34 = arith.constant 0 : index
    %get3A_35 = vector.load %arg6[%get3A_33, %get3A_34] : memref<256x1xf32, #tpu.memory_space<vmem>>, vector<256x1xf32>
    %dot_general3A_36 = arith.constant dense<0.000000e+00> : vector<512x1xf32>
    %dot_general3A_37 = tpu.matmul %add3A_27, %get3A_35, %dot_general3A_36 {dimension_numbers = #tpu.dot_dimension_numbers<[1], [0], [0], [1], [0, 0, 1, 1], [], []>, transpose_lhs_hint = false} : vector<512x256xf32>, vector<256x1xf32>, vector<512x1xf32> -> vector<512x1xf32>
    %add3A_38 = arith.addf %dot_general3A_32, %dot_general3A_37 : vector<512x1xf32>
    %get3A_39 = arith.constant 0 : index
    %get3A_40 = arith.constant 0 : index
    %get3A_41 = vector.load %arg7[%get3A_39, %get3A_40] : memref<1x1xf32, #tpu.memory_space<vmem>>, vector<1x1xf32>
    %add3A_42 = vector.broadcast %get3A_41 : vector<1x1xf32> to vector<512x1xf32>
    %add3A_43 = arith.addf %add3A_38, %add3A_42 : vector<512x1xf32>
    %swap3A = arith.constant 0 : index
    %swap3A_44 = arith.constant 0 : index
    %swap3A_45 = vector.load %arg8[%swap3A, %swap3A_44] : memref<512x1xf32, #tpu.memory_space<vmem>>, vector<512x1xf32>
    tpu.vector_store %arg8[%swap3A, %swap3A_44], %add3A_43 {strides = array<i32>} : memref<512x1xf32, #tpu.memory_space<vmem>>, vector<512x1xf32>,
    return
  }
}

</mosaic_0001>

<sc_bundles>
// kernel: kernel.10.cloned.1.call-start
scs
__scs_entry_jumppad:
0x0: {  	(pc) =	sbr.rel $0x88, $3  }
0x1: {  	(tag) =	ssettag $0x0;
	lr =	simm.s32 $0x1  }
0x2: {  	[smem:$0x3F94] =	sst lr;
	_ =	strace $0xD0000000  }
0x3: {  	_ = 	snop  }
0x4: {  	_ = 	snop  }
0x5: {  	_ = 	snop  }
0x6: {  	_ = 	snop  }
0x7: {  	_ = 	snop  }
__scs_overlays_trampoline_lowered:
0x8: {  	[smem:$0x3FA3] =	sst s0  }
0x9: {  	[smem:$0x3FA4] =	sst s1  }
0xa: {  	[smem:$0x3FA5] =	sst s2  }
0xb: {  	[smem:$0x3FA6] =	sst s3  }
0xc: {  	[smem:$0x3FA7] =	sst s4  }
0xd: {  	[smem:$0x3FA8] =	sst s5  }
0xe: {  	[smem:$0x3FA9] =	sst s6  }
0xf: {  	[smem:$0x3FAA] =	sst s7  }
0x10: {  	[smem:$0x3FAB] =	sst s8  }
0x11: {  	[smem:$0x3FAC] =	sst s9;
	s0 =	simm.s32 @!p0 $0x0  }
0x12: {  	s1 =	sld [smem:$0x3F92];
	s0 =	simm.s32 @p0 $0x1  }
0x13: {  	[smem:$0x3FAD] =	sst s0;
	s0 =	simm.s32 @!p1 $0x0  }
0x14: {  	s2 =	sld [smem:$0x3F91];
	s0 =	simm.s32 @p1 $0x1  }
0x15: {  	[smem:$0x3FAE] =	sst s0;
	s0 =	simm.s32 @!p2 $0x0  }
0x16: {  	s3 =	sld [smem:$0x3FDB];
	s0 =	simm.s32 @p2 $0x1  }
0x17: {  	s4 =	simm.s32 $0x1BF5;
	[smem:$0x3FB0] =	sst s0  }
0x18: {  	s0 =	sld [smem:$0x3F93];
	_ =	swait.ge [sflag:s4], $0x0  }
0x19: {  	s7 =	sld [smem:$0x3F94]  }
0x1a: {  	s8 =	sadd.s32 $0xFFFFE003, lr  }
0x1b: {  	s9 =	sadd.s32 $0xFFFFFEF7, lr;
	s5 =	simm.s32 $0xFFFFFFFF;
	p2 =	slt.u32 s8, $0xFFFFF086  }
0x1c: {  	p1 =	slt.u32 s9, $0xF7A;
	s5 =	simm.s32 @!p2 $0x0  }
0x1d: {  	s5 =	simm.s32 @p1 $0x1;
	p0 =	seq.s32 s7, s2  }
0x1e: {  	s7 =	smul.u32 @!p0 $0xF7A, s2;
	p2 =	seq.s32 @!p0 s5, $0x0  }
0x1f: {  	s9 =	smul.u32 $0xF7A, s1;
	s8 =	simm.s32 @!p0 $0x1BF5;
	p2 =	por !p2, p0  }
0x20: {  	[sflag:s8] =	ssyncset.s32 @!p0 $0xFFFFF086;
	s6 =	sadd.s32 @!p0 s3, s7;
	s7 =	simm.s32 @!p0 $0x108  }
0x21: {  	s3 =	sadd.s32 s3, s9;
	s6 =	sadd.s32 @!p0 $0x88, s6;
	s7 =	simm.s32 @p2 $0x1082  }
0x22: {  	[simem:s7], [sflag:s8] =	dma.local @!p0 [hbm:s6], $0xF7A  }
0x23: {  	s9 =	sor.u32 $0xD0000000, s2;
	s6 =	simm.s32 $0x108;
	_ =	swait.ge @!p0 [sflag:s8], $0x0  }
0x24: {  	s3 =	sadd.s32 $0x88, s3;
	s6 =	simm.s32 @!p1 $0x1082;
	[sflag:s4] =	ssyncset.s32 $0xFFFFF086  }
0x25: {  	[simem:s6], [sflag:s4] =	dma.local [hbm:s3], $0xF7A  }
0x26: {  	[smem:$0x3F94] =	sst s1;
	(tag) =	ssettag s2;
	_ =	strace s9  }
0x27: {  	s1 =	sld [smem:$0x3FA4]  }
0x28: {  	s2 =	sld [smem:$0x3FA5]  }
0x29: {  	s4 =	sld [smem:$0x3FA7]  }
0x2a: {  	p0 =	seq.s32 s5, $0x0;
	s5 =	sld [smem:$0x3FA8]  }
0x2b: {  	s6 =	sld [smem:$0x3FA9]  }
0x2c: {  	s7 =	sld [smem:$0x3FAA]  }
0x2d: {  	s3 =	simm.s32 $0x108;
	s8 =	sld [smem:$0x3FAB]  }
0x2e: {  	s3 =	simm.s32 @!p0 $0x1082;
	s9 =	sld [smem:$0x3FAC]  }
0x2f: {  	lr =	sadd.s32 s0, s3;
	s0 =	sld [smem:$0x3FA3]  }
0x30: {  	s3 =	sld [smem:$0x3FA6]  }
0x31: {  	[smem:$0x3FAF] =	sst s10  }
0x32: {  	s10 =	sld [smem:$0x3FAD];
	_ =	sdelay $0x3  }
0x33: {  	p0 =	seq.s32 s10, $0x1;
	s10 =	sld [smem:$0x3FAF];
	_ =	sdelay $0x3  }
0x34: {  	[smem:$0x3FAF] =	sst s10  }
0x35: {  	s10 =	sld [smem:$0x3FAE];
	_ =	sdelay $0x3  }
0x36: {  	p1 =	seq.s32 s10, $0x1;
	s10 =	sld [smem:$0x3FAF];
	_ =	sdelay $0x3  }
0x37: {  	[smem:$0x3FAF] =	sst s10  }
0x38: {  	s10 =	sld [smem:$0x3FB0]  }
0x39: {  	_ = 	snop;
	(pc) =	sbr.ind lr, $3  }
0x3a: {  	_ = 	snop  }
0x3b: {  	_ = 	snop  }
0x3c: {  	p2 =	seq.s32 s10, $0x1;
	s10 =	sld [smem:$0x3FAF]  }
0x3d: {  	_ =	shalt  }
0x3e: {  	_ =	shalt  }
0x3f: {  	_ =	shalt  }
0x40: {  	_ =	shalt  }
0x41: {  	_ =	shalt  }
0x42: {  	_ =	shalt  }
0x43: {  	_ =	shalt  }
0x44: {  	_ =	shalt  }
0x45: {  	_ =	shalt  }
0x46: {  	_ =	shalt  }
0x47: {  	_ =	shalt  }
0x48: {  	_ =	shalt  }
0x49: {  	_ =	shalt  }
0x4a: {  	_ =	shalt  }
0x4b: {  	_ =	shalt  }
0x4c: {  	_ =	shalt  }
0x4d: {  	_ =	shalt  }
0x4e: {  	_ =	shalt  }
0x4f: {  	_ =	shalt  }
0x50: {  	_ =	shalt  }
0x51: {  	_ =	shalt  }
0x52: {  	_ =	shalt  }
0x53: {  	_ =	shalt  }
0x54: {  	_ =	shalt  }
0x55: {  	_ =	shalt  }
0x56: {  	_ =	shalt  }
0x57: {  	_ =	shalt  }
0x58: {  	_ =	shalt  }
0x59: {  	_ =	shalt  }
0x5a: {  	_ =	shalt  }
0x5b: {  	_ =	shalt  }
0x5c: {  	_ =	shalt  }
0x5d: {  	_ =	shalt  }
0x5e: {  	_ =	shalt  }
0x5f: {  	_ =	shalt  }
0x60: {  	_ =	shalt  }
0x61: {  	_ =	shalt  }
0x62: {  	_ =	shalt  }
0x63: {  	_ =	shalt  }
0x64: {  	_ =	shalt  }
0x65: {  	_ =	shalt  }
0x66: {  	_ =	shalt  }
0x67: {  	_ =	shalt  }
0x68: {  	_ =	shalt  }
0x69: {  	_ =	shalt  }
0x6a: {  	_ =	shalt  }
0x6b: {  	_ =	shalt  }
0x6c: {  	_ =	shalt  }
0x6d: {  	_ =	shalt  }
0x6e: {  	_ =	shalt  }
0x6f: {  	_ =	shalt  }
0x70: {  	_ =	shalt  }
0x71: {  	_ =	shalt  }
0x72: {  	_ =	shalt  }
0x73: {  	_ =	shalt  }
0x74: {  	_ =	shalt  }
0x75: {  	_ =	shalt  }
0x76: {  	_ =	shalt  }
0x77: {  	_ =	shalt  }
0x78: {  	_ =	shalt  }
0x79: {  	_ =	shalt  }
0x7a: {  	_ =	shalt  }
0x7b: {  	_ =	shalt  }
0x7c: {  	_ =	shalt  }
0x7d: {  	_ =	shalt  }
0x7e: {  	_ =	shalt  }
0x7f: {  	_ =	shalt  }
0x80: {  	_ =	shalt  }
0x81: {  	_ =	shalt  }
0x82: {  	_ =	shalt  }
0x83: {  	_ =	shalt  }
0x84: {  	_ =	shalt  }
0x85: {  	_ =	shalt  }
0x86: {  	_ =	shalt  }
0x87: {  	_ =	shalt  }
.Lfunc_end0:
.L_simem_size_0:
called_computation.1_lowered:
.L_overlay_start_0:
0x88: {  	s2 =	sld [smem:$0x3FD9]  }
0x89: {  	s3 =	sld [smem:$0x3FFE];
	_ =	sdelay $0x1  }
0x8a: {  	s1 =	srdreg.scid  }
0x8b: {  	s0 =	sand.u32 $0x1, s1  }
0x8c: {  	s16 =	sshll.u32 s0, $0xA;
	s2 =	sadd.s32 s3, s2  }
0x8d: {  	s2 =	sadd.s32 s2, s16  }
0x8e: {  	[smem:$0x3FBB] =	sst s2  }
0x8f: {  	_ = 	snop  }
0x90: {  	(tm) =	ssettm $0x1  }
0x91: {  	s17 =	sld [smem:$0x3FFB];
	_ =	sdelay $0x3  }
0x92: {  	_ =	strace s17  }
0x93: {  	s2 =	sld [smem:$0x3FFC];
	_ =	sdelay $0x3  }
0x94: {  	_ =	strace s2  }
0x95: {  	s2 =	sld [smem:$0x3FFD];
	_ =	sdelay $0x3  }
0x96: {  	_ =	strace s2  }
0x97: {  	_ =	strace $0x8FFFFFFF  }
0x98: {  	s18 =	sld [smem:$0x3FDB];
	_ =	sdelay $0x1  }
0x99: {  	s19 =	simm.s32 $_scs_section_size  }
0x9a: {  	s4 =	simm.s32 $_size__tile_overlayer_lowered;
	s5 =	simm.s32 $_tile_overlayer_lowered  }
0x9b: {  	s22 =	simm.s32 $0x1BFF;
	s21 =	sshll.u32 s5, $0x1;
	s2 =	sadd.s32 s19, s18  }
0x9c: {  	s6 =	simm.s32 $0x0;
	s20 =	sshll.u32 s4, $0x1;
	s4 =	sadd.s32 s21, s2  }
0x9d: {  	[timem:s6], [sflag:s22] =	dma.local [hbm:s4], s20  }
0x9e: {  	_ =	swait.ge [sflag:s22], s20  }
0x9f: {  	s3 =	ssub.s32 $0x0, s20;
	[sflag:s22] =	ssyncset.done $0x0  }
0xa0: {  	[sflag:s22] =	ssyncadd.s32 s3;
	_ =	sdelay $0x1  }
0xa1: {  	s23 =	simm.s32 $0x1B8B  }
0xa2: {  	_ =	swait.ge [sflag:s23], $0x1  }
0xa3: {  	[sflag:s23] =	ssyncset.done $0x0  }
0xa4: {  	s25 =	simm.s32 $0x1B8E;
	s24 =	sld [smem:$0x3FFE];
	[sflag:s23] =	ssyncadd.s32 $0xFFFFFFFF  }
0xa5: {  	s26 =	simm.s32 $execute0_lowered;
	[smem:$0x3FD2] =	sst s25  }
0xa6: {  	s4 =	sshll.u32 s26, $0x1;
	_ =	strace $0x80000049;
	[dreg:$0x1] =	wrdreg $0xFFFFFFFF  }
0xa7: {  	s28 =	simm.s32 $_size_execute0_lowered;
	s2 =	sadd.s32 s2, s4;
	[dreg:$0x0] =	wrdreg $0x0  }
0xa8: {  	s4 =	sshll.u32 s28, $0x1;
	[dreg:$0x2] =	wrdreg s2  }
0xa9: {  	[dreg:$0x3] =	wrdreg s4  }
0xaa: {  	[dreg:$0x4] =	wrdreg $0xC0  }
0xab: {  	_ =	task [dreg:s6], $0x5FFFF  }
0xac: {  	[dreg:$0x1] =	wrdreg $0xFFFFFFFF  }
0xad: {  	[dreg:$0x0] =	wrdreg $0x60  }
0xae: {  	[dreg:$0x2] =	wrdreg s24  }
0xaf: {  	[dreg:$0x3] =	wrdreg $0x60000  }
0xb0: {  	[dreg:$0x4] =	wrdreg $0x9  }
0xb1: {  	_ =	task.clear_ibuf [dreg:s6], $0x5FFFF;
	_ =	strace $0x90000049  }
0xb2: {  	s29 =	simm.s32 $0x9;
	_ =	strace $0x8000004B  }
0xb3: {  	_ =	swait.ge [sflag:s29], $0x1  }
0xb4: {  	[sflag:s29] =	ssyncadd.s32 $0xFFFFFFFF  }
0xb5: {  	_ =	strace $0x9000004B  }
0xb6: {  	_ =	sfence  }
0xb7: {  	s30 =	sld [smem:$0x0];
	_ =	sdelay $0x2  }
0xb8: {  	s31 =	sshll.u32 s1, $0xD;
	s1 =	sshrl.u32 s1, $0x2  }
0xb9: {  	s3 =	sand.u32 $0x4000, s31;
	s1 =	sadd.s32 s1, s30  }
0xba: {  	s0 =	sor.u32 s3, s0;
	s1 =	sshll.u32 s1, $0x11  }
0xbb: {  	s0 =	sor.u32 s1, s0  }
0xbc: {  	s0 =	sadd.s32 $0x8F2B, s0  }
0xbd: {  	[sflag:s0] =	ssyncadd.remote.s32 $0x1  }
0xbe: {  	_ =	sfence.sel $0xFFFF  }
0xbf: {  	[dreg:$0x0] =	wrdreg $0xFFFFFFFF;
	(pc) =	sbr.abs _section_cstart, $3  }
0xc0: {  	[dreg:$0x1] =	wrdreg $0xFFFFFFFF  }
0xc1: {  	_ =	task.clear_ibuf [dreg:s6], $0x2FFFF;
	_ =	strace $0x9FFFFFFF  }
0xc2: {  	(tm) =	ssettm $0x7FFFFFFF  }
0xc3: {  	_ =	shalt  }
tec
execute0_lowered:
.L_overlay_start_1:
0x0: {  	(tag) =	ssettag $0x1  }
0x1: {  	s0 =	rddreg [dreg:$0x0]  }
0x2: {  	s1 =	rddreg [dreg:$0x1];
	s30 =	stileid.u32  }
0x3: {  	s3 =	simm.s32 $0x0;
	s2 =	srdreg.scid;
	s7 =	smul.u32 $0x320, s30  }
0x4: {  	[smem:$0x7FF] =	sst s3;
	s2 =	sand.u32 $0x1, s2;
	s8 =	smul.u32 $0x64000, s30  }
0x5: {  	s4 =	sadd.s32 $0x41E00, s0;
	s5 =	sadd.s32 $0xFE00, s0;
	s26 =	smul.u32 $0x3200, s2  }
0x6: {  	s6 =	sadd.s32 $0x28E00, s0;
	s0 =	sadd.s32 $0xA5E00, s0;
	_ =	strace $0x8000004A  }
0x7: {  	s2 =	ssub.s32 $0x2, s2;
	s8 =	sshrl.u32 s8, $0x2;
	s7 =	sadd.s32 s7, s26  }
0x8: {  	s9 =	sshrl.u32 s2, $0x1;
	s31 =	sadd.s32 s8, s1;
	s7 =	sshll.u32 s7, $0x4  }
0x9: {  	s2 =	ssub.s32 s2, s9;
	[smem:$0x7F1] =	sst s31;
	s25 =	sadd.s32 s4, s7  }
0xa: {  	s9 =	sadd.s32 $0x400, s7;
	s10 =	sadd.s32 $0x500, s7;
	s11 =	sadd.s32 $0x900, s7  }
0xb: {  	s12 =	sadd.s32 $0xA00, s7;
	s13 =	sadd.s32 $0xE00, s7;
	s14 =	sadd.s32 $0xF00, s7  }
0xc: {  	s15 =	sadd.s32 $0x1300, s7;
	s16 =	sadd.s32 $0x1400, s7;
	s17 =	sadd.s32 $0x1800, s7  }
0xd: {  	s18 =	sadd.s32 $0x1900, s7;
	s19 =	sadd.s32 $0x1D00, s7;
	s20 =	sadd.s32 $0x1E00, s7  }
0xe: {  	s21 =	sadd.s32 $0x2200, s7;
	s22 =	sadd.s32 $0x2300, s7;
	s23 =	sadd.s32 $0x2700, s7  }
0xf: {  	s24 =	sadd.s32 $0x2800, s7;
	s28 =	sadd.s32 $0x2D00, s7;
	s29 =	sadd.s32 $0x3100, s7  }
0x10: {  	[dreg:$0x3] =	wrdreg s25;
	s25 =	sadd.s32 $0x2C00, s7;
	s7 =	sadd.s32 s0, s7  }
0x11: {  	s8 =	sadd.s32 s4, s9;
	[dreg:$0x4] =	wrdreg s7  }
0x12: {  	s9 =	sadd.s32 s0, s9;
	[dreg:$0x5] =	wrdreg s8  }
0x13: {  	[dreg:$0x6] =	wrdreg s9;
	s8 =	sadd.s32 s4, s10  }
0x14: {  	s9 =	sadd.s32 s0, s10;
	[dreg:$0x7] =	wrdreg s8  }
0x15: {  	s10 =	sadd.s32 s4, s11;
	[dreg:$0x8] =	wrdreg s9  }
0x16: {  	[dreg:$0x9] =	wrdreg s10;
	s8 =	sadd.s32 s0, s11  }
0x17: {  	s9 =	sadd.s32 s4, s12;
	[dreg:$0xa] =	wrdreg s8  }
0x18: {  	s10 =	sadd.s32 s0, s12;
	[dreg:$0xb] =	wrdreg s9  }
0x19: {  	s11 =	sadd.s32 s4, s13;
	[dreg:$0xc] =	wrdreg s10  }
0x1a: {  	s12 =	sadd.s32 s0, s13;
	[dreg:$0xd] =	wrdreg s11  }
0x1b: {  	s13 =	sadd.s32 s4, s14;
	[dreg:$0xe] =	wrdreg s12  }
0x1c: {  	[dreg:$0xf] =	wrdreg s13;
	s8 =	sadd.s32 s0, s14  }
0x1d: {  	s9 =	sadd.s32 s4, s15;
	[dreg:$0x10] =	wrdreg s8  }
0x1e: {  	s10 =	sadd.s32 s0, s15;
	[dreg:$0x11] =	wrdreg s9  }
0x1f: {  	s11 =	sadd.s32 s4, s16;
	[dreg:$0x12] =	wrdreg s10  }
0x20: {  	s12 =	sadd.s32 s0, s16;
	[dreg:$0x13] =	wrdreg s11  }
0x21: {  	s13 =	sadd.s32 s4, s17;
	[dreg:$0x14] =	wrdreg s12  }
0x22: {  	s14 =	sadd.s32 s0, s17;
	[dreg:$0x15] =	wrdreg s13  }
0x23: {  	s15 =	sadd.s32 s4, s18;
	[dreg:$0x16] =	wrdreg s14  }
0x24: {  	s16 =	sadd.s32 s0, s18;
	[dreg:$0x17] =	wrdreg s15  }
0x25: {  	s17 =	sadd.s32 s4, s19;
	[dreg:$0x18] =	wrdreg s16  }
0x26: {  	s18 =	sadd.s32 s0, s19;
	[dreg:$0x19] =	wrdreg s17  }
0x27: {  	s19 =	sadd.s32 s4, s20;
	[dreg:$0x1a] =	wrdreg s18  }
0x28: {  	s20 =	sadd.s32 s0, s20;
	[dreg:$0x1b] =	wrdreg s19  }
0x29: {  	[dreg:$0x1c] =	wrdreg s20;
	s8 =	sadd.s32 s4, s21  }
0x2a: {  	s9 =	sadd.s32 s0, s21;
	[dreg:$0x1d] =	wrdreg s8  }
0x2b: {  	s10 =	sadd.s32 s4, s22;
	[dreg:$0x1e] =	wrdreg s9  }
0x2c: {  	s11 =	sadd.s32 s0, s22;
	[dreg:$0x1f] =	wrdreg s10  }
0x2d: {  	s12 =	sadd.s32 s4, s23;
	[smem:$0x7E1] =	sst s11  }
0x2e: {  	s13 =	sadd.s32 s0, s23;
	[smem:$0x7E2] =	sst s12  }
0x2f: {  	s14 =	sadd.s32 s4, s24;
	[smem:$0x7E3] =	sst s13  }
0x30: {  	s15 =	sadd.s32 s0, s24;
	[smem:$0x7E4] =	sst s14  }
0x31: {  	s16 =	sadd.s32 s4, s25;
	[smem:$0x7E5] =	sst s15  }
0x32: {  	s17 =	sadd.s32 s0, s25;
	[smem:$0x7E6] =	sst s16  }
0x33: {  	s19 =	sadd.s32 s4, s28;
	[smem:$0x7E7] =	sst s17  }
0x34: {  	s20 =	sadd.s32 s0, s28;
	[smem:$0x7E8] =	sst s19  }
0x35: {  	s0 =	sadd.s32 s0, s29;
	[smem:$0x7E9] =	sst s20  }
0x36: {  	s21 =	sadd.s32 s4, s29;
	[smem:$0x7EA] =	sst s0  }
0x37: {  	s24 =	smax.u32 s2, $0x1;
	[smem:$0x7EB] =	sst s21  }
0x38: {  	s25 =	sadd.s32 $0xC000, s31;
	[smem:$0x7EE] =	sst s24  }
0x39: {  	s2 =	sadd.s32 $0x2000, s31;
	[smem:$0x7EF] =	sst s25  }
0x3a: {  	s18 =	smul.u32 $0xC800, s30;
	s30 =	sadd.s32 $0xF000, s31;
	[smem:$0x7F3] =	sst s2  }
0x3b: {  	s29 =	sadd.s32 $0x16800, s31;
	[smem:$0x7F6] =	sst s30  }
0x3c: {  	s8 =	sadd.s32 $0xA000, s31;
	[smem:$0x7FB] =	sst s29  }
0x3d: {  	v0 =	vmov s26;
	s26 =	simm.s32 $0x40;
	s15 =	sadd.s32 $0xC800, s31;
	[smem:$0x7F2] =	sst s8  }
0x3e: {  	s7 =	sadd.s32 $0x2800, s31;
	s21 =	sadd.s32 $0xE800, s31;
	[smem:$0x7F4] =	sst s15  }
0x3f: {  	s28 =	simm.s32 $0x2;
	s16 =	sadd.s32 $0x11000, s31;
	[smem:$0x7F5] =	sst s21  }
0x40: {  	s9 =	sadd.s32 $0x4800, s31;
	s17 =	sadd.s32 $0x11800, s31;
	[smem:$0x7F7] =	sst s16  }
0x41: {  	s10 =	sadd.s32 $0x5000, s31;
	s19 =	sadd.s32 $0x13800, s31;
	[smem:$0x7F8] =	sst s17  }
0x42: {  	s11 =	sadd.s32 $0x7000, s31;
	s20 =	sadd.s32 $0x14000, s31;
	[smem:$0x7F9] =	sst s19  }
0x43: {  	s14 =	sadd.s32 $0x7800, s31;
	s12 =	sadd.s32 $0x18800, s31;
	[smem:$0x7FA] =	sst s20  }
.Ltmp0:
0x44: {  	s22 =	sshrl.u32 s18, $0x3;
	[smem:$0x7FC] =	sst s12;
	(pc) =	sbr.rel .LBB2_1-.Ltmp0, $4  }
0x45: {  	s13 =	sadd.s32 $0x9800, s31;
	[smem:$0x7FD] =	sst s14;
	s23 =	sadd.s32 s5, s22  }
0x46: {  	s25 =	sadd.s32 $0x16000, s31;
	s0 =	sadd.s32 s6, s22;
	[smem:$0x7EC] =	sst s23  }
0x47: {  	s24 =	simm.s32 $0x4000;
	[smem:$0x7ED] =	sst s0;
	s0 =	simm.s32 $0x0  }
0x48: {  	s22 =	simm.s32 $0x2000;
	s23 =	simm.s32 $0x5;
	[smem:$0x7F0] =	sst s0  }
.LBB2_10:
0x49: {  	[bflag:$0x0] =	sbarrier.arrive $0xFFFF  }
0x4a: {  	s31 =	sld [smem:$0x7F1];
	_ =	sdelay $0x2  }
0x4b: {  	[tilespmem:s22], [sflag:$0x5] =	stream.linear.gather [spmem:s31], $0x2000, $0x38;
	[tilespmem:$0x1F100] =	vst v63  }
0x4c: {  	_ =	swait.ge [sflag:s23], $0x2000  }
0x4d: {  	[sflag:s23] =	ssyncset.done $0x0  }
0x4e: {  	s0 =	rddreg [dreg:$0x4];
	[sflag:s23] =	ssyncadd.s32 $0xFFFFE000  }
0x4f: {  	[hbm4b:s0+s3] =	stream.linear.scatter [tilespmem:s22], [sflag:$0x5], $0x2000, $0x38;
	[tilespmem:$0x1F100] =	vst v63  }
0x50: {  	_ =	swait.ge [sflag:s23], $0x2000  }
0x51: {  	s2 =	sld [smem:$0x7F3]  }
0x52: {  	[sflag:s23] =	ssyncset.done $0x0  }
0x53: {  	[sflag:s23] =	ssyncadd.s32 $0xFFFFE000  }
0x54: {  	[tilespmem:s24], [sflag:$0x5] =	stream.linear.gather [spmem:s2], $0x800, $0x38;
	[tilespmem:$0x1F100] =	vst v63  }
0x55: {  	_ =	swait.ge [sflag:s23], $0x800  }
0x56: {  	[sflag:s23] =	ssyncset.done $0x0  }
0x57: {  	s11 =	rddreg [dreg:$0x6];
	[sflag:s23] =	ssyncadd.s32 $0xFFFFF800  }
0x58: {  	[hbm4b:s11+s3] =	stream.linear.scatter [tilespmem:s24], [sflag:$0x5], $0x800, $0x38;
	[tilespmem:$0x1F100] =	vst v63  }
0x59: {  	_ =	swait.ge [sflag:s23], $0x800  }
0x5a: {  	[sflag:s23] =	ssyncset.done $0x0  }
0x5b: {  	[sflag:s23] =	ssyncadd.s32 $0xFFFFF800  }
0x5c: {  	[tilespmem:s22], [sflag:$0x5] =	stream.linear.gather [spmem:s16], $0x2000, $0x38;
	[tilespmem:$0x1F100] =	vst v63  }
0x5d: {  	_ =	swait.ge [sflag:s23], $0x2000  }
0x5e: {  	[sflag:s23] =	ssyncset.done $0x0  }
0x5f: {  	s12 =	rddreg [dreg:$0x8];
	[sflag:s23] =	ssyncadd.s32 $0xFFFFE000  }
0x60: {  	[hbm4b:s12+s3] =	stream.linear.scatter [tilespmem:s22], [sflag:$0x5], $0x2000, $0x38;
	[tilespmem:$0x1F100] =	vst v63  }
0x61: {  	_ =	swait.ge [sflag:s23], $0x2000  }
0x62: {  	[sflag:s23] =	ssyncset.done $0x0  }
0x63: {  	[sflag:s23] =	ssyncadd.s32 $0xFFFFE000  }
0x64: {  	[tilespmem:s24], [sflag:$0x5] =	stream.linear.gather [spmem:s17], $0x800, $0x38;
	[tilespmem:$0x1F100] =	vst v63  }
0x65: {  	_ =	swait.ge [sflag:s23], $0x800  }
0x66: {  	[sflag:s23] =	ssyncset.done $0x0  }
0x67: {  	s13 =	rddreg [dreg:$0xa];
	[sflag:s23] =	ssyncadd.s32 $0xFFFFF800  }
0x68: {  	[hbm4b:s13+s3] =	stream.linear.scatter [tilespmem:s24], [sflag:$0x5], $0x800, $0x38;
	[tilespmem:$0x1F100] =	vst v63  }
0x69: {  	_ =	swait.ge [sflag:s23], $0x800  }
0x6a: {  	[sflag:s23] =	ssyncset.done $0x0  }
0x6b: {  	[sflag:s23] =	ssyncadd.s32 $0xFFFFF800  }
0x6c: {  	[tilespmem:s22], [sflag:$0x5] =	stream.linear.gather [spmem:s19], $0x2000, $0x38;
	[tilespmem:$0x1F100] =	vst v63  }
0x6d: {  	_ =	swait.ge [sflag:s23], $0x2000  }
0x6e: {  	[sflag:s23] =	ssyncset.done $0x0  }
0x6f: {  	s14 =	rddreg [dreg:$0xc];
	[sflag:s23] =	ssyncadd.s32 $0xFFFFE000  }
0x70: {  	[hbm4b:s14+s3] =	stream.linear.scatter [tilespmem:s22], [sflag:$0x5], $0x2000, $0x38;
	[tilespmem:$0x1F100] =	vst v63  }
0x71: {  	_ =	swait.ge [sflag:s23], $0x2000  }
0x72: {  	[sflag:s23] =	ssyncset.done $0x0  }
0x73: {  	[sflag:s23] =	ssyncadd.s32 $0xFFFFE000  }
0x74: {  	[tilespmem:s24], [sflag:$0x5] =	stream.linear.gather [spmem:s20], $0x800, $0x38;
	[tilespmem:$0x1F100] =	vst v63  }
0x75: {  	_ =	swait.ge [sflag:s23], $0x800  }
0x76: {  	[sflag:s23] =	ssyncset.done $0x0  }
0x77: {  	s7 =	smov.u32 s16;
	s16 =	rddreg [dreg:$0xe];
	[sflag:s23] =	ssyncadd.s32 $0xFFFFF800  }
0x78: {  	[hbm4b:s16+s3] =	stream.linear.scatter [tilespmem:s24], [sflag:$0x5], $0x800, $0x38;
	[tilespmem:$0x1F100] =	vst v63  }
0x79: {  	_ =	swait.ge [sflag:s23], $0x800  }
0x7a: {  	[sflag:s23] =	ssyncset.done $0x0  }
0x7b: {  	[sflag:s23] =	ssyncadd.s32 $0xFFFFF800  }
0x7c: {  	[tilespmem:s22], [sflag:$0x5] =	stream.linear.gather [spmem:s21], $0x2000, $0x38;
	[tilespmem:$0x1F100] =	vst v63  }
0x7d: {  	_ =	swait.ge [sflag:s23], $0x2000  }
0x7e: {  	[sflag:s23] =	ssyncset.done $0x0  }
0x7f: {  	s9 =	smov.u32 s17;
	s17 =	rddreg [dreg:$0x10];
	[sflag:s23] =	ssyncadd.s32 $0xFFFFE000  }
0x80: {  	[hbm4b:s17+s3] =	stream.linear.scatter [tilespmem:s22], [sflag:$0x5], $0x2000, $0x38;
	[tilespmem:$0x1F100] =	vst v63  }
0x81: {  	_ =	swait.ge [sflag:s23], $0x2000  }
0x82: {  	[sflag:s23] =	ssyncset.done $0x0  }
0x83: {  	[sflag:s23] =	ssyncadd.s32 $0xFFFFE000  }
0x84: {  	[tilespmem:s24], [sflag:$0x5] =	stream.linear.gather [spmem:s8], $0x800, $0x38;
	[tilespmem:$0x1F100] =	vst v63  }
0x85: {  	_ =	swait.ge [sflag:s23], $0x800  }
0x86: {  	[sflag:s23] =	ssyncset.done $0x0  }
0x87: {  	s10 =	smov.u32 s19;
	s19 =	rddreg [dreg:$0x12];
	[sflag:s23] =	ssyncadd.s32 $0xFFFFF800  }
0x88: {  	[hbm4b:s19+s3] =	stream.linear.scatter [tilespmem:s24], [sflag:$0x5], $0x800, $0x38;
	[tilespmem:$0x1F100] =	vst v63  }
0x89: {  	_ =	swait.ge [sflag:s23], $0x800  }
0x8a: {  	s14 =	smov.u32 s8;
	s8 =	sld [smem:$0x7F2]  }
0x8b: {  	[sflag:s23] =	ssyncset.done $0x0  }
0x8c: {  	[sflag:s23] =	ssyncadd.s32 $0xFFFFF800  }
0x8d: {  	[tilespmem:s22], [sflag:$0x5] =	stream.linear.gather [spmem:s8], $0x2000, $0x38;
	[tilespmem:$0x1F100] =	vst v63  }
0x8e: {  	_ =	swait.ge [sflag:s23], $0x2000  }
0x8f: {  	[sflag:s23] =	ssyncset.done $0x0  }
0x90: {  	s11 =	smov.u32 s20;
	s20 =	rddreg [dreg:$0x14];
	[sflag:s23] =	ssyncadd.s32 $0xFFFFE000  }
0x91: {  	[hbm4b:s20+s3] =	stream.linear.scatter [tilespmem:s22], [sflag:$0x5], $0x2000, $0x38;
	[tilespmem:$0x1F100] =	vst v63  }
0x92: {  	_ =	swait.ge [sflag:s23], $0x2000  }
0x93: {  	[sflag:s23] =	ssyncset.done $0x0  }
0x94: {  	[sflag:s23] =	ssyncadd.s32 $0xFFFFE000  }
0x95: {  	[tilespmem:s24], [sflag:$0x5] =	stream.linear.gather [spmem:s15], $0x800, $0x38;
	[tilespmem:$0x1F100] =	vst v63  }
0x96: {  	_ =	swait.ge [sflag:s23], $0x800  }
0x97: {  	[sflag:s23] =	ssyncset.done $0x0  }
0x98: {  	s21 =	rddreg [dreg:$0x16];
	[sflag:s23] =	ssyncadd.s32 $0xFFFFF800  }
0x99: {  	[hbm4b:s21+s3] =	stream.linear.scatter [tilespmem:s24], [sflag:$0x5], $0x800, $0x38;
	[tilespmem:$0x1F100] =	vst v63  }
0x9a: {  	_ =	swait.ge [sflag:s23], $0x800  }
0x9b: {  	s15 =	sld [smem:$0x7F4]  }
0x9c: {  	[sflag:s23] =	ssyncset.done $0x0  }
0x9d: {  	[sflag:s23] =	ssyncadd.s32 $0xFFFFF800  }
0x9e: {  	[tilespmem:s22], [sflag:$0x5] =	stream.linear.gather [spmem:s15], $0x2000, $0x38;
	[tilespmem:$0x1F100] =	vst v63  }
0x9f: {  	_ =	swait.ge [sflag:s23], $0x2000  }
0xa0: {  	[sflag:s23] =	ssyncset.done $0x0  }
0xa1: {  	s12 =	rddreg [dreg:$0x18];
	[sflag:s23] =	ssyncadd.s32 $0xFFFFE000  }
0xa2: {  	[hbm4b:s12+s3] =	stream.linear.scatter [tilespmem:s22], [sflag:$0x5], $0x2000, $0x38;
	[tilespmem:$0x1F100] =	vst v63  }
0xa3: {  	_ =	swait.ge [sflag:s23], $0x2000  }
0xa4: {  	s21 =	sld [smem:$0x7F5]  }
0xa5: {  	[sflag:s23] =	ssyncset.done $0x0  }
0xa6: {  	[sflag:s23] =	ssyncadd.s32 $0xFFFFE000  }
0xa7: {  	[tilespmem:s24], [sflag:$0x5] =	stream.linear.gather [spmem:s21], $0x800, $0x38;
	[tilespmem:$0x1F100] =	vst v63  }
0xa8: {  	_ =	swait.ge [sflag:s23], $0x800  }
0xa9: {  	[sflag:s23] =	ssyncset.done $0x0  }
0xaa: {  	s13 =	rddreg [dreg:$0x1a];
	[sflag:s23] =	ssyncadd.s32 $0xFFFFF800  }
0xab: {  	[hbm4b:s13+s3] =	stream.linear.scatter [tilespmem:s24], [sflag:$0x5], $0x800, $0x38;
	[tilespmem:$0x1F100] =	vst v63  }
0xac: {  	_ =	swait.ge [sflag:s23], $0x800  }
0xad: {  	s30 =	sld [smem:$0x7F6]  }
0xae: {  	[sflag:s23] =	ssyncset.done $0x0  }
0xaf: {  	[sflag:s23] =	ssyncadd.s32 $0xFFFFF800  }
0xb0: {  	[tilespmem:s22], [sflag:$0x5] =	stream.linear.gather [spmem:s30], $0x2000, $0x38;
	[tilespmem:$0x1F100] =	vst v63  }
0xb1: {  	_ =	swait.ge [sflag:s23], $0x2000  }
0xb2: {  	[sflag:s23] =	ssyncset.done $0x0  }
0xb3: {  	s16 =	rddreg [dreg:$0x1c];
	[sflag:s23] =	ssyncadd.s32 $0xFFFFE000  }
0xb4: {  	[hbm4b:s16+s3] =	stream.linear.scatter [tilespmem:s22], [sflag:$0x5], $0x2000, $0x38;
	[tilespmem:$0x1F100] =	vst v63  }
0xb5: {  	_ =	swait.ge [sflag:s23], $0x2000  }
0xb6: {  	s16 =	sld [smem:$0x7F7]  }
0xb7: {  	[sflag:s23] =	ssyncset.done $0x0  }
0xb8: {  	[sflag:s23] =	ssyncadd.s32 $0xFFFFE000  }
0xb9: {  	[tilespmem:s24], [sflag:$0x5] =	stream.linear.gather [spmem:s16], $0x800, $0x38;
	[tilespmem:$0x1F100] =	vst v63  }
0xba: {  	_ =	swait.ge [sflag:s23], $0x800  }
0xbb: {  	[sflag:s23] =	ssyncset.done $0x0  }
0xbc: {  	s17 =	rddreg [dreg:$0x1e];
	[sflag:s23] =	ssyncadd.s32 $0xFFFFF800  }
0xbd: {  	[hbm4b:s17+s3] =	stream.linear.scatter [tilespmem:s24], [sflag:$0x5], $0x800, $0x38;
	[tilespmem:$0x1F100] =	vst v63  }
0xbe: {  	_ =	swait.ge [sflag:s23], $0x800  }
0xbf: {  	s17 =	sld [smem:$0x7F8]  }
0xc0: {  	[sflag:s23] =	ssyncset.done $0x0  }
0xc1: {  	[sflag:s23] =	ssyncadd.s32 $0xFFFFF800  }
0xc2: {  	[tilespmem:s22], [sflag:$0x5] =	stream.linear.gather [spmem:s17], $0x2000, $0x38;
	[tilespmem:$0x1F100] =	vst v63  }
0xc3: {  	_ =	swait.ge [sflag:s23], $0x2000  }
0xc4: {  	s19 =	sld [smem:$0x7E1]  }
0xc5: {  	[sflag:s23] =	ssyncset.done $0x0  }
0xc6: {  	[sflag:s23] =	ssyncadd.s32 $0xFFFFE000  }
0xc7: {  	[hbm4b:s19+s3] =	stream.linear.scatter [tilespmem:s22], [sflag:$0x5], $0x2000, $0x38;
	[tilespmem:$0x1F100] =	vst v63  }
0xc8: {  	_ =	swait.ge [sflag:s23], $0x2000  }
0xc9: {  	s19 =	sld [smem:$0x7F9]  }
0xca: {  	[sflag:s23] =	ssyncset.done $0x0  }
0xcb: {  	[sflag:s23] =	ssyncadd.s32 $0xFFFFE000  }
0xcc: {  	[tilespmem:s24], [sflag:$0x5] =	stream.linear.gather [spmem:s19], $0x800, $0x38;
	[tilespmem:$0x1F100] =	vst v63  }
0xcd: {  	_ =	swait.ge [sflag:s23], $0x800  }
0xce: {  	s20 =	sld [smem:$0x7E3]  }
0xcf: {  	[sflag:s23] =	ssyncset.done $0x0  }
0xd0: {  	[sflag:s23] =	ssyncadd.s32 $0xFFFFF800  }
0xd1: {  	[hbm4b:s20+s3] =	stream.linear.scatter [tilespmem:s24], [sflag:$0x5], $0x800, $0x38;
	[tilespmem:$0x1F100] =	vst v63  }
0xd2: {  	_ =	swait.ge [sflag:s23], $0x800  }
0xd3: {  	s20 =	sld [smem:$0x7FA]  }
0xd4: {  	[sflag:s23] =	ssyncset.done $0x0  }
0xd5: {  	[sflag:s23] =	ssyncadd.s32 $0xFFFFF800  }
0xd6: {  	[tilespmem:s22], [sflag:$0x5] =	stream.linear.gather [spmem:s20], $0x2000, $0x38;
	[tilespmem:$0x1F100] =	vst v63  }
0xd7: {  	_ =	swait.ge [sflag:s23], $0x2000  }
0xd8: {  	s12 =	sld [smem:$0x7E5]  }
0xd9: {  	[sflag:s23] =	ssyncset.done $0x0  }
0xda: {  	[sflag:s23] =	ssyncadd.s32 $0xFFFFE000  }
0xdb: {  	[hbm4b:s12+s3] =	stream.linear.scatter [tilespmem:s22], [sflag:$0x5], $0x2000, $0x38;
	[tilespmem:$0x1F100] =	vst v63  }
0xdc: {  	_ =	swait.ge [sflag:s23], $0x2000  }
0xdd: {  	[sflag:s23] =	ssyncset.done $0x0  }
0xde: {  	[sflag:s23] =	ssyncadd.s32 $0xFFFFE000  }
0xdf: {  	[tilespmem:s24], [sflag:$0x5] =	stream.linear.gather [spmem:s25], $0x800, $0x38;
	[tilespmem:$0x1F100] =	vst v63  }
0xe0: {  	_ =	swait.ge [sflag:s23], $0x800  }
0xe1: {  	s13 =	sld [smem:$0x7E7]  }
0xe2: {  	[sflag:s23] =	ssyncset.done $0x0  }
0xe3: {  	[sflag:s23] =	ssyncadd.s32 $0xFFFFF800  }
0xe4: {  	[hbm4b:s13+s3] =	stream.linear.scatter [tilespmem:s24], [sflag:$0x5], $0x800, $0x38;
	[tilespmem:$0x1F100] =	vst v63  }
0xe5: {  	_ =	swait.ge [sflag:s23], $0x800  }
0xe6: {  	s29 =	sld [smem:$0x7FB]  }
0xe7: {  	[sflag:s23] =	ssyncset.done $0x0  }
0xe8: {  	[sflag:s23] =	ssyncadd.s32 $0xFFFFF800  }
0xe9: {  	[tilespmem:s22], [sflag:$0x5] =	stream.linear.gather [spmem:s29], $0x2000, $0x38;
	[tilespmem:$0x1F100] =	vst v63  }
0xea: {  	_ =	swait.ge [sflag:s23], $0x2000  }
0xeb: {  	s12 =	sld [smem:$0x7E9]  }
0xec: {  	[sflag:s23] =	ssyncset.done $0x0  }
0xed: {  	[sflag:s23] =	ssyncadd.s32 $0xFFFFE000  }
0xee: {  	[hbm4b:s12+s3] =	stream.linear.scatter [tilespmem:s22], [sflag:$0x5], $0x2000, $0x38;
	[tilespmem:$0x1F100] =	vst v63  }
0xef: {  	_ =	swait.ge [sflag:s23], $0x2000  }
0xf0: {  	s12 =	sld [smem:$0x7FC]  }
0xf1: {  	[sflag:s23] =	ssyncset.done $0x0  }
0xf2: {  	[sflag:s23] =	ssyncadd.s32 $0xFFFFE000  }
0xf3: {  	[tilespmem:s24], [sflag:$0x5] =	stream.linear.gather [spmem:s12], $0x800, $0x38;
	[tilespmem:$0x1F100] =	vst v63  }
0xf4: {  	_ =	swait.ge [sflag:s23], $0x800  }
0xf5: {  	s13 =	sld [smem:$0x7EA]  }
0xf6: {  	[sflag:s23] =	ssyncset.done $0x0  }
0xf7: {  	[sflag:s23] =	ssyncadd.s32 $0xFFFFF800  }
0xf8: {  	[hbm4b:s13+s3] =	stream.linear.scatter [tilespmem:s24], [sflag:$0x5], $0x800, $0x38;
	[tilespmem:$0x1F100] =	vst v63  }
0xf9: {  	_ =	swait.ge [sflag:s23], $0x800  }
0xfa: {  	s13 =	sld [smem:$0x7F0]  }
0xfb: {  	s0 =	sld [smem:$0x7EE];
	_ =	sdelay $0x1  }
0xfc: {  	s13 =	sadd.s32 $0x1, s13  }
0xfd: {  	p0 =	sne.s32 s13, s0  }
.Ltmp1:
0xfe: {  	_ = 	snop;
	(pc) =	sbr.rel @!p0 .LBB2_11-.Ltmp1, $3  }
0xff: {  	_ =	sdelay $0x1  }
0x100: {  	[sflag:s23] =	ssyncset.done $0x0;
	[smem:$0x7F0] =	sst s13  }
0x101: {  	[sflag:s23] =	ssyncadd.s32 $0xFFFFF800;
	s13 =	smov.u32 s14;
	s14 =	sld [smem:$0x7FD]  }
.LBB2_1:
0x102: {  	s0 =	rddreg [dreg:$0x3]  }
0x103: {  	[tilespmem:s22], [sflag:$0x5] =	stream.linear.gather [hbm4b:s0+s3], $0x2000, $0x38;
	[tilespmem:$0x1F100] =	vst v63  }
0x104: {  	_ =	swait.ge [sflag:s23], $0x2000  }
0x105: {  	[sflag:s23] =	ssyncset.done $0x0  }
0x106: {  	[sflag:s23] =	ssyncadd.s32 $0xFFFFE000  }
0x107: {  	[spmem:s31] =	stream.linear.scatter [tilespmem:s22], [sflag:$0x5], $0x2000, $0x38;
	[tilespmem:$0x1F100] =	vst v63  }
0x108: {  	_ =	swait.ge [sflag:s23], $0x2000  }
0x109: {  	[sflag:s23] =	ssyncset.done $0x0  }
0x10a: {  	s31 =	rddreg [dreg:$0x5];
	[sflag:s23] =	ssyncadd.s32 $0xFFFFE000  }
0x10b: {  	[tilespmem:s24], [sflag:$0x5] =	stream.linear.gather [hbm4b:s31+s3], $0x800, $0x38;
	[tilespmem:$0x1F100] =	vst v63  }
0x10c: {  	_ =	swait.ge [sflag:s23], $0x800  }
0x10d: {  	[sflag:s23] =	ssyncset.done $0x0  }
0x10e: {  	[sflag:s23] =	ssyncadd.s32 $0xFFFFF800  }
0x10f: {  	[spmem:s2] =	stream.linear.scatter [tilespmem:s24], [sflag:$0x5], $0x800, $0x38;
	[tilespmem:$0x1F100] =	vst v63  }
0x110: {  	_ =	swait.ge [sflag:s23], $0x800  }
0x111: {  	[sflag:s23] =	ssyncset.done $0x0  }
0x112: {  	s2 =	rddreg [dreg:$0x7];
	[sflag:s23] =	ssyncadd.s32 $0xFFFFF800  }
0x113: {  	[tilespmem:s22], [sflag:$0x5] =	stream.linear.gather [hbm4b:s2+s3], $0x2000, $0x38;
	[tilespmem:$0x1F100] =	vst v63  }
0x114: {  	_ =	swait.ge [sflag:s23], $0x2000  }
0x115: {  	[sflag:s23] =	ssyncset.done $0x0  }
0x116: {  	[sflag:s23] =	ssyncadd.s32 $0xFFFFE000  }
0x117: {  	[spmem:s7] =	stream.linear.scatter [tilespmem:s22], [sflag:$0x5], $0x2000, $0x38;
	[tilespmem:$0x1F100] =	vst v63  }
0x118: {  	_ =	swait.ge [sflag:s23], $0x2000  }
0x119: {  	s2 =	smov.u32 s16;
	[sflag:s23] =	ssyncset.done $0x0  }
0x11a: {  	s16 =	smov.u32 s7;
	s7 =	rddreg [dreg:$0x9];
	[sflag:s23] =	ssyncadd.s32 $0xFFFFE000  }
0x11b: {  	[tilespmem:s24], [sflag:$0x5] =	stream.linear.gather [hbm4b:s7+s3], $0x800, $0x38;
	[tilespmem:$0x1F100] =	vst v63  }
0x11c: {  	_ =	swait.ge [sflag:s23], $0x800  }
0x11d: {  	[sflag:s23] =	ssyncset.done $0x0  }
0x11e: {  	[sflag:s23] =	ssyncadd.s32 $0xFFFFF800  }
0x11f: {  	[spmem:s9] =	stream.linear.scatter [tilespmem:s24], [sflag:$0x5], $0x800, $0x38;
	[tilespmem:$0x1F100] =	vst v63  }
0x120: {  	_ =	swait.ge [sflag:s23], $0x800  }
0x121: {  	s7 =	smov.u32 s17;
	[sflag:s23] =	ssyncset.done $0x0  }
0x122: {  	s17 =	smov.u32 s9;
	s9 =	rddreg [dreg:$0xb];
	[sflag:s23] =	ssyncadd.s32 $0xFFFFF800  }
0x123: {  	[tilespmem:s22], [sflag:$0x5] =	stream.linear.gather [hbm4b:s9+s3], $0x2000, $0x38;
	[tilespmem:$0x1F100] =	vst v63  }
0x124: {  	_ =	swait.ge [sflag:s23], $0x2000  }
0x125: {  	[sflag:s23] =	ssyncset.done $0x0  }
0x126: {  	[sflag:s23] =	ssyncadd.s32 $0xFFFFE000  }
0x127: {  	[spmem:s10] =	stream.linear.scatter [tilespmem:s22], [sflag:$0x5], $0x2000, $0x38;
	[tilespmem:$0x1F100] =	vst v63  }
0x128: {  	_ =	swait.ge [sflag:s23], $0x2000  }
0x129: {  	s9 =	smov.u32 s19;
	[sflag:s23] =	ssyncset.done $0x0  }
0x12a: {  	s19 =	smov.u32 s10;
	s10 =	rddreg [dreg:$0xd];
	[sflag:s23] =	ssyncadd.s32 $0xFFFFE000  }
0x12b: {  	[tilespmem:s24], [sflag:$0x5] =	stream.linear.gather [hbm4b:s10+s3], $0x800, $0x38;
	[tilespmem:$0x1F100] =	vst v63  }
0x12c: {  	_ =	swait.ge [sflag:s23], $0x800  }
0x12d: {  	[sflag:s23] =	ssyncset.done $0x0  }
0x12e: {  	[sflag:s23] =	ssyncadd.s32 $0xFFFFF800  }
0x12f: {  	[spmem:s11] =	stream.linear.scatter [tilespmem:s24], [sflag:$0x5], $0x800, $0x38;
	[tilespmem:$0x1F100] =	vst v63  }
0x130: {  	_ =	swait.ge [sflag:s23], $0x800  }
0x131: {  	[sflag:s23] =	ssyncset.done $0x0  }
0x132: {  	s31 =	rddreg [dreg:$0xf];
	[sflag:s23] =	ssyncadd.s32 $0xFFFFF800  }
0x133: {  	[tilespmem:s22], [sflag:$0x5] =	stream.linear.gather [hbm4b:s31+s3], $0x2000, $0x38;
	[tilespmem:$0x1F100] =	vst v63  }
0x134: {  	_ =	swait.ge [sflag:s23], $0x2000  }
0x135: {  	[sflag:s23] =	ssyncset.done $0x0  }
0x136: {  	[sflag:s23] =	ssyncadd.s32 $0xFFFFE000  }
0x137: {  	[spmem:s14] =	stream.linear.scatter [tilespmem:s22], [sflag:$0x5], $0x2000, $0x38;
	[tilespmem:$0x1F100] =	vst v63  }
0x138: {  	_ =	swait.ge [sflag:s23], $0x2000  }
0x139: {  	s10 =	smov.u32 s20;
	[sflag:s23] =	ssyncset.done $0x0  }
0x13a: {  	s20 =	smov.u32 s11;
	s11 =	rddreg [dreg:$0x11];
	[sflag:s23] =	ssyncadd.s32 $0xFFFFE000  }
0x13b: {  	[tilespmem:s24], [sflag:$0x5] =	stream.linear.gather [hbm4b:s11+s3], $0x800, $0x38;
	[tilespmem:$0x1F100] =	vst v63  }
0x13c: {  	_ =	swait.ge [sflag:s23], $0x800  }
0x13d: {  	[sflag:s23] =	ssyncset.done $0x0  }
0x13e: {  	[sflag:s23] =	ssyncadd.s32 $0xFFFFF800  }
0x13f: {  	[spmem:s13] =	stream.linear.scatter [tilespmem:s24], [sflag:$0x5], $0x800, $0x38;
	[tilespmem:$0x1F100] =	vst v63  }
0x140: {  	_ =	swait.ge [sflag:s23], $0x800  }
0x141: {  	[sflag:s23] =	ssyncset.done $0x0  }
0x142: {  	s31 =	rddreg [dreg:$0x13];
	[sflag:s23] =	ssyncadd.s32 $0xFFFFF800  }
0x143: {  	[tilespmem:s22], [sflag:$0x5] =	stream.linear.gather [hbm4b:s31+s3], $0x2000, $0x38;
	[tilespmem:$0x1F100] =	vst v63  }
0x144: {  	_ =	swait.ge [sflag:s23], $0x2000  }
0x145: {  	[sflag:s23] =	ssyncset.done $0x0  }
0x146: {  	[sflag:s23] =	ssyncadd.s32 $0xFFFFE000  }
0x147: {  	[spmem:s8] =	stream.linear.scatter [tilespmem:s22], [sflag:$0x5], $0x2000, $0x38;
	[tilespmem:$0x1F100] =	vst v63  }
0x148: {  	_ =	swait.ge [sflag:s23], $0x2000  }
0x149: {  	[sflag:s23] =	ssyncset.done $0x0  }
0x14a: {  	s11 =	rddreg [dreg:$0x15];
	[sflag:s23] =	ssyncadd.s32 $0xFFFFE000  }
0x14b: {  	[tilespmem:s24], [sflag:$0x5] =	stream.linear.gather [hbm4b:s11+s3], $0x800, $0x38;
	[tilespmem:$0x1F100] =	vst v63  }
0x14c: {  	_ =	swait.ge [sflag:s23], $0x800  }
0x14d: {  	s8 =	sld [smem:$0x7EF]  }
0x14e: {  	[sflag:s23] =	ssyncset.done $0x0  }
0x14f: {  	[sflag:s23] =	ssyncadd.s32 $0xFFFFF800  }
0x150: {  	[spmem:s8] =	stream.linear.scatter [tilespmem:s24], [sflag:$0x5], $0x800, $0x38;
	[tilespmem:$0x1F100] =	vst v63  }
0x151: {  	_ =	swait.ge [sflag:s23], $0x800  }
0x152: {  	[sflag:s23] =	ssyncset.done $0x0  }
0x153: {  	s31 =	rddreg [dreg:$0x17];
	[sflag:s23] =	ssyncadd.s32 $0xFFFFF800  }
0x154: {  	[tilespmem:s22], [sflag:$0x5] =	stream.linear.gather [hbm4b:s31+s3], $0x2000, $0x38;
	[tilespmem:$0x1F100] =	vst v63  }
0x155: {  	_ =	swait.ge [sflag:s23], $0x2000  }
0x156: {  	[sflag:s23] =	ssyncset.done $0x0  }
0x157: {  	[sflag:s23] =	ssyncadd.s32 $0xFFFFE000  }
0x158: {  	[spmem:s15] =	stream.linear.scatter [tilespmem:s22], [sflag:$0x5], $0x2000, $0x38;
	[tilespmem:$0x1F100] =	vst v63  }
0x159: {  	_ =	swait.ge [sflag:s23], $0x2000  }
0x15a: {  	[sflag:s23] =	ssyncset.done $0x0  }
0x15b: {  	s11 =	rddreg [dreg:$0x19];
	[sflag:s23] =	ssyncadd.s32 $0xFFFFE000  }
0x15c: {  	[tilespmem:s24], [sflag:$0x5] =	stream.linear.gather [hbm4b:s11+s3], $0x800, $0x38;
	[tilespmem:$0x1F100] =	vst v63  }
0x15d: {  	_ =	swait.ge [sflag:s23], $0x800  }
0x15e: {  	[sflag:s23] =	ssyncset.done $0x0  }
0x15f: {  	[sflag:s23] =	ssyncadd.s32 $0xFFFFF800  }
0x160: {  	[spmem:s21] =	stream.linear.scatter [tilespmem:s24], [sflag:$0x5], $0x800, $0x38;
	[tilespmem:$0x1F100] =	vst v63  }
0x161: {  	_ =	swait.ge [sflag:s23], $0x800  }
0x162: {  	[sflag:s23] =	ssyncset.done $0x0  }
0x163: {  	s15 =	rddreg [dreg:$0x1b];
	[sflag:s23] =	ssyncadd.s32 $0xFFFFF800  }
0x164: {  	[tilespmem:s22], [sflag:$0x5] =	stream.linear.gather [hbm4b:s15+s3], $0x2000, $0x38;
	[tilespmem:$0x1F100] =	vst v63  }
0x165: {  	_ =	swait.ge [sflag:s23], $0x2000  }
0x166: {  	[sflag:s23] =	ssyncset.done $0x0  }
0x167: {  	[sflag:s23] =	ssyncadd.s32 $0xFFFFE000  }
0x168: {  	[spmem:s30] =	stream.linear.scatter [tilespmem:s22], [sflag:$0x5], $0x2000, $0x38;
	[tilespmem:$0x1F100] =	vst v63  }
0x169: {  	_ =	swait.ge [sflag:s23], $0x2000  }
0x16a: {  	[sflag:s23] =	ssyncset.done $0x0  }
0x16b: {  	s21 =	rddreg [dreg:$0x1d];
	[sflag:s23] =	ssyncadd.s32 $0xFFFFE000  }
0x16c: {  	[tilespmem:s24], [sflag:$0x5] =	stream.linear.gather [hbm4b:s21+s3], $0x800, $0x38;
	[tilespmem:$0x1F100] =	vst v63  }
0x16d: {  	_ =	swait.ge [sflag:s23], $0x800  }
0x16e: {  	[sflag:s23] =	ssyncset.done $0x0  }
0x16f: {  	[sflag:s23] =	ssyncadd.s32 $0xFFFFF800  }
0x170: {  	[spmem:s2] =	stream.linear.scatter [tilespmem:s24], [sflag:$0x5], $0x800, $0x38;
	[tilespmem:$0x1F100] =	vst v63  }
0x171: {  	_ =	swait.ge [sflag:s23], $0x800  }
0x172: {  	[sflag:s23] =	ssyncset.done $0x0  }
0x173: {  	s30 =	rddreg [dreg:$0x1f];
	[sflag:s23] =	ssyncadd.s32 $0xFFFFF800  }
0x174: {  	[tilespmem:s22], [sflag:$0x5] =	stream.linear.gather [hbm4b:s30+s3], $0x2000, $0x38;
	[tilespmem:$0x1F100] =	vst v63  }
0x175: {  	_ =	swait.ge [sflag:s23], $0x2000  }
0x176: {  	[sflag:s23] =	ssyncset.done $0x0  }
0x177: {  	[sflag:s23] =	ssyncadd.s32 $0xFFFFE000  }
0x178: {  	[spmem:s7] =	stream.linear.scatter [tilespmem:s22], [sflag:$0x5], $0x2000, $0x38;
	[tilespmem:$0x1F100] =	vst v63  }
0x179: {  	_ =	swait.ge [sflag:s23], $0x2000  }
0x17a: {  	s31 =	sld [smem:$0x7E2]  }
0x17b: {  	[sflag:s23] =	ssyncset.done $0x0  }
0x17c: {  	[sflag:s23] =	ssyncadd.s32 $0xFFFFE000  }
0x17d: {  	[tilespmem:s24], [sflag:$0x5] =	stream.linear.gather [hbm4b:s31+s3], $0x800, $0x38;
	[tilespmem:$0x1F100] =	vst v63  }
0x17e: {  	_ =	swait.ge [sflag:s23], $0x800  }
0x17f: {  	[sflag:s23] =	ssyncset.done $0x0  }
0x180: {  	[sflag:s23] =	ssyncadd.s32 $0xFFFFF800  }
0x181: {  	[spmem:s9] =	stream.linear.scatter [tilespmem:s24], [sflag:$0x5], $0x800, $0x38;
	[tilespmem:$0x1F100] =	vst v63  }
0x182: {  	_ =	swait.ge [sflag:s23], $0x800  }
0x183: {  	s2 =	sld [smem:$0x7E4]  }
0x184: {  	[sflag:s23] =	ssyncset.done $0x0  }
0x185: {  	[sflag:s23] =	ssyncadd.s32 $0xFFFFF800  }
0x186: {  	[tilespmem:s22], [sflag:$0x5] =	stream.linear.gather [hbm4b:s2+s3], $0x2000, $0x38;
	[tilespmem:$0x1F100] =	vst v63  }
0x187: {  	_ =	swait.ge [sflag:s23], $0x2000  }
0x188: {  	[sflag:s23] =	ssyncset.done $0x0  }
0x189: {  	[sflag:s23] =	ssyncadd.s32 $0xFFFFE000  }
0x18a: {  	[spmem:s10] =	stream.linear.scatter [tilespmem:s22], [sflag:$0x5], $0x2000, $0x38;
	[tilespmem:$0x1F100] =	vst v63  }
0x18b: {  	_ =	swait.ge [sflag:s23], $0x2000  }
0x18c: {  	s7 =	sld [smem:$0x7E6]  }
0x18d: {  	[sflag:s23] =	ssyncset.done $0x0  }
0x18e: {  	[sflag:s23] =	ssyncadd.s32 $0xFFFFE000  }
0x18f: {  	[tilespmem:s24], [sflag:$0x5] =	stream.linear.gather [hbm4b:s7+s3], $0x800, $0x38;
	[tilespmem:$0x1F100] =	vst v63  }
0x190: {  	_ =	swait.ge [sflag:s23], $0x800  }
0x191: {  	[sflag:s23] =	ssyncset.done $0x0  }
0x192: {  	[sflag:s23] =	ssyncadd.s32 $0xFFFFF800  }
0x193: {  	[spmem:s25] =	stream.linear.scatter [tilespmem:s24], [sflag:$0x5], $0x800, $0x38;
	[tilespmem:$0x1F100] =	vst v63  }
0x194: {  	_ =	swait.ge [sflag:s23], $0x800  }
0x195: {  	s9 =	sld [smem:$0x7E8]  }
0x196: {  	[sflag:s23] =	ssyncset.done $0x0  }
0x197: {  	[sflag:s23] =	ssyncadd.s32 $0xFFFFF800  }
0x198: {  	[tilespmem:s22], [sflag:$0x5] =	stream.linear.gather [hbm4b:s9+s3], $0x2000, $0x38;
	[tilespmem:$0x1F100] =	vst v63  }
0x199: {  	_ =	swait.ge [sflag:s23], $0x2000  }
0x19a: {  	[sflag:s23] =	ssyncset.done $0x0  }
0x19b: {  	[sflag:s23] =	ssyncadd.s32 $0xFFFFE000  }
0x19c: {  	[spmem:s29] =	stream.linear.scatter [tilespmem:s22], [sflag:$0x5], $0x2000, $0x38;
	[tilespmem:$0x1F100] =	vst v63  }
0x19d: {  	_ =	swait.ge [sflag:s23], $0x2000  }
0x19e: {  	s10 =	sld [smem:$0x7EB]  }
0x19f: {  	[sflag:s23] =	ssyncset.done $0x0  }
0x1a0: {  	[sflag:s23] =	ssyncadd.s32 $0xFFFFE000  }
0x1a1: {  	[tilespmem:s24], [sflag:$0x5] =	stream.linear.gather [hbm4b:s10+s3], $0x800, $0x38;
	[tilespmem:$0x1F100] =	vst v63  }
0x1a2: {  	_ =	swait.ge [sflag:s23], $0x800  }
0x1a3: {  	[sflag:s23] =	ssyncset.done $0x0  }
0x1a4: {  	[sflag:s23] =	ssyncadd.s32 $0xFFFFF800  }
0x1a5: {  	[spmem:s12] =	stream.linear.scatter [tilespmem:s24], [sflag:$0x5], $0x800, $0x38;
	[tilespmem:$0x1F100] =	vst v63  }
0x1a6: {  	_ =	swait.ge [sflag:s23], $0x800  }
0x1a7: {  	[sflag:s23] =	ssyncset.done $0x0  }
0x1a8: {  	[sflag:s23] =	ssyncadd.s32 $0xFFFFF800  }
0x1a9: {  	[bflag:$0x0] =	sbarrier.arrive $0xFFFF  }
0x1aa: {  	s11 =	sld [smem:$0x7EC];
	_ =	sdelay $0x1  }
0x1ab: {  	s12 =	sld [smem:$0x7ED]  }
0x1ac: {  	[tilespmem:s3], [sflag:$0x3] =	stream.linear.gather [hbm4b:s11+s3], $0x800, $0x38;
	[tilespmem:$0x1F100] =	vst v63  }
0x1ad: {  	s15 =	simm.s32 $0x1000;
	s21 =	simm.s32 $0x3  }
0x1ae: {  	[tilespmem:s15], [sflag:$0x3] =	stream.linear.gather [hbm4b:s12+s3], $0x800, $0x38;
	[tilespmem:$0x1F100] =	vst v63  }
0x1af: {  	_ =	swait.ge [sflag:s21], $0x800  }
0x1b0: {  	[sflag:s21] =	ssyncset.done $0x0  }
0x1b1: {  	[sflag:s21] =	ssyncadd.s32 $0xFFFFF800  }
0x1b2: {  	s29 =	sand.u32 $0x1E00, s3;
	_ =	swait.ge [sflag:s21], $0x800  }
0x1b3: {  	s30 =	sand.u32 $0x30, s3;
	s0 =	sshrl.u32 s29, $0x2;
	[sflag:s21] =	ssyncset.done $0x0  }
0x1b4: {  	s0 =	sor.u32 s30, s0;
	[sflag:s21] =	ssyncadd.s32 $0xFFFFF800  }
0x1b5: {  	v2 =	vld [tilespmem:s0+$0x1000];
	_ =	sdelay $0x4  }
0x1b6: {  	s31 =	simm.s32 $0x80;
	s2 =	simm.s32 $0x100;
	v1 =	vsub.s32 v2, v0;
	v2 =	vand.u32 $0x1F, v2  }
0x1b7: {  	s7 =	simm.s32 $0x10;
	s9 =	sand.u32 $0x1E00, s31;
	s15 =	smov.u32 s8;
	vm0 =	vgt.u32 v1, $0x31FF;
	v2 =	vor.u32 $0x3200, v2  }
.LBB2_2:
0x1b8: {  	p0 =	sne.s32 s2, $0x1F80;
	s10 =	sand.u32 $0x30, s7;
	s9 =	sshrl.u32 s9, $0x2;
	v1 =	vsel vm0, v2, v1  }
0x1b9: {  	[tilespmem:s0+$0x1000] =	vst v1;
	s0 =	sor.u32 s10, s9  }
0x1ba: {  	v2 =	vld [tilespmem:s0+$0x1000];
	_ =	sdelay $0x1  }
.Ltmp2:
0x1bb: {  	(pc) =	sbr.rel @p0 .LBB2_2-.Ltmp2, $3  }
0x1bc: {  	_ =	sdelay $0x1  }
0x1bd: {  	v1 =	vsub.s32 v2, v0;
	v2 =	vand.u32 $0x1F, v2  }
0x1be: {  	s7 =	sadd.s32 $0x10, s7;
	s9 =	sand.u32 $0x1E00, s2;
	s2 =	sadd.s32 $0x80, s2;
	vm0 =	vgt.u32 v1, $0x31FF;
	v2 =	vor.u32 $0x3200, v2  }
0x1bf: {  	s2 =	sand.u32 $0x30, s7;
	s31 =	sshrl.u32 s9, $0x2;
	v1 =	vsel vm0, v2, v1  }
0x1c0: {  	s2 =	sor.u32 s2, s31;
	[tilespmem:s0+$0x1000] =	vst v1  }
0x1c1: {  	v1 =	vld [tilespmem:s2+$0x1000];
	_ =	sdelay $0x4  }
0x1c2: {  	v2 =	vsub.s32 v1, v0;
	v1 =	vand.u32 $0x1F, v1  }
0x1c3: {  	vm15 =	vgt.u32 v2, $0x31FF;
	v1 =	vor.u32 $0x3200, v1  }
0x1c4: {  	s8 =	smov.u32 s13;
	s21 =	smov.u32 s14;
	v1 =	vsel vm15, v1, v2  }
0x1c5: {  	s30 =	simm.s32 $0x0;
	p0 =	por $0x0, $0x0;
	s0 =	simm.s32 $0x0;
	[tilespmem:s2+$0x1000] =	vst v1  }
.LBB2_4:
0x1c6: {  	s2 =	smov.u32 s30  }
0x1c7: {  	[tilespmem:s22], [sflag:$0x1] =	stream.indirect.gather [hbm4b:s4+s26], $0x80, s0, s26, $0xb8;
	[tilespmem:$0x1F100] =	vst v63  }
0x1c8: {  	s30 =	sadd.s32 $0x1, s30;
	p1 =	seq.s32 s2, $0x18  }
0x1c9: {  	s0 =	sshll.u32 @!p1 s30, $0xB  }
0x1ca: {  	s31 =	sand.u32 $0x1, s30;
	s0 =	sadd.s32 @!p1 s18, s0  }
0x1cb: {  	s7 =	sadd.s32 @!p1 $0x3, s31;
	s0 =	sshrl.u32 @!p1 s0, $0x3  }
0x1cc: {  	s9 =	sshll.u32 @!p1 s31, $0xB;
	s11 =	simm.s32 @!p1 $0x0;
	s10 =	sadd.s32 @!p1 s5, s0  }
0x1cd: {  	[tilespmem:s9], [sflag:s7] =	stream.linear.gather @!p1 [hbm4b:s10+s11], $0x800, $0x38;
	[tilespmem:$0x1F100] =	vst v63  }
0x1ce: {  	s10 =	simm.s32 $0x1  }
0x1cf: {  	s0 =	sadd.s32 @!p1 s6, s0;
	s9 =	sor.u32 @!p1 $0x1000, s9;
	s10 =	simm.s32 @!p0 $0x0  }
0x1d0: {  	[tilespmem:s9], [sflag:s7] =	stream.linear.gather @!p1 [hbm4b:s0+s11], $0x800, $0x38;
	[tilespmem:$0x1F100] =	vst v63  }
0x1d1: {  	s14 =	simm.s32 $0x1;
	s12 =	simm.s32 $0x0;
	s29 =	sshll.u32 s10, $0xB  }
0x1d2: {  	s0 =	sand.u32 $0x1, s14;
	s9 =	sand.u32 $0x1, s12;
	s14 =	sshll.u32 s2, $0xB  }
0x1d3: {  	s11 =	sor.u32 $0x80, s29;
	s13 =	sshll.u32 s0, $0xD;
	s0 =	sadd.s32 $0x1, s0  }
0x1d4: {  	s12 =	sadd.s32 $0x1, s9;
	s10 =	sadd.s32 $0x2000, s13;
	s13 =	sor.u32 $0x1000, s29  }
0x1d5: {  	[tilespmem:s10], [sflag:s0] =	stream.indirect.gather [hbm4b:s4+s26], $0x80, s11, s26, $0xb8;
	[tilespmem:$0x1F100] =	vst v63  }
0x1d6: {  	s29 =	sshll.u32 s9, $0xD;
	s9 =	simm.s32 $0x2;
	_ =	swait.ge [sflag:s12], $0x2000  }
0x1d7: {  	s7 =	sadd.s32 $0x80, s11;
	s0 =	sand.u32 $0x800, s14;
	[sflag:s12] =	ssyncset.done $0x0  }
0x1d8: {  	s2 =	sadd.s32 $0x2000, s29;
	s10 =	simm.s32 $0x3;
	[sflag:s12] =	ssyncadd.s32 $0xFFFFE000  }
0x1d9: {  	[spmem:s1] =	stream.indirect.scatter.add.f32 [tilespmem:s2], [sflag:$0x5], $0x80, s13, s26, $0xb8;
	[tilespmem:$0x1F100] =	vst v63  }
0x1da: {  	s11 =	sand.u32 $0x1, s9;
	s2 =	sadd.s32 $0x80, s13;
	_ =	swait.ge [sflag:s23], $0x2000  }
.LBB2_5:
0x1db: {  	s12 =	sadd.s32 $0xFFFFFFFF, s9;
	s13 =	sshll.u32 s11, $0xD  }
0x1dc: {  	[sflag:s23] =	ssyncset.done $0x0;
	s9 =	smov.u32 s10;
	s11 =	sadd.s32 $0x1, s11  }
0x1dd: {  	p2 =	sne.s32 s10, $0xF;
	s12 =	sand.u32 $0x1, s12;
	s13 =	sadd.s32 $0x2000, s13  }
0x1de: {  	s14 =	sshll.u32 s12, $0xD;
	s12 =	sadd.s32 $0x1, s12;
	[sflag:s23] =	ssyncadd.s32 $0xFFFFE000  }
0x1df: {  	[tilespmem:s13], [sflag:s11] =	stream.indirect.gather [hbm4b:s4+s26], $0x80, s7, s26, $0xb8;
	[tilespmem:$0x1F100] =	vst v63  }
.Ltmp3:
0x1e0: {  	s13 =	sadd.s32 $0x1, s10;
	_ =	swait.ge [sflag:s12], $0x2000;
	(pc) =	sbr.rel @p2 .LBB2_5-.Ltmp3, $4  }
0x1e1: {  	s10 =	sadd.s32 $0x2000, s14;
	[sflag:s12] =	ssyncset.done $0x0  }
0x1e2: {  	s7 =	sadd.s32 $0x80, s7;
	s11 =	sand.u32 $0x1, s9;
	[sflag:s12] =	ssyncadd.s32 $0xFFFFE000  }
0x1e3: {  	[spmem:s1] =	stream.indirect.scatter.add.f32 [tilespmem:s10], [sflag:$0x5], $0x80, s2, s26, $0xb8;
	[tilespmem:$0x1F100] =	vst v63  }
0x1e4: {  	s2 =	sadd.s32 $0x80, s2;
	s10 =	smov.u32 s13;
	_ =	swait.ge [sflag:s23], $0x2000  }
0x1e5: {  	s9 =	sadd.s32 $0xFFFFFFFF, s9;
	s10 =	sshll.u32 s11, $0xD  }
0x1e6: {  	[sflag:s23] =	ssyncset.done $0x0;
	s14 =	sadd.s32 $0x1, s11;
	s9 =	sand.u32 $0x1, s9  }
0x1e7: {  	s10 =	sadd.s32 $0x2000, s10;
	[sflag:s23] =	ssyncadd.s32 $0xFFFFE000;
	s12 =	sadd.s32 $0x1, s9  }
0x1e8: {  	[tilespmem:s10], [sflag:s14] =	stream.indirect.gather [hbm4b:s4+s26], $0x80, s7, s26, $0xb8;
	[tilespmem:$0x1F100] =	vst v63  }
0x1e9: {  	_ =	swait.ge [sflag:s12], $0x2000  }
0x1ea: {  	s29 =	sshll.u32 s9, $0xD;
	[sflag:s12] =	ssyncset.done $0x0  }
0x1eb: {  	s7 =	sadd.s32 $0x2000, s29;
	[sflag:s12] =	ssyncadd.s32 $0xFFFFE000  }
0x1ec: {  	[spmem:s1] =	stream.indirect.scatter.add.f32 [tilespmem:s7], [sflag:$0x5], $0x80, s2, s26, $0xb8;
	[tilespmem:$0x1F100] =	vst v63  }
0x1ed: {  	_ =	swait.ge [sflag:s23], $0x2000  }
0x1ee: {  	[sflag:s23] =	ssyncset.done $0x0  }
0x1ef: {  	[sflag:s23] =	ssyncadd.s32 $0xFFFFE000  }
0x1f0: {  	_ =	swait.ge [sflag:s28], $0x2000  }
0x1f1: {  	[sflag:s28] =	ssyncset.done $0x0  }
.Ltmp4:
0x1f2: {  	s0 =	sadd.s32 $0x1780, s0;
	[sflag:s28] =	ssyncadd.s32 $0xFFFFE000;
	(pc) =	sbr.rel @p1 .LBB2_10-.Ltmp4, $4  }
0x1f3: {  	[spmem:s1] =	stream.indirect.scatter.add.f32 [tilespmem:s24], [sflag:$0x5], $0x80, s0, s26, $0xb8;
	[tilespmem:$0x1F100] =	vst v63  }
0x1f4: {  	_ =	swait.ge [sflag:s23], $0x2000  }
0x1f5: {  	[sflag:s23] =	ssyncset.done $0x0  }
0x1f6: {  	[sflag:s23] =	ssyncadd.s32 $0xFFFFE000  }
0x1f7: {  	s9 =	sadd.s32 $0x3, s31  }
0x1f8: {  	_ =	swait.ge [sflag:s9], $0x800  }
0x1f9: {  	s0 =	sshll.u32 s31, $0xD;
	s2 =	simm.s32 $0x0;
	[sflag:s9] =	ssyncset.done $0x0  }
0x1fa: {  	s0 =	sshrl.u32 s0, $0x2;
	s10 =	sand.u32 $0x1E00, s2;
	[sflag:s9] =	ssyncadd.s32 $0xFFFFF800  }
0x1fb: {  	s7 =	sor.u32 $0x1000, s0;
	s10 =	sshrl.u32 s10, $0x2;
	_ =	swait.ge [sflag:s9], $0x800  }
0x1fc: {  	s11 =	sand.u32 $0x30, s2;
	s10 =	sadd.s32 s10, s7;
	[sflag:s9] =	ssyncset.done $0x0  }
0x1fd: {  	s31 =	sadd.s32 s11, s10;
	[sflag:s9] =	ssyncadd.s32 $0xFFFFF800  }
0x1fe: {  	v2 =	vld [tilespmem:s31+$0x0];
	_ =	sdelay $0x3  }
0x1ff: {  	s29 =	simm.s32 $0x80  }
0x200: {  	s10 =	sand.u32 $0x1E00, s29;
	s9 =	simm.s32 $0x100;
	v1 =	vsub.s32 v2, v0;
	v2 =	vand.u32 $0x1F, v2  }
.LBB2_8:
0x201: {  	p1 =	sne.s32 s9, $0x1F80;
	s10 =	sshrl.u32 s10, $0x2;
	vm0 =	vgt.u32 v1, $0x31FF;
	v2 =	vor.u32 $0x3200, v2;
	s2 =	sadd.s32 $0x10, s2  }
0x202: {  	s11 =	sand.u32 $0x30, s2;
	s10 =	sadd.s32 s10, s7;
	v1 =	vsel vm0, v2, v1  }
0x203: {  	[tilespmem:s31+$0x0] =	vst v1;
	s31 =	sadd.s32 s11, s10  }
0x204: {  	v2 =	vld [tilespmem:s31+$0x0]  }
.Ltmp5:
0x205: {  	(pc) =	sbr.rel @p1 .LBB2_8-.Ltmp5, $2  }
0x206: {  	_ =	sdelay $0x2  }
0x207: {  	s10 =	sand.u32 $0x1E00, s9;
	s9 =	sadd.s32 $0x80, s9;
	v1 =	vsub.s32 v2, v0;
	v2 =	vand.u32 $0x1F, v2  }
0x208: {  	s9 =	sshrl.u32 s10, $0x2;
	vm0 =	vgt.u32 v1, $0x31FF;
	v2 =	vor.u32 $0x3200, v2;
	s2 =	sadd.s32 $0x10, s2  }
0x209: {  	s2 =	sand.u32 $0x30, s2;
	s7 =	sadd.s32 s9, s7;
	v1 =	vsel vm0, v2, v1  }
0x20a: {  	s2 =	sadd.s32 s2, s7;
	[tilespmem:s31+$0x0] =	vst v1  }
0x20b: {  	v1 =	vld [tilespmem:s2+$0x0];
	_ =	sdelay $0x3  }
.Ltmp6:
0x20c: {  	_ = 	snop;
	(pc) =	sbr.rel .LBB2_4-.Ltmp6, $4  }
0x20d: {  	v2 =	vsub.s32 v1, v0;
	v1 =	vand.u32 $0x1F, v1  }
0x20e: {  	vm15 =	vgt.u32 v2, $0x31FF;
	v1 =	vor.u32 $0x3200, v1  }
0x20f: {  	v1 =	vsel vm15, v1, v2  }
0x210: {  	p0 =	por !p0, !p0;
	[tilespmem:s2+$0x0] =	vst v1  }
.LBB2_11:
0x211: {  	_ =	sfence.sel $0x180000  }
0x212: {  	[bflag:$0x0] =	sbarrier.arrive $0xFFFF  }
0x213: {  	_ =	strace $0x9000004A  }
0x214: {  	s0 =	stileid.u32;
	[bflag:$0x2] =	sbarrier.arrive $0xFFFF  }
0x215: {  	p0 =	sne.s32 s0, $0x0;
	s0 =	rddreg [dreg:$0x2]  }
0x216: {  	s0 =	sadd.s32 @!p0 $0x100000, s0  }
0x217: {  	[sflag:s0] =	ssyncadd.tile.s32 @!p0 $0x1;
	_ =	shalt  }
.Lfunc_end2:
_tile_overlayer_lowered:
.L_overlay_start_2:
0x218: {  	(tag) =	ssettag $0x2  }
0x219: {  	s0 =	rddreg [dreg:$0x0];
	s2 =	stileid.u32  }
0x21a: {  	s1 =	rddreg [dreg:$0x1];
	p0 =	sne.s32 s2, $0x0  }
0x21b: {  	s3 =	rddreg [dreg:$0x2];
	[bflag:$0x3] =	sbarrier.arrive $0xFFFF;
	s2 =	simm.s32 @!p0 $0x1C05  }
0x21c: {  	[timem:s3], [sflag:s2] =	dma.local @!p0 [hbm:s0], s1  }
0x21d: {  	s0 =	simm.s32 @!p0 $0x5  }
0x21e: {  	_ =	swait.ge @!p0 [sflag:s0], s1  }
0x21f: {  	s1 =	ssub.s32 @!p0 $0x0, s1;
	[sflag:s0] =	ssyncset.done @!p0 $0x0  }
0x220: {  	[sflag:s0] =	ssyncadd.s32 @!p0 s1  }
0x221: {  	[bflag:$0x3] =	sbarrier.arrive $0xFFFF  }
0x222: {  	_ =	shalt  }

// kernel: kernel.7.cloned.1.call-start
scs
__scs_entry_jumppad:
0x0: {  	(pc) =	sbr.rel $0x88, $3  }
0x1: {  	(tag) =	ssettag $0x0;
	lr =	simm.s32 $0x1  }
0x2: {  	[smem:$0x3F94] =	sst lr;
	_ =	strace $0xD0000000  }
0x3: {  	_ = 	snop  }
0x4: {  	_ = 	snop  }
0x5: {  	_ = 	snop  }
0x6: {  	_ = 	snop  }
0x7: {  	_ = 	snop  }
__scs_overlays_trampoline_lowered:
0x8: {  	[smem:$0x3FA3] =	sst s0  }
0x9: {  	[smem:$0x3FA4] =	sst s1  }
0xa: {  	[smem:$0x3FA5] =	sst s2  }
0xb: {  	[smem:$0x3FA6] =	sst s3  }
0xc: {  	[smem:$0x3FA7] =	sst s4  }
0xd: {  	[smem:$0x3FA8] =	sst s5  }
0xe: {  	[smem:$0x3FA9] =	sst s6  }
0xf: {  	[smem:$0x3FAA] =	sst s7  }
0x10: {  	[smem:$0x3FAB] =	sst s8  }
0x11: {  	[smem:$0x3FAC] =	sst s9;
	s0 =	simm.s32 @!p0 $0x0  }
0x12: {  	s1 =	sld [smem:$0x3F92];
	s0 =	simm.s32 @p0 $0x1  }
0x13: {  	[smem:$0x3FAD] =	sst s0;
	s0 =	simm.s32 @!p1 $0x0  }
0x14: {  	s2 =	sld [smem:$0x3F91];
	s0 =	simm.s32 @p1 $0x1  }
0x15: {  	[smem:$0x3FAE] =	sst s0;
	s0 =	simm.s32 @!p2 $0x0  }
0x16: {  	s3 =	sld [smem:$0x3FDB];
	s0 =	simm.s32 @p2 $0x1  }
0x17: {  	s4 =	simm.s32 $0x1BF5;
	[smem:$0x3FB0] =	sst s0  }
0x18: {  	s0 =	sld [smem:$0x3F93];
	_ =	swait.ge [sflag:s4], $0x0  }
0x19: {  	s7 =	sld [smem:$0x3F94]  }
0x1a: {  	s8 =	sadd.s32 $0xFFFFE003, lr  }
0x1b: {  	s9 =	sadd.s32 $0xFFFFFEF7, lr;
	s5 =	simm.s32 $0xFFFFFFFF;
	p2 =	slt.u32 s8, $0xFFFFF086  }
0x1c: {  	p1 =	slt.u32 s9, $0xF7A;
	s5 =	simm.s32 @!p2 $0x0  }
0x1d: {  	s5 =	simm.s32 @p1 $0x1;
	p0 =	seq.s32 s7, s2  }
0x1e: {  	s7 =	smul.u32 @!p0 $0xF7A, s2;
	p2 =	seq.s32 @!p0 s5, $0x0  }
0x1f: {  	s9 =	smul.u32 $0xF7A, s1;
	s8 =	simm.s32 @!p0 $0x1BF5;
	p2 =	por !p2, p0  }
0x20: {  	[sflag:s8] =	ssyncset.s32 @!p0 $0xFFFFF086;
	s6 =	sadd.s32 @!p0 s3, s7;
	s7 =	simm.s32 @!p0 $0x108  }
0x21: {  	s3 =	sadd.s32 s3, s9;
	s6 =	sadd.s32 @!p0 $0x88, s6;
	s7 =	simm.s32 @p2 $0x1082  }
0x22: {  	[simem:s7], [sflag:s8] =	dma.local @!p0 [hbm:s6], $0xF7A  }
0x23: {  	s9 =	sor.u32 $0xD0000000, s2;
	s6 =	simm.s32 $0x108;
	_ =	swait.ge @!p0 [sflag:s8], $0x0  }
0x24: {  	s3 =	sadd.s32 $0x88, s3;
	s6 =	simm.s32 @!p1 $0x1082;
	[sflag:s4] =	ssyncset.s32 $0xFFFFF086  }
0x25: {  	[simem:s6], [sflag:s4] =	dma.local [hbm:s3], $0xF7A  }
0x26: {  	[smem:$0x3F94] =	sst s1;
	(tag) =	ssettag s2;
	_ =	strace s9  }
0x27: {  	s1 =	sld [smem:$0x3FA4]  }
0x28: {  	s2 =	sld [smem:$0x3FA5]  }
0x29: {  	s4 =	sld [smem:$0x3FA7]  }
0x2a: {  	p0 =	seq.s32 s5, $0x0;
	s5 =	sld [smem:$0x3FA8]  }
0x2b: {  	s6 =	sld [smem:$0x3FA9]  }
0x2c: {  	s7 =	sld [smem:$0x3FAA]  }
0x2d: {  	s3 =	simm.s32 $0x108;
	s8 =	sld [smem:$0x3FAB]  }
0x2e: {  	s3 =	simm.s32 @!p0 $0x1082;
	s9 =	sld [smem:$0x3FAC]  }
0x2f: {  	lr =	sadd.s32 s0, s3;
	s0 =	sld [smem:$0x3FA3]  }
0x30: {  	s3 =	sld [smem:$0x3FA6]  }
0x31: {  	[smem:$0x3FAF] =	sst s10  }
0x32: {  	s10 =	sld [smem:$0x3FAD];
	_ =	sdelay $0x3  }
0x33: {  	p0 =	seq.s32 s10, $0x1;
	s10 =	sld [smem:$0x3FAF];
	_ =	sdelay $0x3  }
0x34: {  	[smem:$0x3FAF] =	sst s10  }
0x35: {  	s10 =	sld [smem:$0x3FAE];
	_ =	sdelay $0x3  }
0x36: {  	p1 =	seq.s32 s10, $0x1;
	s10 =	sld [smem:$0x3FAF];
	_ =	sdelay $0x3  }
0x37: {  	[smem:$0x3FAF] =	sst s10  }
0x38: {  	s10 =	sld [smem:$0x3FB0]  }
0x39: {  	_ = 	snop;
	(pc) =	sbr.ind lr, $3  }
0x3a: {  	_ = 	snop  }
0x3b: {  	_ = 	snop  }
0x3c: {  	p2 =	seq.s32 s10, $0x1;
	s10 =	sld [smem:$0x3FAF]  }
0x3d: {  	_ =	shalt  }
0x3e: {  	_ =	shalt  }
0x3f: {  	_ =	shalt  }
0x40: {  	_ =	shalt  }
0x41: {  	_ =	shalt  }
0x42: {  	_ =	shalt  }
0x43: {  	_ =	shalt  }
0x44: {  	_ =	shalt  }
0x45: {  	_ =	shalt  }
0x46: {  	_ =	shalt  }
0x47: {  	_ =	shalt  }
0x48: {  	_ =	shalt  }
0x49: {  	_ =	shalt  }
0x4a: {  	_ =	shalt  }
0x4b: {  	_ =	shalt  }
0x4c: {  	_ =	shalt  }
0x4d: {  	_ =	shalt  }
0x4e: {  	_ =	shalt  }
0x4f: {  	_ =	shalt  }
0x50: {  	_ =	shalt  }
0x51: {  	_ =	shalt  }
0x52: {  	_ =	shalt  }
0x53: {  	_ =	shalt  }
0x54: {  	_ =	shalt  }
0x55: {  	_ =	shalt  }
0x56: {  	_ =	shalt  }
0x57: {  	_ =	shalt  }
0x58: {  	_ =	shalt  }
0x59: {  	_ =	shalt  }
0x5a: {  	_ =	shalt  }
0x5b: {  	_ =	shalt  }
0x5c: {  	_ =	shalt  }
0x5d: {  	_ =	shalt  }
0x5e: {  	_ =	shalt  }
0x5f: {  	_ =	shalt  }
0x60: {  	_ =	shalt  }
0x61: {  	_ =	shalt  }
0x62: {  	_ =	shalt  }
0x63: {  	_ =	shalt  }
0x64: {  	_ =	shalt  }
0x65: {  	_ =	shalt  }
0x66: {  	_ =	shalt  }
0x67: {  	_ =	shalt  }
0x68: {  	_ =	shalt  }
0x69: {  	_ =	shalt  }
0x6a: {  	_ =	shalt  }
0x6b: {  	_ =	shalt  }
0x6c: {  	_ =	shalt  }
0x6d: {  	_ =	shalt  }
0x6e: {  	_ =	shalt  }
0x6f: {  	_ =	shalt  }
0x70: {  	_ =	shalt  }
0x71: {  	_ =	shalt  }
0x72: {  	_ =	shalt  }
0x73: {  	_ =	shalt  }
0x74: {  	_ =	shalt  }
0x75: {  	_ =	shalt  }
0x76: {  	_ =	shalt  }
0x77: {  	_ =	shalt  }
0x78: {  	_ =	shalt  }
0x79: {  	_ =	shalt  }
0x7a: {  	_ =	shalt  }
0x7b: {  	_ =	shalt  }
0x7c: {  	_ =	shalt  }
0x7d: {  	_ =	shalt  }
0x7e: {  	_ =	shalt  }
0x7f: {  	_ =	shalt  }
0x80: {  	_ =	shalt  }
0x81: {  	_ =	shalt  }
0x82: {  	_ =	shalt  }
0x83: {  	_ =	shalt  }
0x84: {  	_ =	shalt  }
0x85: {  	_ =	shalt  }
0x86: {  	_ =	shalt  }
0x87: {  	_ =	shalt  }
.Lfunc_end0:
.L_simem_size_0:
called_computation_lowered:
.L_overlay_start_0:
0x88: {  	s2 =	sld [smem:$0x3FD9]  }
0x89: {  	s3 =	sld [smem:$0x3FFE];
	_ =	sdelay $0x1  }
0x8a: {  	s1 =	srdreg.scid  }
0x8b: {  	s0 =	sand.u32 $0x1, s1  }
0x8c: {  	s17 =	sshll.u32 s0, $0xA;
	s2 =	sadd.s32 s3, s2  }
0x8d: {  	s2 =	sadd.s32 s2, s17  }
0x8e: {  	[smem:$0x3FBB] =	sst s2  }
0x8f: {  	_ = 	snop  }
0x90: {  	s2 =	sld [smem:$0x3FD0];
	(tm) =	ssettm $0x1  }
0x91: {  	s18 =	sld [smem:$0x3FFB];
	_ =	sdelay $0x3  }
0x92: {  	_ =	strace s18  }
0x93: {  	s3 =	sld [smem:$0x3FFC];
	_ =	sdelay $0x3  }
0x94: {  	_ =	strace s3  }
0x95: {  	s3 =	sld [smem:$0x3FFD];
	_ =	sdelay $0x3  }
0x96: {  	_ =	strace s3  }
0x97: {  	_ =	strace $0x8FFFFFFF  }
0x98: {  	s19 =	sld [smem:$0x3FDB];
	_ =	sdelay $0x1  }
0x99: {  	s4 =	simm.s32 $_scs_section_size  }
0x9a: {  	s5 =	simm.s32 $_size__tile_overlayer_lowered;
	s6 =	simm.s32 $_tile_overlayer_lowered  }
0x9b: {  	s22 =	simm.s32 $0x1BFF;
	s21 =	sshll.u32 s6, $0x1;
	s3 =	sadd.s32 s4, s19  }
0x9c: {  	s7 =	simm.s32 $0x0;
	s20 =	sshll.u32 s5, $0x1;
	s5 =	sadd.s32 s21, s3  }
0x9d: {  	[timem:s7], [sflag:s22] =	dma.local [hbm:s5], s20  }
0x9e: {  	_ =	swait.ge [sflag:s22], s20  }
0x9f: {  	s4 =	ssub.s32 $0x0, s20;
	[sflag:s22] =	ssyncset.done $0x0  }
0xa0: {  	[sflag:s22] =	ssyncadd.s32 s4;
	_ =	sdelay $0x1  }
0xa1: {  	s23 =	simm.s32 $0x1B8B  }
0xa2: {  	_ =	swait.ge [sflag:s23], $0x1  }
0xa3: {  	[sflag:s23] =	ssyncset.done $0x0  }
0xa4: {  	s25 =	simm.s32 $0x1B8E;
	s24 =	sld [smem:$0x3FFE];
	[sflag:s23] =	ssyncadd.s32 $0xFFFFFFFF  }
0xa5: {  	s26 =	simm.s32 $execute0_lowered;
	[smem:$0x3FD2] =	sst s25  }
0xa6: {  	s5 =	sshll.u32 s26, $0x1;
	_ =	strace $0x80000046;
	[dreg:$0x1] =	wrdreg $0xFFFFFFFF  }
0xa7: {  	s28 =	simm.s32 $_size_execute0_lowered;
	s3 =	sadd.s32 s3, s5;
	[dreg:$0x0] =	wrdreg $0x0  }
0xa8: {  	s5 =	sshll.u32 s28, $0x1;
	[dreg:$0x2] =	wrdreg s3  }
0xa9: {  	[dreg:$0x3] =	wrdreg s5  }
0xaa: {  	[dreg:$0x4] =	wrdreg $0xC0  }
0xab: {  	_ =	task [dreg:s7], $0x5FFFF  }
0xac: {  	[dreg:$0x1] =	wrdreg $0xFFFFFFFF  }
0xad: {  	[dreg:$0x0] =	wrdreg $0x60  }
0xae: {  	[dreg:$0x2] =	wrdreg s24  }
0xaf: {  	[dreg:$0x3] =	wrdreg s2  }
0xb0: {  	[dreg:$0x4] =	wrdreg $0x3B000  }
0xb1: {  	[dreg:$0x5] =	wrdreg $0x9  }
0xb2: {  	_ =	task.clear_ibuf [dreg:s7], $0x6FFFF;
	_ =	strace $0x90000046  }
0xb3: {  	s29 =	simm.s32 $0x9;
	_ =	strace $0x80000048  }
0xb4: {  	_ =	swait.ge [sflag:s29], $0x1  }
0xb5: {  	[sflag:s29] =	ssyncadd.s32 $0xFFFFFFFF  }
0xb6: {  	_ =	strace $0x90000048  }
0xb7: {  	_ =	sfence  }
0xb8: {  	s30 =	sld [smem:$0x0];
	_ =	sdelay $0x2  }
0xb9: {  	s31 =	sshll.u32 s1, $0xD;
	s1 =	sshrl.u32 s1, $0x2  }
0xba: {  	s3 =	sand.u32 $0x4000, s31;
	s1 =	sadd.s32 s1, s30  }
0xbb: {  	s0 =	sor.u32 s3, s0;
	s1 =	sshll.u32 s1, $0x11  }
0xbc: {  	s0 =	sor.u32 s1, s0  }
0xbd: {  	s0 =	sadd.s32 $0x8F2B, s0  }
0xbe: {  	[sflag:s0] =	ssyncadd.remote.s32 $0x1  }
0xbf: {  	_ =	sfence.sel $0xFFFF  }
0xc0: {  	[dreg:$0x0] =	wrdreg $0xFFFFFFFF;
	(pc) =	sbr.abs _section_cstart, $3  }
0xc1: {  	[dreg:$0x1] =	wrdreg $0xFFFFFFFF  }
0xc2: {  	_ =	task.clear_ibuf [dreg:s7], $0x2FFFF;
	_ =	strace $0x9FFFFFFF  }
0xc3: {  	(tm) =	ssettm $0x7FFFFFFF  }
tec
execute0_lowered:
.L_overlay_start_1:
0x0: {  	(tag) =	ssettag $0x1  }
0x1: {  	s5 =	rddreg [dreg:$0x0]  }
0x2: {  	s2 =	rddreg [dreg:$0x1]  }
0x3: {  	s0 =	srdreg.scid;
	s3 =	rddreg [dreg:$0x2]  }
0x4: {  	s1 =	rddreg [dreg:$0x3];
	s6 =	sand.u32 $0x1, s0  }
0x5: {  	s0 =	stileid.u32;
	s7 =	smul.u32 $0x34000, s6  }
0x6: {  	s4 =	simm.s32 $0x0;
	s12 =	simm.s32 $0x3400;
	s8 =	smul.u32 $0x3400, s0  }
0x7: {  	s13 =	simm.s32 $0x80;
	s14 =	simm.s32 $0x0;
	s31 =	smul.u32 $0x640, s0  }
0x8: {  	[smem:$0x7FF] =	sst s4;
	s9 =	smul.u32 $0x6400, s6;
	s6 =	ssub.s32 $0x2, s6  }
0x9: {  	_ =	strace $0x80000047;
	s11 =	sshrl.u32 s6, $0x1;
	s7 =	sadd.s32 s8, s7  }
0xa: {  	s10 =	sshrl.u32 s31, $0x3;
	s9 =	sadd.s32 s31, s9;
	s11 =	ssub.s32 s6, s11  }
0xb: {  	s6 =	sadd.s32 s31, s3;
	s7 =	sshrl.u32 s7, $0x3;
	s9 =	sshrl.u32 s9, $0x3  }
0xc: {  	s10 =	sadd.s32 s10, s5;
	s7 =	sadd.s32 s7, s5;
	s9 =	sadd.s32 s9, s5  }
0xd: {  	s5 =	sadd.s32 $0xD600, s10;
	s10 =	simm.s32 $0x3480;
	s7 =	sadd.s32 $0x600, s7  }
0xe: {  	s8 =	sadd.s32 $0xE400, s9;
	s9 =	smax.u32 s11, $0x1;
	s11 =	simm.s32 $0x1  }
.LBB2_1:
0xf: {  	[tilespmem:s10], [sflag:$0x1] =	stream.linear.gather [hbm4b:s5+s4], $0x640, $0x38;
	[tilespmem:$0x4140] =	vst v63  }
0x10: {  	_ =	swait.ge [sflag:s11], $0x640  }
0x11: {  	[sflag:s11] =	ssyncset.done $0x0  }
0x12: {  	[sflag:s11] =	ssyncadd.s32 $0xFFFFF9C0  }
0x13: {  	[spmem:s6] =	stream.linear.scatter [tilespmem:s10], [sflag:$0x1], $0x640, $0x38;
	[tilespmem:$0x4140] =	vst v63  }
0x14: {  	_ =	swait.ge [sflag:s11], $0x640  }
0x15: {  	[sflag:s11] =	ssyncset.done $0x0  }
0x16: {  	[sflag:s11] =	ssyncadd.s32 $0xFFFFF9C0  }
0x17: {  	[tilespmem:s12], [sflag:$0x1] =	stream.linear.gather [hbm4b:s2+s4], $0x80, $0x38;
	[tilespmem:$0x4140] =	vst v63  }
0x18: {  	_ =	swait.ge [sflag:s11], $0x80  }
0x19: {  	[sflag:s11] =	ssyncset.done $0x0  }
0x1a: {  	[sflag:s11] =	ssyncadd.s32 $0xFFFFFF80  }
0x1b: {  	[tilespmem:s4], [sflag:$0x1] =	stream.linear.gather [hbm4b:s7+s4], $0x3200, $0x38;
	[tilespmem:$0x4140] =	vst v63  }
0x1c: {  	_ =	swait.ge [sflag:s11], $0x3200  }
0x1d: {  	[sflag:s11] =	ssyncset.done $0x0  }
0x1e: {  	[sflag:s11] =	ssyncadd.s32 $0xFFFFCE00  }
0x1f: {  	s15 =	simm.s32 $0x0;
	[bflag:$0x0] =	sbarrier.arrive $0xFFFF  }
0x20: {  	[spmem:s3] =	stream.indirect.scatter.add.f32 [tilespmem:s12], [sflag:$0x1], $0x1, s15, s13, $0xb8;
	[tilespmem:$0x4140] =	vst v63  }
0x21: {  	_ =	swait.ge [sflag:s11], $0x80  }
0x22: {  	s15 =	simm.s32 $0x200;
	[sflag:s11] =	ssyncset.done $0x0  }
.LBB2_2:
0x23: {  	s16 =	sshra.s32 s15, $0x2;
	[sflag:s11] =	ssyncadd.s32 $0xFFFFFF80;
	p0 =	sne.s32 s15, $0xC600  }
0x24: {  	[spmem:s3] =	stream.indirect.scatter.add.f32 [tilespmem:s12], [sflag:$0x1], $0x1, s16, s13, $0xb8;
	[tilespmem:$0x4140] =	vst v63  }
.Ltmp0:
0x25: {  	_ = 	snop;
	(pc) =	sbr.rel @p0 .LBB2_2-.Ltmp0, $4  }
0x26: {  	_ = 	snop  }
0x27: {  	s15 =	sadd.s32 $0x200, s15  }
0x28: {  	_ =	swait.ge [sflag:s11], $0x80  }
0x29: {  	[sflag:s11] =	ssyncset.done $0x0  }
0x2a: {  	[sflag:s11] =	ssyncadd.s32 $0xFFFFFF80  }
0x2b: {  	[bflag:$0x0] =	sbarrier.arrive $0xFFFF  }
0x2c: {  	[tilespmem:s10], [sflag:$0x1] =	stream.linear.gather [spmem:s6], $0x640, $0x38;
	[tilespmem:$0x4140] =	vst v63  }
0x2d: {  	s14 =	sadd.s32 $0x1, s14;
	_ =	swait.ge [sflag:s11], $0x640  }
0x2e: {  	p0 =	sne.s32 s14, s9;
	[sflag:s11] =	ssyncset.done $0x0  }
.Ltmp1:
0x2f: {  	[sflag:s11] =	ssyncadd.s32 $0xFFFFF9C0;
	(pc) =	sbr.rel @p0 .LBB2_1-.Ltmp1, $4  }
0x30: {  	[hbm4b:s8+s4] =	stream.linear.scatter [tilespmem:s10], [sflag:$0x1], $0x640, $0x38;
	[tilespmem:$0x4140] =	vst v63  }
0x31: {  	_ =	swait.ge [sflag:s11], $0x640  }
0x32: {  	[sflag:s11] =	ssyncset.done $0x0  }
0x33: {  	[sflag:s11] =	ssyncadd.s32 $0xFFFFF9C0  }
0x34: {  	_ =	sfence.sel $0x180000  }
0x35: {  	[bflag:$0x0] =	sbarrier.arrive $0xFFFF  }
0x36: {  	p0 =	sne.s32 s0, $0x0;
	_ =	strace $0x90000047  }
0x37: {  	s0 =	sadd.s32 @!p0 $0x100000, s1;
	[bflag:$0x2] =	sbarrier.arrive $0xFFFF  }
0x38: {  	[sflag:s0] =	ssyncadd.tile.s32 @!p0 $0x1;
	_ =	shalt  }
.Lfunc_end2:
_tile_overlayer_lowered:
.L_overlay_start_2:
0x39: {  	(tag) =	ssettag $0x2  }
0x3a: {  	s0 =	rddreg [dreg:$0x0];
	s2 =	stileid.u32  }
0x3b: {  	s1 =	rddreg [dreg:$0x1];
	p0 =	sne.s32 s2, $0x0  }
0x3c: {  	s3 =	rddreg [dreg:$0x2];
	[bflag:$0x3] =	sbarrier.arrive $0xFFFF;
	s2 =	simm.s32 @!p0 $0x1C01  }
0x3d: {  	[timem:s3], [sflag:s2] =	dma.local @!p0 [hbm:s0], s1  }
0x3e: {  	s0 =	simm.s32 @!p0 $0x1  }
0x3f: {  	_ =	swait.ge @!p0 [sflag:s0], s1  }
0x40: {  	s1 =	ssub.s32 @!p0 $0x0, s1;
	[sflag:s0] =	ssyncset.done @!p0 $0x0  }
0x41: {  	[sflag:s0] =	ssyncadd.s32 @!p0 s1  }
0x42: {  	[bflag:$0x3] =	sbarrier.arrive $0xFFFF  }
0x43: {  	_ =	shalt  }

</sc_bundles>
